<compile_context>
chip_gen: v7x
topology: tpu7x:2x2x1
jax: 0.10.2.dev20260603
libtpu: 0.0.44.dev20260713+nightly
codegen_flags: <defaults>
</compile_context>

<pallas_src>
import functools

import jax
import jax.numpy as jnp
from jax import lax
from jax.experimental import pallas as pl
from jax.experimental.pallas import tpu as pltpu
from jax.experimental.pallas import tpu_sc as plsc

_N = 10000
_D = 128
_H = 4
_DK = 32
_E = 320000
_DFF = 512

_NC = 2
_NS = 16
_NW = _NC * _NS
_L = 16

_RB = 1000
_C = 80
_EPT = _E // _NW
_EPC = _E // _NS
_RPT = _N // _NS
_ISD = 1.0 / (_DK ** 0.5)
_XW = 2 * _D + 16

_f32 = jnp.float32
_i32 = jnp.int32


def _mm(a, b):
    return lax.dot_general(a, b, (((1,), (0,)), ((), ())),
                           preferred_element_type=_f32)



def _t1_body(mu_ref, var_ref, hm_ref,
             wqm, bqm, wqv, bqv, wkm, bkm, wkv, bkv, wvm, bvm, wvv, bvv,
             x_ref, y_ref, vm_ref, vv_ref):
    mu = mu_ref[...]
    var = var_ref[...]
    sp = jax.nn.softplus
    qm = _mm(mu, wqm[...]) + bqm[...]
    qv = sp(_mm(var, wqv[...]) + bqv[...])
    km = _mm(mu, wkm[...]) + bkm[...]
    kv = sp(_mm(var, wkv[...]) + bkv[...])
    vm_ref[...] = _mm(mu, wvm[...]) + bvm[...]
    vv_ref[...] = sp(_mm(var, wvv[...]) + bvv[...])
    ikv = 1.0 / kv
    nrows = qm.shape[0]
    x_ref[:, 0:_D] = qm * qm + qv
    x_ref[:, _D:2 * _D] = qm
    y_ref[:, 0:_D] = 0.5 * ikv
    y_ref[:, _D:2 * _D] = -(km * ikv)
    hm = hm_ref[...]
    cd = _mm(-0.5 * jnp.log(qv), hm)
    cs = _mm(0.5 * km * km * ikv + 0.5 * jnp.log(kv), hm) - (_DK / 2.0)
    ones4 = jnp.ones((nrows, _H), _f32)
    zero8 = jnp.zeros((nrows, 8), _f32)
    x_ref[:, 2 * _D:2 * _D + _H] = cd
    x_ref[:, 2 * _D + _H:2 * _D + 2 * _H] = ones4
    x_ref[:, 2 * _D + 2 * _H:_XW] = zero8
    y_ref[:, 2 * _D:2 * _D + _H] = ones4
    y_ref[:, 2 * _D + _H:2 * _D + 2 * _H] = cs
    y_ref[:, 2 * _D + 2 * _H:_XW] = zero8


def _t1(mu, var, hmask, p):
    nb = _N // _RB
    row = lambda i: (i, 0)
    full = lambda i: (0, 0)
    rspec = pl.BlockSpec((_RB, _D), row)
    wspec = pl.BlockSpec((_D, _D), full)
    bspec = pl.BlockSpec((1, _D), full)
    outs = (
        jax.ShapeDtypeStruct((_N, _XW), _f32),
        jax.ShapeDtypeStruct((_N, _XW), _f32),
        jax.ShapeDtypeStruct((_N, _D), _f32),
        jax.ShapeDtypeStruct((_N, _D), _f32),
    )
    out_specs = (
        pl.BlockSpec((_RB, _XW), row),
        pl.BlockSpec((_RB, _XW), row),
        rspec,
        rspec,
    )
    return pl.pallas_call(
        _t1_body,
        grid=(nb,),
        in_specs=[rspec, rspec, pl.BlockSpec((_D, _H), full)] +
                 [wspec, bspec] * 6,
        out_specs=out_specs,
        out_shape=outs,
    )(mu, var, hmask,
      p['W_qm'], p['b_qm'], p['W_qv'], p['b_qv'],
      p['W_km'], p['b_km'], p['W_kv'], p['b_kv'],
      p['W_vm'], p['b_vm'], p['W_vv'], p['b_vv'])



def _s1_body(x_hbm, y_hbm, dst_hbm, src_hbm,
             scores_hbm,
             idxd, idxs, xr, yr, so, tbuf, sem):
    c = lax.axis_index("c")
    s = lax.axis_index("s")
    wid = s * _NC + c
    ebase = wid * _EPT
    lane16 = lax.broadcasted_iota(_i32, (_L,), 0)

    def batch(i, _):
        b0 = ebase + i * _C
        pltpu.sync_copy(dst_hbm.at[pl.ds(b0, _C)], idxd)
        pltpu.sync_copy(src_hbm.at[pl.ds(b0, _C)], idxs)
        cp1 = pltpu.async_copy(x_hbm.at[idxd], xr, sem)
        cp2 = pltpu.async_copy(y_hbm.at[idxs], yr, sem)
        cp1.wait(); cp2.wait()

        lane17 = lane16 * 17

        def quad(q, _):
            for j in range(4):
                e = q * 4 + j
                prod16 = (xr[e, pl.ds(2 * _D, _L)] *
                          yr[e, pl.ds(2 * _D, _L)])
                for h in range(_H):
                    a = None
                    for k in (2 * h, 2 * h + 1, 8 + 2 * h, 9 + 2 * h):
                        p = (xr[e, pl.ds(k * _L, _L)] *
                             yr[e, pl.ds(k * _L, _L)])
                        a = p if a is None else a + p
                    msk = jnp.logical_or(lane16 == h, lane16 == _H + h)
                    a = a + jnp.where(msk, prod16, _f32(0.0))
                    tbuf[pl.ds((4 * j + h) * 17, _L)] = a
            tot = None
            for cidx in range(_L):
                v = plsc.load_gather(tbuf, [lane17 + cidx])
                tot = v if tot is None else tot + v
            so[pl.ds(q * _L, _L)] = -tot * _ISD
            return 0

        lax.fori_loop(0, _C // 4, quad, 0)
        pltpu.sync_copy(so, scores_hbm.at[pl.ds(b0 * _H, _C * _H)])
        return 0

    lax.fori_loop(0, _EPT // _C, batch, 0)


def _s1(x, y, dst, src):
    mesh = plsc.VectorSubcoreMesh(core_axis_name="c", subcore_axis_name="s",
                                  num_cores=_NC, num_subcores=_NS)
    fn = pl.kernel(
        _s1_body,
        out_type=jax.ShapeDtypeStruct((_E * _H,), _f32),
        mesh=mesh,
        compiler_params=pltpu.CompilerParams(use_tc_tiling_on_sc=False, needs_layout_passes=False),
        scratch_types=[
            pltpu.VMEM((_C,), _i32),
            pltpu.VMEM((_C,), _i32),
            pltpu.VMEM((_C, _XW), _f32),
            pltpu.VMEM((_C, _XW), _f32),
            pltpu.VMEM((_C * _H,), _f32),
            pltpu.VMEM((17 * _L,), _f32),
            pltpu.SemaphoreType.DMA,
        ],
    )
    return fn(x, y, dst, src)



_SR = 2000
_SC_COLS = 640
_SB = 200

def _t2_body(s_ref, p_ref, z_ref, msc, zsc):
    ph = pl.program_id(0)
    j = pl.program_id(1)
    nb = pl.num_programs(1)
    lane = lax.broadcasted_iota(_i32, (_SB, _SC_COLS), 1) % _H
    s = s_ref[...]

    @pl.when(jnp.logical_and(ph == 0, j == 0))
    def _init_m():
        for h in range(_H):
            msc[h] = _f32(-1e30)

    @pl.when(ph == 0)
    def _maxpass():
        for h in range(_H):
            mh = jnp.max(jnp.where(lane == h, s, _f32(-1e30)))
            msc[h] = jnp.maximum(msc[h], mh)

    @pl.when(jnp.logical_and(ph == 1, j == 0))
    def _init_z():
        for h in range(_H):
            zsc[h] = _f32(0.0)

    @pl.when(ph == 1)
    def _exppass():
        mvec = jnp.zeros((_SB, _SC_COLS), _f32)
        for h in range(_H):
            mvec = mvec + jnp.where(lane == h, msc[h], _f32(0.0))
        pv = jnp.exp(s - mvec)
        p_ref[...] = pv
        for h in range(_H):
            zsc[h] = zsc[h] + jnp.sum(jnp.where(lane == h, pv, _f32(0.0)))

    @pl.when(jnp.logical_and(ph == 1, j == nb - 1))
    def _emit_z():
        i4 = lax.broadcasted_iota(_i32, (1, _H), 1)
        zv = jnp.zeros((1, _H), _f32)
        for h in range(_H):
            zv = zv + jnp.where(i4 == h, zsc[h], _f32(0.0))
        z_ref[...] = zv


def _t2(scores2d):
    nb = _SR // _SB
    return pl.pallas_call(
        _t2_body,
        grid=(2, nb),
        in_specs=[pl.BlockSpec((_SB, _SC_COLS), lambda p, j: (j, 0))],
        out_specs=(pl.BlockSpec((_SB, _SC_COLS), lambda p, j: (j, 0)),
                   pl.BlockSpec((1, _H), lambda p, j: (0, 0))),
        out_shape=(jax.ShapeDtypeStruct((_SR, _SC_COLS), _f32),
                   jax.ShapeDtypeStruct((1, _H), _f32)),
        scratch_shapes=[pltpu.SMEM((_H,), _f32), pltpu.SMEM((_H,), _f32)],
    )(scores2d)



def _s2_body(vm_hbm, vv_hbm, p_hbm, dst_hbm, src_hbm,
             mau_hbm, vau_hbm,
             idxd, idxs, pv, rows_v, agg, sem):
    c = lax.axis_index("c")
    s = lax.axis_index("s")
    lanes = lax.broadcasted_iota(_i32, (_L,), 0)
    zeros = jnp.zeros((_L,), _f32)

    def zrow(r, _):
        for k in range(_D // _L):
            rows_v[r, pl.ds(k * _L, _L)] = zeros
        return 0
    lax.fori_loop(0, _C, zrow, 0)
    for k in range(7):
        pltpu.sync_copy(rows_v, agg.at[pl.ds(s * _RPT + k * _C, _C)])
    pltpu.sync_copy(rows_v.at[pl.ds(0, _RPT - 7 * _C)],
                    agg.at[pl.ds(s * _RPT + 7 * _C, _RPT - 7 * _C)])
    plsc.subcore_barrier()

    def run(table_hbm, out_hbm, square):
        def batch(i, _):
            b0 = s * _EPC + i * _C
            pltpu.sync_copy(dst_hbm.at[pl.ds(b0, _C)], idxd)
            pltpu.sync_copy(src_hbm.at[pl.ds(b0, _C)], idxs)
            cp1 = pltpu.async_copy(table_hbm.at[idxs], rows_v, sem)
            pltpu.sync_copy(p_hbm.at[pl.ds(b0 * _H, _C * _H)], pv)
            cp1.wait()

            def quad(q, _):
                pvec = pv[pl.ds(q * _L, _L)]
                if square:
                    pvec = pvec * pvec
                for j in range(4):
                    e = q * 4 + j
                    for h in range(_H):
                        w = pvec[4 * j + h]
                        for k in (2 * h, 2 * h + 1):
                            sl = pl.ds(k * _L, _L)
                            rows_v[e, sl] = rows_v[e, sl] * w
                return 0

            lax.fori_loop(0, _C // 4, quad, 0)
            pltpu.sync_copy(rows_v, agg.at[idxd], add=True)
            return 0

        lax.fori_loop(0, _EPC // _C, batch, 0)
        plsc.subcore_barrier()
        for k in range(7):
            pltpu.sync_copy(agg.at[pl.ds(s * _RPT + k * _C, _C)], rows_v)
            pltpu.sync_copy(rows_v, out_hbm.at[pl.ds(s * _RPT + k * _C, _C)])
        tail = _RPT - 7 * _C
        pltpu.sync_copy(agg.at[pl.ds(s * _RPT + 7 * _C, tail)],
                        rows_v.at[pl.ds(0, tail)])
        pltpu.sync_copy(rows_v.at[pl.ds(0, tail)],
                        out_hbm.at[pl.ds(s * _RPT + 7 * _C, tail)])

    @pl.when(c == 0)
    def _mu_side():
        run(vm_hbm, mau_hbm, False)

    @pl.when(c == 1)
    def _var_side():
        run(vv_hbm, vau_hbm, True)


def _s2(vm, vv, pw, dst, src):
    mesh = plsc.VectorSubcoreMesh(core_axis_name="c", subcore_axis_name="s",
                                  num_cores=_NC, num_subcores=_NS)
    fn = pl.kernel(
        _s2_body,
        out_type=(jax.ShapeDtypeStruct((_N, _D), _f32),
                  jax.ShapeDtypeStruct((_N, _D), _f32)),
        mesh=mesh,
        compiler_params=pltpu.CompilerParams(use_tc_tiling_on_sc=False, needs_layout_passes=False),
        scratch_types=[
            pltpu.VMEM((_C,), _i32),
            pltpu.VMEM((_C,), _i32),
            pltpu.VMEM((_C * _H,), _f32),
            pltpu.VMEM((_C, _D), _f32),
            pltpu.VMEM_SHARED((_N, _D), _f32),
            pltpu.SemaphoreType.DMA,
        ],
    )
    return fn(vm, vv, pw, dst, src)



def _ln(x, g, b):
    m = jnp.mean(x, axis=-1, keepdims=True)
    v = jnp.mean((x - m) ** 2, axis=-1, keepdims=True)
    return (x - m) * lax.rsqrt(v + 1e-5) * g + b


def _t3_body(mu_ref, var_ref, mau_ref, vau_ref, z_ref, hm_ref,
             wom, bom, wov, bov, g1, be1, w1, b1, w2, b2, g2, be2,
             mu2_ref, var2_ref):
    sp = jax.nn.softplus
    invz = 1.0 / z_ref[...]
    colscale = lax.dot_general(invz, hm_ref[...],
                               (((1,), (1,)), ((), ())),
                               preferred_element_type=_f32)
    mu_agg = mau_ref[...] * colscale
    var_agg = vau_ref[...] * (colscale * colscale)
    attn_mu = _mm(mu_agg, wom[...]) + bom[...]
    attn_var = sp(_mm(var_agg, wov[...]) + bov[...])
    mu1 = _ln(mu_ref[...] + attn_mu, g1[...], be1[...])
    var1 = _ln(var_ref[...] + attn_var, g1[...], be1[...])
    hx = _mm(mu1, w1[...]) + b1[...]
    h = hx * (0.5 * (1.0 + lax.erf(hx * (2.0 ** -0.5))))
    ff = _mm(h, w2[...]) + b2[...]
    mu2_ref[...] = _ln(mu1 + ff, g2[...], be2[...])
    var2_ref[...] = _ln(var1 + var1, g2[...], be2[...])


def _t3(mu, var, mau, vau, z, hmask, p):
    nb = _N // _RB
    row = lambda i: (i, 0)
    full = lambda i: (0, 0)
    rspec = pl.BlockSpec((_RB, _D), row)
    bspec = pl.BlockSpec((1, _D), full)
    return pl.pallas_call(
        _t3_body,
        grid=(nb,),
        in_specs=[rspec, rspec, rspec, rspec,
                  pl.BlockSpec((1, _H), full), pl.BlockSpec((_D, _H), full),
                  pl.BlockSpec((_D, _D), full), bspec,
                  pl.BlockSpec((_D, _D), full), bspec,
                  bspec, bspec,
                  pl.BlockSpec((_D, _DFF), full), pl.BlockSpec((1, _DFF), full),
                  pl.BlockSpec((_DFF, _D), full), bspec,
                  bspec, bspec],
        out_specs=(rspec, rspec),
        out_shape=(jax.ShapeDtypeStruct((_N, _D), _f32),
                   jax.ShapeDtypeStruct((_N, _D), _f32)),
    )(mu, var, mau, vau, z, hmask,
      p['W_om'], p['b_om'], p['W_ov'], p['b_ov'],
      p['g1'], p['be1'], p['W1'], p['b1'], p['W2'], p['b2'],
      p['g2'], p['be2'])



def kernel(mu, var, edge_index, params):
    p = {k: (v.reshape(1, -1) if v.ndim == 1 else v)
         for k, v in params.items()}
    src = edge_index[0]
    dst = edge_index[1]
    hmask = (lax.broadcasted_iota(_i32, (_D, _H), 0) // _DK ==
             lax.broadcasted_iota(_i32, (_D, _H), 1)).astype(_f32)

    x, y, vm, vv = _t1(mu, var, hmask, p)
    scores = _s1(x, y, dst, src)
    pw2d, z = _t2(scores.reshape(_SR, _SC_COLS))
    pw = pw2d.reshape(_E * _H)
    mau, vau = _s2(vm, vv, pw, dst, src)
    return _t3(mu, var, mau, vau, z, hmask, p)

# --- scband reference (transcript-rebuilt; emitter-appended) ---
"""Pipeline reference for scband-graph-transformer-block-30580167147521 (READ-ONLY COPY).

The authoritative reference and input builder live on the scoring server;
editing this copy changes nothing except your own understanding.
"""

import jax, jax.numpy as jnp
import numpy as np

N = 10000
D = 128
H = 4
DK = 32
E = 320000
DFF = 512


def _lin(k, din, dout):
    k1, k2 = jax.random.split(k)
    W = jax.random.normal(k1, (din, dout), dtype=jnp.float32) * 0.02
    b = jnp.zeros((dout,), dtype=jnp.float32)
    return W, b


def setup_inputs(seed: int = 0) -> dict:
    key = jax.random.key(seed)
    ks = jax.random.split(key, 20)
    mu = jax.random.normal(ks[0], (N, D), dtype=jnp.float32)
    var = jax.random.uniform(ks[1], (N, D), dtype=jnp.float32)
    edge_index = jax.random.randint(ks[2], (2, E), 0, N, dtype=jnp.int32)
    params = {}
    names = ['qm', 'qv', 'km', 'kv', 'vm', 'vv', 'om', 'ov']
    for i, n in enumerate(names):
        W, b = _lin(ks[3 + i], D, D)
        params['W_' + n] = W
        params['b_' + n] = b
    params['W1'], params['b1'] = _lin(ks[12], D, DFF)
    params['W2'], params['b2'] = _lin(ks[13], DFF, D)
    params['g1'] = jnp.ones((D,), dtype=jnp.float32)
    params['be1'] = jnp.zeros((D,), dtype=jnp.float32)
    params['g2'] = jnp.ones((D,), dtype=jnp.float32)
    params['be2'] = jnp.zeros((D,), dtype=jnp.float32)
    return {'mu': mu, 'var': var, 'edge_index': edge_index, 'params': params}


def _ln(x, g, b):
    m = jnp.mean(x, axis=-1, keepdims=True)
    v = jnp.mean((x - m) ** 2, axis=-1, keepdims=True)
    return (x - m) / jnp.sqrt(v + 1e-5) * g + b


def _fwd(mu, var, edge_index, p):
    sp = jax.nn.softplus
    Qm = mu @ p['W_qm'] + p['b_qm']
    Qv = sp(var @ p['W_qv'] + p['b_qv'])
    Km = mu @ p['W_km'] + p['b_km']
    Kv = sp(var @ p['W_kv'] + p['b_kv'])
    Vm = mu @ p['W_vm'] + p['b_vm']
    Vv = sp(var @ p['W_vv'] + p['b_vv'])
    src = edge_index[0]
    dst = edge_index[1]
    r = lambda x: x.reshape(-1, H, DK)
    Qm_i = r(jnp.take(Qm, dst, axis=0))
    Qv_i = r(jnp.take(Qv, dst, axis=0))
    Km_j = r(jnp.take(Km, src, axis=0))
    Kv_j = r(jnp.take(Kv, src, axis=0))
    Vm_j = r(jnp.take(Vm, src, axis=0))
    Vv_j = r(jnp.take(Vv, src, axis=0))
    ratio = Qv_i / Kv_j
    Em = (Qm_i - Km_j) ** 2 / (2.0 * Kv_j) + 0.5 * (ratio - jnp.log(ratio) - 1.0)
    alpha = jax.nn.softmax(-Em.sum(axis=-1) / (DK ** 0.5), axis=0)
    mu_msg = (Vm_j * alpha[..., None]).reshape(-1, D)
    var_msg = (Vv_j * (alpha[..., None] ** 2)).reshape(-1, D)
    mu_agg = jax.ops.segment_sum(mu_msg, dst, num_segments=N)
    var_agg = jax.ops.segment_sum(var_msg, dst, num_segments=N)
    attn_mu = mu_agg @ p['W_om'] + p['b_om']
    attn_var = sp(var_agg @ p['W_ov'] + p['b_ov'])
    mu1 = _ln(mu + attn_mu, p['g1'], p['be1'])
    var1 = _ln(var + attn_var, p['g1'], p['be1'])
    ff_mu = jax.nn.gelu(mu1 @ p['W1'] + p['b1'], approximate=False) @ p['W2'] + p['b2']
    mu2 = _ln(mu1 + ff_mu, p['g2'], p['be2'])
    var2 = _ln(var1 + var1, p['g2'], p['be2'])
    return (mu2, var2)


def reference(mu, var, edge_index, params):
    return _fwd(mu, var, edge_index, params)

if __name__ == "__main__":
    import jax
    _d = setup_inputs()
    print(jax.jit(kernel)(*tuple(_d.values())))

</pallas_src>

<mosaic_0001>
#map = affine_map<(d0, d1) -> (0, 0)>
#map1 = affine_map<(d0, d1) -> (0)>
module attributes {stable_mosaic.version = 14 : i64} {
  func.func @_s1_body(%arg0: i32, %arg1: i32, %arg2: memref<10000x272xf32, #tpu.memory_space<hbm>>, %arg3: memref<10000x272xf32, #tpu.memory_space<hbm>>, %arg4: memref<320000xi32, #tpu.memory_space<hbm>>, %arg5: memref<320000xi32, #tpu.memory_space<hbm>>, %arg6: memref<1280000xf32, #tpu.memory_space<hbm>>, %arg7: memref<80xi32, #tpu.memory_space<vmem>>, %arg8: memref<80xi32, #tpu.memory_space<vmem>>, %arg9: memref<80x272xf32, #tpu.memory_space<vmem>>, %arg10: memref<80x272xf32, #tpu.memory_space<vmem>>, %arg11: memref<320xf32, #tpu.memory_space<vmem>>, %arg12: memref<272xf32, #tpu.memory_space<vmem>>, %arg13: memref<!tpu.dma_semaphore, #tpu.memory_space<semaphore_mem>>) attributes {dimension_semantics = [#tpu.dimension_semantics<core_parallel>, #tpu.dimension_semantics<subcore_parallel>], iteration_bounds = array<i64: 2, 16>, scalar_prefetch = 0 : i64, scratch_operands = 7 : i64, tpu.core_type = #tpu.core_type<sc_vector_subcore>, window_params = [{transform_indices = #map}, {transform_indices = #map}, {transform_indices = #map1}, {transform_indices = #map1}, {transform_indices = #map1}]} {
    %mul3A = arith.constant 2 : i32
    %mul3A_0 = arith.muli %arg1, %mul3A : i32
    %add3A = arith.addi %mul3A_0, %arg0 : i32
    %mul3A_1 = arith.constant 10000 : i32
    %mul3A_2 = arith.muli %add3A, %mul3A_1 : i32
    %iota3A = tpu.iota {dimensions = array<i32: 0>} : vector<16xi32>
    %scan3A = arith.constant 0 : i32
    %scan3A_3 = arith.constant 0 : i32
    %scan3A_4 = arith.constant 125 : i32
    %scan3A_5 = arith.addi %scan3A_3, %scan3A_4 : i32
    %scan3A_6 = arith.constant 1 : i32
    %scan3A_7 = scf.for %scan3A_9 = %scan3A_3 to %scan3A_5 step %scan3A_6 iter_args(%scan3A_10 = %scan3A) -> (i32)  : i32 {
      %mul3A_11 = arith.constant 80 : i32
      %mul3A_12 = arith.muli %scan3A_9, %mul3A_11 : i32
      %add3A_13 = arith.addi %mul3A_2, %mul3A_12 : i32
      "tpu.region"() ({
        %run_scoped3A = tpu.sem_alloc : memref<!tpu.dma_semaphore, #tpu.memory_space<semaphore_mem>>
        %dma_start3A_37 = tpu.memref_slice %arg4[%add3A_13] : memref<320000xi32, #tpu.memory_space<hbm>> -> memref<80xi32, #tpu.memory_space<hbm>>
        %dma_start3A_38 = tpu.memref_slice %arg4[%add3A_13] : memref<320000xi32, #tpu.memory_space<hbm>> -> memref<80xi32, #tpu.memory_space<hbm>>
        tpu.enqueue_dma source(%dma_start3A_38 : memref<80xi32, #tpu.memory_space<hbm>>) target(%arg7 : memref<80xi32, #tpu.memory_space<vmem>>) target_semaphore(%run_scoped3A : memref<!tpu.dma_semaphore, #tpu.memory_space<semaphore_mem>>)
        %dma_wait3A_39 = tpu.memref_slice %arg4[%add3A_13] : memref<320000xi32, #tpu.memory_space<hbm>> -> memref<80xi32, #tpu.memory_space<hbm>>
        %dma_wait3A_40 = tpu.memref_slice %arg4[%add3A_13] : memref<320000xi32, #tpu.memory_space<hbm>> -> memref<80xi32, #tpu.memory_space<hbm>>
        tpu.wait_dma2 semaphore(%run_scoped3A : memref<!tpu.dma_semaphore, #tpu.memory_space<semaphore_mem>>) src(%dma_wait3A_40 : memref<80xi32, #tpu.memory_space<hbm>>) dst(%arg7 : memref<80xi32, #tpu.memory_space<vmem>>)
        tpu.yield
      }) : () -> ()
      "tpu.region"() ({
        %run_scoped3A = tpu.sem_alloc : memref<!tpu.dma_semaphore, #tpu.memory_space<semaphore_mem>>
        %dma_start3A_37 = tpu.memref_slice %arg5[%add3A_13] : memref<320000xi32, #tpu.memory_space<hbm>> -> memref<80xi32, #tpu.memory_space<hbm>>
        %dma_start3A_38 = tpu.memref_slice %arg5[%add3A_13] : memref<320000xi32, #tpu.memory_space<hbm>> -> memref<80xi32, #tpu.memory_space<hbm>>
        tpu.enqueue_dma source(%dma_start3A_38 : memref<80xi32, #tpu.memory_space<hbm>>) target(%arg8 : memref<80xi32, #tpu.memory_space<vmem>>) target_semaphore(%run_scoped3A : memref<!tpu.dma_semaphore, #tpu.memory_space<semaphore_mem>>)
        %dma_wait3A_39 = tpu.memref_slice %arg5[%add3A_13] : memref<320000xi32, #tpu.memory_space<hbm>> -> memref<80xi32, #tpu.memory_space<hbm>>
        %dma_wait3A_40 = tpu.memref_slice %arg5[%add3A_13] : memref<320000xi32, #tpu.memory_space<hbm>> -> memref<80xi32, #tpu.memory_space<hbm>>
        tpu.wait_dma2 semaphore(%run_scoped3A : memref<!tpu.dma_semaphore, #tpu.memory_space<semaphore_mem>>) src(%dma_wait3A_40 : memref<80xi32, #tpu.memory_space<hbm>>) dst(%arg8 : memref<80xi32, #tpu.memory_space<vmem>>)
        tpu.yield
      }) : () -> ()
      %dma_start3A = arith.constant 0 : i32
      %dma_start3A_14 = arith.constant 0 : i32
      %dma_start3A_15 = tpu.memref_slice %arg2[%dma_start3A, %dma_start3A_14] : memref<10000x272xf32, #tpu.memory_space<hbm>> -> memref<10000x272xf32, #tpu.memory_space<hbm>>
      tpu.enqueue_indirect_dma source(%dma_start3A_15 : memref<10000x272xf32, #tpu.memory_space<hbm>>) target(%arg9 : memref<80x272xf32, #tpu.memory_space<vmem>>) offsets(%arg7 : memref<80xi32, #tpu.memory_space<vmem>>) semaphore(%arg13 : memref<!tpu.dma_semaphore, #tpu.memory_space<semaphore_mem>>)
      %dma_start3A_16 = arith.constant 0 : i32
      %dma_start3A_17 = arith.constant 0 : i32
      %dma_start3A_18 = tpu.memref_slice %arg3[%dma_start3A_16, %dma_start3A_17] : memref<10000x272xf32, #tpu.memory_space<hbm>> -> memref<10000x272xf32, #tpu.memory_space<hbm>>
      tpu.enqueue_indirect_dma source(%dma_start3A_18 : memref<10000x272xf32, #tpu.memory_space<hbm>>) target(%arg10 : memref<80x272xf32, #tpu.memory_space<vmem>>) offsets(%arg8 : memref<80xi32, #tpu.memory_space<vmem>>) semaphore(%arg13 : memref<!tpu.dma_semaphore, #tpu.memory_space<semaphore_mem>>)
      %dma_wait3A = arith.constant 0 : i32
      %dma_wait3A_19 = arith.constant 0 : i32
      %dma_wait3A_20 = tpu.memref_slice %arg2[%dma_wait3A, %dma_wait3A_19] : memref<10000x272xf32, #tpu.memory_space<hbm>> -> memref<10000x272xf32, #tpu.memory_space<hbm>>
      tpu.wait_indirect_dma semaphore(%arg13 : memref<!tpu.dma_semaphore, #tpu.memory_space<semaphore_mem>>) src(%dma_wait3A_20 : memref<10000x272xf32, #tpu.memory_space<hbm>>) dst(%arg9 : memref<80x272xf32, #tpu.memory_space<vmem>>)
      %dma_wait3A_21 = arith.constant 0 : i32
      %dma_wait3A_22 = arith.constant 0 : i32
      %dma_wait3A_23 = tpu.memref_slice %arg3[%dma_wait3A_21, %dma_wait3A_22] : memref<10000x272xf32, #tpu.memory_space<hbm>> -> memref<10000x272xf32, #tpu.memory_space<hbm>>
      tpu.wait_indirect_dma semaphore(%arg13 : memref<!tpu.dma_semaphore, #tpu.memory_space<semaphore_mem>>) src(%dma_wait3A_23 : memref<10000x272xf32, #tpu.memory_space<hbm>>) dst(%arg10 : memref<80x272xf32, #tpu.memory_space<vmem>>)
      %mul3A_24 = arith.constant 17 : i32
      %mul3A_25 = vector.broadcast %mul3A_24 : i32 to vector<16xi32>
      %mul3A_26 = arith.muli %iota3A, %mul3A_25 : vector<16xi32>
      %scan3A_27 = arith.constant 0 : i32
      %scan3A_28 = arith.constant 0 : i32
      %scan3A_29 = arith.constant 20 : i32
      %scan3A_30 = arith.addi %scan3A_28, %scan3A_29 : i32
      %scan3A_31 = arith.constant 1 : i32
      %scan3A_32 = scf.for %scan3A_37 = %scan3A_28 to %scan3A_30 step %scan3A_31 iter_args(%scan3A_38 = %scan3A_27) -> (i32)  : i32 {
        %mul3A_39 = arith.constant 4 : i32
        %mul3A_40 = arith.muli %scan3A_37, %mul3A_39 : i32
        %add3A_41 = arith.constant 0 : i32
        %add3A_42 = arith.addi %mul3A_40, %add3A_41 : i32
        %get3A = arith.index_cast %add3A_42 : i32 to index
        %get3A_43 = arith.constant 256 : index
        %get3A_44 = tpu.vector_load %arg9[%get3A, %get3A_43] {strides = array<i32>} : memref<80x272xf32, #tpu.memory_space<vmem>>, vector<16xf32>,
        %get3A_45 = arith.index_cast %add3A_42 : i32 to index
        %get3A_46 = arith.constant 256 : index
        %get3A_47 = tpu.vector_load %arg10[%get3A_45, %get3A_46] {strides = array<i32>} : memref<80x272xf32, #tpu.memory_space<vmem>>, vector<16xf32>,
        %mul3A_48 = arith.mulf %get3A_44, %get3A_47 : vector<16xf32>
        %get3A_49 = arith.index_cast %add3A_42 : i32 to index
        %get3A_50 = arith.constant 0 : index
        %get3A_51 = tpu.vector_load %arg9[%get3A_49, %get3A_50] {strides = array<i32>} : memref<80x272xf32, #tpu.memory_space<vmem>>, vector<16xf32>,
        %get3A_52 = arith.index_cast %add3A_42 : i32 to index
        %get3A_53 = arith.constant 0 : index
        %get3A_54 = tpu.vector_load %arg10[%get3A_52, %get3A_53] {strides = array<i32>} : memref<80x272xf32, #tpu.memory_space<vmem>>, vector<16xf32>,
        %mul3A_55 = arith.mulf %get3A_51, %get3A_54 : vector<16xf32>
        %get3A_56 = arith.index_cast %add3A_42 : i32 to index
        %get3A_57 = arith.constant 16 : index
        %get3A_58 = tpu.vector_load %arg9[%get3A_56, %get3A_57] {strides = array<i32>} : memref<80x272xf32, #tpu.memory_space<vmem>>, vector<16xf32>,
        %get3A_59 = arith.index_cast %add3A_42 : i32 to index
        %get3A_60 = arith.constant 16 : index
        %get3A_61 = tpu.vector_load %arg10[%get3A_59, %get3A_60] {strides = array<i32>} : memref<80x272xf32, #tpu.memory_space<vmem>>, vector<16xf32>,
        %mul3A_62 = arith.mulf %get3A_58, %get3A_61 : vector<16xf32>
        %add3A_63 = arith.addf %mul3A_55, %mul3A_62 : vector<16xf32>
        %get3A_64 = arith.index_cast %add3A_42 : i32 to index
        %get3A_65 = arith.constant 128 : index
        %get3A_66 = tpu.vector_load %arg9[%get3A_64, %get3A_65] {strides = array<i32>} : memref<80x272xf32, #tpu.memory_space<vmem>>, vector<16xf32>,
        %get3A_67 = arith.index_cast %add3A_42 : i32 to index
        %get3A_68 = arith.constant 128 : index
        %get3A_69 = tpu.vector_load %arg10[%get3A_67, %get3A_68] {strides = array<i32>} : memref<80x272xf32, #tpu.memory_space<vmem>>, vector<16xf32>,
        %mul3A_70 = arith.mulf %get3A_66, %get3A_69 : vector<16xf32>
        %add3A_71 = arith.addf %add3A_63, %mul3A_70 : vector<16xf32>
        %get3A_72 = arith.index_cast %add3A_42 : i32 to index
        %get3A_73 = arith.constant 144 : index
        %get3A_74 = tpu.vector_load %arg9[%get3A_72, %get3A_73] {strides = array<i32>} : memref<80x272xf32, #tpu.memory_space<vmem>>, vector<16xf32>,
        %get3A_75 = arith.index_cast %add3A_42 : i32 to index
        %get3A_76 = arith.constant 144 : index
        %get3A_77 = tpu.vector_load %arg10[%get3A_75, %get3A_76] {strides = array<i32>} : memref<80x272xf32, #tpu.memory_space<vmem>>, vector<16xf32>,
        %mul3A_78 = arith.mulf %get3A_74, %get3A_77 : vector<16xf32>
        %add3A_79 = arith.addf %add3A_71, %mul3A_78 : vector<16xf32>
        %eq3A = arith.constant 0 : i32
        %eq3A_80 = vector.broadcast %eq3A : i32 to vector<16xi32>
        %eq3A_81 = arith.cmpi eq, %iota3A, %eq3A_80 : vector<16xi32>
        %eq3A_82 = arith.constant 4 : i32
        %eq3A_83 = vector.broadcast %eq3A_82 : i32 to vector<16xi32>
        %eq3A_84 = arith.cmpi eq, %iota3A, %eq3A_83 : vector<16xi32>
        %or3A = arith.ori %eq3A_81, %eq3A_84 : vector<16xi1>
        %jit3A = arith.constant 0.000000e+00 : f32
        %broadcast_in_dim3A = vector.broadcast %jit3A : f32 to vector<16xf32>
        %select_n3A = arith.select %or3A, %mul3A_48, %broadcast_in_dim3A : vector<16xi1>, vector<16xf32>
        %add3A_85 = arith.addf %add3A_79, %select_n3A : vector<16xf32>
        %swap3A = arith.constant 0 : index
        %swap3A_86 = tpu.vector_load %arg12[%swap3A] {strides = array<i32>} : memref<272xf32, #tpu.memory_space<vmem>>, vector<16xf32>,
        tpu.vector_store %arg12[%swap3A], %add3A_85 {strides = array<i32>} : memref<272xf32, #tpu.memory_space<vmem>>, vector<16xf32>,
        %get3A_87 = arith.index_cast %add3A_42 : i32 to index
        %get3A_88 = arith.constant 32 : index
        %get3A_89 = tpu.vector_load %arg9[%get3A_87, %get3A_88] {strides = array<i32>} : memref<80x272xf32, #tpu.memory_space<vmem>>, vector<16xf32>,
        %get3A_90 = arith.index_cast %add3A_42 : i32 to index
        %get3A_91 = arith.constant 32 : index
        %get3A_92 = tpu.vector_load %arg10[%get3A_90, %get3A_91] {strides = array<i32>} : memref<80x272xf32, #tpu.memory_space<vmem>>, vector<16xf32>,
        %mul3A_93 = arith.mulf %get3A_89, %get3A_92 : vector<16xf32>
        %get3A_94 = arith.index_cast %add3A_42 : i32 to index
        %get3A_95 = arith.constant 48 : index
        %get3A_96 = tpu.vector_load %arg9[%get3A_94, %get3A_95] {strides = array<i32>} : memref<80x272xf32, #tpu.memory_space<vmem>>, vector<16xf32>,
        %get3A_97 = arith.index_cast %add3A_42 : i32 to index
        %get3A_98 = arith.constant 48 : index
        %get3A_99 = tpu.vector_load %arg10[%get3A_97, %get3A_98] {strides = array<i32>} : memref<80x272xf32, #tpu.memory_space<vmem>>, vector<16xf32>,
        %mul3A_100 = arith.mulf %get3A_96, %get3A_99 : vector<16xf32>
        %add3A_101 = arith.addf %mul3A_93, %mul3A_100 : vector<16xf32>
        %get3A_102 = arith.index_cast %add3A_42 : i32 to index
        %get3A_103 = arith.constant 160 : index
        %get3A_104 = tpu.vector_load %arg9[%get3A_102, %get3A_103] {strides = array<i32>} : memref<80x272xf32, #tpu.memory_space<vmem>>, vector<16xf32>,
        %get3A_105 = arith.index_cast %add3A_42 : i32 to index
        %get3A_106 = arith.constant 160 : index
        %get3A_107 = tpu.vector_load %arg10[%get3A_105, %get3A_106] {strides = array<i32>} : memref<80x272xf32, #tpu.memory_space<vmem>>, vector<16xf32>,
        %mul3A_108 = arith.mulf %get3A_104, %get3A_107 : vector<16xf32>
        %add3A_109 = arith.addf %add3A_101, %mul3A_108 : vector<16xf32>
        %get3A_110 = arith.index_cast %add3A_42 : i32 to index
        %get3A_111 = arith.constant 176 : index
        %get3A_112 = tpu.vector_load %arg9[%get3A_110, %get3A_111] {strides = array<i32>} : memref<80x272xf32, #tpu.memory_space<vmem>>, vector<16xf32>,
        %get3A_113 = arith.index_cast %add3A_42 : i32 to index
        %get3A_114 = arith.constant 176 : index
        %get3A_115 = tpu.vector_load %arg10[%get3A_113, %get3A_114] {strides = array<i32>} : memref<80x272xf32, #tpu.memory_space<vmem>>, vector<16xf32>,
        %mul3A_116 = arith.mulf %get3A_112, %get3A_115 : vector<16xf32>
        %add3A_117 = arith.addf %add3A_109, %mul3A_116 : vector<16xf32>
        %eq3A_118 = arith.constant 1 : i32
        %eq3A_119 = vector.broadcast %eq3A_118 : i32 to vector<16xi32>
        %eq3A_120 = arith.cmpi eq, %iota3A, %eq3A_119 : vector<16xi32>
        %eq3A_121 = arith.constant 5 : i32
        %eq3A_122 = vector.broadcast %eq3A_121 : i32 to vector<16xi32>
        %eq3A_123 = arith.cmpi eq, %iota3A, %eq3A_122 : vector<16xi32>
        %or3A_124 = arith.ori %eq3A_120, %eq3A_123 : vector<16xi1>
        %jit3A_125 = arith.constant 0.000000e+00 : f32
        %broadcast_in_dim3A_126 = vector.broadcast %jit3A_125 : f32 to vector<16xf32>
        %select_n3A_127 = arith.select %or3A_124, %mul3A_48, %broadcast_in_dim3A_126 : vector<16xi1>, vector<16xf32>
        %add3A_128 = arith.addf %add3A_117, %select_n3A_127 : vector<16xf32>
        %swap3A_129 = arith.constant 17 : index
        %swap3A_130 = tpu.vector_load %arg12[%swap3A_129] {strides = array<i32>} : memref<272xf32, #tpu.memory_space<vmem>>, vector<16xf32>,
        tpu.vector_store %arg12[%swap3A_129], %add3A_128 {strides = array<i32>} : memref<272xf32, #tpu.memory_space<vmem>>, vector<16xf32>,
        %get3A_131 = arith.index_cast %add3A_42 : i32 to index
        %get3A_132 = arith.constant 64 : index
        %get3A_133 = tpu.vector_load %arg9[%get3A_131, %get3A_132] {strides = array<i32>} : memref<80x272xf32, #tpu.memory_space<vmem>>, vector<16xf32>,
        %get3A_134 = arith.index_cast %add3A_42 : i32 to index
        %get3A_135 = arith.constant 64 : index
        %get3A_136 = tpu.vector_load %arg10[%get3A_134, %get3A_135] {strides = array<i32>} : memref<80x272xf32, #tpu.memory_space<vmem>>, vector<16xf32>,
        %mul3A_137 = arith.mulf %get3A_133, %get3A_136 : vector<16xf32>
        %get3A_138 = arith.index_cast %add3A_42 : i32 to index
        %get3A_139 = arith.constant 80 : index
        %get3A_140 = tpu.vector_load %arg9[%get3A_138, %get3A_139] {strides = array<i32>} : memref<80x272xf32, #tpu.memory_space<vmem>>, vector<16xf32>,
        %get3A_141 = arith.index_cast %add3A_42 : i32 to index
        %get3A_142 = arith.constant 80 : index
        %get3A_143 = tpu.vector_load %arg10[%get3A_141, %get3A_142] {strides = array<i32>} : memref<80x272xf32, #tpu.memory_space<vmem>>, vector<16xf32>,
        %mul3A_144 = arith.mulf %get3A_140, %get3A_143 : vector<16xf32>
        %add3A_145 = arith.addf %mul3A_137, %mul3A_144 : vector<16xf32>
        %get3A_146 = arith.index_cast %add3A_42 : i32 to index
        %get3A_147 = arith.constant 192 : index
        %get3A_148 = tpu.vector_load %arg9[%get3A_146, %get3A_147] {strides = array<i32>} : memref<80x272xf32, #tpu.memory_space<vmem>>, vector<16xf32>,
        %get3A_149 = arith.index_cast %add3A_42 : i32 to index
        %get3A_150 = arith.constant 192 : index
        %get3A_151 = tpu.vector_load %arg10[%get3A_149, %get3A_150] {strides = array<i32>} : memref<80x272xf32, #tpu.memory_space<vmem>>, vector<16xf32>,
        %mul3A_152 = arith.mulf %get3A_148, %get3A_151 : vector<16xf32>
        %add3A_153 = arith.addf %add3A_145, %mul3A_152 : vector<16xf32>
        %get3A_154 = arith.index_cast %add3A_42 : i32 to index
        %get3A_155 = arith.constant 208 : index
        %get3A_156 = tpu.vector_load %arg9[%get3A_154, %get3A_155] {strides = array<i32>} : memref<80x272xf32, #tpu.memory_space<vmem>>, vector<16xf32>,
        %get3A_157 = arith.index_cast %add3A_42 : i32 to index
        %get3A_158 = arith.constant 208 : index
        %get3A_159 = tpu.vector_load %arg10[%get3A_157, %get3A_158] {strides = array<i32>} : memref<80x272xf32, #tpu.memory_space<vmem>>, vector<16xf32>,
        %mul3A_160 = arith.mulf %get3A_156, %get3A_159 : vector<16xf32>
        %add3A_161 = arith.addf %add3A_153, %mul3A_160 : vector<16xf32>
        %eq3A_162 = arith.constant 2 : i32
        %eq3A_163 = vector.broadcast %eq3A_162 : i32 to vector<16xi32>
        %eq3A_164 = arith.cmpi eq, %iota3A, %eq3A_163 : vector<16xi32>
        %eq3A_165 = arith.constant 6 : i32
        %eq3A_166 = vector.broadcast %eq3A_165 : i32 to vector<16xi32>
        %eq3A_167 = arith.cmpi eq, %iota3A, %eq3A_166 : vector<16xi32>
        %or3A_168 = arith.ori %eq3A_164, %eq3A_167 : vector<16xi1>
        %jit3A_169 = arith.constant 0.000000e+00 : f32
        %broadcast_in_dim3A_170 = vector.broadcast %jit3A_169 : f32 to vector<16xf32>
        %select_n3A_171 = arith.select %or3A_168, %mul3A_48, %broadcast_in_dim3A_170 : vector<16xi1>, vector<16xf32>
        %add3A_172 = arith.addf %add3A_161, %select_n3A_171 : vector<16xf32>
        %swap3A_173 = arith.constant 34 : index
        %swap3A_174 = tpu.vector_load %arg12[%swap3A_173] {strides = array<i32>} : memref<272xf32, #tpu.memory_space<vmem>>, vector<16xf32>,
        tpu.vector_store %arg12[%swap3A_173], %add3A_172 {strides = array<i32>} : memref<272xf32, #tpu.memory_space<vmem>>, vector<16xf32>,
        %get3A_175 = arith.index_cast %add3A_42 : i32 to index
        %get3A_176 = arith.constant 96 : index
        %get3A_177 = tpu.vector_load %arg9[%get3A_175, %get3A_176] {strides = array<i32>} : memref<80x272xf32, #tpu.memory_space<vmem>>, vector<16xf32>,
        %get3A_178 = arith.index_cast %add3A_42 : i32 to index
        %get3A_179 = arith.constant 96 : index
        %get3A_180 = tpu.vector_load %arg10[%get3A_178, %get3A_179] {strides = array<i32>} : memref<80x272xf32, #tpu.memory_space<vmem>>, vector<16xf32>,
        %mul3A_181 = arith.mulf %get3A_177, %get3A_180 : vector<16xf32>
        %get3A_182 = arith.index_cast %add3A_42 : i32 to index
        %get3A_183 = arith.constant 112 : index
        %get3A_184 = tpu.vector_load %arg9[%get3A_182, %get3A_183] {strides = array<i32>} : memref<80x272xf32, #tpu.memory_space<vmem>>, vector<16xf32>,
        %get3A_185 = arith.index_cast %add3A_42 : i32 to index
        %get3A_186 = arith.constant 112 : index
        %get3A_187 = tpu.vector_load %arg10[%get3A_185, %get3A_186] {strides = array<i32>} : memref<80x272xf32, #tpu.memory_space<vmem>>, vector<16xf32>,
        %mul3A_188 = arith.mulf %get3A_184, %get3A_187 : vector<16xf32>
        %add3A_189 = arith.addf %mul3A_181, %mul3A_188 : vector<16xf32>
        %get3A_190 = arith.index_cast %add3A_42 : i32 to index
        %get3A_191 = arith.constant 224 : index
        %get3A_192 = tpu.vector_load %arg9[%get3A_190, %get3A_191] {strides = array<i32>} : memref<80x272xf32, #tpu.memory_space<vmem>>, vector<16xf32>,
        %get3A_193 = arith.index_cast %add3A_42 : i32 to index
        %get3A_194 = arith.constant 224 : index
        %get3A_195 = tpu.vector_load %arg10[%get3A_193, %get3A_194] {strides = array<i32>} : memref<80x272xf32, #tpu.memory_space<vmem>>, vector<16xf32>,
        %mul3A_196 = arith.mulf %get3A_192, %get3A_195 : vector<16xf32>
        %add3A_197 = arith.addf %add3A_189, %mul3A_196 : vector<16xf32>
        %get3A_198 = arith.index_cast %add3A_42 : i32 to index
        %get3A_199 = arith.constant 240 : index
        %get3A_200 = tpu.vector_load %arg9[%get3A_198, %get3A_199] {strides = array<i32>} : memref<80x272xf32, #tpu.memory_space<vmem>>, vector<16xf32>,
        %get3A_201 = arith.index_cast %add3A_42 : i32 to index
        %get3A_202 = arith.constant 240 : index
        %get3A_203 = tpu.vector_load %arg10[%get3A_201, %get3A_202] {strides = array<i32>} : memref<80x272xf32, #tpu.memory_space<vmem>>, vector<16xf32>,
        %mul3A_204 = arith.mulf %get3A_200, %get3A_203 : vector<16xf32>
        %add3A_205 = arith.addf %add3A_197, %mul3A_204 : vector<16xf32>
        %eq3A_206 = arith.constant 3 : i32
        %eq3A_207 = vector.broadcast %eq3A_206 : i32 to vector<16xi32>
        %eq3A_208 = arith.cmpi eq, %iota3A, %eq3A_207 : vector<16xi32>
        %eq3A_209 = arith.constant 7 : i32
        %eq3A_210 = vector.broadcast %eq3A_209 : i32 to vector<16xi32>
        %eq3A_211 = arith.cmpi eq, %iota3A, %eq3A_210 : vector<16xi32>
        %or3A_212 = arith.ori %eq3A_208, %eq3A_211 : vector<16xi1>
        %jit3A_213 = arith.constant 0.000000e+00 : f32
        %broadcast_in_dim3A_214 = vector.broadcast %jit3A_213 : f32 to vector<16xf32>
        %select_n3A_215 = arith.select %or3A_212, %mul3A_48, %broadcast_in_dim3A_214 : vector<16xi1>, vector<16xf32>
        %add3A_216 = arith.addf %add3A_205, %select_n3A_215 : vector<16xf32>
        %swap3A_217 = arith.constant 51 : index
        %swap3A_218 = tpu.vector_load %arg12[%swap3A_217] {strides = array<i32>} : memref<272xf32, #tpu.memory_space<vmem>>, vector<16xf32>,
        tpu.vector_store %arg12[%swap3A_217], %add3A_216 {strides = array<i32>} : memref<272xf32, #tpu.memory_space<vmem>>, vector<16xf32>,
        %mul3A_219 = arith.constant 4 : i32
        %mul3A_220 = arith.muli %scan3A_37, %mul3A_219 : i32
        %add3A_221 = arith.constant 1 : i32
        %add3A_222 = arith.addi %mul3A_220, %add3A_221 : i32
        %get3A_223 = arith.index_cast %add3A_222 : i32 to index
        %get3A_224 = arith.constant 256 : index
        %get3A_225 = tpu.vector_load %arg9[%get3A_223, %get3A_224] {strides = array<i32>} : memref<80x272xf32, #tpu.memory_space<vmem>>, vector<16xf32>,
        %get3A_226 = arith.index_cast %add3A_222 : i32 to index
        %get3A_227 = arith.constant 256 : index
        %get3A_228 = tpu.vector_load %arg10[%get3A_226, %get3A_227] {strides = array<i32>} : memref<80x272xf32, #tpu.memory_space<vmem>>, vector<16xf32>,
        %mul3A_229 = arith.mulf %get3A_225, %get3A_228 : vector<16xf32>
        %get3A_230 = arith.index_cast %add3A_222 : i32 to index
        %get3A_231 = arith.constant 0 : index
        %get3A_232 = tpu.vector_load %arg9[%get3A_230, %get3A_231] {strides = array<i32>} : memref<80x272xf32, #tpu.memory_space<vmem>>, vector<16xf32>,
        %get3A_233 = arith.index_cast %add3A_222 : i32 to index
        %get3A_234 = arith.constant 0 : index
        %get3A_235 = tpu.vector_load %arg10[%get3A_233, %get3A_234] {strides = array<i32>} : memref<80x272xf32, #tpu.memory_space<vmem>>, vector<16xf32>,
        %mul3A_236 = arith.mulf %get3A_232, %get3A_235 : vector<16xf32>
        %get3A_237 = arith.index_cast %add3A_222 : i32 to index
        %get3A_238 = arith.constant 16 : index
        %get3A_239 = tpu.vector_load %arg9[%get3A_237, %get3A_238] {strides = array<i32>} : memref<80x272xf32, #tpu.memory_space<vmem>>, vector<16xf32>,
        %get3A_240 = arith.index_cast %add3A_222 : i32 to index
        %get3A_241 = arith.constant 16 : index
        %get3A_242 = tpu.vector_load %arg10[%get3A_240, %get3A_241] {strides = array<i32>} : memref<80x272xf32, #tpu.memory_space<vmem>>, vector<16xf32>,
        %mul3A_243 = arith.mulf %get3A_239, %get3A_242 : vector<16xf32>
        %add3A_244 = arith.addf %mul3A_236, %mul3A_243 : vector<16xf32>
        %get3A_245 = arith.index_cast %add3A_222 : i32 to index
        %get3A_246 = arith.constant 128 : index
        %get3A_247 = tpu.vector_load %arg9[%get3A_245, %get3A_246] {strides = array<i32>} : memref<80x272xf32, #tpu.memory_space<vmem>>, vector<16xf32>,
        %get3A_248 = arith.index_cast %add3A_222 : i32 to index
        %get3A_249 = arith.constant 128 : index
        %get3A_250 = tpu.vector_load %arg10[%get3A_248, %get3A_249] {strides = array<i32>} : memref<80x272xf32, #tpu.memory_space<vmem>>, vector<16xf32>,
        %mul3A_251 = arith.mulf %get3A_247, %get3A_250 : vector<16xf32>
        %add3A_252 = arith.addf %add3A_244, %mul3A_251 : vector<16xf32>
        %get3A_253 = arith.index_cast %add3A_222 : i32 to index
        %get3A_254 = arith.constant 144 : index
        %get3A_255 = tpu.vector_load %arg9[%get3A_253, %get3A_254] {strides = array<i32>} : memref<80x272xf32, #tpu.memory_space<vmem>>, vector<16xf32>,
        %get3A_256 = arith.index_cast %add3A_222 : i32 to index
        %get3A_257 = arith.constant 144 : index
        %get3A_258 = tpu.vector_load %arg10[%get3A_256, %get3A_257] {strides = array<i32>} : memref<80x272xf32, #tpu.memory_space<vmem>>, vector<16xf32>,
        %mul3A_259 = arith.mulf %get3A_255, %get3A_258 : vector<16xf32>
        %add3A_260 = arith.addf %add3A_252, %mul3A_259 : vector<16xf32>
        %eq3A_261 = arith.constant 0 : i32
        %eq3A_262 = vector.broadcast %eq3A_261 : i32 to vector<16xi32>
        %eq3A_263 = arith.cmpi eq, %iota3A, %eq3A_262 : vector<16xi32>
        %eq3A_264 = arith.constant 4 : i32
        %eq3A_265 = vector.broadcast %eq3A_264 : i32 to vector<16xi32>
        %eq3A_266 = arith.cmpi eq, %iota3A, %eq3A_265 : vector<16xi32>
        %or3A_267 = arith.ori %eq3A_263, %eq3A_266 : vector<16xi1>
        %jit3A_268 = arith.constant 0.000000e+00 : f32
        %broadcast_in_dim3A_269 = vector.broadcast %jit3A_268 : f32 to vector<16xf32>
        %select_n3A_270 = arith.select %or3A_267, %mul3A_229, %broadcast_in_dim3A_269 : vector<16xi1>, vector<16xf32>
        %add3A_271 = arith.addf %add3A_260, %select_n3A_270 : vector<16xf32>
        %swap3A_272 = arith.constant 68 : index
        %swap3A_273 = tpu.vector_load %arg12[%swap3A_272] {strides = array<i32>} : memref<272xf32, #tpu.memory_space<vmem>>, vector<16xf32>,
        tpu.vector_store %arg12[%swap3A_272], %add3A_271 {strides = array<i32>} : memref<272xf32, #tpu.memory_space<vmem>>, vector<16xf32>,
        %get3A_274 = arith.index_cast %add3A_222 : i32 to index
        %get3A_275 = arith.constant 32 : index
        %get3A_276 = tpu.vector_load %arg9[%get3A_274, %get3A_275] {strides = array<i32>} : memref<80x272xf32, #tpu.memory_space<vmem>>, vector<16xf32>,
        %get3A_277 = arith.index_cast %add3A_222 : i32 to index
        %get3A_278 = arith.constant 32 : index
        %get3A_279 = tpu.vector_load %arg10[%get3A_277, %get3A_278] {strides = array<i32>} : memref<80x272xf32, #tpu.memory_space<vmem>>, vector<16xf32>,
        %mul3A_280 = arith.mulf %get3A_276, %get3A_279 : vector<16xf32>
        %get3A_281 = arith.index_cast %add3A_222 : i32 to index
        %get3A_282 = arith.constant 48 : index
        %get3A_283 = tpu.vector_load %arg9[%get3A_281, %get3A_282] {strides = array<i32>} : memref<80x272xf32, #tpu.memory_space<vmem>>, vector<16xf32>,
        %get3A_284 = arith.index_cast %add3A_222 : i32 to index
        %get3A_285 = arith.constant 48 : index
        %get3A_286 = tpu.vector_load %arg10[%get3A_284, %get3A_285] {strides = array<i32>} : memref<80x272xf32, #tpu.memory_space<vmem>>, vector<16xf32>,
        %mul3A_287 = arith.mulf %get3A_283, %get3A_286 : vector<16xf32>
        %add3A_288 = arith.addf %mul3A_280, %mul3A_287 : vector<16xf32>
        %get3A_289 = arith.index_cast %add3A_222 : i32 to index
        %get3A_290 = arith.constant 160 : index
        %get3A_291 = tpu.vector_load %arg9[%get3A_289, %get3A_290] {strides = array<i32>} : memref<80x272xf32, #tpu.memory_space<vmem>>, vector<16xf32>,
        %get3A_292 = arith.index_cast %add3A_222 : i32 to index
        %get3A_293 = arith.constant 160 : index
        %get3A_294 = tpu.vector_load %arg10[%get3A_292, %get3A_293] {strides = array<i32>} : memref<80x272xf32, #tpu.memory_space<vmem>>, vector<16xf32>,
        %mul3A_295 = arith.mulf %get3A_291, %get3A_294 : vector<16xf32>
        %add3A_296 = arith.addf %add3A_288, %mul3A_295 : vector<16xf32>
        %get3A_297 = arith.index_cast %add3A_222 : i32 to index
        %get3A_298 = arith.constant 176 : index
        %get3A_299 = tpu.vector_load %arg9[%get3A_297, %get3A_298] {strides = array<i32>} : memref<80x272xf32, #tpu.memory_space<vmem>>, vector<16xf32>,
        %get3A_300 = arith.index_cast %add3A_222 : i32 to index
        %get3A_301 = arith.constant 176 : index
        %get3A_302 = tpu.vector_load %arg10[%get3A_300, %get3A_301] {strides = array<i32>} : memref<80x272xf32, #tpu.memory_space<vmem>>, vector<16xf32>,
        %mul3A_303 = arith.mulf %get3A_299, %get3A_302 : vector<16xf32>
        %add3A_304 = arith.addf %add3A_296, %mul3A_303 : vector<16xf32>
        %eq3A_305 = arith.constant 1 : i32
        %eq3A_306 = vector.broadcast %eq3A_305 : i32 to vector<16xi32>
        %eq3A_307 = arith.cmpi eq, %iota3A, %eq3A_306 : vector<16xi32>
        %eq3A_308 = arith.constant 5 : i32
        %eq3A_309 = vector.broadcast %eq3A_308 : i32 to vector<16xi32>
        %eq3A_310 = arith.cmpi eq, %iota3A, %eq3A_309 : vector<16xi32>
        %or3A_311 = arith.ori %eq3A_307, %eq3A_310 : vector<16xi1>
        %jit3A_312 = arith.constant 0.000000e+00 : f32
        %broadcast_in_dim3A_313 = vector.broadcast %jit3A_312 : f32 to vector<16xf32>
        %select_n3A_314 = arith.select %or3A_311, %mul3A_229, %broadcast_in_dim3A_313 : vector<16xi1>, vector<16xf32>
        %add3A_315 = arith.addf %add3A_304, %select_n3A_314 : vector<16xf32>
        %swap3A_316 = arith.constant 85 : index
        %swap3A_317 = tpu.vector_load %arg12[%swap3A_316] {strides = array<i32>} : memref<272xf32, #tpu.memory_space<vmem>>, vector<16xf32>,
        tpu.vector_store %arg12[%swap3A_316], %add3A_315 {strides = array<i32>} : memref<272xf32, #tpu.memory_space<vmem>>, vector<16xf32>,
        %get3A_318 = arith.index_cast %add3A_222 : i32 to index
        %get3A_319 = arith.constant 64 : index
        %get3A_320 = tpu.vector_load %arg9[%get3A_318, %get3A_319] {strides = array<i32>} : memref<80x272xf32, #tpu.memory_space<vmem>>, vector<16xf32>,
        %get3A_321 = arith.index_cast %add3A_222 : i32 to index
        %get3A_322 = arith.constant 64 : index
        %get3A_323 = tpu.vector_load %arg10[%get3A_321, %get3A_322] {strides = array<i32>} : memref<80x272xf32, #tpu.memory_space<vmem>>, vector<16xf32>,
        %mul3A_324 = arith.mulf %get3A_320, %get3A_323 : vector<16xf32>
        %get3A_325 = arith.index_cast %add3A_222 : i32 to index
        %get3A_326 = arith.constant 80 : index
        %get3A_327 = tpu.vector_load %arg9[%get3A_325, %get3A_326] {strides = array<i32>} : memref<80x272xf32, #tpu.memory_space<vmem>>, vector<16xf32>,
        %get3A_328 = arith.index_cast %add3A_222 : i32 to index
        %get3A_329 = arith.constant 80 : index
        %get3A_330 = tpu.vector_load %arg10[%get3A_328, %get3A_329] {strides = array<i32>} : memref<80x272xf32, #tpu.memory_space<vmem>>, vector<16xf32>,
        %mul3A_331 = arith.mulf %get3A_327, %get3A_330 : vector<16xf32>
        %add3A_332 = arith.addf %mul3A_324, %mul3A_331 : vector<16xf32>
        %get3A_333 = arith.index_cast %add3A_222 : i32 to index
        %get3A_334 = arith.constant 192 : index
        %get3A_335 = tpu.vector_load %arg9[%get3A_333, %get3A_334] {strides = array<i32>} : memref<80x272xf32, #tpu.memory_space<vmem>>, vector<16xf32>,
        %get3A_336 = arith.index_cast %add3A_222 : i32 to index
        %get3A_337 = arith.constant 192 : index
        %get3A_338 = tpu.vector_load %arg10[%get3A_336, %get3A_337] {strides = array<i32>} : memref<80x272xf32, #tpu.memory_space<vmem>>, vector<16xf32>,
        %mul3A_339 = arith.mulf %get3A_335, %get3A_338 : vector<16xf32>
        %add3A_340 = arith.addf %add3A_332, %mul3A_339 : vector<16xf32>
        %get3A_341 = arith.index_cast %add3A_222 : i32 to index
        %get3A_342 = arith.constant 208 : index
        %get3A_343 = tpu.vector_load %arg9[%get3A_341, %get3A_342] {strides = array<i32>} : memref<80x272xf32, #tpu.memory_space<vmem>>, vector<16xf32>,
        %get3A_344 = arith.index_cast %add3A_222 : i32 to index
        %get3A_345 = arith.constant 208 : index
        %get3A_346 = tpu.vector_load %arg10[%get3A_344, %get3A_345] {strides = array<i32>} : memref<80x272xf32, #tpu.memory_space<vmem>>, vector<16xf32>,
        %mul3A_347 = arith.mulf %get3A_343, %get3A_346 : vector<16xf32>
        %add3A_348 = arith.addf %add3A_340, %mul3A_347 : vector<16xf32>
        %eq3A_349 = arith.constant 2 : i32
        %eq3A_350 = vector.broadcast %eq3A_349 : i32 to vector<16xi32>
        %eq3A_351 = arith.cmpi eq, %iota3A, %eq3A_350 : vector<16xi32>
        %eq3A_352 = arith.constant 6 : i32
        %eq3A_353 = vector.broadcast %eq3A_352 : i32 to vector<16xi32>
        %eq3A_354 = arith.cmpi eq, %iota3A, %eq3A_353 : vector<16xi32>
        %or3A_355 = arith.ori %eq3A_351, %eq3A_354 : vector<16xi1>
        %jit3A_356 = arith.constant 0.000000e+00 : f32
        %broadcast_in_dim3A_357 = vector.broadcast %jit3A_356 : f32 to vector<16xf32>
        %select_n3A_358 = arith.select %or3A_355, %mul3A_229, %broadcast_in_dim3A_357 : vector<16xi1>, vector<16xf32>
        %add3A_359 = arith.addf %add3A_348, %select_n3A_358 : vector<16xf32>
        %swap3A_360 = arith.constant 102 : index
        %swap3A_361 = tpu.vector_load %arg12[%swap3A_360] {strides = array<i32>} : memref<272xf32, #tpu.memory_space<vmem>>, vector<16xf32>,
        tpu.vector_store %arg12[%swap3A_360], %add3A_359 {strides = array<i32>} : memref<272xf32, #tpu.memory_space<vmem>>, vector<16xf32>,
        %get3A_362 = arith.index_cast %add3A_222 : i32 to index
        %get3A_363 = arith.constant 96 : index
        %get3A_364 = tpu.vector_load %arg9[%get3A_362, %get3A_363] {strides = array<i32>} : memref<80x272xf32, #tpu.memory_space<vmem>>, vector<16xf32>,
        %get3A_365 = arith.index_cast %add3A_222 : i32 to index
        %get3A_366 = arith.constant 96 : index
        %get3A_367 = tpu.vector_load %arg10[%get3A_365, %get3A_366] {strides = array<i32>} : memref<80x272xf32, #tpu.memory_space<vmem>>, vector<16xf32>,
        %mul3A_368 = arith.mulf %get3A_364, %get3A_367 : vector<16xf32>
        %get3A_369 = arith.index_cast %add3A_222 : i32 to index
        %get3A_370 = arith.constant 112 : index
        %get3A_371 = tpu.vector_load %arg9[%get3A_369, %get3A_370] {strides = array<i32>} : memref<80x272xf32, #tpu.memory_space<vmem>>, vector<16xf32>,
        %get3A_372 = arith.index_cast %add3A_222 : i32 to index
        %get3A_373 = arith.constant 112 : index
        %get3A_374 = tpu.vector_load %arg10[%get3A_372, %get3A_373] {strides = array<i32>} : memref<80x272xf32, #tpu.memory_space<vmem>>, vector<16xf32>,
        %mul3A_375 = arith.mulf %get3A_371, %get3A_374 : vector<16xf32>
        %add3A_376 = arith.addf %mul3A_368, %mul3A_375 : vector<16xf32>
        %get3A_377 = arith.index_cast %add3A_222 : i32 to index
        %get3A_378 = arith.constant 224 : index
        %get3A_379 = tpu.vector_load %arg9[%get3A_377, %get3A_378] {strides = array<i32>} : memref<80x272xf32, #tpu.memory_space<vmem>>, vector<16xf32>,
        %get3A_380 = arith.index_cast %add3A_222 : i32 to index
        %get3A_381 = arith.constant 224 : index
        %get3A_382 = tpu.vector_load %arg10[%get3A_380, %get3A_381] {strides = array<i32>} : memref<80x272xf32, #tpu.memory_space<vmem>>, vector<16xf32>,
        %mul3A_383 = arith.mulf %get3A_379, %get3A_382 : vector<16xf32>
        %add3A_384 = arith.addf %add3A_376, %mul3A_383 : vector<16xf32>
        %get3A_385 = arith.index_cast %add3A_222 : i32 to index
        %get3A_386 = arith.constant 240 : index
        %get3A_387 = tpu.vector_load %arg9[%get3A_385, %get3A_386] {strides = array<i32>} : memref<80x272xf32, #tpu.memory_space<vmem>>, vector<16xf32>,
        %get3A_388 = arith.index_cast %add3A_222 : i32 to index
        %get3A_389 = arith.constant 240 : index
        %get3A_390 = tpu.vector_load %arg10[%get3A_388, %get3A_389] {strides = array<i32>} : memref<80x272xf32, #tpu.memory_space<vmem>>, vector<16xf32>,
        %mul3A_391 = arith.mulf %get3A_387, %get3A_390 : vector<16xf32>
        %add3A_392 = arith.addf %add3A_384, %mul3A_391 : vector<16xf32>
        %eq3A_393 = arith.constant 3 : i32
        %eq3A_394 = vector.broadcast %eq3A_393 : i32 to vector<16xi32>
        %eq3A_395 = arith.cmpi eq, %iota3A, %eq3A_394 : vector<16xi32>
        %eq3A_396 = arith.constant 7 : i32
        %eq3A_397 = vector.broadcast %eq3A_396 : i32 to vector<16xi32>
        %eq3A_398 = arith.cmpi eq, %iota3A, %eq3A_397 : vector<16xi32>
        %or3A_399 = arith.ori %eq3A_395, %eq3A_398 : vector<16xi1>
        %jit3A_400 = arith.constant 0.000000e+00 : f32
        %broadcast_in_dim3A_401 = vector.broadcast %jit3A_400 : f32 to vector<16xf32>
        %select_n3A_402 = arith.select %or3A_399, %mul3A_229, %broadcast_in_dim3A_401 : vector<16xi1>, vector<16xf32>
        %add3A_403 = arith.addf %add3A_392, %select_n3A_402 : vector<16xf32>
        %swap3A_404 = arith.constant 119 : index
        %swap3A_405 = tpu.vector_load %arg12[%swap3A_404] {strides = array<i32>} : memref<272xf32, #tpu.memory_space<vmem>>, vector<16xf32>,
        tpu.vector_store %arg12[%swap3A_404], %add3A_403 {strides = array<i32>} : memref<272xf32, #tpu.memory_space<vmem>>, vector<16xf32>,
        %mul3A_406 = arith.constant 4 : i32
        %mul3A_407 = arith.muli %scan3A_37, %mul3A_406 : i32
        %add3A_408 = arith.constant 2 : i32
        %add3A_409 = arith.addi %mul3A_407, %add3A_408 : i32
        %get3A_410 = arith.index_cast %add3A_409 : i32 to index
        %get3A_411 = arith.constant 256 : index
        %get3A_412 = tpu.vector_load %arg9[%get3A_410, %get3A_411] {strides = array<i32>} : memref<80x272xf32, #tpu.memory_space<vmem>>, vector<16xf32>,
        %get3A_413 = arith.index_cast %add3A_409 : i32 to index
        %get3A_414 = arith.constant 256 : index
        %get3A_415 = tpu.vector_load %arg10[%get3A_413, %get3A_414] {strides = array<i32>} : memref<80x272xf32, #tpu.memory_space<vmem>>, vector<16xf32>,
        %mul3A_416 = arith.mulf %get3A_412, %get3A_415 : vector<16xf32>
        %get3A_417 = arith.index_cast %add3A_409 : i32 to index
        %get3A_418 = arith.constant 0 : index
        %get3A_419 = tpu.vector_load %arg9[%get3A_417, %get3A_418] {strides = array<i32>} : memref<80x272xf32, #tpu.memory_space<vmem>>, vector<16xf32>,
        %get3A_420 = arith.index_cast %add3A_409 : i32 to index
        %get3A_421 = arith.constant 0 : index
        %get3A_422 = tpu.vector_load %arg10[%get3A_420, %get3A_421] {strides = array<i32>} : memref<80x272xf32, #tpu.memory_space<vmem>>, vector<16xf32>,
        %mul3A_423 = arith.mulf %get3A_419, %get3A_422 : vector<16xf32>
        %get3A_424 = arith.index_cast %add3A_409 : i32 to index
        %get3A_425 = arith.constant 16 : index
        %get3A_426 = tpu.vector_load %arg9[%get3A_424, %get3A_425] {strides = array<i32>} : memref<80x272xf32, #tpu.memory_space<vmem>>, vector<16xf32>,
        %get3A_427 = arith.index_cast %add3A_409 : i32 to index
        %get3A_428 = arith.constant 16 : index
        %get3A_429 = tpu.vector_load %arg10[%get3A_427, %get3A_428] {strides = array<i32>} : memref<80x272xf32, #tpu.memory_space<vmem>>, vector<16xf32>,
        %mul3A_430 = arith.mulf %get3A_426, %get3A_429 : vector<16xf32>
        %add3A_431 = arith.addf %mul3A_423, %mul3A_430 : vector<16xf32>
        %get3A_432 = arith.index_cast %add3A_409 : i32 to index
        %get3A_433 = arith.constant 128 : index
        %get3A_434 = tpu.vector_load %arg9[%get3A_432, %get3A_433] {strides = array<i32>} : memref<80x272xf32, #tpu.memory_space<vmem>>, vector<16xf32>,
        %get3A_435 = arith.index_cast %add3A_409 : i32 to index
        %get3A_436 = arith.constant 128 : index
        %get3A_437 = tpu.vector_load %arg10[%get3A_435, %get3A_436] {strides = array<i32>} : memref<80x272xf32, #tpu.memory_space<vmem>>, vector<16xf32>,
        %mul3A_438 = arith.mulf %get3A_434, %get3A_437 : vector<16xf32>
        %add3A_439 = arith.addf %add3A_431, %mul3A_438 : vector<16xf32>
        %get3A_440 = arith.index_cast %add3A_409 : i32 to index
        %get3A_441 = arith.constant 144 : index
        %get3A_442 = tpu.vector_load %arg9[%get3A_440, %get3A_441] {strides = array<i32>} : memref<80x272xf32, #tpu.memory_space<vmem>>, vector<16xf32>,
        %get3A_443 = arith.index_cast %add3A_409 : i32 to index
        %get3A_444 = arith.constant 144 : index
        %get3A_445 = tpu.vector_load %arg10[%get3A_443, %get3A_444] {strides = array<i32>} : memref<80x272xf32, #tpu.memory_space<vmem>>, vector<16xf32>,
        %mul3A_446 = arith.mulf %get3A_442, %get3A_445 : vector<16xf32>
        %add3A_447 = arith.addf %add3A_439, %mul3A_446 : vector<16xf32>
        %eq3A_448 = arith.constant 0 : i32
        %eq3A_449 = vector.broadcast %eq3A_448 : i32 to vector<16xi32>
        %eq3A_450 = arith.cmpi eq, %iota3A, %eq3A_449 : vector<16xi32>
        %eq3A_451 = arith.constant 4 : i32
        %eq3A_452 = vector.broadcast %eq3A_451 : i32 to vector<16xi32>
        %eq3A_453 = arith.cmpi eq, %iota3A, %eq3A_452 : vector<16xi32>
        %or3A_454 = arith.ori %eq3A_450, %eq3A_453 : vector<16xi1>
        %jit3A_455 = arith.constant 0.000000e+00 : f32
        %broadcast_in_dim3A_456 = vector.broadcast %jit3A_455 : f32 to vector<16xf32>
        %select_n3A_457 = arith.select %or3A_454, %mul3A_416, %broadcast_in_dim3A_456 : vector<16xi1>, vector<16xf32>
        %add3A_458 = arith.addf %add3A_447, %select_n3A_457 : vector<16xf32>
        %swap3A_459 = arith.constant 136 : index
        %swap3A_460 = tpu.vector_load %arg12[%swap3A_459] {strides = array<i32>} : memref<272xf32, #tpu.memory_space<vmem>>, vector<16xf32>,
        tpu.vector_store %arg12[%swap3A_459], %add3A_458 {strides = array<i32>} : memref<272xf32, #tpu.memory_space<vmem>>, vector<16xf32>,
        %get3A_461 = arith.index_cast %add3A_409 : i32 to index
        %get3A_462 = arith.constant 32 : index
        %get3A_463 = tpu.vector_load %arg9[%get3A_461, %get3A_462] {strides = array<i32>} : memref<80x272xf32, #tpu.memory_space<vmem>>, vector<16xf32>,
        %get3A_464 = arith.index_cast %add3A_409 : i32 to index
        %get3A_465 = arith.constant 32 : index
        %get3A_466 = tpu.vector_load %arg10[%get3A_464, %get3A_465] {strides = array<i32>} : memref<80x272xf32, #tpu.memory_space<vmem>>, vector<16xf32>,
        %mul3A_467 = arith.mulf %get3A_463, %get3A_466 : vector<16xf32>
        %get3A_468 = arith.index_cast %add3A_409 : i32 to index
        %get3A_469 = arith.constant 48 : index
        %get3A_470 = tpu.vector_load %arg9[%get3A_468, %get3A_469] {strides = array<i32>} : memref<80x272xf32, #tpu.memory_space<vmem>>, vector<16xf32>,
        %get3A_471 = arith.index_cast %add3A_409 : i32 to index
        %get3A_472 = arith.constant 48 : index
        %get3A_473 = tpu.vector_load %arg10[%get3A_471, %get3A_472] {strides = array<i32>} : memref<80x272xf32, #tpu.memory_space<vmem>>, vector<16xf32>,
        %mul3A_474 = arith.mulf %get3A_470, %get3A_473 : vector<16xf32>
        %add3A_475 = arith.addf %mul3A_467, %mul3A_474 : vector<16xf32>
        %get3A_476 = arith.index_cast %add3A_409 : i32 to index
        %get3A_477 = arith.constant 160 : index
        %get3A_478 = tpu.vector_load %arg9[%get3A_476, %get3A_477] {strides = array<i32>} : memref<80x272xf32, #tpu.memory_space<vmem>>, vector<16xf32>,
        %get3A_479 = arith.index_cast %add3A_409 : i32 to index
        %get3A_480 = arith.constant 160 : index
        %get3A_481 = tpu.vector_load %arg10[%get3A_479, %get3A_480] {strides = array<i32>} : memref<80x272xf32, #tpu.memory_space<vmem>>, vector<16xf32>,
        %mul3A_482 = arith.mulf %get3A_478, %get3A_481 : vector<16xf32>
        %add3A_483 = arith.addf %add3A_475, %mul3A_482 : vector<16xf32>
        %get3A_484 = arith.index_cast %add3A_409 : i32 to index
        %get3A_485 = arith.constant 176 : index
        %get3A_486 = tpu.vector_load %arg9[%get3A_484, %get3A_485] {strides = array<i32>} : memref<80x272xf32, #tpu.memory_space<vmem>>, vector<16xf32>,
        %get3A_487 = arith.index_cast %add3A_409 : i32 to index
        %get3A_488 = arith.constant 176 : index
        %get3A_489 = tpu.vector_load %arg10[%get3A_487, %get3A_488] {strides = array<i32>} : memref<80x272xf32, #tpu.memory_space<vmem>>, vector<16xf32>,
        %mul3A_490 = arith.mulf %get3A_486, %get3A_489 : vector<16xf32>
        %add3A_491 = arith.addf %add3A_483, %mul3A_490 : vector<16xf32>
        %eq3A_492 = arith.constant 1 : i32
        %eq3A_493 = vector.broadcast %eq3A_492 : i32 to vector<16xi32>
        %eq3A_494 = arith.cmpi eq, %iota3A, %eq3A_493 : vector<16xi32>
        %eq3A_495 = arith.constant 5 : i32
        %eq3A_496 = vector.broadcast %eq3A_495 : i32 to vector<16xi32>
        %eq3A_497 = arith.cmpi eq, %iota3A, %eq3A_496 : vector<16xi32>
        %or3A_498 = arith.ori %eq3A_494, %eq3A_497 : vector<16xi1>
        %jit3A_499 = arith.constant 0.000000e+00 : f32
        %broadcast_in_dim3A_500 = vector.broadcast %jit3A_499 : f32 to vector<16xf32>
        %select_n3A_501 = arith.select %or3A_498, %mul3A_416, %broadcast_in_dim3A_500 : vector<16xi1>, vector<16xf32>
        %add3A_502 = arith.addf %add3A_491, %select_n3A_501 : vector<16xf32>
        %swap3A_503 = arith.constant 153 : index
        %swap3A_504 = tpu.vector_load %arg12[%swap3A_503] {strides = array<i32>} : memref<272xf32, #tpu.memory_space<vmem>>, vector<16xf32>,
        tpu.vector_store %arg12[%swap3A_503], %add3A_502 {strides = array<i32>} : memref<272xf32, #tpu.memory_space<vmem>>, vector<16xf32>,
        %get3A_505 = arith.index_cast %add3A_409 : i32 to index
        %get3A_506 = arith.constant 64 : index
        %get3A_507 = tpu.vector_load %arg9[%get3A_505, %get3A_506] {strides = array<i32>} : memref<80x272xf32, #tpu.memory_space<vmem>>, vector<16xf32>,
        %get3A_508 = arith.index_cast %add3A_409 : i32 to index
        %get3A_509 = arith.constant 64 : index
        %get3A_510 = tpu.vector_load %arg10[%get3A_508, %get3A_509] {strides = array<i32>} : memref<80x272xf32, #tpu.memory_space<vmem>>, vector<16xf32>,
        %mul3A_511 = arith.mulf %get3A_507, %get3A_510 : vector<16xf32>
        %get3A_512 = arith.index_cast %add3A_409 : i32 to index
        %get3A_513 = arith.constant 80 : index
        %get3A_514 = tpu.vector_load %arg9[%get3A_512, %get3A_513] {strides = array<i32>} : memref<80x272xf32, #tpu.memory_space<vmem>>, vector<16xf32>,
        %get3A_515 = arith.index_cast %add3A_409 : i32 to index
        %get3A_516 = arith.constant 80 : index
        %get3A_517 = tpu.vector_load %arg10[%get3A_515, %get3A_516] {strides = array<i32>} : memref<80x272xf32, #tpu.memory_space<vmem>>, vector<16xf32>,
        %mul3A_518 = arith.mulf %get3A_514, %get3A_517 : vector<16xf32>
        %add3A_519 = arith.addf %mul3A_511, %mul3A_518 : vector<16xf32>
        %get3A_520 = arith.index_cast %add3A_409 : i32 to index
        %get3A_521 = arith.constant 192 : index
        %get3A_522 = tpu.vector_load %arg9[%get3A_520, %get3A_521] {strides = array<i32>} : memref<80x272xf32, #tpu.memory_space<vmem>>, vector<16xf32>,
        %get3A_523 = arith.index_cast %add3A_409 : i32 to index
        %get3A_524 = arith.constant 192 : index
        %get3A_525 = tpu.vector_load %arg10[%get3A_523, %get3A_524] {strides = array<i32>} : memref<80x272xf32, #tpu.memory_space<vmem>>, vector<16xf32>,
        %mul3A_526 = arith.mulf %get3A_522, %get3A_525 : vector<16xf32>
        %add3A_527 = arith.addf %add3A_519, %mul3A_526 : vector<16xf32>
        %get3A_528 = arith.index_cast %add3A_409 : i32 to index
        %get3A_529 = arith.constant 208 : index
        %get3A_530 = tpu.vector_load %arg9[%get3A_528, %get3A_529] {strides = array<i32>} : memref<80x272xf32, #tpu.memory_space<vmem>>, vector<16xf32>,
        %get3A_531 = arith.index_cast %add3A_409 : i32 to index
        %get3A_532 = arith.constant 208 : index
        %get3A_533 = tpu.vector_load %arg10[%get3A_531, %get3A_532] {strides = array<i32>} : memref<80x272xf32, #tpu.memory_space<vmem>>, vector<16xf32>,
        %mul3A_534 = arith.mulf %get3A_530, %get3A_533 : vector<16xf32>
        %add3A_535 = arith.addf %add3A_527, %mul3A_534 : vector<16xf32>
        %eq3A_536 = arith.constant 2 : i32
        %eq3A_537 = vector.broadcast %eq3A_536 : i32 to vector<16xi32>
        %eq3A_538 = arith.cmpi eq, %iota3A, %eq3A_537 : vector<16xi32>
        %eq3A_539 = arith.constant 6 : i32
        %eq3A_540 = vector.broadcast %eq3A_539 : i32 to vector<16xi32>
        %eq3A_541 = arith.cmpi eq, %iota3A, %eq3A_540 : vector<16xi32>
        %or3A_542 = arith.ori %eq3A_538, %eq3A_541 : vector<16xi1>
        %jit3A_543 = arith.constant 0.000000e+00 : f32
        %broadcast_in_dim3A_544 = vector.broadcast %jit3A_543 : f32 to vector<16xf32>
        %select_n3A_545 = arith.select %or3A_542, %mul3A_416, %broadcast_in_dim3A_544 : vector<16xi1>, vector<16xf32>
        %add3A_546 = arith.addf %add3A_535, %select_n3A_545 : vector<16xf32>
        %swap3A_547 = arith.constant 170 : index
        %swap3A_548 = tpu.vector_load %arg12[%swap3A_547] {strides = array<i32>} : memref<272xf32, #tpu.memory_space<vmem>>, vector<16xf32>,
        tpu.vector_store %arg12[%swap3A_547], %add3A_546 {strides = array<i32>} : memref<272xf32, #tpu.memory_space<vmem>>, vector<16xf32>,
        %get3A_549 = arith.index_cast %add3A_409 : i32 to index
        %get3A_550 = arith.constant 96 : index
        %get3A_551 = tpu.vector_load %arg9[%get3A_549, %get3A_550] {strides = array<i32>} : memref<80x272xf32, #tpu.memory_space<vmem>>, vector<16xf32>,
        %get3A_552 = arith.index_cast %add3A_409 : i32 to index
        %get3A_553 = arith.constant 96 : index
        %get3A_554 = tpu.vector_load %arg10[%get3A_552, %get3A_553] {strides = array<i32>} : memref<80x272xf32, #tpu.memory_space<vmem>>, vector<16xf32>,
        %mul3A_555 = arith.mulf %get3A_551, %get3A_554 : vector<16xf32>
        %get3A_556 = arith.index_cast %add3A_409 : i32 to index
        %get3A_557 = arith.constant 112 : index
        %get3A_558 = tpu.vector_load %arg9[%get3A_556, %get3A_557] {strides = array<i32>} : memref<80x272xf32, #tpu.memory_space<vmem>>, vector<16xf32>,
        %get3A_559 = arith.index_cast %add3A_409 : i32 to index
        %get3A_560 = arith.constant 112 : index
        %get3A_561 = tpu.vector_load %arg10[%get3A_559, %get3A_560] {strides = array<i32>} : memref<80x272xf32, #tpu.memory_space<vmem>>, vector<16xf32>,
        %mul3A_562 = arith.mulf %get3A_558, %get3A_561 : vector<16xf32>
        %add3A_563 = arith.addf %mul3A_555, %mul3A_562 : vector<16xf32>
        %get3A_564 = arith.index_cast %add3A_409 : i32 to index
        %get3A_565 = arith.constant 224 : index
        %get3A_566 = tpu.vector_load %arg9[%get3A_564, %get3A_565] {strides = array<i32>} : memref<80x272xf32, #tpu.memory_space<vmem>>, vector<16xf32>,
        %get3A_567 = arith.index_cast %add3A_409 : i32 to index
        %get3A_568 = arith.constant 224 : index
        %get3A_569 = tpu.vector_load %arg10[%get3A_567, %get3A_568] {strides = array<i32>} : memref<80x272xf32, #tpu.memory_space<vmem>>, vector<16xf32>,
        %mul3A_570 = arith.mulf %get3A_566, %get3A_569 : vector<16xf32>
        %add3A_571 = arith.addf %add3A_563, %mul3A_570 : vector<16xf32>
        %get3A_572 = arith.index_cast %add3A_409 : i32 to index
        %get3A_573 = arith.constant 240 : index
        %get3A_574 = tpu.vector_load %arg9[%get3A_572, %get3A_573] {strides = array<i32>} : memref<80x272xf32, #tpu.memory_space<vmem>>, vector<16xf32>,
        %get3A_575 = arith.index_cast %add3A_409 : i32 to index
        %get3A_576 = arith.constant 240 : index
        %get3A_577 = tpu.vector_load %arg10[%get3A_575, %get3A_576] {strides = array<i32>} : memref<80x272xf32, #tpu.memory_space<vmem>>, vector<16xf32>,
        %mul3A_578 = arith.mulf %get3A_574, %get3A_577 : vector<16xf32>
        %add3A_579 = arith.addf %add3A_571, %mul3A_578 : vector<16xf32>
        %eq3A_580 = arith.constant 3 : i32
        %eq3A_581 = vector.broadcast %eq3A_580 : i32 to vector<16xi32>
        %eq3A_582 = arith.cmpi eq, %iota3A, %eq3A_581 : vector<16xi32>
        %eq3A_583 = arith.constant 7 : i32
        %eq3A_584 = vector.broadcast %eq3A_583 : i32 to vector<16xi32>
        %eq3A_585 = arith.cmpi eq, %iota3A, %eq3A_584 : vector<16xi32>
        %or3A_586 = arith.ori %eq3A_582, %eq3A_585 : vector<16xi1>
        %jit3A_587 = arith.constant 0.000000e+00 : f32
        %broadcast_in_dim3A_588 = vector.broadcast %jit3A_587 : f32 to vector<16xf32>
        %select_n3A_589 = arith.select %or3A_586, %mul3A_416, %broadcast_in_dim3A_588 : vector<16xi1>, vector<16xf32>
        %add3A_590 = arith.addf %add3A_579, %select_n3A_589 : vector<16xf32>
        %swap3A_591 = arith.constant 187 : index
        %swap3A_592 = tpu.vector_load %arg12[%swap3A_591] {strides = array<i32>} : memref<272xf32, #tpu.memory_space<vmem>>, vector<16xf32>,
        tpu.vector_store %arg12[%swap3A_591], %add3A_590 {strides = array<i32>} : memref<272xf32, #tpu.memory_space<vmem>>, vector<16xf32>,
        %mul3A_593 = arith.constant 4 : i32
        %mul3A_594 = arith.muli %scan3A_37, %mul3A_593 : i32
        %add3A_595 = arith.constant 3 : i32
        %add3A_596 = arith.addi %mul3A_594, %add3A_595 : i32
        %get3A_597 = arith.index_cast %add3A_596 : i32 to index
        %get3A_598 = arith.constant 256 : index
        %get3A_599 = tpu.vector_load %arg9[%get3A_597, %get3A_598] {strides = array<i32>} : memref<80x272xf32, #tpu.memory_space<vmem>>, vector<16xf32>,
        %get3A_600 = arith.index_cast %add3A_596 : i32 to index
        %get3A_601 = arith.constant 256 : index
        %get3A_602 = tpu.vector_load %arg10[%get3A_600, %get3A_601] {strides = array<i32>} : memref<80x272xf32, #tpu.memory_space<vmem>>, vector<16xf32>,
        %mul3A_603 = arith.mulf %get3A_599, %get3A_602 : vector<16xf32>
        %get3A_604 = arith.index_cast %add3A_596 : i32 to index
        %get3A_605 = arith.constant 0 : index
        %get3A_606 = tpu.vector_load %arg9[%get3A_604, %get3A_605] {strides = array<i32>} : memref<80x272xf32, #tpu.memory_space<vmem>>, vector<16xf32>,
        %get3A_607 = arith.index_cast %add3A_596 : i32 to index
        %get3A_608 = arith.constant 0 : index
        %get3A_609 = tpu.vector_load %arg10[%get3A_607, %get3A_608] {strides = array<i32>} : memref<80x272xf32, #tpu.memory_space<vmem>>, vector<16xf32>,
        %mul3A_610 = arith.mulf %get3A_606, %get3A_609 : vector<16xf32>
        %get3A_611 = arith.index_cast %add3A_596 : i32 to index
        %get3A_612 = arith.constant 16 : index
        %get3A_613 = tpu.vector_load %arg9[%get3A_611, %get3A_612] {strides = array<i32>} : memref<80x272xf32, #tpu.memory_space<vmem>>, vector<16xf32>,
        %get3A_614 = arith.index_cast %add3A_596 : i32 to index
        %get3A_615 = arith.constant 16 : index
        %get3A_616 = tpu.vector_load %arg10[%get3A_614, %get3A_615] {strides = array<i32>} : memref<80x272xf32, #tpu.memory_space<vmem>>, vector<16xf32>,
        %mul3A_617 = arith.mulf %get3A_613, %get3A_616 : vector<16xf32>
        %add3A_618 = arith.addf %mul3A_610, %mul3A_617 : vector<16xf32>
        %get3A_619 = arith.index_cast %add3A_596 : i32 to index
        %get3A_620 = arith.constant 128 : index
        %get3A_621 = tpu.vector_load %arg9[%get3A_619, %get3A_620] {strides = array<i32>} : memref<80x272xf32, #tpu.memory_space<vmem>>, vector<16xf32>,
        %get3A_622 = arith.index_cast %add3A_596 : i32 to index
        %get3A_623 = arith.constant 128 : index
        %get3A_624 = tpu.vector_load %arg10[%get3A_622, %get3A_623] {strides = array<i32>} : memref<80x272xf32, #tpu.memory_space<vmem>>, vector<16xf32>,
        %mul3A_625 = arith.mulf %get3A_621, %get3A_624 : vector<16xf32>
        %add3A_626 = arith.addf %add3A_618, %mul3A_625 : vector<16xf32>
        %get3A_627 = arith.index_cast %add3A_596 : i32 to index
        %get3A_628 = arith.constant 144 : index
        %get3A_629 = tpu.vector_load %arg9[%get3A_627, %get3A_628] {strides = array<i32>} : memref<80x272xf32, #tpu.memory_space<vmem>>, vector<16xf32>,
        %get3A_630 = arith.index_cast %add3A_596 : i32 to index
        %get3A_631 = arith.constant 144 : index
        %get3A_632 = tpu.vector_load %arg10[%get3A_630, %get3A_631] {strides = array<i32>} : memref<80x272xf32, #tpu.memory_space<vmem>>, vector<16xf32>,
        %mul3A_633 = arith.mulf %get3A_629, %get3A_632 : vector<16xf32>
        %add3A_634 = arith.addf %add3A_626, %mul3A_633 : vector<16xf32>
        %eq3A_635 = arith.constant 0 : i32
        %eq3A_636 = vector.broadcast %eq3A_635 : i32 to vector<16xi32>
        %eq3A_637 = arith.cmpi eq, %iota3A, %eq3A_636 : vector<16xi32>
        %eq3A_638 = arith.constant 4 : i32
        %eq3A_639 = vector.broadcast %eq3A_638 : i32 to vector<16xi32>
        %eq3A_640 = arith.cmpi eq, %iota3A, %eq3A_639 : vector<16xi32>
        %or3A_641 = arith.ori %eq3A_637, %eq3A_640 : vector<16xi1>
        %jit3A_642 = arith.constant 0.000000e+00 : f32
        %broadcast_in_dim3A_643 = vector.broadcast %jit3A_642 : f32 to vector<16xf32>
        %select_n3A_644 = arith.select %or3A_641, %mul3A_603, %broadcast_in_dim3A_643 : vector<16xi1>, vector<16xf32>
        %add3A_645 = arith.addf %add3A_634, %select_n3A_644 : vector<16xf32>
        %swap3A_646 = arith.constant 204 : index
        %swap3A_647 = tpu.vector_load %arg12[%swap3A_646] {strides = array<i32>} : memref<272xf32, #tpu.memory_space<vmem>>, vector<16xf32>,
        tpu.vector_store %arg12[%swap3A_646], %add3A_645 {strides = array<i32>} : memref<272xf32, #tpu.memory_space<vmem>>, vector<16xf32>,
        %get3A_648 = arith.index_cast %add3A_596 : i32 to index
        %get3A_649 = arith.constant 32 : index
        %get3A_650 = tpu.vector_load %arg9[%get3A_648, %get3A_649] {strides = array<i32>} : memref<80x272xf32, #tpu.memory_space<vmem>>, vector<16xf32>,
        %get3A_651 = arith.index_cast %add3A_596 : i32 to index
        %get3A_652 = arith.constant 32 : index
        %get3A_653 = tpu.vector_load %arg10[%get3A_651, %get3A_652] {strides = array<i32>} : memref<80x272xf32, #tpu.memory_space<vmem>>, vector<16xf32>,
        %mul3A_654 = arith.mulf %get3A_650, %get3A_653 : vector<16xf32>
        %get3A_655 = arith.index_cast %add3A_596 : i32 to index
        %get3A_656 = arith.constant 48 : index
        %get3A_657 = tpu.vector_load %arg9[%get3A_655, %get3A_656] {strides = array<i32>} : memref<80x272xf32, #tpu.memory_space<vmem>>, vector<16xf32>,
        %get3A_658 = arith.index_cast %add3A_596 : i32 to index
        %get3A_659 = arith.constant 48 : index
        %get3A_660 = tpu.vector_load %arg10[%get3A_658, %get3A_659] {strides = array<i32>} : memref<80x272xf32, #tpu.memory_space<vmem>>, vector<16xf32>,
        %mul3A_661 = arith.mulf %get3A_657, %get3A_660 : vector<16xf32>
        %add3A_662 = arith.addf %mul3A_654, %mul3A_661 : vector<16xf32>
        %get3A_663 = arith.index_cast %add3A_596 : i32 to index
        %get3A_664 = arith.constant 160 : index
        %get3A_665 = tpu.vector_load %arg9[%get3A_663, %get3A_664] {strides = array<i32>} : memref<80x272xf32, #tpu.memory_space<vmem>>, vector<16xf32>,
        %get3A_666 = arith.index_cast %add3A_596 : i32 to index
        %get3A_667 = arith.constant 160 : index
        %get3A_668 = tpu.vector_load %arg10[%get3A_666, %get3A_667] {strides = array<i32>} : memref<80x272xf32, #tpu.memory_space<vmem>>, vector<16xf32>,
        %mul3A_669 = arith.mulf %get3A_665, %get3A_668 : vector<16xf32>
        %add3A_670 = arith.addf %add3A_662, %mul3A_669 : vector<16xf32>
        %get3A_671 = arith.index_cast %add3A_596 : i32 to index
        %get3A_672 = arith.constant 176 : index
        %get3A_673 = tpu.vector_load %arg9[%get3A_671, %get3A_672] {strides = array<i32>} : memref<80x272xf32, #tpu.memory_space<vmem>>, vector<16xf32>,
        %get3A_674 = arith.index_cast %add3A_596 : i32 to index
        %get3A_675 = arith.constant 176 : index
        %get3A_676 = tpu.vector_load %arg10[%get3A_674, %get3A_675] {strides = array<i32>} : memref<80x272xf32, #tpu.memory_space<vmem>>, vector<16xf32>,
        %mul3A_677 = arith.mulf %get3A_673, %get3A_676 : vector<16xf32>
        %add3A_678 = arith.addf %add3A_670, %mul3A_677 : vector<16xf32>
        %eq3A_679 = arith.constant 1 : i32
        %eq3A_680 = vector.broadcast %eq3A_679 : i32 to vector<16xi32>
        %eq3A_681 = arith.cmpi eq, %iota3A, %eq3A_680 : vector<16xi32>
        %eq3A_682 = arith.constant 5 : i32
        %eq3A_683 = vector.broadcast %eq3A_682 : i32 to vector<16xi32>
        %eq3A_684 = arith.cmpi eq, %iota3A, %eq3A_683 : vector<16xi32>
        %or3A_685 = arith.ori %eq3A_681, %eq3A_684 : vector<16xi1>
        %jit3A_686 = arith.constant 0.000000e+00 : f32
        %broadcast_in_dim3A_687 = vector.broadcast %jit3A_686 : f32 to vector<16xf32>
        %select_n3A_688 = arith.select %or3A_685, %mul3A_603, %broadcast_in_dim3A_687 : vector<16xi1>, vector<16xf32>
        %add3A_689 = arith.addf %add3A_678, %select_n3A_688 : vector<16xf32>
        %swap3A_690 = arith.constant 221 : index
        %swap3A_691 = tpu.vector_load %arg12[%swap3A_690] {strides = array<i32>} : memref<272xf32, #tpu.memory_space<vmem>>, vector<16xf32>,
        tpu.vector_store %arg12[%swap3A_690], %add3A_689 {strides = array<i32>} : memref<272xf32, #tpu.memory_space<vmem>>, vector<16xf32>,
        %get3A_692 = arith.index_cast %add3A_596 : i32 to index
        %get3A_693 = arith.constant 64 : index
        %get3A_694 = tpu.vector_load %arg9[%get3A_692, %get3A_693] {strides = array<i32>} : memref<80x272xf32, #tpu.memory_space<vmem>>, vector<16xf32>,
        %get3A_695 = arith.index_cast %add3A_596 : i32 to index
        %get3A_696 = arith.constant 64 : index
        %get3A_697 = tpu.vector_load %arg10[%get3A_695, %get3A_696] {strides = array<i32>} : memref<80x272xf32, #tpu.memory_space<vmem>>, vector<16xf32>,
        %mul3A_698 = arith.mulf %get3A_694, %get3A_697 : vector<16xf32>
        %get3A_699 = arith.index_cast %add3A_596 : i32 to index
        %get3A_700 = arith.constant 80 : index
        %get3A_701 = tpu.vector_load %arg9[%get3A_699, %get3A_700] {strides = array<i32>} : memref<80x272xf32, #tpu.memory_space<vmem>>, vector<16xf32>,
        %get3A_702 = arith.index_cast %add3A_596 : i32 to index
        %get3A_703 = arith.constant 80 : index
        %get3A_704 = tpu.vector_load %arg10[%get3A_702, %get3A_703] {strides = array<i32>} : memref<80x272xf32, #tpu.memory_space<vmem>>, vector<16xf32>,
        %mul3A_705 = arith.mulf %get3A_701, %get3A_704 : vector<16xf32>
        %add3A_706 = arith.addf %mul3A_698, %mul3A_705 : vector<16xf32>
        %get3A_707 = arith.index_cast %add3A_596 : i32 to index
        %get3A_708 = arith.constant 192 : index
        %get3A_709 = tpu.vector_load %arg9[%get3A_707, %get3A_708] {strides = array<i32>} : memref<80x272xf32, #tpu.memory_space<vmem>>, vector<16xf32>,
        %get3A_710 = arith.index_cast %add3A_596 : i32 to index
        %get3A_711 = arith.constant 192 : index
        %get3A_712 = tpu.vector_load %arg10[%get3A_710, %get3A_711] {strides = array<i32>} : memref<80x272xf32, #tpu.memory_space<vmem>>, vector<16xf32>,
        %mul3A_713 = arith.mulf %get3A_709, %get3A_712 : vector<16xf32>
        %add3A_714 = arith.addf %add3A_706, %mul3A_713 : vector<16xf32>
        %get3A_715 = arith.index_cast %add3A_596 : i32 to index
        %get3A_716 = arith.constant 208 : index
        %get3A_717 = tpu.vector_load %arg9[%get3A_715, %get3A_716] {strides = array<i32>} : memref<80x272xf32, #tpu.memory_space<vmem>>, vector<16xf32>,
        %get3A_718 = arith.index_cast %add3A_596 : i32 to index
        %get3A_719 = arith.constant 208 : index
        %get3A_720 = tpu.vector_load %arg10[%get3A_718, %get3A_719] {strides = array<i32>} : memref<80x272xf32, #tpu.memory_space<vmem>>, vector<16xf32>,
        %mul3A_721 = arith.mulf %get3A_717, %get3A_720 : vector<16xf32>
        %add3A_722 = arith.addf %add3A_714, %mul3A_721 : vector<16xf32>
        %eq3A_723 = arith.constant 2 : i32
        %eq3A_724 = vector.broadcast %eq3A_723 : i32 to vector<16xi32>
        %eq3A_725 = arith.cmpi eq, %iota3A, %eq3A_724 : vector<16xi32>
        %eq3A_726 = arith.constant 6 : i32
        %eq3A_727 = vector.broadcast %eq3A_726 : i32 to vector<16xi32>
        %eq3A_728 = arith.cmpi eq, %iota3A, %eq3A_727 : vector<16xi32>
        %or3A_729 = arith.ori %eq3A_725, %eq3A_728 : vector<16xi1>
        %jit3A_730 = arith.constant 0.000000e+00 : f32
        %broadcast_in_dim3A_731 = vector.broadcast %jit3A_730 : f32 to vector<16xf32>
        %select_n3A_732 = arith.select %or3A_729, %mul3A_603, %broadcast_in_dim3A_731 : vector<16xi1>, vector<16xf32>
        %add3A_733 = arith.addf %add3A_722, %select_n3A_732 : vector<16xf32>
        %swap3A_734 = arith.constant 238 : index
        %swap3A_735 = tpu.vector_load %arg12[%swap3A_734] {strides = array<i32>} : memref<272xf32, #tpu.memory_space<vmem>>, vector<16xf32>,
        tpu.vector_store %arg12[%swap3A_734], %add3A_733 {strides = array<i32>} : memref<272xf32, #tpu.memory_space<vmem>>, vector<16xf32>,
        %get3A_736 = arith.index_cast %add3A_596 : i32 to index
        %get3A_737 = arith.constant 96 : index
        %get3A_738 = tpu.vector_load %arg9[%get3A_736, %get3A_737] {strides = array<i32>} : memref<80x272xf32, #tpu.memory_space<vmem>>, vector<16xf32>,
        %get3A_739 = arith.index_cast %add3A_596 : i32 to index
        %get3A_740 = arith.constant 96 : index
        %get3A_741 = tpu.vector_load %arg10[%get3A_739, %get3A_740] {strides = array<i32>} : memref<80x272xf32, #tpu.memory_space<vmem>>, vector<16xf32>,
        %mul3A_742 = arith.mulf %get3A_738, %get3A_741 : vector<16xf32>
        %get3A_743 = arith.index_cast %add3A_596 : i32 to index
        %get3A_744 = arith.constant 112 : index
        %get3A_745 = tpu.vector_load %arg9[%get3A_743, %get3A_744] {strides = array<i32>} : memref<80x272xf32, #tpu.memory_space<vmem>>, vector<16xf32>,
        %get3A_746 = arith.index_cast %add3A_596 : i32 to index
        %get3A_747 = arith.constant 112 : index
        %get3A_748 = tpu.vector_load %arg10[%get3A_746, %get3A_747] {strides = array<i32>} : memref<80x272xf32, #tpu.memory_space<vmem>>, vector<16xf32>,
        %mul3A_749 = arith.mulf %get3A_745, %get3A_748 : vector<16xf32>
        %add3A_750 = arith.addf %mul3A_742, %mul3A_749 : vector<16xf32>
        %get3A_751 = arith.index_cast %add3A_596 : i32 to index
        %get3A_752 = arith.constant 224 : index
        %get3A_753 = tpu.vector_load %arg9[%get3A_751, %get3A_752] {strides = array<i32>} : memref<80x272xf32, #tpu.memory_space<vmem>>, vector<16xf32>,
        %get3A_754 = arith.index_cast %add3A_596 : i32 to index
        %get3A_755 = arith.constant 224 : index
        %get3A_756 = tpu.vector_load %arg10[%get3A_754, %get3A_755] {strides = array<i32>} : memref<80x272xf32, #tpu.memory_space<vmem>>, vector<16xf32>,
        %mul3A_757 = arith.mulf %get3A_753, %get3A_756 : vector<16xf32>
        %add3A_758 = arith.addf %add3A_750, %mul3A_757 : vector<16xf32>
        %get3A_759 = arith.index_cast %add3A_596 : i32 to index
        %get3A_760 = arith.constant 240 : index
        %get3A_761 = tpu.vector_load %arg9[%get3A_759, %get3A_760] {strides = array<i32>} : memref<80x272xf32, #tpu.memory_space<vmem>>, vector<16xf32>,
        %get3A_762 = arith.index_cast %add3A_596 : i32 to index
        %get3A_763 = arith.constant 240 : index
        %get3A_764 = tpu.vector_load %arg10[%get3A_762, %get3A_763] {strides = array<i32>} : memref<80x272xf32, #tpu.memory_space<vmem>>, vector<16xf32>,
        %mul3A_765 = arith.mulf %get3A_761, %get3A_764 : vector<16xf32>
        %add3A_766 = arith.addf %add3A_758, %mul3A_765 : vector<16xf32>
        %eq3A_767 = arith.constant 3 : i32
        %eq3A_768 = vector.broadcast %eq3A_767 : i32 to vector<16xi32>
        %eq3A_769 = arith.cmpi eq, %iota3A, %eq3A_768 : vector<16xi32>
        %eq3A_770 = arith.constant 7 : i32
        %eq3A_771 = vector.broadcast %eq3A_770 : i32 to vector<16xi32>
        %eq3A_772 = arith.cmpi eq, %iota3A, %eq3A_771 : vector<16xi32>
        %or3A_773 = arith.ori %eq3A_769, %eq3A_772 : vector<16xi1>
        %jit3A_774 = arith.constant 0.000000e+00 : f32
        %broadcast_in_dim3A_775 = vector.broadcast %jit3A_774 : f32 to vector<16xf32>
        %select_n3A_776 = arith.select %or3A_773, %mul3A_603, %broadcast_in_dim3A_775 : vector<16xi1>, vector<16xf32>
        %add3A_777 = arith.addf %add3A_766, %select_n3A_776 : vector<16xf32>
        %swap3A_778 = arith.constant 255 : index
        %swap3A_779 = tpu.vector_load %arg12[%swap3A_778] {strides = array<i32>} : memref<272xf32, #tpu.memory_space<vmem>>, vector<16xf32>,
        tpu.vector_store %arg12[%swap3A_778], %add3A_777 {strides = array<i32>} : memref<272xf32, #tpu.memory_space<vmem>>, vector<16xf32>,
        %add3A_780 = arith.constant 0 : i32
        %add3A_781 = vector.broadcast %add3A_780 : i32 to vector<16xi32>
        %add3A_782 = arith.addi %mul3A_26, %add3A_781 : vector<16xi32>
        %gather3A = tpu.vector_load_idx %arg12[%add3A_782] : memref<272xf32, #tpu.memory_space<vmem>>[vector<16xi32>], vector<16xf32>,
        %add3A_783 = arith.constant 1 : i32
        %add3A_784 = vector.broadcast %add3A_783 : i32 to vector<16xi32>
        %add3A_785 = arith.addi %mul3A_26, %add3A_784 : vector<16xi32>
        %gather3A_786 = tpu.vector_load_idx %arg12[%add3A_785] : memref<272xf32, #tpu.memory_space<vmem>>[vector<16xi32>], vector<16xf32>,
        %add3A_787 = arith.addf %gather3A, %gather3A_786 : vector<16xf32>
        %add3A_788 = arith.constant 2 : i32
        %add3A_789 = vector.broadcast %add3A_788 : i32 to vector<16xi32>
        %add3A_790 = arith.addi %mul3A_26, %add3A_789 : vector<16xi32>
        %gather3A_791 = tpu.vector_load_idx %arg12[%add3A_790] : memref<272xf32, #tpu.memory_space<vmem>>[vector<16xi32>], vector<16xf32>,
        %add3A_792 = arith.addf %add3A_787, %gather3A_791 : vector<16xf32>
        %add3A_793 = arith.constant 3 : i32
        %add3A_794 = vector.broadcast %add3A_793 : i32 to vector<16xi32>
        %add3A_795 = arith.addi %mul3A_26, %add3A_794 : vector<16xi32>
        %gather3A_796 = tpu.vector_load_idx %arg12[%add3A_795] : memref<272xf32, #tpu.memory_space<vmem>>[vector<16xi32>], vector<16xf32>,
        %add3A_797 = arith.addf %add3A_792, %gather3A_796 : vector<16xf32>
        %add3A_798 = arith.constant 4 : i32
        %add3A_799 = vector.broadcast %add3A_798 : i32 to vector<16xi32>
        %add3A_800 = arith.addi %mul3A_26, %add3A_799 : vector<16xi32>
        %gather3A_801 = tpu.vector_load_idx %arg12[%add3A_800] : memref<272xf32, #tpu.memory_space<vmem>>[vector<16xi32>], vector<16xf32>,
        %add3A_802 = arith.addf %add3A_797, %gather3A_801 : vector<16xf32>
        %add3A_803 = arith.constant 5 : i32
        %add3A_804 = vector.broadcast %add3A_803 : i32 to vector<16xi32>
        %add3A_805 = arith.addi %mul3A_26, %add3A_804 : vector<16xi32>
        %gather3A_806 = tpu.vector_load_idx %arg12[%add3A_805] : memref<272xf32, #tpu.memory_space<vmem>>[vector<16xi32>], vector<16xf32>,
        %add3A_807 = arith.addf %add3A_802, %gather3A_806 : vector<16xf32>
        %add3A_808 = arith.constant 6 : i32
        %add3A_809 = vector.broadcast %add3A_808 : i32 to vector<16xi32>
        %add3A_810 = arith.addi %mul3A_26, %add3A_809 : vector<16xi32>
        %gather3A_811 = tpu.vector_load_idx %arg12[%add3A_810] : memref<272xf32, #tpu.memory_space<vmem>>[vector<16xi32>], vector<16xf32>,
        %add3A_812 = arith.addf %add3A_807, %gather3A_811 : vector<16xf32>
        %add3A_813 = arith.constant 7 : i32
        %add3A_814 = vector.broadcast %add3A_813 : i32 to vector<16xi32>
        %add3A_815 = arith.addi %mul3A_26, %add3A_814 : vector<16xi32>
        %gather3A_816 = tpu.vector_load_idx %arg12[%add3A_815] : memref<272xf32, #tpu.memory_space<vmem>>[vector<16xi32>], vector<16xf32>,
        %add3A_817 = arith.addf %add3A_812, %gather3A_816 : vector<16xf32>
        %add3A_818 = arith.constant 8 : i32
        %add3A_819 = vector.broadcast %add3A_818 : i32 to vector<16xi32>
        %add3A_820 = arith.addi %mul3A_26, %add3A_819 : vector<16xi32>
        %gather3A_821 = tpu.vector_load_idx %arg12[%add3A_820] : memref<272xf32, #tpu.memory_space<vmem>>[vector<16xi32>], vector<16xf32>,
        %add3A_822 = arith.addf %add3A_817, %gather3A_821 : vector<16xf32>
        %add3A_823 = arith.constant 9 : i32
        %add3A_824 = vector.broadcast %add3A_823 : i32 to vector<16xi32>
        %add3A_825 = arith.addi %mul3A_26, %add3A_824 : vector<16xi32>
        %gather3A_826 = tpu.vector_load_idx %arg12[%add3A_825] : memref<272xf32, #tpu.memory_space<vmem>>[vector<16xi32>], vector<16xf32>,
        %add3A_827 = arith.addf %add3A_822, %gather3A_826 : vector<16xf32>
        %add3A_828 = arith.constant 10 : i32
        %add3A_829 = vector.broadcast %add3A_828 : i32 to vector<16xi32>
        %add3A_830 = arith.addi %mul3A_26, %add3A_829 : vector<16xi32>
        %gather3A_831 = tpu.vector_load_idx %arg12[%add3A_830] : memref<272xf32, #tpu.memory_space<vmem>>[vector<16xi32>], vector<16xf32>,
        %add3A_832 = arith.addf %add3A_827, %gather3A_831 : vector<16xf32>
        %add3A_833 = arith.constant 11 : i32
        %add3A_834 = vector.broadcast %add3A_833 : i32 to vector<16xi32>
        %add3A_835 = arith.addi %mul3A_26, %add3A_834 : vector<16xi32>
        %gather3A_836 = tpu.vector_load_idx %arg12[%add3A_835] : memref<272xf32, #tpu.memory_space<vmem>>[vector<16xi32>], vector<16xf32>,
        %add3A_837 = arith.addf %add3A_832, %gather3A_836 : vector<16xf32>
        %add3A_838 = arith.constant 12 : i32
        %add3A_839 = vector.broadcast %add3A_838 : i32 to vector<16xi32>
        %add3A_840 = arith.addi %mul3A_26, %add3A_839 : vector<16xi32>
        %gather3A_841 = tpu.vector_load_idx %arg12[%add3A_840] : memref<272xf32, #tpu.memory_space<vmem>>[vector<16xi32>], vector<16xf32>,
        %add3A_842 = arith.addf %add3A_837, %gather3A_841 : vector<16xf32>
        %add3A_843 = arith.constant 13 : i32
        %add3A_844 = vector.broadcast %add3A_843 : i32 to vector<16xi32>
        %add3A_845 = arith.addi %mul3A_26, %add3A_844 : vector<16xi32>
        %gather3A_846 = tpu.vector_load_idx %arg12[%add3A_845] : memref<272xf32, #tpu.memory_space<vmem>>[vector<16xi32>], vector<16xf32>,
        %add3A_847 = arith.addf %add3A_842, %gather3A_846 : vector<16xf32>
        %add3A_848 = arith.constant 14 : i32
        %add3A_849 = vector.broadcast %add3A_848 : i32 to vector<16xi32>
        %add3A_850 = arith.addi %mul3A_26, %add3A_849 : vector<16xi32>
        %gather3A_851 = tpu.vector_load_idx %arg12[%add3A_850] : memref<272xf32, #tpu.memory_space<vmem>>[vector<16xi32>], vector<16xf32>,
        %add3A_852 = arith.addf %add3A_847, %gather3A_851 : vector<16xf32>
        %add3A_853 = arith.constant 15 : i32
        %add3A_854 = vector.broadcast %add3A_853 : i32 to vector<16xi32>
        %add3A_855 = arith.addi %mul3A_26, %add3A_854 : vector<16xi32>
        %gather3A_856 = tpu.vector_load_idx %arg12[%add3A_855] : memref<272xf32, #tpu.memory_space<vmem>>[vector<16xi32>], vector<16xf32>,
        %add3A_857 = arith.addf %add3A_852, %gather3A_856 : vector<16xf32>
        %neg3A = arith.constant 0.000000e+00 : f32
        %neg3A_858 = vector.broadcast %neg3A : f32 to vector<16xf32>
        %neg3A_859 = arith.subf %neg3A_858, %add3A_857 : vector<16xf32>
        %mul3A_860 = arith.constant 0.176776692 : f32
        %mul3A_861 = vector.broadcast %mul3A_860 : f32 to vector<16xf32>
        %mul3A_862 = arith.mulf %neg3A_859, %mul3A_861 : vector<16xf32>
        %mul3A_863 = arith.constant 16 : i32
        %mul3A_864 = arith.muli %scan3A_37, %mul3A_863 : i32
        %swap3A_865 = arith.index_cast %mul3A_864 : i32 to index
        %swap3A_866 = tpu.vector_load %arg11[%swap3A_865] {strides = array<i32>} : memref<320xf32, #tpu.memory_space<vmem>>, vector<16xf32>,
        tpu.vector_store %arg11[%swap3A_865], %mul3A_862 {strides = array<i32>} : memref<320xf32, #tpu.memory_space<vmem>>, vector<16xf32>,
        %scan3A_867 = arith.constant 0 : i32
        scf.yield %scan3A_867 : i32
      }
      %scan3A_33 = arith.constant 20 : i32
      %mul3A_34 = arith.constant 4 : i32
      %mul3A_35 = arith.muli %add3A_13, %mul3A_34 : i32
      "tpu.region"() ({
        %run_scoped3A = tpu.sem_alloc : memref<!tpu.dma_semaphore, #tpu.memory_space<semaphore_mem>>
        %dma_start3A_37 = tpu.memref_slice %arg6[%mul3A_35] : memref<1280000xf32, #tpu.memory_space<hbm>> -> memref<320xf32, #tpu.memory_space<hbm>>
        %dma_start3A_38 = tpu.memref_slice %arg6[%mul3A_35] : memref<1280000xf32, #tpu.memory_space<hbm>> -> memref<320xf32, #tpu.memory_space<hbm>>
        tpu.enqueue_dma source(%arg11 : memref<320xf32, #tpu.memory_space<vmem>>) target(%dma_start3A_38 : memref<320xf32, #tpu.memory_space<hbm>>) target_semaphore(%run_scoped3A : memref<!tpu.dma_semaphore, #tpu.memory_space<semaphore_mem>>)
        %dma_wait3A_39 = tpu.memref_slice %arg6[%mul3A_35] : memref<1280000xf32, #tpu.memory_space<hbm>> -> memref<320xf32, #tpu.memory_space<hbm>>
        %dma_wait3A_40 = tpu.memref_slice %arg6[%mul3A_35] : memref<1280000xf32, #tpu.memory_space<hbm>> -> memref<320xf32, #tpu.memory_space<hbm>>
        tpu.wait_dma2 semaphore(%run_scoped3A : memref<!tpu.dma_semaphore, #tpu.memory_space<semaphore_mem>>) src(%arg11 : memref<320xf32, #tpu.memory_space<vmem>>) dst(%dma_wait3A_40 : memref<320xf32, #tpu.memory_space<hbm>>)
        tpu.yield
      }) : () -> ()
      %scan3A_36 = arith.constant 0 : i32
      scf.yield %scan3A_36 : i32
    }
    %scan3A_8 = arith.constant 125 : i32
    return
  }
}

#map = affine_map<(d0, d1) -> (0, 0)>
#map1 = affine_map<(d0, d1) -> (0)>
module attributes {stable_mosaic.version = 14 : i64} {
  func.func @_s2_body(%arg0: i32, %arg1: i32, %arg2: memref<10000x128xf32, #tpu.memory_space<hbm>>, %arg3: memref<10000x128xf32, #tpu.memory_space<hbm>>, %arg4: memref<1280000xf32, #tpu.memory_space<hbm>>, %arg5: memref<320000xi32, #tpu.memory_space<hbm>>, %arg6: memref<320000xi32, #tpu.memory_space<hbm>>, %arg7: memref<10000x128xf32, #tpu.memory_space<hbm>>, %arg8: memref<10000x128xf32, #tpu.memory_space<hbm>>, %arg9: memref<80xi32, #tpu.memory_space<vmem>>, %arg10: memref<80xi32, #tpu.memory_space<vmem>>, %arg11: memref<320xf32, #tpu.memory_space<vmem>>, %arg12: memref<80x128xf32, #tpu.memory_space<vmem>>, %arg13: memref<10000x128xf32, #tpu.memory_space<vmem_shared>>, %arg14: memref<!tpu.dma_semaphore, #tpu.memory_space<semaphore_mem>>) attributes {dimension_semantics = [#tpu.dimension_semantics<core_parallel>, #tpu.dimension_semantics<subcore_parallel>], iteration_bounds = array<i64: 2, 16>, scalar_prefetch = 0 : i64, scratch_operands = 6 : i64, tpu.core_type = #tpu.core_type<sc_vector_subcore>, window_params = [{transform_indices = #map}, {transform_indices = #map}, {transform_indices = #map1}, {transform_indices = #map1}, {transform_indices = #map1}, {transform_indices = #map}, {transform_indices = #map}]} {
    %iota3A = tpu.iota {dimensions = array<i32: 0>} : vector<16xi32>
    %broadcast_in_dim3A = arith.constant 0.000000e+00 : f32
    %broadcast_in_dim3A_0 = vector.broadcast %broadcast_in_dim3A : f32 to vector<16xf32>
    %scan3A = arith.constant 0 : i32
    %scan3A_1 = arith.constant 0 : i32
    %scan3A_2 = arith.constant 80 : i32
    %scan3A_3 = arith.addi %scan3A_1, %scan3A_2 : i32
    %scan3A_4 = arith.constant 1 : i32
    %scan3A_5 = scf.for %scan3A_44 = %scan3A_1 to %scan3A_3 step %scan3A_4 iter_args(%scan3A_45 = %scan3A) -> (i32)  : i32 {
      %swap3A = arith.index_cast %scan3A_44 : i32 to index
      %swap3A_46 = arith.constant 0 : index
      %swap3A_47 = tpu.vector_load %arg12[%swap3A, %swap3A_46] {strides = array<i32>} : memref<80x128xf32, #tpu.memory_space<vmem>>, vector<16xf32>,
      tpu.vector_store %arg12[%swap3A, %swap3A_46], %broadcast_in_dim3A_0 {strides = array<i32>} : memref<80x128xf32, #tpu.memory_space<vmem>>, vector<16xf32>,
      %swap3A_48 = arith.index_cast %scan3A_44 : i32 to index
      %swap3A_49 = arith.constant 16 : index
      %swap3A_50 = tpu.vector_load %arg12[%swap3A_48, %swap3A_49] {strides = array<i32>} : memref<80x128xf32, #tpu.memory_space<vmem>>, vector<16xf32>,
      tpu.vector_store %arg12[%swap3A_48, %swap3A_49], %broadcast_in_dim3A_0 {strides = array<i32>} : memref<80x128xf32, #tpu.memory_space<vmem>>, vector<16xf32>,
      %swap3A_51 = arith.index_cast %scan3A_44 : i32 to index
      %swap3A_52 = arith.constant 32 : index
      %swap3A_53 = tpu.vector_load %arg12[%swap3A_51, %swap3A_52] {strides = array<i32>} : memref<80x128xf32, #tpu.memory_space<vmem>>, vector<16xf32>,
      tpu.vector_store %arg12[%swap3A_51, %swap3A_52], %broadcast_in_dim3A_0 {strides = array<i32>} : memref<80x128xf32, #tpu.memory_space<vmem>>, vector<16xf32>,
      %swap3A_54 = arith.index_cast %scan3A_44 : i32 to index
      %swap3A_55 = arith.constant 48 : index
      %swap3A_56 = tpu.vector_load %arg12[%swap3A_54, %swap3A_55] {strides = array<i32>} : memref<80x128xf32, #tpu.memory_space<vmem>>, vector<16xf32>,
      tpu.vector_store %arg12[%swap3A_54, %swap3A_55], %broadcast_in_dim3A_0 {strides = array<i32>} : memref<80x128xf32, #tpu.memory_space<vmem>>, vector<16xf32>,
      %swap3A_57 = arith.index_cast %scan3A_44 : i32 to index
      %swap3A_58 = arith.constant 64 : index
      %swap3A_59 = tpu.vector_load %arg12[%swap3A_57, %swap3A_58] {strides = array<i32>} : memref<80x128xf32, #tpu.memory_space<vmem>>, vector<16xf32>,
      tpu.vector_store %arg12[%swap3A_57, %swap3A_58], %broadcast_in_dim3A_0 {strides = array<i32>} : memref<80x128xf32, #tpu.memory_space<vmem>>, vector<16xf32>,
      %swap3A_60 = arith.index_cast %scan3A_44 : i32 to index
      %swap3A_61 = arith.constant 80 : index
      %swap3A_62 = tpu.vector_load %arg12[%swap3A_60, %swap3A_61] {strides = array<i32>} : memref<80x128xf32, #tpu.memory_space<vmem>>, vector<16xf32>,
      tpu.vector_store %arg12[%swap3A_60, %swap3A_61], %broadcast_in_dim3A_0 {strides = array<i32>} : memref<80x128xf32, #tpu.memory_space<vmem>>, vector<16xf32>,
      %swap3A_63 = arith.index_cast %scan3A_44 : i32 to index
      %swap3A_64 = arith.constant 96 : index
      %swap3A_65 = tpu.vector_load %arg12[%swap3A_63, %swap3A_64] {strides = array<i32>} : memref<80x128xf32, #tpu.memory_space<vmem>>, vector<16xf32>,
      tpu.vector_store %arg12[%swap3A_63, %swap3A_64], %broadcast_in_dim3A_0 {strides = array<i32>} : memref<80x128xf32, #tpu.memory_space<vmem>>, vector<16xf32>,
      %swap3A_66 = arith.index_cast %scan3A_44 : i32 to index
      %swap3A_67 = arith.constant 112 : index
      %swap3A_68 = tpu.vector_load %arg12[%swap3A_66, %swap3A_67] {strides = array<i32>} : memref<80x128xf32, #tpu.memory_space<vmem>>, vector<16xf32>,
      tpu.vector_store %arg12[%swap3A_66, %swap3A_67], %broadcast_in_dim3A_0 {strides = array<i32>} : memref<80x128xf32, #tpu.memory_space<vmem>>, vector<16xf32>,
      %scan3A_69 = arith.constant 0 : i32
      scf.yield %scan3A_69 : i32
    }
    %scan3A_6 = arith.constant 80 : i32
    %mul3A = arith.constant 625 : i32
    %mul3A_7 = arith.muli %arg1, %mul3A : i32
    %add3A = arith.constant 0 : i32
    %add3A_8 = arith.addi %mul3A_7, %add3A : i32
    "tpu.region"() ({
      %run_scoped3A = tpu.sem_alloc : memref<!tpu.dma_semaphore, #tpu.memory_space<semaphore_mem>>
      %dma_start3A = arith.constant 0 : i32
      %dma_start3A_44 = tpu.memref_slice %arg13[%add3A_8, %dma_start3A] : memref<10000x128xf32, #tpu.memory_space<vmem_shared>> -> memref<80x128xf32, #tpu.memory_space<vmem_shared>>
      %dma_start3A_45 = arith.constant 0 : i32
      %dma_start3A_46 = tpu.memref_slice %arg13[%add3A_8, %dma_start3A_45] : memref<10000x128xf32, #tpu.memory_space<vmem_shared>> -> memref<80x128xf32, #tpu.memory_space<vmem_shared>>
      tpu.enqueue_dma source(%arg12 : memref<80x128xf32, #tpu.memory_space<vmem>>) target(%dma_start3A_46 : memref<80x128xf32, #tpu.memory_space<vmem_shared>>) target_semaphore(%run_scoped3A : memref<!tpu.dma_semaphore, #tpu.memory_space<semaphore_mem>>)
      %dma_wait3A = arith.constant 0 : i32
      %dma_wait3A_47 = tpu.memref_slice %arg13[%add3A_8, %dma_wait3A] : memref<10000x128xf32, #tpu.memory_space<vmem_shared>> -> memref<80x128xf32, #tpu.memory_space<vmem_shared>>
      %dma_wait3A_48 = arith.constant 0 : i32
      %dma_wait3A_49 = tpu.memref_slice %arg13[%add3A_8, %dma_wait3A_48] : memref<10000x128xf32, #tpu.memory_space<vmem_shared>> -> memref<80x128xf32, #tpu.memory_space<vmem_shared>>
      tpu.wait_dma2 semaphore(%run_scoped3A : memref<!tpu.dma_semaphore, #tpu.memory_space<semaphore_mem>>) src(%arg12 : memref<80x128xf32, #tpu.memory_space<vmem>>) dst(%dma_wait3A_49 : memref<80x128xf32, #tpu.memory_space<vmem_shared>>)
      tpu.yield
    }) : () -> ()
    %mul3A_9 = arith.constant 625 : i32
    %mul3A_10 = arith.muli %arg1, %mul3A_9 : i32
    %add3A_11 = arith.constant 80 : i32
    %add3A_12 = arith.addi %mul3A_10, %add3A_11 : i32
    "tpu.region"() ({
      %run_scoped3A = tpu.sem_alloc : memref<!tpu.dma_semaphore, #tpu.memory_space<semaphore_mem>>
      %dma_start3A = arith.constant 0 : i32
      %dma_start3A_44 = tpu.memref_slice %arg13[%add3A_12, %dma_start3A] : memref<10000x128xf32, #tpu.memory_space<vmem_shared>> -> memref<80x128xf32, #tpu.memory_space<vmem_shared>>
      %dma_start3A_45 = arith.constant 0 : i32
      %dma_start3A_46 = tpu.memref_slice %arg13[%add3A_12, %dma_start3A_45] : memref<10000x128xf32, #tpu.memory_space<vmem_shared>> -> memref<80x128xf32, #tpu.memory_space<vmem_shared>>
      tpu.enqueue_dma source(%arg12 : memref<80x128xf32, #tpu.memory_space<vmem>>) target(%dma_start3A_46 : memref<80x128xf32, #tpu.memory_space<vmem_shared>>) target_semaphore(%run_scoped3A : memref<!tpu.dma_semaphore, #tpu.memory_space<semaphore_mem>>)
      %dma_wait3A = arith.constant 0 : i32
      %dma_wait3A_47 = tpu.memref_slice %arg13[%add3A_12, %dma_wait3A] : memref<10000x128xf32, #tpu.memory_space<vmem_shared>> -> memref<80x128xf32, #tpu.memory_space<vmem_shared>>
      %dma_wait3A_48 = arith.constant 0 : i32
      %dma_wait3A_49 = tpu.memref_slice %arg13[%add3A_12, %dma_wait3A_48] : memref<10000x128xf32, #tpu.memory_space<vmem_shared>> -> memref<80x128xf32, #tpu.memory_space<vmem_shared>>
      tpu.wait_dma2 semaphore(%run_scoped3A : memref<!tpu.dma_semaphore, #tpu.memory_space<semaphore_mem>>) src(%arg12 : memref<80x128xf32, #tpu.memory_space<vmem>>) dst(%dma_wait3A_49 : memref<80x128xf32, #tpu.memory_space<vmem_shared>>)
      tpu.yield
    }) : () -> ()
    %mul3A_13 = arith.constant 625 : i32
    %mul3A_14 = arith.muli %arg1, %mul3A_13 : i32
    %add3A_15 = arith.constant 160 : i32
    %add3A_16 = arith.addi %mul3A_14, %add3A_15 : i32
    "tpu.region"() ({
      %run_scoped3A = tpu.sem_alloc : memref<!tpu.dma_semaphore, #tpu.memory_space<semaphore_mem>>
      %dma_start3A = arith.constant 0 : i32
      %dma_start3A_44 = tpu.memref_slice %arg13[%add3A_16, %dma_start3A] : memref<10000x128xf32, #tpu.memory_space<vmem_shared>> -> memref<80x128xf32, #tpu.memory_space<vmem_shared>>
      %dma_start3A_45 = arith.constant 0 : i32
      %dma_start3A_46 = tpu.memref_slice %arg13[%add3A_16, %dma_start3A_45] : memref<10000x128xf32, #tpu.memory_space<vmem_shared>> -> memref<80x128xf32, #tpu.memory_space<vmem_shared>>
      tpu.enqueue_dma source(%arg12 : memref<80x128xf32, #tpu.memory_space<vmem>>) target(%dma_start3A_46 : memref<80x128xf32, #tpu.memory_space<vmem_shared>>) target_semaphore(%run_scoped3A : memref<!tpu.dma_semaphore, #tpu.memory_space<semaphore_mem>>)
      %dma_wait3A = arith.constant 0 : i32
      %dma_wait3A_47 = tpu.memref_slice %arg13[%add3A_16, %dma_wait3A] : memref<10000x128xf32, #tpu.memory_space<vmem_shared>> -> memref<80x128xf32, #tpu.memory_space<vmem_shared>>
      %dma_wait3A_48 = arith.constant 0 : i32
      %dma_wait3A_49 = tpu.memref_slice %arg13[%add3A_16, %dma_wait3A_48] : memref<10000x128xf32, #tpu.memory_space<vmem_shared>> -> memref<80x128xf32, #tpu.memory_space<vmem_shared>>
      tpu.wait_dma2 semaphore(%run_scoped3A : memref<!tpu.dma_semaphore, #tpu.memory_space<semaphore_mem>>) src(%arg12 : memref<80x128xf32, #tpu.memory_space<vmem>>) dst(%dma_wait3A_49 : memref<80x128xf32, #tpu.memory_space<vmem_shared>>)
      tpu.yield
    }) : () -> ()
    %mul3A_17 = arith.constant 625 : i32
    %mul3A_18 = arith.muli %arg1, %mul3A_17 : i32
    %add3A_19 = arith.constant 240 : i32
    %add3A_20 = arith.addi %mul3A_18, %add3A_19 : i32
    "tpu.region"() ({
      %run_scoped3A = tpu.sem_alloc : memref<!tpu.dma_semaphore, #tpu.memory_space<semaphore_mem>>
      %dma_start3A = arith.constant 0 : i32
      %dma_start3A_44 = tpu.memref_slice %arg13[%add3A_20, %dma_start3A] : memref<10000x128xf32, #tpu.memory_space<vmem_shared>> -> memref<80x128xf32, #tpu.memory_space<vmem_shared>>
      %dma_start3A_45 = arith.constant 0 : i32
      %dma_start3A_46 = tpu.memref_slice %arg13[%add3A_20, %dma_start3A_45] : memref<10000x128xf32, #tpu.memory_space<vmem_shared>> -> memref<80x128xf32, #tpu.memory_space<vmem_shared>>
      tpu.enqueue_dma source(%arg12 : memref<80x128xf32, #tpu.memory_space<vmem>>) target(%dma_start3A_46 : memref<80x128xf32, #tpu.memory_space<vmem_shared>>) target_semaphore(%run_scoped3A : memref<!tpu.dma_semaphore, #tpu.memory_space<semaphore_mem>>)
      %dma_wait3A = arith.constant 0 : i32
      %dma_wait3A_47 = tpu.memref_slice %arg13[%add3A_20, %dma_wait3A] : memref<10000x128xf32, #tpu.memory_space<vmem_shared>> -> memref<80x128xf32, #tpu.memory_space<vmem_shared>>
      %dma_wait3A_48 = arith.constant 0 : i32
      %dma_wait3A_49 = tpu.memref_slice %arg13[%add3A_20, %dma_wait3A_48] : memref<10000x128xf32, #tpu.memory_space<vmem_shared>> -> memref<80x128xf32, #tpu.memory_space<vmem_shared>>
      tpu.wait_dma2 semaphore(%run_scoped3A : memref<!tpu.dma_semaphore, #tpu.memory_space<semaphore_mem>>) src(%arg12 : memref<80x128xf32, #tpu.memory_space<vmem>>) dst(%dma_wait3A_49 : memref<80x128xf32, #tpu.memory_space<vmem_shared>>)
      tpu.yield
    }) : () -> ()
    %mul3A_21 = arith.constant 625 : i32
    %mul3A_22 = arith.muli %arg1, %mul3A_21 : i32
    %add3A_23 = arith.constant 320 : i32
    %add3A_24 = arith.addi %mul3A_22, %add3A_23 : i32
    "tpu.region"() ({
      %run_scoped3A = tpu.sem_alloc : memref<!tpu.dma_semaphore, #tpu.memory_space<semaphore_mem>>
      %dma_start3A = arith.constant 0 : i32
      %dma_start3A_44 = tpu.memref_slice %arg13[%add3A_24, %dma_start3A] : memref<10000x128xf32, #tpu.memory_space<vmem_shared>> -> memref<80x128xf32, #tpu.memory_space<vmem_shared>>
      %dma_start3A_45 = arith.constant 0 : i32
      %dma_start3A_46 = tpu.memref_slice %arg13[%add3A_24, %dma_start3A_45] : memref<10000x128xf32, #tpu.memory_space<vmem_shared>> -> memref<80x128xf32, #tpu.memory_space<vmem_shared>>
      tpu.enqueue_dma source(%arg12 : memref<80x128xf32, #tpu.memory_space<vmem>>) target(%dma_start3A_46 : memref<80x128xf32, #tpu.memory_space<vmem_shared>>) target_semaphore(%run_scoped3A : memref<!tpu.dma_semaphore, #tpu.memory_space<semaphore_mem>>)
      %dma_wait3A = arith.constant 0 : i32
      %dma_wait3A_47 = tpu.memref_slice %arg13[%add3A_24, %dma_wait3A] : memref<10000x128xf32, #tpu.memory_space<vmem_shared>> -> memref<80x128xf32, #tpu.memory_space<vmem_shared>>
      %dma_wait3A_48 = arith.constant 0 : i32
      %dma_wait3A_49 = tpu.memref_slice %arg13[%add3A_24, %dma_wait3A_48] : memref<10000x128xf32, #tpu.memory_space<vmem_shared>> -> memref<80x128xf32, #tpu.memory_space<vmem_shared>>
      tpu.wait_dma2 semaphore(%run_scoped3A : memref<!tpu.dma_semaphore, #tpu.memory_space<semaphore_mem>>) src(%arg12 : memref<80x128xf32, #tpu.memory_space<vmem>>) dst(%dma_wait3A_49 : memref<80x128xf32, #tpu.memory_space<vmem_shared>>)
      tpu.yield
    }) : () -> ()
    %mul3A_25 = arith.constant 625 : i32
    %mul3A_26 = arith.muli %arg1, %mul3A_25 : i32
    %add3A_27 = arith.constant 400 : i32
    %add3A_28 = arith.addi %mul3A_26, %add3A_27 : i32
    "tpu.region"() ({
      %run_scoped3A = tpu.sem_alloc : memref<!tpu.dma_semaphore, #tpu.memory_space<semaphore_mem>>
      %dma_start3A = arith.constant 0 : i32
      %dma_start3A_44 = tpu.memref_slice %arg13[%add3A_28, %dma_start3A] : memref<10000x128xf32, #tpu.memory_space<vmem_shared>> -> memref<80x128xf32, #tpu.memory_space<vmem_shared>>
      %dma_start3A_45 = arith.constant 0 : i32
      %dma_start3A_46 = tpu.memref_slice %arg13[%add3A_28, %dma_start3A_45] : memref<10000x128xf32, #tpu.memory_space<vmem_shared>> -> memref<80x128xf32, #tpu.memory_space<vmem_shared>>
      tpu.enqueue_dma source(%arg12 : memref<80x128xf32, #tpu.memory_space<vmem>>) target(%dma_start3A_46 : memref<80x128xf32, #tpu.memory_space<vmem_shared>>) target_semaphore(%run_scoped3A : memref<!tpu.dma_semaphore, #tpu.memory_space<semaphore_mem>>)
      %dma_wait3A = arith.constant 0 : i32
      %dma_wait3A_47 = tpu.memref_slice %arg13[%add3A_28, %dma_wait3A] : memref<10000x128xf32, #tpu.memory_space<vmem_shared>> -> memref<80x128xf32, #tpu.memory_space<vmem_shared>>
      %dma_wait3A_48 = arith.constant 0 : i32
      %dma_wait3A_49 = tpu.memref_slice %arg13[%add3A_28, %dma_wait3A_48] : memref<10000x128xf32, #tpu.memory_space<vmem_shared>> -> memref<80x128xf32, #tpu.memory_space<vmem_shared>>
      tpu.wait_dma2 semaphore(%run_scoped3A : memref<!tpu.dma_semaphore, #tpu.memory_space<semaphore_mem>>) src(%arg12 : memref<80x128xf32, #tpu.memory_space<vmem>>) dst(%dma_wait3A_49 : memref<80x128xf32, #tpu.memory_space<vmem_shared>>)
      tpu.yield
    }) : () -> ()
    %mul3A_29 = arith.constant 625 : i32
    %mul3A_30 = arith.muli %arg1, %mul3A_29 : i32
    %add3A_31 = arith.constant 480 : i32
    %add3A_32 = arith.addi %mul3A_30, %add3A_31 : i32
    "tpu.region"() ({
      %run_scoped3A = tpu.sem_alloc : memref<!tpu.dma_semaphore, #tpu.memory_space<semaphore_mem>>
      %dma_start3A = arith.constant 0 : i32
      %dma_start3A_44 = tpu.memref_slice %arg13[%add3A_32, %dma_start3A] : memref<10000x128xf32, #tpu.memory_space<vmem_shared>> -> memref<80x128xf32, #tpu.memory_space<vmem_shared>>
      %dma_start3A_45 = arith.constant 0 : i32
      %dma_start3A_46 = tpu.memref_slice %arg13[%add3A_32, %dma_start3A_45] : memref<10000x128xf32, #tpu.memory_space<vmem_shared>> -> memref<80x128xf32, #tpu.memory_space<vmem_shared>>
      tpu.enqueue_dma source(%arg12 : memref<80x128xf32, #tpu.memory_space<vmem>>) target(%dma_start3A_46 : memref<80x128xf32, #tpu.memory_space<vmem_shared>>) target_semaphore(%run_scoped3A : memref<!tpu.dma_semaphore, #tpu.memory_space<semaphore_mem>>)
      %dma_wait3A = arith.constant 0 : i32
      %dma_wait3A_47 = tpu.memref_slice %arg13[%add3A_32, %dma_wait3A] : memref<10000x128xf32, #tpu.memory_space<vmem_shared>> -> memref<80x128xf32, #tpu.memory_space<vmem_shared>>
      %dma_wait3A_48 = arith.constant 0 : i32
      %dma_wait3A_49 = tpu.memref_slice %arg13[%add3A_32, %dma_wait3A_48] : memref<10000x128xf32, #tpu.memory_space<vmem_shared>> -> memref<80x128xf32, #tpu.memory_space<vmem_shared>>
      tpu.wait_dma2 semaphore(%run_scoped3A : memref<!tpu.dma_semaphore, #tpu.memory_space<semaphore_mem>>) src(%arg12 : memref<80x128xf32, #tpu.memory_space<vmem>>) dst(%dma_wait3A_49 : memref<80x128xf32, #tpu.memory_space<vmem_shared>>)
      tpu.yield
    }) : () -> ()
    %mul3A_33 = arith.constant 625 : i32
    %mul3A_34 = arith.muli %arg1, %mul3A_33 : i32
    %add3A_35 = arith.constant 560 : i32
    %add3A_36 = arith.addi %mul3A_34, %add3A_35 : i32
    "tpu.region"() ({
      %run_scoped3A = tpu.sem_alloc : memref<!tpu.dma_semaphore, #tpu.memory_space<semaphore_mem>>
      %dma_start3A = arith.constant 0 : i32
      %dma_start3A_44 = arith.constant 0 : i32
      %dma_start3A_45 = tpu.memref_slice %arg12[%dma_start3A, %dma_start3A_44] : memref<80x128xf32, #tpu.memory_space<vmem>> -> memref<65x128xf32, #tpu.memory_space<vmem>>
      %dma_start3A_46 = arith.constant 0 : i32
      %dma_start3A_47 = tpu.memref_slice %arg13[%add3A_36, %dma_start3A_46] : memref<10000x128xf32, #tpu.memory_space<vmem_shared>> -> memref<65x128xf32, #tpu.memory_space<vmem_shared>>
      %dma_start3A_48 = arith.constant 0 : i32
      %dma_start3A_49 = tpu.memref_slice %arg13[%add3A_36, %dma_start3A_48] : memref<10000x128xf32, #tpu.memory_space<vmem_shared>> -> memref<65x128xf32, #tpu.memory_space<vmem_shared>>
      %dma_start3A_50 = arith.constant 0 : i32
      %dma_start3A_51 = arith.constant 0 : i32
      %dma_start3A_52 = tpu.memref_slice %arg12[%dma_start3A_50, %dma_start3A_51] : memref<80x128xf32, #tpu.memory_space<vmem>> -> memref<65x128xf32, #tpu.memory_space<vmem>>
      tpu.enqueue_dma source(%dma_start3A_52 : memref<65x128xf32, #tpu.memory_space<vmem>>) target(%dma_start3A_49 : memref<65x128xf32, #tpu.memory_space<vmem_shared>>) target_semaphore(%run_scoped3A : memref<!tpu.dma_semaphore, #tpu.memory_space<semaphore_mem>>)
      %dma_wait3A = arith.constant 0 : i32
      %dma_wait3A_53 = arith.constant 0 : i32
      %dma_wait3A_54 = tpu.memref_slice %arg12[%dma_wait3A, %dma_wait3A_53] : memref<80x128xf32, #tpu.memory_space<vmem>> -> memref<65x128xf32, #tpu.memory_space<vmem>>
      %dma_wait3A_55 = arith.constant 0 : i32
      %dma_wait3A_56 = tpu.memref_slice %arg13[%add3A_36, %dma_wait3A_55] : memref<10000x128xf32, #tpu.memory_space<vmem_shared>> -> memref<65x128xf32, #tpu.memory_space<vmem_shared>>
      %dma_wait3A_57 = arith.constant 0 : i32
      %dma_wait3A_58 = tpu.memref_slice %arg13[%add3A_36, %dma_wait3A_57] : memref<10000x128xf32, #tpu.memory_space<vmem_shared>> -> memref<65x128xf32, #tpu.memory_space<vmem_shared>>
      %dma_wait3A_59 = arith.constant 0 : i32
      %dma_wait3A_60 = arith.constant 0 : i32
      %dma_wait3A_61 = tpu.memref_slice %arg12[%dma_wait3A_59, %dma_wait3A_60] : memref<80x128xf32, #tpu.memory_space<vmem>> -> memref<65x128xf32, #tpu.memory_space<vmem>>
      tpu.wait_dma2 semaphore(%run_scoped3A : memref<!tpu.dma_semaphore, #tpu.memory_space<semaphore_mem>>) src(%dma_wait3A_61 : memref<65x128xf32, #tpu.memory_space<vmem>>) dst(%dma_wait3A_58 : memref<65x128xf32, #tpu.memory_space<vmem_shared>>)
      tpu.yield
    }) : () -> ()
    %barrier3A = arith.constant 0 : index
    tpu.barrier barrier_id(%barrier3A)
    %eq3A = arith.constant 0 : i32
    %eq3A_37 = arith.cmpi eq, %arg0, %eq3A : i32
    %convert_element_type3A = arith.extui %eq3A_37 : i1 to i32
    %cond3A = arith.constant 0 : i32
    %cond3A_38 = arith.cmpi ne, %convert_element_type3A, %cond3A : i32
    scf.if %cond3A_38 {
      %scan3A_44 = arith.constant 0 : i32
      %scan3A_45 = arith.constant 0 : i32
      %scan3A_46 = arith.constant 250 : i32
      %scan3A_47 = arith.addi %scan3A_45, %scan3A_46 : i32
      %scan3A_48 = arith.constant 1 : i32
      %scan3A_49 = scf.for %scan3A_116 = %scan3A_45 to %scan3A_47 step %scan3A_48 iter_args(%scan3A_117 = %scan3A_44) -> (i32)  : i32 {
        %mul3A_118 = arith.constant 20000 : i32
        %mul3A_119 = arith.muli %arg1, %mul3A_118 : i32
        %mul3A_120 = arith.constant 80 : i32
        %mul3A_121 = arith.muli %scan3A_116, %mul3A_120 : i32
        %add3A_122 = arith.addi %mul3A_119, %mul3A_121 : i32
        "tpu.region"() ({
          %run_scoped3A = tpu.sem_alloc : memref<!tpu.dma_semaphore, #tpu.memory_space<semaphore_mem>>
          %dma_start3A_137 = tpu.memref_slice %arg5[%add3A_122] : memref<320000xi32, #tpu.memory_space<hbm>> -> memref<80xi32, #tpu.memory_space<hbm>>
          %dma_start3A_138 = tpu.memref_slice %arg5[%add3A_122] : memref<320000xi32, #tpu.memory_space<hbm>> -> memref<80xi32, #tpu.memory_space<hbm>>
          tpu.enqueue_dma source(%dma_start3A_138 : memref<80xi32, #tpu.memory_space<hbm>>) target(%arg9 : memref<80xi32, #tpu.memory_space<vmem>>) target_semaphore(%run_scoped3A : memref<!tpu.dma_semaphore, #tpu.memory_space<semaphore_mem>>)
          %dma_wait3A_139 = tpu.memref_slice %arg5[%add3A_122] : memref<320000xi32, #tpu.memory_space<hbm>> -> memref<80xi32, #tpu.memory_space<hbm>>
          %dma_wait3A_140 = tpu.memref_slice %arg5[%add3A_122] : memref<320000xi32, #tpu.memory_space<hbm>> -> memref<80xi32, #tpu.memory_space<hbm>>
          tpu.wait_dma2 semaphore(%run_scoped3A : memref<!tpu.dma_semaphore, #tpu.memory_space<semaphore_mem>>) src(%dma_wait3A_140 : memref<80xi32, #tpu.memory_space<hbm>>) dst(%arg9 : memref<80xi32, #tpu.memory_space<vmem>>)
          tpu.yield
        }) : () -> ()
        "tpu.region"() ({
          %run_scoped3A = tpu.sem_alloc : memref<!tpu.dma_semaphore, #tpu.memory_space<semaphore_mem>>
          %dma_start3A_137 = tpu.memref_slice %arg6[%add3A_122] : memref<320000xi32, #tpu.memory_space<hbm>> -> memref<80xi32, #tpu.memory_space<hbm>>
          %dma_start3A_138 = tpu.memref_slice %arg6[%add3A_122] : memref<320000xi32, #tpu.memory_space<hbm>> -> memref<80xi32, #tpu.memory_space<hbm>>
          tpu.enqueue_dma source(%dma_start3A_138 : memref<80xi32, #tpu.memory_space<hbm>>) target(%arg10 : memref<80xi32, #tpu.memory_space<vmem>>) target_semaphore(%run_scoped3A : memref<!tpu.dma_semaphore, #tpu.memory_space<semaphore_mem>>)
          %dma_wait3A_139 = tpu.memref_slice %arg6[%add3A_122] : memref<320000xi32, #tpu.memory_space<hbm>> -> memref<80xi32, #tpu.memory_space<hbm>>
          %dma_wait3A_140 = tpu.memref_slice %arg6[%add3A_122] : memref<320000xi32, #tpu.memory_space<hbm>> -> memref<80xi32, #tpu.memory_space<hbm>>
          tpu.wait_dma2 semaphore(%run_scoped3A : memref<!tpu.dma_semaphore, #tpu.memory_space<semaphore_mem>>) src(%dma_wait3A_140 : memref<80xi32, #tpu.memory_space<hbm>>) dst(%arg10 : memref<80xi32, #tpu.memory_space<vmem>>)
          tpu.yield
        }) : () -> ()
        %dma_start3A = arith.constant 0 : i32
        %dma_start3A_123 = arith.constant 0 : i32
        %dma_start3A_124 = tpu.memref_slice %arg2[%dma_start3A, %dma_start3A_123] : memref<10000x128xf32, #tpu.memory_space<hbm>> -> memref<10000x128xf32, #tpu.memory_space<hbm>>
        tpu.enqueue_indirect_dma source(%dma_start3A_124 : memref<10000x128xf32, #tpu.memory_space<hbm>>) target(%arg12 : memref<80x128xf32, #tpu.memory_space<vmem>>) offsets(%arg10 : memref<80xi32, #tpu.memory_space<vmem>>) semaphore(%arg14 : memref<!tpu.dma_semaphore, #tpu.memory_space<semaphore_mem>>)
        %mul3A_125 = arith.constant 4 : i32
        %mul3A_126 = arith.muli %add3A_122, %mul3A_125 : i32
        "tpu.region"() ({
          %run_scoped3A = tpu.sem_alloc : memref<!tpu.dma_semaphore, #tpu.memory_space<semaphore_mem>>
          %dma_start3A_137 = tpu.memref_slice %arg4[%mul3A_126] : memref<1280000xf32, #tpu.memory_space<hbm>> -> memref<320xf32, #tpu.memory_space<hbm>>
          %dma_start3A_138 = tpu.memref_slice %arg4[%mul3A_126] : memref<1280000xf32, #tpu.memory_space<hbm>> -> memref<320xf32, #tpu.memory_space<hbm>>
          tpu.enqueue_dma source(%dma_start3A_138 : memref<320xf32, #tpu.memory_space<hbm>>) target(%arg11 : memref<320xf32, #tpu.memory_space<vmem>>) target_semaphore(%run_scoped3A : memref<!tpu.dma_semaphore, #tpu.memory_space<semaphore_mem>>)
          %dma_wait3A_139 = tpu.memref_slice %arg4[%mul3A_126] : memref<1280000xf32, #tpu.memory_space<hbm>> -> memref<320xf32, #tpu.memory_space<hbm>>
          %dma_wait3A_140 = tpu.memref_slice %arg4[%mul3A_126] : memref<1280000xf32, #tpu.memory_space<hbm>> -> memref<320xf32, #tpu.memory_space<hbm>>
          tpu.wait_dma2 semaphore(%run_scoped3A : memref<!tpu.dma_semaphore, #tpu.memory_space<semaphore_mem>>) src(%dma_wait3A_140 : memref<320xf32, #tpu.memory_space<hbm>>) dst(%arg11 : memref<320xf32, #tpu.memory_space<vmem>>)
          tpu.yield
        }) : () -> ()
        %dma_wait3A = arith.constant 0 : i32
        %dma_wait3A_127 = arith.constant 0 : i32
        %dma_wait3A_128 = tpu.memref_slice %arg2[%dma_wait3A, %dma_wait3A_127] : memref<10000x128xf32, #tpu.memory_space<hbm>> -> memref<10000x128xf32, #tpu.memory_space<hbm>>
        tpu.wait_indirect_dma semaphore(%arg14 : memref<!tpu.dma_semaphore, #tpu.memory_space<semaphore_mem>>) src(%dma_wait3A_128 : memref<10000x128xf32, #tpu.memory_space<hbm>>) dst(%arg12 : memref<80x128xf32, #tpu.memory_space<vmem>>)
        %scan3A_129 = arith.constant 0 : i32
        %scan3A_130 = arith.constant 0 : i32
        %scan3A_131 = arith.constant 20 : i32
        %scan3A_132 = arith.addi %scan3A_130, %scan3A_131 : i32
        %scan3A_133 = arith.constant 1 : i32
        %scan3A_134 = scf.for %scan3A_137 = %scan3A_130 to %scan3A_132 step %scan3A_133 iter_args(%scan3A_138 = %scan3A_129) -> (i32)  : i32 {
          %mul3A_139 = arith.constant 16 : i32
          %mul3A_140 = arith.muli %scan3A_137, %mul3A_139 : i32
          %get3A = arith.index_cast %mul3A_140 : i32 to index
          %get3A_141 = tpu.vector_load %arg11[%get3A] {strides = array<i32>} : memref<320xf32, #tpu.memory_space<vmem>>, vector<16xf32>,
          %mul3A_142 = arith.constant 4 : i32
          %mul3A_143 = arith.muli %scan3A_137, %mul3A_142 : i32
          %add3A_144 = arith.constant 0 : i32
          %add3A_145 = arith.addi %mul3A_143, %add3A_144 : i32
          %slice3A = vector.extract_strided_slice %get3A_141 {offsets = [0], sizes = [1], strides = [1]} : vector<16xf32> to vector<1xf32>
          %squeeze3A = vector.extract %slice3A[0] : f32 from vector<1xf32>
          %get3A_146 = arith.index_cast %add3A_145 : i32 to index
          %get3A_147 = arith.constant 0 : index
          %get3A_148 = tpu.vector_load %arg12[%get3A_146, %get3A_147] {strides = array<i32>} : memref<80x128xf32, #tpu.memory_space<vmem>>, vector<16xf32>,
          %mul3A_149 = vector.broadcast %squeeze3A : f32 to vector<16xf32>
          %mul3A_150 = arith.mulf %get3A_148, %mul3A_149 : vector<16xf32>
          %swap3A = arith.index_cast %add3A_145 : i32 to index
          %swap3A_151 = arith.constant 0 : index
          %swap3A_152 = tpu.vector_load %arg12[%swap3A, %swap3A_151] {strides = array<i32>} : memref<80x128xf32, #tpu.memory_space<vmem>>, vector<16xf32>,
          tpu.vector_store %arg12[%swap3A, %swap3A_151], %mul3A_150 {strides = array<i32>} : memref<80x128xf32, #tpu.memory_space<vmem>>, vector<16xf32>,
          %get3A_153 = arith.index_cast %add3A_145 : i32 to index
          %get3A_154 = arith.constant 16 : index
          %get3A_155 = tpu.vector_load %arg12[%get3A_153, %get3A_154] {strides = array<i32>} : memref<80x128xf32, #tpu.memory_space<vmem>>, vector<16xf32>,
          %mul3A_156 = vector.broadcast %squeeze3A : f32 to vector<16xf32>
          %mul3A_157 = arith.mulf %get3A_155, %mul3A_156 : vector<16xf32>
          %swap3A_158 = arith.index_cast %add3A_145 : i32 to index
          %swap3A_159 = arith.constant 16 : index
          %swap3A_160 = tpu.vector_load %arg12[%swap3A_158, %swap3A_159] {strides = array<i32>} : memref<80x128xf32, #tpu.memory_space<vmem>>, vector<16xf32>,
          tpu.vector_store %arg12[%swap3A_158, %swap3A_159], %mul3A_157 {strides = array<i32>} : memref<80x128xf32, #tpu.memory_space<vmem>>, vector<16xf32>,
          %slice3A_161 = vector.extract_strided_slice %get3A_141 {offsets = [1], sizes = [1], strides = [1]} : vector<16xf32> to vector<1xf32>
          %squeeze3A_162 = vector.extract %slice3A_161[0] : f32 from vector<1xf32>
          %get3A_163 = arith.index_cast %add3A_145 : i32 to index
          %get3A_164 = arith.constant 32 : index
          %get3A_165 = tpu.vector_load %arg12[%get3A_163, %get3A_164] {strides = array<i32>} : memref<80x128xf32, #tpu.memory_space<vmem>>, vector<16xf32>,
          %mul3A_166 = vector.broadcast %squeeze3A_162 : f32 to vector<16xf32>
          %mul3A_167 = arith.mulf %get3A_165, %mul3A_166 : vector<16xf32>
          %swap3A_168 = arith.index_cast %add3A_145 : i32 to index
          %swap3A_169 = arith.constant 32 : index
          %swap3A_170 = tpu.vector_load %arg12[%swap3A_168, %swap3A_169] {strides = array<i32>} : memref<80x128xf32, #tpu.memory_space<vmem>>, vector<16xf32>,
          tpu.vector_store %arg12[%swap3A_168, %swap3A_169], %mul3A_167 {strides = array<i32>} : memref<80x128xf32, #tpu.memory_space<vmem>>, vector<16xf32>,
          %get3A_171 = arith.index_cast %add3A_145 : i32 to index
          %get3A_172 = arith.constant 48 : index
          %get3A_173 = tpu.vector_load %arg12[%get3A_171, %get3A_172] {strides = array<i32>} : memref<80x128xf32, #tpu.memory_space<vmem>>, vector<16xf32>,
          %mul3A_174 = vector.broadcast %squeeze3A_162 : f32 to vector<16xf32>
          %mul3A_175 = arith.mulf %get3A_173, %mul3A_174 : vector<16xf32>
          %swap3A_176 = arith.index_cast %add3A_145 : i32 to index
          %swap3A_177 = arith.constant 48 : index
          %swap3A_178 = tpu.vector_load %arg12[%swap3A_176, %swap3A_177] {strides = array<i32>} : memref<80x128xf32, #tpu.memory_space<vmem>>, vector<16xf32>,
          tpu.vector_store %arg12[%swap3A_176, %swap3A_177], %mul3A_175 {strides = array<i32>} : memref<80x128xf32, #tpu.memory_space<vmem>>, vector<16xf32>,
          %slice3A_179 = vector.extract_strided_slice %get3A_141 {offsets = [2], sizes = [1], strides = [1]} : vector<16xf32> to vector<1xf32>
          %squeeze3A_180 = vector.extract %slice3A_179[0] : f32 from vector<1xf32>
          %get3A_181 = arith.index_cast %add3A_145 : i32 to index
          %get3A_182 = arith.constant 64 : index
          %get3A_183 = tpu.vector_load %arg12[%get3A_181, %get3A_182] {strides = array<i32>} : memref<80x128xf32, #tpu.memory_space<vmem>>, vector<16xf32>,
          %mul3A_184 = vector.broadcast %squeeze3A_180 : f32 to vector<16xf32>
          %mul3A_185 = arith.mulf %get3A_183, %mul3A_184 : vector<16xf32>
          %swap3A_186 = arith.index_cast %add3A_145 : i32 to index
          %swap3A_187 = arith.constant 64 : index
          %swap3A_188 = tpu.vector_load %arg12[%swap3A_186, %swap3A_187] {strides = array<i32>} : memref<80x128xf32, #tpu.memory_space<vmem>>, vector<16xf32>,
          tpu.vector_store %arg12[%swap3A_186, %swap3A_187], %mul3A_185 {strides = array<i32>} : memref<80x128xf32, #tpu.memory_space<vmem>>, vector<16xf32>,
          %get3A_189 = arith.index_cast %add3A_145 : i32 to index
          %get3A_190 = arith.constant 80 : index
          %get3A_191 = tpu.vector_load %arg12[%get3A_189, %get3A_190] {strides = array<i32>} : memref<80x128xf32, #tpu.memory_space<vmem>>, vector<16xf32>,
          %mul3A_192 = vector.broadcast %squeeze3A_180 : f32 to vector<16xf32>
          %mul3A_193 = arith.mulf %get3A_191, %mul3A_192 : vector<16xf32>
          %swap3A_194 = arith.index_cast %add3A_145 : i32 to index
          %swap3A_195 = arith.constant 80 : index
          %swap3A_196 = tpu.vector_load %arg12[%swap3A_194, %swap3A_195] {strides = array<i32>} : memref<80x128xf32, #tpu.memory_space<vmem>>, vector<16xf32>,
          tpu.vector_store %arg12[%swap3A_194, %swap3A_195], %mul3A_193 {strides = array<i32>} : memref<80x128xf32, #tpu.memory_space<vmem>>, vector<16xf32>,
          %slice3A_197 = vector.extract_strided_slice %get3A_141 {offsets = [3], sizes = [1], strides = [1]} : vector<16xf32> to vector<1xf32>
          %squeeze3A_198 = vector.extract %slice3A_197[0] : f32 from vector<1xf32>
          %get3A_199 = arith.index_cast %add3A_145 : i32 to index
          %get3A_200 = arith.constant 96 : index
          %get3A_201 = tpu.vector_load %arg12[%get3A_199, %get3A_200] {strides = array<i32>} : memref<80x128xf32, #tpu.memory_space<vmem>>, vector<16xf32>,
          %mul3A_202 = vector.broadcast %squeeze3A_198 : f32 to vector<16xf32>
          %mul3A_203 = arith.mulf %get3A_201, %mul3A_202 : vector<16xf32>
          %swap3A_204 = arith.index_cast %add3A_145 : i32 to index
          %swap3A_205 = arith.constant 96 : index
          %swap3A_206 = tpu.vector_load %arg12[%swap3A_204, %swap3A_205] {strides = array<i32>} : memref<80x128xf32, #tpu.memory_space<vmem>>, vector<16xf32>,
          tpu.vector_store %arg12[%swap3A_204, %swap3A_205], %mul3A_203 {strides = array<i32>} : memref<80x128xf32, #tpu.memory_space<vmem>>, vector<16xf32>,
          %get3A_207 = arith.index_cast %add3A_145 : i32 to index
          %get3A_208 = arith.constant 112 : index
          %get3A_209 = tpu.vector_load %arg12[%get3A_207, %get3A_208] {strides = array<i32>} : memref<80x128xf32, #tpu.memory_space<vmem>>, vector<16xf32>,
          %mul3A_210 = vector.broadcast %squeeze3A_198 : f32 to vector<16xf32>
          %mul3A_211 = arith.mulf %get3A_209, %mul3A_210 : vector<16xf32>
          %swap3A_212 = arith.index_cast %add3A_145 : i32 to index
          %swap3A_213 = arith.constant 112 : index
          %swap3A_214 = tpu.vector_load %arg12[%swap3A_212, %swap3A_213] {strides = array<i32>} : memref<80x128xf32, #tpu.memory_space<vmem>>, vector<16xf32>,
          tpu.vector_store %arg12[%swap3A_212, %swap3A_213], %mul3A_211 {strides = array<i32>} : memref<80x128xf32, #tpu.memory_space<vmem>>, vector<16xf32>,
          %mul3A_215 = arith.constant 4 : i32
          %mul3A_216 = arith.muli %scan3A_137, %mul3A_215 : i32
          %add3A_217 = arith.constant 1 : i32
          %add3A_218 = arith.addi %mul3A_216, %add3A_217 : i32
          %slice3A_219 = vector.extract_strided_slice %get3A_141 {offsets = [4], sizes = [1], strides = [1]} : vector<16xf32> to vector<1xf32>
          %squeeze3A_220 = vector.extract %slice3A_219[0] : f32 from vector<1xf32>
          %get3A_221 = arith.index_cast %add3A_218 : i32 to index
          %get3A_222 = arith.constant 0 : index
          %get3A_223 = tpu.vector_load %arg12[%get3A_221, %get3A_222] {strides = array<i32>} : memref<80x128xf32, #tpu.memory_space<vmem>>, vector<16xf32>,
          %mul3A_224 = vector.broadcast %squeeze3A_220 : f32 to vector<16xf32>
          %mul3A_225 = arith.mulf %get3A_223, %mul3A_224 : vector<16xf32>
          %swap3A_226 = arith.index_cast %add3A_218 : i32 to index
          %swap3A_227 = arith.constant 0 : index
          %swap3A_228 = tpu.vector_load %arg12[%swap3A_226, %swap3A_227] {strides = array<i32>} : memref<80x128xf32, #tpu.memory_space<vmem>>, vector<16xf32>,
          tpu.vector_store %arg12[%swap3A_226, %swap3A_227], %mul3A_225 {strides = array<i32>} : memref<80x128xf32, #tpu.memory_space<vmem>>, vector<16xf32>,
          %get3A_229 = arith.index_cast %add3A_218 : i32 to index
          %get3A_230 = arith.constant 16 : index
          %get3A_231 = tpu.vector_load %arg12[%get3A_229, %get3A_230] {strides = array<i32>} : memref<80x128xf32, #tpu.memory_space<vmem>>, vector<16xf32>,
          %mul3A_232 = vector.broadcast %squeeze3A_220 : f32 to vector<16xf32>
          %mul3A_233 = arith.mulf %get3A_231, %mul3A_232 : vector<16xf32>
          %swap3A_234 = arith.index_cast %add3A_218 : i32 to index
          %swap3A_235 = arith.constant 16 : index
          %swap3A_236 = tpu.vector_load %arg12[%swap3A_234, %swap3A_235] {strides = array<i32>} : memref<80x128xf32, #tpu.memory_space<vmem>>, vector<16xf32>,
          tpu.vector_store %arg12[%swap3A_234, %swap3A_235], %mul3A_233 {strides = array<i32>} : memref<80x128xf32, #tpu.memory_space<vmem>>, vector<16xf32>,
          %slice3A_237 = vector.extract_strided_slice %get3A_141 {offsets = [5], sizes = [1], strides = [1]} : vector<16xf32> to vector<1xf32>
          %squeeze3A_238 = vector.extract %slice3A_237[0] : f32 from vector<1xf32>
          %get3A_239 = arith.index_cast %add3A_218 : i32 to index
          %get3A_240 = arith.constant 32 : index
          %get3A_241 = tpu.vector_load %arg12[%get3A_239, %get3A_240] {strides = array<i32>} : memref<80x128xf32, #tpu.memory_space<vmem>>, vector<16xf32>,
          %mul3A_242 = vector.broadcast %squeeze3A_238 : f32 to vector<16xf32>
          %mul3A_243 = arith.mulf %get3A_241, %mul3A_242 : vector<16xf32>
          %swap3A_244 = arith.index_cast %add3A_218 : i32 to index
          %swap3A_245 = arith.constant 32 : index
          %swap3A_246 = tpu.vector_load %arg12[%swap3A_244, %swap3A_245] {strides = array<i32>} : memref<80x128xf32, #tpu.memory_space<vmem>>, vector<16xf32>,
          tpu.vector_store %arg12[%swap3A_244, %swap3A_245], %mul3A_243 {strides = array<i32>} : memref<80x128xf32, #tpu.memory_space<vmem>>, vector<16xf32>,
          %get3A_247 = arith.index_cast %add3A_218 : i32 to index
          %get3A_248 = arith.constant 48 : index
          %get3A_249 = tpu.vector_load %arg12[%get3A_247, %get3A_248] {strides = array<i32>} : memref<80x128xf32, #tpu.memory_space<vmem>>, vector<16xf32>,
          %mul3A_250 = vector.broadcast %squeeze3A_238 : f32 to vector<16xf32>
          %mul3A_251 = arith.mulf %get3A_249, %mul3A_250 : vector<16xf32>
          %swap3A_252 = arith.index_cast %add3A_218 : i32 to index
          %swap3A_253 = arith.constant 48 : index
          %swap3A_254 = tpu.vector_load %arg12[%swap3A_252, %swap3A_253] {strides = array<i32>} : memref<80x128xf32, #tpu.memory_space<vmem>>, vector<16xf32>,
          tpu.vector_store %arg12[%swap3A_252, %swap3A_253], %mul3A_251 {strides = array<i32>} : memref<80x128xf32, #tpu.memory_space<vmem>>, vector<16xf32>,
          %slice3A_255 = vector.extract_strided_slice %get3A_141 {offsets = [6], sizes = [1], strides = [1]} : vector<16xf32> to vector<1xf32>
          %squeeze3A_256 = vector.extract %slice3A_255[0] : f32 from vector<1xf32>
          %get3A_257 = arith.index_cast %add3A_218 : i32 to index
          %get3A_258 = arith.constant 64 : index
          %get3A_259 = tpu.vector_load %arg12[%get3A_257, %get3A_258] {strides = array<i32>} : memref<80x128xf32, #tpu.memory_space<vmem>>, vector<16xf32>,
          %mul3A_260 = vector.broadcast %squeeze3A_256 : f32 to vector<16xf32>
          %mul3A_261 = arith.mulf %get3A_259, %mul3A_260 : vector<16xf32>
          %swap3A_262 = arith.index_cast %add3A_218 : i32 to index
          %swap3A_263 = arith.constant 64 : index
          %swap3A_264 = tpu.vector_load %arg12[%swap3A_262, %swap3A_263] {strides = array<i32>} : memref<80x128xf32, #tpu.memory_space<vmem>>, vector<16xf32>,
          tpu.vector_store %arg12[%swap3A_262, %swap3A_263], %mul3A_261 {strides = array<i32>} : memref<80x128xf32, #tpu.memory_space<vmem>>, vector<16xf32>,
          %get3A_265 = arith.index_cast %add3A_218 : i32 to index
          %get3A_266 = arith.constant 80 : index
          %get3A_267 = tpu.vector_load %arg12[%get3A_265, %get3A_266] {strides = array<i32>} : memref<80x128xf32, #tpu.memory_space<vmem>>, vector<16xf32>,
          %mul3A_268 = vector.broadcast %squeeze3A_256 : f32 to vector<16xf32>
          %mul3A_269 = arith.mulf %get3A_267, %mul3A_268 : vector<16xf32>
          %swap3A_270 = arith.index_cast %add3A_218 : i32 to index
          %swap3A_271 = arith.constant 80 : index
          %swap3A_272 = tpu.vector_load %arg12[%swap3A_270, %swap3A_271] {strides = array<i32>} : memref<80x128xf32, #tpu.memory_space<vmem>>, vector<16xf32>,
          tpu.vector_store %arg12[%swap3A_270, %swap3A_271], %mul3A_269 {strides = array<i32>} : memref<80x128xf32, #tpu.memory_space<vmem>>, vector<16xf32>,
          %slice3A_273 = vector.extract_strided_slice %get3A_141 {offsets = [7], sizes = [1], strides = [1]} : vector<16xf32> to vector<1xf32>
          %squeeze3A_274 = vector.extract %slice3A_273[0] : f32 from vector<1xf32>
          %get3A_275 = arith.index_cast %add3A_218 : i32 to index
          %get3A_276 = arith.constant 96 : index
          %get3A_277 = tpu.vector_load %arg12[%get3A_275, %get3A_276] {strides = array<i32>} : memref<80x128xf32, #tpu.memory_space<vmem>>, vector<16xf32>,
          %mul3A_278 = vector.broadcast %squeeze3A_274 : f32 to vector<16xf32>
          %mul3A_279 = arith.mulf %get3A_277, %mul3A_278 : vector<16xf32>
          %swap3A_280 = arith.index_cast %add3A_218 : i32 to index
          %swap3A_281 = arith.constant 96 : index
          %swap3A_282 = tpu.vector_load %arg12[%swap3A_280, %swap3A_281] {strides = array<i32>} : memref<80x128xf32, #tpu.memory_space<vmem>>, vector<16xf32>,
          tpu.vector_store %arg12[%swap3A_280, %swap3A_281], %mul3A_279 {strides = array<i32>} : memref<80x128xf32, #tpu.memory_space<vmem>>, vector<16xf32>,
          %get3A_283 = arith.index_cast %add3A_218 : i32 to index
          %get3A_284 = arith.constant 112 : index
          %get3A_285 = tpu.vector_load %arg12[%get3A_283, %get3A_284] {strides = array<i32>} : memref<80x128xf32, #tpu.memory_space<vmem>>, vector<16xf32>,
          %mul3A_286 = vector.broadcast %squeeze3A_274 : f32 to vector<16xf32>
          %mul3A_287 = arith.mulf %get3A_285, %mul3A_286 : vector<16xf32>
          %swap3A_288 = arith.index_cast %add3A_218 : i32 to index
          %swap3A_289 = arith.constant 112 : index
          %swap3A_290 = tpu.vector_load %arg12[%swap3A_288, %swap3A_289] {strides = array<i32>} : memref<80x128xf32, #tpu.memory_space<vmem>>, vector<16xf32>,
          tpu.vector_store %arg12[%swap3A_288, %swap3A_289], %mul3A_287 {strides = array<i32>} : memref<80x128xf32, #tpu.memory_space<vmem>>, vector<16xf32>,
          %mul3A_291 = arith.constant 4 : i32
          %mul3A_292 = arith.muli %scan3A_137, %mul3A_291 : i32
          %add3A_293 = arith.constant 2 : i32
          %add3A_294 = arith.addi %mul3A_292, %add3A_293 : i32
          %slice3A_295 = vector.extract_strided_slice %get3A_141 {offsets = [8], sizes = [1], strides = [1]} : vector<16xf32> to vector<1xf32>
          %squeeze3A_296 = vector.extract %slice3A_295[0] : f32 from vector<1xf32>
          %get3A_297 = arith.index_cast %add3A_294 : i32 to index
          %get3A_298 = arith.constant 0 : index
          %get3A_299 = tpu.vector_load %arg12[%get3A_297, %get3A_298] {strides = array<i32>} : memref<80x128xf32, #tpu.memory_space<vmem>>, vector<16xf32>,
          %mul3A_300 = vector.broadcast %squeeze3A_296 : f32 to vector<16xf32>
          %mul3A_301 = arith.mulf %get3A_299, %mul3A_300 : vector<16xf32>
          %swap3A_302 = arith.index_cast %add3A_294 : i32 to index
          %swap3A_303 = arith.constant 0 : index
          %swap3A_304 = tpu.vector_load %arg12[%swap3A_302, %swap3A_303] {strides = array<i32>} : memref<80x128xf32, #tpu.memory_space<vmem>>, vector<16xf32>,
          tpu.vector_store %arg12[%swap3A_302, %swap3A_303], %mul3A_301 {strides = array<i32>} : memref<80x128xf32, #tpu.memory_space<vmem>>, vector<16xf32>,
          %get3A_305 = arith.index_cast %add3A_294 : i32 to index
          %get3A_306 = arith.constant 16 : index
          %get3A_307 = tpu.vector_load %arg12[%get3A_305, %get3A_306] {strides = array<i32>} : memref<80x128xf32, #tpu.memory_space<vmem>>, vector<16xf32>,
          %mul3A_308 = vector.broadcast %squeeze3A_296 : f32 to vector<16xf32>
          %mul3A_309 = arith.mulf %get3A_307, %mul3A_308 : vector<16xf32>
          %swap3A_310 = arith.index_cast %add3A_294 : i32 to index
          %swap3A_311 = arith.constant 16 : index
          %swap3A_312 = tpu.vector_load %arg12[%swap3A_310, %swap3A_311] {strides = array<i32>} : memref<80x128xf32, #tpu.memory_space<vmem>>, vector<16xf32>,
          tpu.vector_store %arg12[%swap3A_310, %swap3A_311], %mul3A_309 {strides = array<i32>} : memref<80x128xf32, #tpu.memory_space<vmem>>, vector<16xf32>,
          %slice3A_313 = vector.extract_strided_slice %get3A_141 {offsets = [9], sizes = [1], strides = [1]} : vector<16xf32> to vector<1xf32>
          %squeeze3A_314 = vector.extract %slice3A_313[0] : f32 from vector<1xf32>
          %get3A_315 = arith.index_cast %add3A_294 : i32 to index
          %get3A_316 = arith.constant 32 : index
          %get3A_317 = tpu.vector_load %arg12[%get3A_315, %get3A_316] {strides = array<i32>} : memref<80x128xf32, #tpu.memory_space<vmem>>, vector<16xf32>,
          %mul3A_318 = vector.broadcast %squeeze3A_314 : f32 to vector<16xf32>
          %mul3A_319 = arith.mulf %get3A_317, %mul3A_318 : vector<16xf32>
          %swap3A_320 = arith.index_cast %add3A_294 : i32 to index
          %swap3A_321 = arith.constant 32 : index
          %swap3A_322 = tpu.vector_load %arg12[%swap3A_320, %swap3A_321] {strides = array<i32>} : memref<80x128xf32, #tpu.memory_space<vmem>>, vector<16xf32>,
          tpu.vector_store %arg12[%swap3A_320, %swap3A_321], %mul3A_319 {strides = array<i32>} : memref<80x128xf32, #tpu.memory_space<vmem>>, vector<16xf32>,
          %get3A_323 = arith.index_cast %add3A_294 : i32 to index
          %get3A_324 = arith.constant 48 : index
          %get3A_325 = tpu.vector_load %arg12[%get3A_323, %get3A_324] {strides = array<i32>} : memref<80x128xf32, #tpu.memory_space<vmem>>, vector<16xf32>,
          %mul3A_326 = vector.broadcast %squeeze3A_314 : f32 to vector<16xf32>
          %mul3A_327 = arith.mulf %get3A_325, %mul3A_326 : vector<16xf32>
          %swap3A_328 = arith.index_cast %add3A_294 : i32 to index
          %swap3A_329 = arith.constant 48 : index
          %swap3A_330 = tpu.vector_load %arg12[%swap3A_328, %swap3A_329] {strides = array<i32>} : memref<80x128xf32, #tpu.memory_space<vmem>>, vector<16xf32>,
          tpu.vector_store %arg12[%swap3A_328, %swap3A_329], %mul3A_327 {strides = array<i32>} : memref<80x128xf32, #tpu.memory_space<vmem>>, vector<16xf32>,
          %slice3A_331 = vector.extract_strided_slice %get3A_141 {offsets = [10], sizes = [1], strides = [1]} : vector<16xf32> to vector<1xf32>
          %squeeze3A_332 = vector.extract %slice3A_331[0] : f32 from vector<1xf32>
          %get3A_333 = arith.index_cast %add3A_294 : i32 to index
          %get3A_334 = arith.constant 64 : index
          %get3A_335 = tpu.vector_load %arg12[%get3A_333, %get3A_334] {strides = array<i32>} : memref<80x128xf32, #tpu.memory_space<vmem>>, vector<16xf32>,
          %mul3A_336 = vector.broadcast %squeeze3A_332 : f32 to vector<16xf32>
          %mul3A_337 = arith.mulf %get3A_335, %mul3A_336 : vector<16xf32>
          %swap3A_338 = arith.index_cast %add3A_294 : i32 to index
          %swap3A_339 = arith.constant 64 : index
          %swap3A_340 = tpu.vector_load %arg12[%swap3A_338, %swap3A_339] {strides = array<i32>} : memref<80x128xf32, #tpu.memory_space<vmem>>, vector<16xf32>,
          tpu.vector_store %arg12[%swap3A_338, %swap3A_339], %mul3A_337 {strides = array<i32>} : memref<80x128xf32, #tpu.memory_space<vmem>>, vector<16xf32>,
          %get3A_341 = arith.index_cast %add3A_294 : i32 to index
          %get3A_342 = arith.constant 80 : index
          %get3A_343 = tpu.vector_load %arg12[%get3A_341, %get3A_342] {strides = array<i32>} : memref<80x128xf32, #tpu.memory_space<vmem>>, vector<16xf32>,
          %mul3A_344 = vector.broadcast %squeeze3A_332 : f32 to vector<16xf32>
          %mul3A_345 = arith.mulf %get3A_343, %mul3A_344 : vector<16xf32>
          %swap3A_346 = arith.index_cast %add3A_294 : i32 to index
          %swap3A_347 = arith.constant 80 : index
          %swap3A_348 = tpu.vector_load %arg12[%swap3A_346, %swap3A_347] {strides = array<i32>} : memref<80x128xf32, #tpu.memory_space<vmem>>, vector<16xf32>,
          tpu.vector_store %arg12[%swap3A_346, %swap3A_347], %mul3A_345 {strides = array<i32>} : memref<80x128xf32, #tpu.memory_space<vmem>>, vector<16xf32>,
          %slice3A_349 = vector.extract_strided_slice %get3A_141 {offsets = [11], sizes = [1], strides = [1]} : vector<16xf32> to vector<1xf32>
          %squeeze3A_350 = vector.extract %slice3A_349[0] : f32 from vector<1xf32>
          %get3A_351 = arith.index_cast %add3A_294 : i32 to index
          %get3A_352 = arith.constant 96 : index
          %get3A_353 = tpu.vector_load %arg12[%get3A_351, %get3A_352] {strides = array<i32>} : memref<80x128xf32, #tpu.memory_space<vmem>>, vector<16xf32>,
          %mul3A_354 = vector.broadcast %squeeze3A_350 : f32 to vector<16xf32>
          %mul3A_355 = arith.mulf %get3A_353, %mul3A_354 : vector<16xf32>
          %swap3A_356 = arith.index_cast %add3A_294 : i32 to index
          %swap3A_357 = arith.constant 96 : index
          %swap3A_358 = tpu.vector_load %arg12[%swap3A_356, %swap3A_357] {strides = array<i32>} : memref<80x128xf32, #tpu.memory_space<vmem>>, vector<16xf32>,
          tpu.vector_store %arg12[%swap3A_356, %swap3A_357], %mul3A_355 {strides = array<i32>} : memref<80x128xf32, #tpu.memory_space<vmem>>, vector<16xf32>,
          %get3A_359 = arith.index_cast %add3A_294 : i32 to index
          %get3A_360 = arith.constant 112 : index
          %get3A_361 = tpu.vector_load %arg12[%get3A_359, %get3A_360] {strides = array<i32>} : memref<80x128xf32, #tpu.memory_space<vmem>>, vector<16xf32>,
          %mul3A_362 = vector.broadcast %squeeze3A_350 : f32 to vector<16xf32>
          %mul3A_363 = arith.mulf %get3A_361, %mul3A_362 : vector<16xf32>
          %swap3A_364 = arith.index_cast %add3A_294 : i32 to index
          %swap3A_365 = arith.constant 112 : index
          %swap3A_366 = tpu.vector_load %arg12[%swap3A_364, %swap3A_365] {strides = array<i32>} : memref<80x128xf32, #tpu.memory_space<vmem>>, vector<16xf32>,
          tpu.vector_store %arg12[%swap3A_364, %swap3A_365], %mul3A_363 {strides = array<i32>} : memref<80x128xf32, #tpu.memory_space<vmem>>, vector<16xf32>,
          %mul3A_367 = arith.constant 4 : i32
          %mul3A_368 = arith.muli %scan3A_137, %mul3A_367 : i32
          %add3A_369 = arith.constant 3 : i32
          %add3A_370 = arith.addi %mul3A_368, %add3A_369 : i32
          %slice3A_371 = vector.extract_strided_slice %get3A_141 {offsets = [12], sizes = [1], strides = [1]} : vector<16xf32> to vector<1xf32>
          %squeeze3A_372 = vector.extract %slice3A_371[0] : f32 from vector<1xf32>
          %get3A_373 = arith.index_cast %add3A_370 : i32 to index
          %get3A_374 = arith.constant 0 : index
          %get3A_375 = tpu.vector_load %arg12[%get3A_373, %get3A_374] {strides = array<i32>} : memref<80x128xf32, #tpu.memory_space<vmem>>, vector<16xf32>,
          %mul3A_376 = vector.broadcast %squeeze3A_372 : f32 to vector<16xf32>
          %mul3A_377 = arith.mulf %get3A_375, %mul3A_376 : vector<16xf32>
          %swap3A_378 = arith.index_cast %add3A_370 : i32 to index
          %swap3A_379 = arith.constant 0 : index
          %swap3A_380 = tpu.vector_load %arg12[%swap3A_378, %swap3A_379] {strides = array<i32>} : memref<80x128xf32, #tpu.memory_space<vmem>>, vector<16xf32>,
          tpu.vector_store %arg12[%swap3A_378, %swap3A_379], %mul3A_377 {strides = array<i32>} : memref<80x128xf32, #tpu.memory_space<vmem>>, vector<16xf32>,
          %get3A_381 = arith.index_cast %add3A_370 : i32 to index
          %get3A_382 = arith.constant 16 : index
          %get3A_383 = tpu.vector_load %arg12[%get3A_381, %get3A_382] {strides = array<i32>} : memref<80x128xf32, #tpu.memory_space<vmem>>, vector<16xf32>,
          %mul3A_384 = vector.broadcast %squeeze3A_372 : f32 to vector<16xf32>
          %mul3A_385 = arith.mulf %get3A_383, %mul3A_384 : vector<16xf32>
          %swap3A_386 = arith.index_cast %add3A_370 : i32 to index
          %swap3A_387 = arith.constant 16 : index
          %swap3A_388 = tpu.vector_load %arg12[%swap3A_386, %swap3A_387] {strides = array<i32>} : memref<80x128xf32, #tpu.memory_space<vmem>>, vector<16xf32>,
          tpu.vector_store %arg12[%swap3A_386, %swap3A_387], %mul3A_385 {strides = array<i32>} : memref<80x128xf32, #tpu.memory_space<vmem>>, vector<16xf32>,
          %slice3A_389 = vector.extract_strided_slice %get3A_141 {offsets = [13], sizes = [1], strides = [1]} : vector<16xf32> to vector<1xf32>
          %squeeze3A_390 = vector.extract %slice3A_389[0] : f32 from vector<1xf32>
          %get3A_391 = arith.index_cast %add3A_370 : i32 to index
          %get3A_392 = arith.constant 32 : index
          %get3A_393 = tpu.vector_load %arg12[%get3A_391, %get3A_392] {strides = array<i32>} : memref<80x128xf32, #tpu.memory_space<vmem>>, vector<16xf32>,
          %mul3A_394 = vector.broadcast %squeeze3A_390 : f32 to vector<16xf32>
          %mul3A_395 = arith.mulf %get3A_393, %mul3A_394 : vector<16xf32>
          %swap3A_396 = arith.index_cast %add3A_370 : i32 to index
          %swap3A_397 = arith.constant 32 : index
          %swap3A_398 = tpu.vector_load %arg12[%swap3A_396, %swap3A_397] {strides = array<i32>} : memref<80x128xf32, #tpu.memory_space<vmem>>, vector<16xf32>,
          tpu.vector_store %arg12[%swap3A_396, %swap3A_397], %mul3A_395 {strides = array<i32>} : memref<80x128xf32, #tpu.memory_space<vmem>>, vector<16xf32>,
          %get3A_399 = arith.index_cast %add3A_370 : i32 to index
          %get3A_400 = arith.constant 48 : index
          %get3A_401 = tpu.vector_load %arg12[%get3A_399, %get3A_400] {strides = array<i32>} : memref<80x128xf32, #tpu.memory_space<vmem>>, vector<16xf32>,
          %mul3A_402 = vector.broadcast %squeeze3A_390 : f32 to vector<16xf32>
          %mul3A_403 = arith.mulf %get3A_401, %mul3A_402 : vector<16xf32>
          %swap3A_404 = arith.index_cast %add3A_370 : i32 to index
          %swap3A_405 = arith.constant 48 : index
          %swap3A_406 = tpu.vector_load %arg12[%swap3A_404, %swap3A_405] {strides = array<i32>} : memref<80x128xf32, #tpu.memory_space<vmem>>, vector<16xf32>,
          tpu.vector_store %arg12[%swap3A_404, %swap3A_405], %mul3A_403 {strides = array<i32>} : memref<80x128xf32, #tpu.memory_space<vmem>>, vector<16xf32>,
          %slice3A_407 = vector.extract_strided_slice %get3A_141 {offsets = [14], sizes = [1], strides = [1]} : vector<16xf32> to vector<1xf32>
          %squeeze3A_408 = vector.extract %slice3A_407[0] : f32 from vector<1xf32>
          %get3A_409 = arith.index_cast %add3A_370 : i32 to index
          %get3A_410 = arith.constant 64 : index
          %get3A_411 = tpu.vector_load %arg12[%get3A_409, %get3A_410] {strides = array<i32>} : memref<80x128xf32, #tpu.memory_space<vmem>>, vector<16xf32>,
          %mul3A_412 = vector.broadcast %squeeze3A_408 : f32 to vector<16xf32>
          %mul3A_413 = arith.mulf %get3A_411, %mul3A_412 : vector<16xf32>
          %swap3A_414 = arith.index_cast %add3A_370 : i32 to index
          %swap3A_415 = arith.constant 64 : index
          %swap3A_416 = tpu.vector_load %arg12[%swap3A_414, %swap3A_415] {strides = array<i32>} : memref<80x128xf32, #tpu.memory_space<vmem>>, vector<16xf32>,
          tpu.vector_store %arg12[%swap3A_414, %swap3A_415], %mul3A_413 {strides = array<i32>} : memref<80x128xf32, #tpu.memory_space<vmem>>, vector<16xf32>,
          %get3A_417 = arith.index_cast %add3A_370 : i32 to index
          %get3A_418 = arith.constant 80 : index
          %get3A_419 = tpu.vector_load %arg12[%get3A_417, %get3A_418] {strides = array<i32>} : memref<80x128xf32, #tpu.memory_space<vmem>>, vector<16xf32>,
          %mul3A_420 = vector.broadcast %squeeze3A_408 : f32 to vector<16xf32>
          %mul3A_421 = arith.mulf %get3A_419, %mul3A_420 : vector<16xf32>
          %swap3A_422 = arith.index_cast %add3A_370 : i32 to index
          %swap3A_423 = arith.constant 80 : index
          %swap3A_424 = tpu.vector_load %arg12[%swap3A_422, %swap3A_423] {strides = array<i32>} : memref<80x128xf32, #tpu.memory_space<vmem>>, vector<16xf32>,
          tpu.vector_store %arg12[%swap3A_422, %swap3A_423], %mul3A_421 {strides = array<i32>} : memref<80x128xf32, #tpu.memory_space<vmem>>, vector<16xf32>,
          %slice3A_425 = vector.extract_strided_slice %get3A_141 {offsets = [15], sizes = [1], strides = [1]} : vector<16xf32> to vector<1xf32>
          %squeeze3A_426 = vector.extract %slice3A_425[0] : f32 from vector<1xf32>
          %get3A_427 = arith.index_cast %add3A_370 : i32 to index
          %get3A_428 = arith.constant 96 : index
          %get3A_429 = tpu.vector_load %arg12[%get3A_427, %get3A_428] {strides = array<i32>} : memref<80x128xf32, #tpu.memory_space<vmem>>, vector<16xf32>,
          %mul3A_430 = vector.broadcast %squeeze3A_426 : f32 to vector<16xf32>
          %mul3A_431 = arith.mulf %get3A_429, %mul3A_430 : vector<16xf32>
          %swap3A_432 = arith.index_cast %add3A_370 : i32 to index
          %swap3A_433 = arith.constant 96 : index
          %swap3A_434 = tpu.vector_load %arg12[%swap3A_432, %swap3A_433] {strides = array<i32>} : memref<80x128xf32, #tpu.memory_space<vmem>>, vector<16xf32>,
          tpu.vector_store %arg12[%swap3A_432, %swap3A_433], %mul3A_431 {strides = array<i32>} : memref<80x128xf32, #tpu.memory_space<vmem>>, vector<16xf32>,
          %get3A_435 = arith.index_cast %add3A_370 : i32 to index
          %get3A_436 = arith.constant 112 : index
          %get3A_437 = tpu.vector_load %arg12[%get3A_435, %get3A_436] {strides = array<i32>} : memref<80x128xf32, #tpu.memory_space<vmem>>, vector<16xf32>,
          %mul3A_438 = vector.broadcast %squeeze3A_426 : f32 to vector<16xf32>
          %mul3A_439 = arith.mulf %get3A_437, %mul3A_438 : vector<16xf32>
          %swap3A_440 = arith.index_cast %add3A_370 : i32 to index
          %swap3A_441 = arith.constant 112 : index
          %swap3A_442 = tpu.vector_load %arg12[%swap3A_440, %swap3A_441] {strides = array<i32>} : memref<80x128xf32, #tpu.memory_space<vmem>>, vector<16xf32>,
          tpu.vector_store %arg12[%swap3A_440, %swap3A_441], %mul3A_439 {strides = array<i32>} : memref<80x128xf32, #tpu.memory_space<vmem>>, vector<16xf32>,
          %scan3A_443 = arith.constant 0 : i32
          scf.yield %scan3A_443 : i32
        }
        %scan3A_135 = arith.constant 20 : i32
        "tpu.region"() ({
          %run_scoped3A = tpu.sem_alloc : memref<!tpu.dma_semaphore, #tpu.memory_space<semaphore_mem>>
          %dma_start3A_137 = arith.constant 0 : i32
          %dma_start3A_138 = arith.constant 0 : i32
          %dma_start3A_139 = tpu.memref_slice %arg13[%dma_start3A_137, %dma_start3A_138] : memref<10000x128xf32, #tpu.memory_space<vmem_shared>> -> memref<10000x128xf32, #tpu.memory_space<vmem_shared>>
          tpu.enqueue_indirect_dma source(%arg12 : memref<80x128xf32, #tpu.memory_space<vmem>>) target(%dma_start3A_139 : memref<10000x128xf32, #tpu.memory_space<vmem_shared>>) offsets(%arg9 : memref<80xi32, #tpu.memory_space<vmem>>) semaphore(%run_scoped3A : memref<!tpu.dma_semaphore, #tpu.memory_space<semaphore_mem>>) {add = true}
          %dma_wait3A_140 = arith.constant 0 : i32
          %dma_wait3A_141 = arith.constant 0 : i32
          %dma_wait3A_142 = tpu.memref_slice %arg13[%dma_wait3A_140, %dma_wait3A_141] : memref<10000x128xf32, #tpu.memory_space<vmem_shared>> -> memref<10000x128xf32, #tpu.memory_space<vmem_shared>>
          tpu.wait_indirect_dma semaphore(%run_scoped3A : memref<!tpu.dma_semaphore, #tpu.memory_space<semaphore_mem>>) src(%arg12 : memref<80x128xf32, #tpu.memory_space<vmem>>) dst(%dma_wait3A_142 : memref<10000x128xf32, #tpu.memory_space<vmem_shared>>)
          tpu.yield
        }) : () -> ()
        %scan3A_136 = arith.constant 0 : i32
        scf.yield %scan3A_136 : i32
      }
      %scan3A_50 = arith.constant 250 : i32
      %barrier3A_51 = arith.constant 0 : index
      tpu.barrier barrier_id(%barrier3A_51)
      %mul3A_52 = arith.constant 625 : i32
      %mul3A_53 = arith.muli %arg1, %mul3A_52 : i32
      %add3A_54 = arith.constant 0 : i32
      %add3A_55 = arith.addi %mul3A_53, %add3A_54 : i32
      "tpu.region"() ({
        %run_scoped3A = tpu.sem_alloc : memref<!tpu.dma_semaphore, #tpu.memory_space<semaphore_mem>>
        %dma_start3A = arith.constant 0 : i32
        %dma_start3A_116 = tpu.memref_slice %arg13[%add3A_55, %dma_start3A] : memref<10000x128xf32, #tpu.memory_space<vmem_shared>> -> memref<80x128xf32, #tpu.memory_space<vmem_shared>>
        %dma_start3A_117 = arith.constant 0 : i32
        %dma_start3A_118 = tpu.memref_slice %arg13[%add3A_55, %dma_start3A_117] : memref<10000x128xf32, #tpu.memory_space<vmem_shared>> -> memref<80x128xf32, #tpu.memory_space<vmem_shared>>
        tpu.enqueue_dma source(%dma_start3A_118 : memref<80x128xf32, #tpu.memory_space<vmem_shared>>) target(%arg12 : memref<80x128xf32, #tpu.memory_space<vmem>>) target_semaphore(%run_scoped3A : memref<!tpu.dma_semaphore, #tpu.memory_space<semaphore_mem>>)
        %dma_wait3A = arith.constant 0 : i32
        %dma_wait3A_119 = tpu.memref_slice %arg13[%add3A_55, %dma_wait3A] : memref<10000x128xf32, #tpu.memory_space<vmem_shared>> -> memref<80x128xf32, #tpu.memory_space<vmem_shared>>
        %dma_wait3A_120 = arith.constant 0 : i32
        %dma_wait3A_121 = tpu.memref_slice %arg13[%add3A_55, %dma_wait3A_120] : memref<10000x128xf32, #tpu.memory_space<vmem_shared>> -> memref<80x128xf32, #tpu.memory_space<vmem_shared>>
        tpu.wait_dma2 semaphore(%run_scoped3A : memref<!tpu.dma_semaphore, #tpu.memory_space<semaphore_mem>>) src(%dma_wait3A_121 : memref<80x128xf32, #tpu.memory_space<vmem_shared>>) dst(%arg12 : memref<80x128xf32, #tpu.memory_space<vmem>>)
        tpu.yield
      }) : () -> ()
      %mul3A_56 = arith.constant 625 : i32
      %mul3A_57 = arith.muli %arg1, %mul3A_56 : i32
      %add3A_58 = arith.constant 0 : i32
      %add3A_59 = arith.addi %mul3A_57, %add3A_58 : i32
      "tpu.region"() ({
        %run_scoped3A = tpu.sem_alloc : memref<!tpu.dma_semaphore, #tpu.memory_space<semaphore_mem>>
        %dma_start3A = arith.constant 0 : i32
        %dma_start3A_116 = tpu.memref_slice %arg7[%add3A_59, %dma_start3A] : memref<10000x128xf32, #tpu.memory_space<hbm>> -> memref<80x128xf32, #tpu.memory_space<hbm>>
        %dma_start3A_117 = arith.constant 0 : i32
        %dma_start3A_118 = tpu.memref_slice %arg7[%add3A_59, %dma_start3A_117] : memref<10000x128xf32, #tpu.memory_space<hbm>> -> memref<80x128xf32, #tpu.memory_space<hbm>>
        tpu.enqueue_dma source(%arg12 : memref<80x128xf32, #tpu.memory_space<vmem>>) target(%dma_start3A_118 : memref<80x128xf32, #tpu.memory_space<hbm>>) target_semaphore(%run_scoped3A : memref<!tpu.dma_semaphore, #tpu.memory_space<semaphore_mem>>)
        %dma_wait3A = arith.constant 0 : i32
        %dma_wait3A_119 = tpu.memref_slice %arg7[%add3A_59, %dma_wait3A] : memref<10000x128xf32, #tpu.memory_space<hbm>> -> memref<80x128xf32, #tpu.memory_space<hbm>>
        %dma_wait3A_120 = arith.constant 0 : i32
        %dma_wait3A_121 = tpu.memref_slice %arg7[%add3A_59, %dma_wait3A_120] : memref<10000x128xf32, #tpu.memory_space<hbm>> -> memref<80x128xf32, #tpu.memory_space<hbm>>
        tpu.wait_dma2 semaphore(%run_scoped3A : memref<!tpu.dma_semaphore, #tpu.memory_space<semaphore_mem>>) src(%arg12 : memref<80x128xf32, #tpu.memory_space<vmem>>) dst(%dma_wait3A_121 : memref<80x128xf32, #tpu.memory_space<hbm>>)
        tpu.yield
      }) : () -> ()
      %mul3A_60 = arith.constant 625 : i32
      %mul3A_61 = arith.muli %arg1, %mul3A_60 : i32
      %add3A_62 = arith.constant 80 : i32
      %add3A_63 = arith.addi %mul3A_61, %add3A_62 : i32
      "tpu.region"() ({
        %run_scoped3A = tpu.sem_alloc : memref<!tpu.dma_semaphore, #tpu.memory_space<semaphore_mem>>
        %dma_start3A = arith.constant 0 : i32
        %dma_start3A_116 = tpu.memref_slice %arg13[%add3A_63, %dma_start3A] : memref<10000x128xf32, #tpu.memory_space<vmem_shared>> -> memref<80x128xf32, #tpu.memory_space<vmem_shared>>
        %dma_start3A_117 = arith.constant 0 : i32
        %dma_start3A_118 = tpu.memref_slice %arg13[%add3A_63, %dma_start3A_117] : memref<10000x128xf32, #tpu.memory_space<vmem_shared>> -> memref<80x128xf32, #tpu.memory_space<vmem_shared>>
        tpu.enqueue_dma source(%dma_start3A_118 : memref<80x128xf32, #tpu.memory_space<vmem_shared>>) target(%arg12 : memref<80x128xf32, #tpu.memory_space<vmem>>) target_semaphore(%run_scoped3A : memref<!tpu.dma_semaphore, #tpu.memory_space<semaphore_mem>>)
        %dma_wait3A = arith.constant 0 : i32
        %dma_wait3A_119 = tpu.memref_slice %arg13[%add3A_63, %dma_wait3A] : memref<10000x128xf32, #tpu.memory_space<vmem_shared>> -> memref<80x128xf32, #tpu.memory_space<vmem_shared>>
        %dma_wait3A_120 = arith.constant 0 : i32
        %dma_wait3A_121 = tpu.memref_slice %arg13[%add3A_63, %dma_wait3A_120] : memref<10000x128xf32, #tpu.memory_space<vmem_shared>> -> memref<80x128xf32, #tpu.memory_space<vmem_shared>>
        tpu.wait_dma2 semaphore(%run_scoped3A : memref<!tpu.dma_semaphore, #tpu.memory_space<semaphore_mem>>) src(%dma_wait3A_121 : memref<80x128xf32, #tpu.memory_space<vmem_shared>>) dst(%arg12 : memref<80x128xf32, #tpu.memory_space<vmem>>)
        tpu.yield
      }) : () -> ()
      %mul3A_64 = arith.constant 625 : i32
      %mul3A_65 = arith.muli %arg1, %mul3A_64 : i32
      %add3A_66 = arith.constant 80 : i32
      %add3A_67 = arith.addi %mul3A_65, %add3A_66 : i32
      "tpu.region"() ({
        %run_scoped3A = tpu.sem_alloc : memref<!tpu.dma_semaphore, #tpu.memory_space<semaphore_mem>>
        %dma_start3A = arith.constant 0 : i32
        %dma_start3A_116 = tpu.memref_slice %arg7[%add3A_67, %dma_start3A] : memref<10000x128xf32, #tpu.memory_space<hbm>> -> memref<80x128xf32, #tpu.memory_space<hbm>>
        %dma_start3A_117 = arith.constant 0 : i32
        %dma_start3A_118 = tpu.memref_slice %arg7[%add3A_67, %dma_start3A_117] : memref<10000x128xf32, #tpu.memory_space<hbm>> -> memref<80x128xf32, #tpu.memory_space<hbm>>
        tpu.enqueue_dma source(%arg12 : memref<80x128xf32, #tpu.memory_space<vmem>>) target(%dma_start3A_118 : memref<80x128xf32, #tpu.memory_space<hbm>>) target_semaphore(%run_scoped3A : memref<!tpu.dma_semaphore, #tpu.memory_space<semaphore_mem>>)
        %dma_wait3A = arith.constant 0 : i32
        %dma_wait3A_119 = tpu.memref_slice %arg7[%add3A_67, %dma_wait3A] : memref<10000x128xf32, #tpu.memory_space<hbm>> -> memref<80x128xf32, #tpu.memory_space<hbm>>
        %dma_wait3A_120 = arith.constant 0 : i32
        %dma_wait3A_121 = tpu.memref_slice %arg7[%add3A_67, %dma_wait3A_120] : memref<10000x128xf32, #tpu.memory_space<hbm>> -> memref<80x128xf32, #tpu.memory_space<hbm>>
        tpu.wait_dma2 semaphore(%run_scoped3A : memref<!tpu.dma_semaphore, #tpu.memory_space<semaphore_mem>>) src(%arg12 : memref<80x128xf32, #tpu.memory_space<vmem>>) dst(%dma_wait3A_121 : memref<80x128xf32, #tpu.memory_space<hbm>>)
        tpu.yield
      }) : () -> ()
      %mul3A_68 = arith.constant 625 : i32
      %mul3A_69 = arith.muli %arg1, %mul3A_68 : i32
      %add3A_70 = arith.constant 160 : i32
      %add3A_71 = arith.addi %mul3A_69, %add3A_70 : i32
      "tpu.region"() ({
        %run_scoped3A = tpu.sem_alloc : memref<!tpu.dma_semaphore, #tpu.memory_space<semaphore_mem>>
        %dma_start3A = arith.constant 0 : i32
        %dma_start3A_116 = tpu.memref_slice %arg13[%add3A_71, %dma_start3A] : memref<10000x128xf32, #tpu.memory_space<vmem_shared>> -> memref<80x128xf32, #tpu.memory_space<vmem_shared>>
        %dma_start3A_117 = arith.constant 0 : i32
        %dma_start3A_118 = tpu.memref_slice %arg13[%add3A_71, %dma_start3A_117] : memref<10000x128xf32, #tpu.memory_space<vmem_shared>> -> memref<80x128xf32, #tpu.memory_space<vmem_shared>>
        tpu.enqueue_dma source(%dma_start3A_118 : memref<80x128xf32, #tpu.memory_space<vmem_shared>>) target(%arg12 : memref<80x128xf32, #tpu.memory_space<vmem>>) target_semaphore(%run_scoped3A : memref<!tpu.dma_semaphore, #tpu.memory_space<semaphore_mem>>)
        %dma_wait3A = arith.constant 0 : i32
        %dma_wait3A_119 = tpu.memref_slice %arg13[%add3A_71, %dma_wait3A] : memref<10000x128xf32, #tpu.memory_space<vmem_shared>> -> memref<80x128xf32, #tpu.memory_space<vmem_shared>>
        %dma_wait3A_120 = arith.constant 0 : i32
        %dma_wait3A_121 = tpu.memref_slice %arg13[%add3A_71, %dma_wait3A_120] : memref<10000x128xf32, #tpu.memory_space<vmem_shared>> -> memref<80x128xf32, #tpu.memory_space<vmem_shared>>
        tpu.wait_dma2 semaphore(%run_scoped3A : memref<!tpu.dma_semaphore, #tpu.memory_space<semaphore_mem>>) src(%dma_wait3A_121 : memref<80x128xf32, #tpu.memory_space<vmem_shared>>) dst(%arg12 : memref<80x128xf32, #tpu.memory_space<vmem>>)
        tpu.yield
      }) : () -> ()
      %mul3A_72 = arith.constant 625 : i32
      %mul3A_73 = arith.muli %arg1, %mul3A_72 : i32
      %add3A_74 = arith.constant 160 : i32
      %add3A_75 = arith.addi %mul3A_73, %add3A_74 : i32
      "tpu.region"() ({
        %run_scoped3A = tpu.sem_alloc : memref<!tpu.dma_semaphore, #tpu.memory_space<semaphore_mem>>
        %dma_start3A = arith.constant 0 : i32
        %dma_start3A_116 = tpu.memref_slice %arg7[%add3A_75, %dma_start3A] : memref<10000x128xf32, #tpu.memory_space<hbm>> -> memref<80x128xf32, #tpu.memory_space<hbm>>
        %dma_start3A_117 = arith.constant 0 : i32
        %dma_start3A_118 = tpu.memref_slice %arg7[%add3A_75, %dma_start3A_117] : memref<10000x128xf32, #tpu.memory_space<hbm>> -> memref<80x128xf32, #tpu.memory_space<hbm>>
        tpu.enqueue_dma source(%arg12 : memref<80x128xf32, #tpu.memory_space<vmem>>) target(%dma_start3A_118 : memref<80x128xf32, #tpu.memory_space<hbm>>) target_semaphore(%run_scoped3A : memref<!tpu.dma_semaphore, #tpu.memory_space<semaphore_mem>>)
        %dma_wait3A = arith.constant 0 : i32
        %dma_wait3A_119 = tpu.memref_slice %arg7[%add3A_75, %dma_wait3A] : memref<10000x128xf32, #tpu.memory_space<hbm>> -> memref<80x128xf32, #tpu.memory_space<hbm>>
        %dma_wait3A_120 = arith.constant 0 : i32
        %dma_wait3A_121 = tpu.memref_slice %arg7[%add3A_75, %dma_wait3A_120] : memref<10000x128xf32, #tpu.memory_space<hbm>> -> memref<80x128xf32, #tpu.memory_space<hbm>>
        tpu.wait_dma2 semaphore(%run_scoped3A : memref<!tpu.dma_semaphore, #tpu.memory_space<semaphore_mem>>) src(%arg12 : memref<80x128xf32, #tpu.memory_space<vmem>>) dst(%dma_wait3A_121 : memref<80x128xf32, #tpu.memory_space<hbm>>)
        tpu.yield
      }) : () -> ()
      %mul3A_76 = arith.constant 625 : i32
      %mul3A_77 = arith.muli %arg1, %mul3A_76 : i32
      %add3A_78 = arith.constant 240 : i32
      %add3A_79 = arith.addi %mul3A_77, %add3A_78 : i32
      "tpu.region"() ({
        %run_scoped3A = tpu.sem_alloc : memref<!tpu.dma_semaphore, #tpu.memory_space<semaphore_mem>>
        %dma_start3A = arith.constant 0 : i32
        %dma_start3A_116 = tpu.memref_slice %arg13[%add3A_79, %dma_start3A] : memref<10000x128xf32, #tpu.memory_space<vmem_shared>> -> memref<80x128xf32, #tpu.memory_space<vmem_shared>>
        %dma_start3A_117 = arith.constant 0 : i32
        %dma_start3A_118 = tpu.memref_slice %arg13[%add3A_79, %dma_start3A_117] : memref<10000x128xf32, #tpu.memory_space<vmem_shared>> -> memref<80x128xf32, #tpu.memory_space<vmem_shared>>
        tpu.enqueue_dma source(%dma_start3A_118 : memref<80x128xf32, #tpu.memory_space<vmem_shared>>) target(%arg12 : memref<80x128xf32, #tpu.memory_space<vmem>>) target_semaphore(%run_scoped3A : memref<!tpu.dma_semaphore, #tpu.memory_space<semaphore_mem>>)
        %dma_wait3A = arith.constant 0 : i32
        %dma_wait3A_119 = tpu.memref_slice %arg13[%add3A_79, %dma_wait3A] : memref<10000x128xf32, #tpu.memory_space<vmem_shared>> -> memref<80x128xf32, #tpu.memory_space<vmem_shared>>
        %dma_wait3A_120 = arith.constant 0 : i32
        %dma_wait3A_121 = tpu.memref_slice %arg13[%add3A_79, %dma_wait3A_120] : memref<10000x128xf32, #tpu.memory_space<vmem_shared>> -> memref<80x128xf32, #tpu.memory_space<vmem_shared>>
        tpu.wait_dma2 semaphore(%run_scoped3A : memref<!tpu.dma_semaphore, #tpu.memory_space<semaphore_mem>>) src(%dma_wait3A_121 : memref<80x128xf32, #tpu.memory_space<vmem_shared>>) dst(%arg12 : memref<80x128xf32, #tpu.memory_space<vmem>>)
        tpu.yield
      }) : () -> ()
      %mul3A_80 = arith.constant 625 : i32
      %mul3A_81 = arith.muli %arg1, %mul3A_80 : i32
      %add3A_82 = arith.constant 240 : i32
      %add3A_83 = arith.addi %mul3A_81, %add3A_82 : i32
      "tpu.region"() ({
        %run_scoped3A = tpu.sem_alloc : memref<!tpu.dma_semaphore, #tpu.memory_space<semaphore_mem>>
        %dma_start3A = arith.constant 0 : i32
        %dma_start3A_116 = tpu.memref_slice %arg7[%add3A_83, %dma_start3A] : memref<10000x128xf32, #tpu.memory_space<hbm>> -> memref<80x128xf32, #tpu.memory_space<hbm>>
        %dma_start3A_117 = arith.constant 0 : i32
        %dma_start3A_118 = tpu.memref_slice %arg7[%add3A_83, %dma_start3A_117] : memref<10000x128xf32, #tpu.memory_space<hbm>> -> memref<80x128xf32, #tpu.memory_space<hbm>>
        tpu.enqueue_dma source(%arg12 : memref<80x128xf32, #tpu.memory_space<vmem>>) target(%dma_start3A_118 : memref<80x128xf32, #tpu.memory_space<hbm>>) target_semaphore(%run_scoped3A : memref<!tpu.dma_semaphore, #tpu.memory_space<semaphore_mem>>)
        %dma_wait3A = arith.constant 0 : i32
        %dma_wait3A_119 = tpu.memref_slice %arg7[%add3A_83, %dma_wait3A] : memref<10000x128xf32, #tpu.memory_space<hbm>> -> memref<80x128xf32, #tpu.memory_space<hbm>>
        %dma_wait3A_120 = arith.constant 0 : i32
        %dma_wait3A_121 = tpu.memref_slice %arg7[%add3A_83, %dma_wait3A_120] : memref<10000x128xf32, #tpu.memory_space<hbm>> -> memref<80x128xf32, #tpu.memory_space<hbm>>
        tpu.wait_dma2 semaphore(%run_scoped3A : memref<!tpu.dma_semaphore, #tpu.memory_space<semaphore_mem>>) src(%arg12 : memref<80x128xf32, #tpu.memory_space<vmem>>) dst(%dma_wait3A_121 : memref<80x128xf32, #tpu.memory_space<hbm>>)
        tpu.yield
      }) : () -> ()
      %mul3A_84 = arith.constant 625 : i32
      %mul3A_85 = arith.muli %arg1, %mul3A_84 : i32
      %add3A_86 = arith.constant 320 : i32
      %add3A_87 = arith.addi %mul3A_85, %add3A_86 : i32
      "tpu.region"() ({
        %run_scoped3A = tpu.sem_alloc : memref<!tpu.dma_semaphore, #tpu.memory_space<semaphore_mem>>
        %dma_start3A = arith.constant 0 : i32
        %dma_start3A_116 = tpu.memref_slice %arg13[%add3A_87, %dma_start3A] : memref<10000x128xf32, #tpu.memory_space<vmem_shared>> -> memref<80x128xf32, #tpu.memory_space<vmem_shared>>
        %dma_start3A_117 = arith.constant 0 : i32
        %dma_start3A_118 = tpu.memref_slice %arg13[%add3A_87, %dma_start3A_117] : memref<10000x128xf32, #tpu.memory_space<vmem_shared>> -> memref<80x128xf32, #tpu.memory_space<vmem_shared>>
        tpu.enqueue_dma source(%dma_start3A_118 : memref<80x128xf32, #tpu.memory_space<vmem_shared>>) target(%arg12 : memref<80x128xf32, #tpu.memory_space<vmem>>) target_semaphore(%run_scoped3A : memref<!tpu.dma_semaphore, #tpu.memory_space<semaphore_mem>>)
        %dma_wait3A = arith.constant 0 : i32
        %dma_wait3A_119 = tpu.memref_slice %arg13[%add3A_87, %dma_wait3A] : memref<10000x128xf32, #tpu.memory_space<vmem_shared>> -> memref<80x128xf32, #tpu.memory_space<vmem_shared>>
        %dma_wait3A_120 = arith.constant 0 : i32
        %dma_wait3A_121 = tpu.memref_slice %arg13[%add3A_87, %dma_wait3A_120] : memref<10000x128xf32, #tpu.memory_space<vmem_shared>> -> memref<80x128xf32, #tpu.memory_space<vmem_shared>>
        tpu.wait_dma2 semaphore(%run_scoped3A : memref<!tpu.dma_semaphore, #tpu.memory_space<semaphore_mem>>) src(%dma_wait3A_121 : memref<80x128xf32, #tpu.memory_space<vmem_shared>>) dst(%arg12 : memref<80x128xf32, #tpu.memory_space<vmem>>)
        tpu.yield
      }) : () -> ()
      %mul3A_88 = arith.constant 625 : i32
      %mul3A_89 = arith.muli %arg1, %mul3A_88 : i32
      %add3A_90 = arith.constant 320 : i32
      %add3A_91 = arith.addi %mul3A_89, %add3A_90 : i32
      "tpu.region"() ({
        %run_scoped3A = tpu.sem_alloc : memref<!tpu.dma_semaphore, #tpu.memory_space<semaphore_mem>>
        %dma_start3A = arith.constant 0 : i32
        %dma_start3A_116 = tpu.memref_slice %arg7[%add3A_91, %dma_start3A] : memref<10000x128xf32, #tpu.memory_space<hbm>> -> memref<80x128xf32, #tpu.memory_space<hbm>>
        %dma_start3A_117 = arith.constant 0 : i32
        %dma_start3A_118 = tpu.memref_slice %arg7[%add3A_91, %dma_start3A_117] : memref<10000x128xf32, #tpu.memory_space<hbm>> -> memref<80x128xf32, #tpu.memory_space<hbm>>
        tpu.enqueue_dma source(%arg12 : memref<80x128xf32, #tpu.memory_space<vmem>>) target(%dma_start3A_118 : memref<80x128xf32, #tpu.memory_space<hbm>>) target_semaphore(%run_scoped3A : memref<!tpu.dma_semaphore, #tpu.memory_space<semaphore_mem>>)
        %dma_wait3A = arith.constant 0 : i32
        %dma_wait3A_119 = tpu.memref_slice %arg7[%add3A_91, %dma_wait3A] : memref<10000x128xf32, #tpu.memory_space<hbm>> -> memref<80x128xf32, #tpu.memory_space<hbm>>
        %dma_wait3A_120 = arith.constant 0 : i32
        %dma_wait3A_121 = tpu.memref_slice %arg7[%add3A_91, %dma_wait3A_120] : memref<10000x128xf32, #tpu.memory_space<hbm>> -> memref<80x128xf32, #tpu.memory_space<hbm>>
        tpu.wait_dma2 semaphore(%run_scoped3A : memref<!tpu.dma_semaphore, #tpu.memory_space<semaphore_mem>>) src(%arg12 : memref<80x128xf32, #tpu.memory_space<vmem>>) dst(%dma_wait3A_121 : memref<80x128xf32, #tpu.memory_space<hbm>>)
        tpu.yield
      }) : () -> ()
      %mul3A_92 = arith.constant 625 : i32
      %mul3A_93 = arith.muli %arg1, %mul3A_92 : i32
      %add3A_94 = arith.constant 400 : i32
      %add3A_95 = arith.addi %mul3A_93, %add3A_94 : i32
      "tpu.region"() ({
        %run_scoped3A = tpu.sem_alloc : memref<!tpu.dma_semaphore, #tpu.memory_space<semaphore_mem>>
        %dma_start3A = arith.constant 0 : i32
        %dma_start3A_116 = tpu.memref_slice %arg13[%add3A_95, %dma_start3A] : memref<10000x128xf32, #tpu.memory_space<vmem_shared>> -> memref<80x128xf32, #tpu.memory_space<vmem_shared>>
        %dma_start3A_117 = arith.constant 0 : i32
        %dma_start3A_118 = tpu.memref_slice %arg13[%add3A_95, %dma_start3A_117] : memref<10000x128xf32, #tpu.memory_space<vmem_shared>> -> memref<80x128xf32, #tpu.memory_space<vmem_shared>>
        tpu.enqueue_dma source(%dma_start3A_118 : memref<80x128xf32, #tpu.memory_space<vmem_shared>>) target(%arg12 : memref<80x128xf32, #tpu.memory_space<vmem>>) target_semaphore(%run_scoped3A : memref<!tpu.dma_semaphore, #tpu.memory_space<semaphore_mem>>)
        %dma_wait3A = arith.constant 0 : i32
        %dma_wait3A_119 = tpu.memref_slice %arg13[%add3A_95, %dma_wait3A] : memref<10000x128xf32, #tpu.memory_space<vmem_shared>> -> memref<80x128xf32, #tpu.memory_space<vmem_shared>>
        %dma_wait3A_120 = arith.constant 0 : i32
        %dma_wait3A_121 = tpu.memref_slice %arg13[%add3A_95, %dma_wait3A_120] : memref<10000x128xf32, #tpu.memory_space<vmem_shared>> -> memref<80x128xf32, #tpu.memory_space<vmem_shared>>
        tpu.wait_dma2 semaphore(%run_scoped3A : memref<!tpu.dma_semaphore, #tpu.memory_space<semaphore_mem>>) src(%dma_wait3A_121 : memref<80x128xf32, #tpu.memory_space<vmem_shared>>) dst(%arg12 : memref<80x128xf32, #tpu.memory_space<vmem>>)
        tpu.yield
      }) : () -> ()
      %mul3A_96 = arith.constant 625 : i32
      %mul3A_97 = arith.muli %arg1, %mul3A_96 : i32
      %add3A_98 = arith.constant 400 : i32
      %add3A_99 = arith.addi %mul3A_97, %add3A_98 : i32
      "tpu.region"() ({
        %run_scoped3A = tpu.sem_alloc : memref<!tpu.dma_semaphore, #tpu.memory_space<semaphore_mem>>
        %dma_start3A = arith.constant 0 : i32
        %dma_start3A_116 = tpu.memref_slice %arg7[%add3A_99, %dma_start3A] : memref<10000x128xf32, #tpu.memory_space<hbm>> -> memref<80x128xf32, #tpu.memory_space<hbm>>
        %dma_start3A_117 = arith.constant 0 : i32
        %dma_start3A_118 = tpu.memref_slice %arg7[%add3A_99, %dma_start3A_117] : memref<10000x128xf32, #tpu.memory_space<hbm>> -> memref<80x128xf32, #tpu.memory_space<hbm>>
        tpu.enqueue_dma source(%arg12 : memref<80x128xf32, #tpu.memory_space<vmem>>) target(%dma_start3A_118 : memref<80x128xf32, #tpu.memory_space<hbm>>) target_semaphore(%run_scoped3A : memref<!tpu.dma_semaphore, #tpu.memory_space<semaphore_mem>>)
        %dma_wait3A = arith.constant 0 : i32
        %dma_wait3A_119 = tpu.memref_slice %arg7[%add3A_99, %dma_wait3A] : memref<10000x128xf32, #tpu.memory_space<hbm>> -> memref<80x128xf32, #tpu.memory_space<hbm>>
        %dma_wait3A_120 = arith.constant 0 : i32
        %dma_wait3A_121 = tpu.memref_slice %arg7[%add3A_99, %dma_wait3A_120] : memref<10000x128xf32, #tpu.memory_space<hbm>> -> memref<80x128xf32, #tpu.memory_space<hbm>>
        tpu.wait_dma2 semaphore(%run_scoped3A : memref<!tpu.dma_semaphore, #tpu.memory_space<semaphore_mem>>) src(%arg12 : memref<80x128xf32, #tpu.memory_space<vmem>>) dst(%dma_wait3A_121 : memref<80x128xf32, #tpu.memory_space<hbm>>)
        tpu.yield
      }) : () -> ()
      %mul3A_100 = arith.constant 625 : i32
      %mul3A_101 = arith.muli %arg1, %mul3A_100 : i32
      %add3A_102 = arith.constant 480 : i32
      %add3A_103 = arith.addi %mul3A_101, %add3A_102 : i32
      "tpu.region"() ({
        %run_scoped3A = tpu.sem_alloc : memref<!tpu.dma_semaphore, #tpu.memory_space<semaphore_mem>>
        %dma_start3A = arith.constant 0 : i32
        %dma_start3A_116 = tpu.memref_slice %arg13[%add3A_103, %dma_start3A] : memref<10000x128xf32, #tpu.memory_space<vmem_shared>> -> memref<80x128xf32, #tpu.memory_space<vmem_shared>>
        %dma_start3A_117 = arith.constant 0 : i32
        %dma_start3A_118 = tpu.memref_slice %arg13[%add3A_103, %dma_start3A_117] : memref<10000x128xf32, #tpu.memory_space<vmem_shared>> -> memref<80x128xf32, #tpu.memory_space<vmem_shared>>
        tpu.enqueue_dma source(%dma_start3A_118 : memref<80x128xf32, #tpu.memory_space<vmem_shared>>) target(%arg12 : memref<80x128xf32, #tpu.memory_space<vmem>>) target_semaphore(%run_scoped3A : memref<!tpu.dma_semaphore, #tpu.memory_space<semaphore_mem>>)
        %dma_wait3A = arith.constant 0 : i32
        %dma_wait3A_119 = tpu.memref_slice %arg13[%add3A_103, %dma_wait3A] : memref<10000x128xf32, #tpu.memory_space<vmem_shared>> -> memref<80x128xf32, #tpu.memory_space<vmem_shared>>
        %dma_wait3A_120 = arith.constant 0 : i32
        %dma_wait3A_121 = tpu.memref_slice %arg13[%add3A_103, %dma_wait3A_120] : memref<10000x128xf32, #tpu.memory_space<vmem_shared>> -> memref<80x128xf32, #tpu.memory_space<vmem_shared>>
        tpu.wait_dma2 semaphore(%run_scoped3A : memref<!tpu.dma_semaphore, #tpu.memory_space<semaphore_mem>>) src(%dma_wait3A_121 : memref<80x128xf32, #tpu.memory_space<vmem_shared>>) dst(%arg12 : memref<80x128xf32, #tpu.memory_space<vmem>>)
        tpu.yield
      }) : () -> ()
      %mul3A_104 = arith.constant 625 : i32
      %mul3A_105 = arith.muli %arg1, %mul3A_104 : i32
      %add3A_106 = arith.constant 480 : i32
      %add3A_107 = arith.addi %mul3A_105, %add3A_106 : i32
      "tpu.region"() ({
        %run_scoped3A = tpu.sem_alloc : memref<!tpu.dma_semaphore, #tpu.memory_space<semaphore_mem>>
        %dma_start3A = arith.constant 0 : i32
        %dma_start3A_116 = tpu.memref_slice %arg7[%add3A_107, %dma_start3A] : memref<10000x128xf32, #tpu.memory_space<hbm>> -> memref<80x128xf32, #tpu.memory_space<hbm>>
        %dma_start3A_117 = arith.constant 0 : i32
        %dma_start3A_118 = tpu.memref_slice %arg7[%add3A_107, %dma_start3A_117] : memref<10000x128xf32, #tpu.memory_space<hbm>> -> memref<80x128xf32, #tpu.memory_space<hbm>>
        tpu.enqueue_dma source(%arg12 : memref<80x128xf32, #tpu.memory_space<vmem>>) target(%dma_start3A_118 : memref<80x128xf32, #tpu.memory_space<hbm>>) target_semaphore(%run_scoped3A : memref<!tpu.dma_semaphore, #tpu.memory_space<semaphore_mem>>)
        %dma_wait3A = arith.constant 0 : i32
        %dma_wait3A_119 = tpu.memref_slice %arg7[%add3A_107, %dma_wait3A] : memref<10000x128xf32, #tpu.memory_space<hbm>> -> memref<80x128xf32, #tpu.memory_space<hbm>>
        %dma_wait3A_120 = arith.constant 0 : i32
        %dma_wait3A_121 = tpu.memref_slice %arg7[%add3A_107, %dma_wait3A_120] : memref<10000x128xf32, #tpu.memory_space<hbm>> -> memref<80x128xf32, #tpu.memory_space<hbm>>
        tpu.wait_dma2 semaphore(%run_scoped3A : memref<!tpu.dma_semaphore, #tpu.memory_space<semaphore_mem>>) src(%arg12 : memref<80x128xf32, #tpu.memory_space<vmem>>) dst(%dma_wait3A_121 : memref<80x128xf32, #tpu.memory_space<hbm>>)
        tpu.yield
      }) : () -> ()
      %mul3A_108 = arith.constant 625 : i32
      %mul3A_109 = arith.muli %arg1, %mul3A_108 : i32
      %add3A_110 = arith.constant 560 : i32
      %add3A_111 = arith.addi %mul3A_109, %add3A_110 : i32
      "tpu.region"() ({
        %run_scoped3A = tpu.sem_alloc : memref<!tpu.dma_semaphore, #tpu.memory_space<semaphore_mem>>
        %dma_start3A = arith.constant 0 : i32
        %dma_start3A_116 = arith.constant 0 : i32
        %dma_start3A_117 = tpu.memref_slice %arg12[%dma_start3A, %dma_start3A_116] : memref<80x128xf32, #tpu.memory_space<vmem>> -> memref<65x128xf32, #tpu.memory_space<vmem>>
        %dma_start3A_118 = arith.constant 0 : i32
        %dma_start3A_119 = tpu.memref_slice %arg13[%add3A_111, %dma_start3A_118] : memref<10000x128xf32, #tpu.memory_space<vmem_shared>> -> memref<65x128xf32, #tpu.memory_space<vmem_shared>>
        %dma_start3A_120 = arith.constant 0 : i32
        %dma_start3A_121 = arith.constant 0 : i32
        %dma_start3A_122 = tpu.memref_slice %arg12[%dma_start3A_120, %dma_start3A_121] : memref<80x128xf32, #tpu.memory_space<vmem>> -> memref<65x128xf32, #tpu.memory_space<vmem>>
        %dma_start3A_123 = arith.constant 0 : i32
        %dma_start3A_124 = tpu.memref_slice %arg13[%add3A_111, %dma_start3A_123] : memref<10000x128xf32, #tpu.memory_space<vmem_shared>> -> memref<65x128xf32, #tpu.memory_space<vmem_shared>>
        tpu.enqueue_dma source(%dma_start3A_124 : memref<65x128xf32, #tpu.memory_space<vmem_shared>>) target(%dma_start3A_122 : memref<65x128xf32, #tpu.memory_space<vmem>>) target_semaphore(%run_scoped3A : memref<!tpu.dma_semaphore, #tpu.memory_space<semaphore_mem>>)
        %dma_wait3A = arith.constant 0 : i32
        %dma_wait3A_125 = arith.constant 0 : i32
        %dma_wait3A_126 = tpu.memref_slice %arg12[%dma_wait3A, %dma_wait3A_125] : memref<80x128xf32, #tpu.memory_space<vmem>> -> memref<65x128xf32, #tpu.memory_space<vmem>>
        %dma_wait3A_127 = arith.constant 0 : i32
        %dma_wait3A_128 = tpu.memref_slice %arg13[%add3A_111, %dma_wait3A_127] : memref<10000x128xf32, #tpu.memory_space<vmem_shared>> -> memref<65x128xf32, #tpu.memory_space<vmem_shared>>
        %dma_wait3A_129 = arith.constant 0 : i32
        %dma_wait3A_130 = arith.constant 0 : i32
        %dma_wait3A_131 = tpu.memref_slice %arg12[%dma_wait3A_129, %dma_wait3A_130] : memref<80x128xf32, #tpu.memory_space<vmem>> -> memref<65x128xf32, #tpu.memory_space<vmem>>
        %dma_wait3A_132 = arith.constant 0 : i32
        %dma_wait3A_133 = tpu.memref_slice %arg13[%add3A_111, %dma_wait3A_132] : memref<10000x128xf32, #tpu.memory_space<vmem_shared>> -> memref<65x128xf32, #tpu.memory_space<vmem_shared>>
        tpu.wait_dma2 semaphore(%run_scoped3A : memref<!tpu.dma_semaphore, #tpu.memory_space<semaphore_mem>>) src(%dma_wait3A_133 : memref<65x128xf32, #tpu.memory_space<vmem_shared>>) dst(%dma_wait3A_131 : memref<65x128xf32, #tpu.memory_space<vmem>>)
        tpu.yield
      }) : () -> ()
      %mul3A_112 = arith.constant 625 : i32
      %mul3A_113 = arith.muli %arg1, %mul3A_112 : i32
      %add3A_114 = arith.constant 560 : i32
      %add3A_115 = arith.addi %mul3A_113, %add3A_114 : i32
      "tpu.region"() ({
        %run_scoped3A = tpu.sem_alloc : memref<!tpu.dma_semaphore, #tpu.memory_space<semaphore_mem>>
        %dma_start3A = arith.constant 0 : i32
        %dma_start3A_116 = arith.constant 0 : i32
        %dma_start3A_117 = tpu.memref_slice %arg12[%dma_start3A, %dma_start3A_116] : memref<80x128xf32, #tpu.memory_space<vmem>> -> memref<65x128xf32, #tpu.memory_space<vmem>>
        %dma_start3A_118 = arith.constant 0 : i32
        %dma_start3A_119 = tpu.memref_slice %arg7[%add3A_115, %dma_start3A_118] : memref<10000x128xf32, #tpu.memory_space<hbm>> -> memref<65x128xf32, #tpu.memory_space<hbm>>
        %dma_start3A_120 = arith.constant 0 : i32
        %dma_start3A_121 = tpu.memref_slice %arg7[%add3A_115, %dma_start3A_120] : memref<10000x128xf32, #tpu.memory_space<hbm>> -> memref<65x128xf32, #tpu.memory_space<hbm>>
        %dma_start3A_122 = arith.constant 0 : i32
        %dma_start3A_123 = arith.constant 0 : i32
        %dma_start3A_124 = tpu.memref_slice %arg12[%dma_start3A_122, %dma_start3A_123] : memref<80x128xf32, #tpu.memory_space<vmem>> -> memref<65x128xf32, #tpu.memory_space<vmem>>
        tpu.enqueue_dma source(%dma_start3A_124 : memref<65x128xf32, #tpu.memory_space<vmem>>) target(%dma_start3A_121 : memref<65x128xf32, #tpu.memory_space<hbm>>) target_semaphore(%run_scoped3A : memref<!tpu.dma_semaphore, #tpu.memory_space<semaphore_mem>>)
        %dma_wait3A = arith.constant 0 : i32
        %dma_wait3A_125 = arith.constant 0 : i32
        %dma_wait3A_126 = tpu.memref_slice %arg12[%dma_wait3A, %dma_wait3A_125] : memref<80x128xf32, #tpu.memory_space<vmem>> -> memref<65x128xf32, #tpu.memory_space<vmem>>
        %dma_wait3A_127 = arith.constant 0 : i32
        %dma_wait3A_128 = tpu.memref_slice %arg7[%add3A_115, %dma_wait3A_127] : memref<10000x128xf32, #tpu.memory_space<hbm>> -> memref<65x128xf32, #tpu.memory_space<hbm>>
        %dma_wait3A_129 = arith.constant 0 : i32
        %dma_wait3A_130 = tpu.memref_slice %arg7[%add3A_115, %dma_wait3A_129] : memref<10000x128xf32, #tpu.memory_space<hbm>> -> memref<65x128xf32, #tpu.memory_space<hbm>>
        %dma_wait3A_131 = arith.constant 0 : i32
        %dma_wait3A_132 = arith.constant 0 : i32
        %dma_wait3A_133 = tpu.memref_slice %arg12[%dma_wait3A_131, %dma_wait3A_132] : memref<80x128xf32, #tpu.memory_space<vmem>> -> memref<65x128xf32, #tpu.memory_space<vmem>>
        tpu.wait_dma2 semaphore(%run_scoped3A : memref<!tpu.dma_semaphore, #tpu.memory_space<semaphore_mem>>) src(%dma_wait3A_133 : memref<65x128xf32, #tpu.memory_space<vmem>>) dst(%dma_wait3A_130 : memref<65x128xf32, #tpu.memory_space<hbm>>)
        tpu.yield
      }) : () -> ()
    } else {
    }
    %eq3A_39 = arith.constant 1 : i32
    %eq3A_40 = arith.cmpi eq, %arg0, %eq3A_39 : i32
    %convert_element_type3A_41 = arith.extui %eq3A_40 : i1 to i32
    %cond3A_42 = arith.constant 0 : i32
    %cond3A_43 = arith.cmpi ne, %convert_element_type3A_41, %cond3A_42 : i32
    scf.if %cond3A_43 {
      %scan3A_44 = arith.constant 0 : i32
      %scan3A_45 = arith.constant 0 : i32
      %scan3A_46 = arith.constant 250 : i32
      %scan3A_47 = arith.addi %scan3A_45, %scan3A_46 : i32
      %scan3A_48 = arith.constant 1 : i32
      %scan3A_49 = scf.for %scan3A_116 = %scan3A_45 to %scan3A_47 step %scan3A_48 iter_args(%scan3A_117 = %scan3A_44) -> (i32)  : i32 {
        %mul3A_118 = arith.constant 20000 : i32
        %mul3A_119 = arith.muli %arg1, %mul3A_118 : i32
        %mul3A_120 = arith.constant 80 : i32
        %mul3A_121 = arith.muli %scan3A_116, %mul3A_120 : i32
        %add3A_122 = arith.addi %mul3A_119, %mul3A_121 : i32
        "tpu.region"() ({
          %run_scoped3A = tpu.sem_alloc : memref<!tpu.dma_semaphore, #tpu.memory_space<semaphore_mem>>
          %dma_start3A_137 = tpu.memref_slice %arg5[%add3A_122] : memref<320000xi32, #tpu.memory_space<hbm>> -> memref<80xi32, #tpu.memory_space<hbm>>
          %dma_start3A_138 = tpu.memref_slice %arg5[%add3A_122] : memref<320000xi32, #tpu.memory_space<hbm>> -> memref<80xi32, #tpu.memory_space<hbm>>
          tpu.enqueue_dma source(%dma_start3A_138 : memref<80xi32, #tpu.memory_space<hbm>>) target(%arg9 : memref<80xi32, #tpu.memory_space<vmem>>) target_semaphore(%run_scoped3A : memref<!tpu.dma_semaphore, #tpu.memory_space<semaphore_mem>>)
          %dma_wait3A_139 = tpu.memref_slice %arg5[%add3A_122] : memref<320000xi32, #tpu.memory_space<hbm>> -> memref<80xi32, #tpu.memory_space<hbm>>
          %dma_wait3A_140 = tpu.memref_slice %arg5[%add3A_122] : memref<320000xi32, #tpu.memory_space<hbm>> -> memref<80xi32, #tpu.memory_space<hbm>>
          tpu.wait_dma2 semaphore(%run_scoped3A : memref<!tpu.dma_semaphore, #tpu.memory_space<semaphore_mem>>) src(%dma_wait3A_140 : memref<80xi32, #tpu.memory_space<hbm>>) dst(%arg9 : memref<80xi32, #tpu.memory_space<vmem>>)
          tpu.yield
        }) : () -> ()
        "tpu.region"() ({
          %run_scoped3A = tpu.sem_alloc : memref<!tpu.dma_semaphore, #tpu.memory_space<semaphore_mem>>
          %dma_start3A_137 = tpu.memref_slice %arg6[%add3A_122] : memref<320000xi32, #tpu.memory_space<hbm>> -> memref<80xi32, #tpu.memory_space<hbm>>
          %dma_start3A_138 = tpu.memref_slice %arg6[%add3A_122] : memref<320000xi32, #tpu.memory_space<hbm>> -> memref<80xi32, #tpu.memory_space<hbm>>
          tpu.enqueue_dma source(%dma_start3A_138 : memref<80xi32, #tpu.memory_space<hbm>>) target(%arg10 : memref<80xi32, #tpu.memory_space<vmem>>) target_semaphore(%run_scoped3A : memref<!tpu.dma_semaphore, #tpu.memory_space<semaphore_mem>>)
          %dma_wait3A_139 = tpu.memref_slice %arg6[%add3A_122] : memref<320000xi32, #tpu.memory_space<hbm>> -> memref<80xi32, #tpu.memory_space<hbm>>
          %dma_wait3A_140 = tpu.memref_slice %arg6[%add3A_122] : memref<320000xi32, #tpu.memory_space<hbm>> -> memref<80xi32, #tpu.memory_space<hbm>>
          tpu.wait_dma2 semaphore(%run_scoped3A : memref<!tpu.dma_semaphore, #tpu.memory_space<semaphore_mem>>) src(%dma_wait3A_140 : memref<80xi32, #tpu.memory_space<hbm>>) dst(%arg10 : memref<80xi32, #tpu.memory_space<vmem>>)
          tpu.yield
        }) : () -> ()
        %dma_start3A = arith.constant 0 : i32
        %dma_start3A_123 = arith.constant 0 : i32
        %dma_start3A_124 = tpu.memref_slice %arg3[%dma_start3A, %dma_start3A_123] : memref<10000x128xf32, #tpu.memory_space<hbm>> -> memref<10000x128xf32, #tpu.memory_space<hbm>>
        tpu.enqueue_indirect_dma source(%dma_start3A_124 : memref<10000x128xf32, #tpu.memory_space<hbm>>) target(%arg12 : memref<80x128xf32, #tpu.memory_space<vmem>>) offsets(%arg10 : memref<80xi32, #tpu.memory_space<vmem>>) semaphore(%arg14 : memref<!tpu.dma_semaphore, #tpu.memory_space<semaphore_mem>>)
        %mul3A_125 = arith.constant 4 : i32
        %mul3A_126 = arith.muli %add3A_122, %mul3A_125 : i32
        "tpu.region"() ({
          %run_scoped3A = tpu.sem_alloc : memref<!tpu.dma_semaphore, #tpu.memory_space<semaphore_mem>>
          %dma_start3A_137 = tpu.memref_slice %arg4[%mul3A_126] : memref<1280000xf32, #tpu.memory_space<hbm>> -> memref<320xf32, #tpu.memory_space<hbm>>
          %dma_start3A_138 = tpu.memref_slice %arg4[%mul3A_126] : memref<1280000xf32, #tpu.memory_space<hbm>> -> memref<320xf32, #tpu.memory_space<hbm>>
          tpu.enqueue_dma source(%dma_start3A_138 : memref<320xf32, #tpu.memory_space<hbm>>) target(%arg11 : memref<320xf32, #tpu.memory_space<vmem>>) target_semaphore(%run_scoped3A : memref<!tpu.dma_semaphore, #tpu.memory_space<semaphore_mem>>)
          %dma_wait3A_139 = tpu.memref_slice %arg4[%mul3A_126] : memref<1280000xf32, #tpu.memory_space<hbm>> -> memref<320xf32, #tpu.memory_space<hbm>>
          %dma_wait3A_140 = tpu.memref_slice %arg4[%mul3A_126] : memref<1280000xf32, #tpu.memory_space<hbm>> -> memref<320xf32, #tpu.memory_space<hbm>>
          tpu.wait_dma2 semaphore(%run_scoped3A : memref<!tpu.dma_semaphore, #tpu.memory_space<semaphore_mem>>) src(%dma_wait3A_140 : memref<320xf32, #tpu.memory_space<hbm>>) dst(%arg11 : memref<320xf32, #tpu.memory_space<vmem>>)
          tpu.yield
        }) : () -> ()
        %dma_wait3A = arith.constant 0 : i32
        %dma_wait3A_127 = arith.constant 0 : i32
        %dma_wait3A_128 = tpu.memref_slice %arg3[%dma_wait3A, %dma_wait3A_127] : memref<10000x128xf32, #tpu.memory_space<hbm>> -> memref<10000x128xf32, #tpu.memory_space<hbm>>
        tpu.wait_indirect_dma semaphore(%arg14 : memref<!tpu.dma_semaphore, #tpu.memory_space<semaphore_mem>>) src(%dma_wait3A_128 : memref<10000x128xf32, #tpu.memory_space<hbm>>) dst(%arg12 : memref<80x128xf32, #tpu.memory_space<vmem>>)
        %scan3A_129 = arith.constant 0 : i32
        %scan3A_130 = arith.constant 0 : i32
        %scan3A_131 = arith.constant 20 : i32
        %scan3A_132 = arith.addi %scan3A_130, %scan3A_131 : i32
        %scan3A_133 = arith.constant 1 : i32
        %scan3A_134 = scf.for %scan3A_137 = %scan3A_130 to %scan3A_132 step %scan3A_133 iter_args(%scan3A_138 = %scan3A_129) -> (i32)  : i32 {
          %mul3A_139 = arith.constant 16 : i32
          %mul3A_140 = arith.muli %scan3A_137, %mul3A_139 : i32
          %get3A = arith.index_cast %mul3A_140 : i32 to index
          %get3A_141 = tpu.vector_load %arg11[%get3A] {strides = array<i32>} : memref<320xf32, #tpu.memory_space<vmem>>, vector<16xf32>,
          %mul3A_142 = arith.mulf %get3A_141, %get3A_141 : vector<16xf32>
          %mul3A_143 = arith.constant 4 : i32
          %mul3A_144 = arith.muli %scan3A_137, %mul3A_143 : i32
          %add3A_145 = arith.constant 0 : i32
          %add3A_146 = arith.addi %mul3A_144, %add3A_145 : i32
          %slice3A = vector.extract_strided_slice %mul3A_142 {offsets = [0], sizes = [1], strides = [1]} : vector<16xf32> to vector<1xf32>
          %squeeze3A = vector.extract %slice3A[0] : f32 from vector<1xf32>
          %get3A_147 = arith.index_cast %add3A_146 : i32 to index
          %get3A_148 = arith.constant 0 : index
          %get3A_149 = tpu.vector_load %arg12[%get3A_147, %get3A_148] {strides = array<i32>} : memref<80x128xf32, #tpu.memory_space<vmem>>, vector<16xf32>,
          %mul3A_150 = vector.broadcast %squeeze3A : f32 to vector<16xf32>
          %mul3A_151 = arith.mulf %get3A_149, %mul3A_150 : vector<16xf32>
          %swap3A = arith.index_cast %add3A_146 : i32 to index
          %swap3A_152 = arith.constant 0 : index
          %swap3A_153 = tpu.vector_load %arg12[%swap3A, %swap3A_152] {strides = array<i32>} : memref<80x128xf32, #tpu.memory_space<vmem>>, vector<16xf32>,
          tpu.vector_store %arg12[%swap3A, %swap3A_152], %mul3A_151 {strides = array<i32>} : memref<80x128xf32, #tpu.memory_space<vmem>>, vector<16xf32>,
          %get3A_154 = arith.index_cast %add3A_146 : i32 to index
          %get3A_155 = arith.constant 16 : index
          %get3A_156 = tpu.vector_load %arg12[%get3A_154, %get3A_155] {strides = array<i32>} : memref<80x128xf32, #tpu.memory_space<vmem>>, vector<16xf32>,
          %mul3A_157 = vector.broadcast %squeeze3A : f32 to vector<16xf32>
          %mul3A_158 = arith.mulf %get3A_156, %mul3A_157 : vector<16xf32>
          %swap3A_159 = arith.index_cast %add3A_146 : i32 to index
          %swap3A_160 = arith.constant 16 : index
          %swap3A_161 = tpu.vector_load %arg12[%swap3A_159, %swap3A_160] {strides = array<i32>} : memref<80x128xf32, #tpu.memory_space<vmem>>, vector<16xf32>,
          tpu.vector_store %arg12[%swap3A_159, %swap3A_160], %mul3A_158 {strides = array<i32>} : memref<80x128xf32, #tpu.memory_space<vmem>>, vector<16xf32>,
          %slice3A_162 = vector.extract_strided_slice %mul3A_142 {offsets = [1], sizes = [1], strides = [1]} : vector<16xf32> to vector<1xf32>
          %squeeze3A_163 = vector.extract %slice3A_162[0] : f32 from vector<1xf32>
          %get3A_164 = arith.index_cast %add3A_146 : i32 to index
          %get3A_165 = arith.constant 32 : index
          %get3A_166 = tpu.vector_load %arg12[%get3A_164, %get3A_165] {strides = array<i32>} : memref<80x128xf32, #tpu.memory_space<vmem>>, vector<16xf32>,
          %mul3A_167 = vector.broadcast %squeeze3A_163 : f32 to vector<16xf32>
          %mul3A_168 = arith.mulf %get3A_166, %mul3A_167 : vector<16xf32>
          %swap3A_169 = arith.index_cast %add3A_146 : i32 to index
          %swap3A_170 = arith.constant 32 : index
          %swap3A_171 = tpu.vector_load %arg12[%swap3A_169, %swap3A_170] {strides = array<i32>} : memref<80x128xf32, #tpu.memory_space<vmem>>, vector<16xf32>,
          tpu.vector_store %arg12[%swap3A_169, %swap3A_170], %mul3A_168 {strides = array<i32>} : memref<80x128xf32, #tpu.memory_space<vmem>>, vector<16xf32>,
          %get3A_172 = arith.index_cast %add3A_146 : i32 to index
          %get3A_173 = arith.constant 48 : index
          %get3A_174 = tpu.vector_load %arg12[%get3A_172, %get3A_173] {strides = array<i32>} : memref<80x128xf32, #tpu.memory_space<vmem>>, vector<16xf32>,
          %mul3A_175 = vector.broadcast %squeeze3A_163 : f32 to vector<16xf32>
          %mul3A_176 = arith.mulf %get3A_174, %mul3A_175 : vector<16xf32>
          %swap3A_177 = arith.index_cast %add3A_146 : i32 to index
          %swap3A_178 = arith.constant 48 : index
          %swap3A_179 = tpu.vector_load %arg12[%swap3A_177, %swap3A_178] {strides = array<i32>} : memref<80x128xf32, #tpu.memory_space<vmem>>, vector<16xf32>,
          tpu.vector_store %arg12[%swap3A_177, %swap3A_178], %mul3A_176 {strides = array<i32>} : memref<80x128xf32, #tpu.memory_space<vmem>>, vector<16xf32>,
          %slice3A_180 = vector.extract_strided_slice %mul3A_142 {offsets = [2], sizes = [1], strides = [1]} : vector<16xf32> to vector<1xf32>
          %squeeze3A_181 = vector.extract %slice3A_180[0] : f32 from vector<1xf32>
          %get3A_182 = arith.index_cast %add3A_146 : i32 to index
          %get3A_183 = arith.constant 64 : index
          %get3A_184 = tpu.vector_load %arg12[%get3A_182, %get3A_183] {strides = array<i32>} : memref<80x128xf32, #tpu.memory_space<vmem>>, vector<16xf32>,
          %mul3A_185 = vector.broadcast %squeeze3A_181 : f32 to vector<16xf32>
          %mul3A_186 = arith.mulf %get3A_184, %mul3A_185 : vector<16xf32>
          %swap3A_187 = arith.index_cast %add3A_146 : i32 to index
          %swap3A_188 = arith.constant 64 : index
          %swap3A_189 = tpu.vector_load %arg12[%swap3A_187, %swap3A_188] {strides = array<i32>} : memref<80x128xf32, #tpu.memory_space<vmem>>, vector<16xf32>,
          tpu.vector_store %arg12[%swap3A_187, %swap3A_188], %mul3A_186 {strides = array<i32>} : memref<80x128xf32, #tpu.memory_space<vmem>>, vector<16xf32>,
          %get3A_190 = arith.index_cast %add3A_146 : i32 to index
          %get3A_191 = arith.constant 80 : index
          %get3A_192 = tpu.vector_load %arg12[%get3A_190, %get3A_191] {strides = array<i32>} : memref<80x128xf32, #tpu.memory_space<vmem>>, vector<16xf32>,
          %mul3A_193 = vector.broadcast %squeeze3A_181 : f32 to vector<16xf32>
          %mul3A_194 = arith.mulf %get3A_192, %mul3A_193 : vector<16xf32>
          %swap3A_195 = arith.index_cast %add3A_146 : i32 to index
          %swap3A_196 = arith.constant 80 : index
          %swap3A_197 = tpu.vector_load %arg12[%swap3A_195, %swap3A_196] {strides = array<i32>} : memref<80x128xf32, #tpu.memory_space<vmem>>, vector<16xf32>,
          tpu.vector_store %arg12[%swap3A_195, %swap3A_196], %mul3A_194 {strides = array<i32>} : memref<80x128xf32, #tpu.memory_space<vmem>>, vector<16xf32>,
          %slice3A_198 = vector.extract_strided_slice %mul3A_142 {offsets = [3], sizes = [1], strides = [1]} : vector<16xf32> to vector<1xf32>
          %squeeze3A_199 = vector.extract %slice3A_198[0] : f32 from vector<1xf32>
          %get3A_200 = arith.index_cast %add3A_146 : i32 to index
          %get3A_201 = arith.constant 96 : index
          %get3A_202 = tpu.vector_load %arg12[%get3A_200, %get3A_201] {strides = array<i32>} : memref<80x128xf32, #tpu.memory_space<vmem>>, vector<16xf32>,
          %mul3A_203 = vector.broadcast %squeeze3A_199 : f32 to vector<16xf32>
          %mul3A_204 = arith.mulf %get3A_202, %mul3A_203 : vector<16xf32>
          %swap3A_205 = arith.index_cast %add3A_146 : i32 to index
          %swap3A_206 = arith.constant 96 : index
          %swap3A_207 = tpu.vector_load %arg12[%swap3A_205, %swap3A_206] {strides = array<i32>} : memref<80x128xf32, #tpu.memory_space<vmem>>, vector<16xf32>,
          tpu.vector_store %arg12[%swap3A_205, %swap3A_206], %mul3A_204 {strides = array<i32>} : memref<80x128xf32, #tpu.memory_space<vmem>>, vector<16xf32>,
          %get3A_208 = arith.index_cast %add3A_146 : i32 to index
          %get3A_209 = arith.constant 112 : index
          %get3A_210 = tpu.vector_load %arg12[%get3A_208, %get3A_209] {strides = array<i32>} : memref<80x128xf32, #tpu.memory_space<vmem>>, vector<16xf32>,
          %mul3A_211 = vector.broadcast %squeeze3A_199 : f32 to vector<16xf32>
          %mul3A_212 = arith.mulf %get3A_210, %mul3A_211 : vector<16xf32>
          %swap3A_213 = arith.index_cast %add3A_146 : i32 to index
          %swap3A_214 = arith.constant 112 : index
          %swap3A_215 = tpu.vector_load %arg12[%swap3A_213, %swap3A_214] {strides = array<i32>} : memref<80x128xf32, #tpu.memory_space<vmem>>, vector<16xf32>,
          tpu.vector_store %arg12[%swap3A_213, %swap3A_214], %mul3A_212 {strides = array<i32>} : memref<80x128xf32, #tpu.memory_space<vmem>>, vector<16xf32>,
          %mul3A_216 = arith.constant 4 : i32
          %mul3A_217 = arith.muli %scan3A_137, %mul3A_216 : i32
          %add3A_218 = arith.constant 1 : i32
          %add3A_219 = arith.addi %mul3A_217, %add3A_218 : i32
          %slice3A_220 = vector.extract_strided_slice %mul3A_142 {offsets = [4], sizes = [1], strides = [1]} : vector<16xf32> to vector<1xf32>
          %squeeze3A_221 = vector.extract %slice3A_220[0] : f32 from vector<1xf32>
          %get3A_222 = arith.index_cast %add3A_219 : i32 to index
          %get3A_223 = arith.constant 0 : index
          %get3A_224 = tpu.vector_load %arg12[%get3A_222, %get3A_223] {strides = array<i32>} : memref<80x128xf32, #tpu.memory_space<vmem>>, vector<16xf32>,
          %mul3A_225 = vector.broadcast %squeeze3A_221 : f32 to vector<16xf32>
          %mul3A_226 = arith.mulf %get3A_224, %mul3A_225 : vector<16xf32>
          %swap3A_227 = arith.index_cast %add3A_219 : i32 to index
          %swap3A_228 = arith.constant 0 : index
          %swap3A_229 = tpu.vector_load %arg12[%swap3A_227, %swap3A_228] {strides = array<i32>} : memref<80x128xf32, #tpu.memory_space<vmem>>, vector<16xf32>,
          tpu.vector_store %arg12[%swap3A_227, %swap3A_228], %mul3A_226 {strides = array<i32>} : memref<80x128xf32, #tpu.memory_space<vmem>>, vector<16xf32>,
          %get3A_230 = arith.index_cast %add3A_219 : i32 to index
          %get3A_231 = arith.constant 16 : index
          %get3A_232 = tpu.vector_load %arg12[%get3A_230, %get3A_231] {strides = array<i32>} : memref<80x128xf32, #tpu.memory_space<vmem>>, vector<16xf32>,
          %mul3A_233 = vector.broadcast %squeeze3A_221 : f32 to vector<16xf32>
          %mul3A_234 = arith.mulf %get3A_232, %mul3A_233 : vector<16xf32>
          %swap3A_235 = arith.index_cast %add3A_219 : i32 to index
          %swap3A_236 = arith.constant 16 : index
          %swap3A_237 = tpu.vector_load %arg12[%swap3A_235, %swap3A_236] {strides = array<i32>} : memref<80x128xf32, #tpu.memory_space<vmem>>, vector<16xf32>,
          tpu.vector_store %arg12[%swap3A_235, %swap3A_236], %mul3A_234 {strides = array<i32>} : memref<80x128xf32, #tpu.memory_space<vmem>>, vector<16xf32>,
          %slice3A_238 = vector.extract_strided_slice %mul3A_142 {offsets = [5], sizes = [1], strides = [1]} : vector<16xf32> to vector<1xf32>
          %squeeze3A_239 = vector.extract %slice3A_238[0] : f32 from vector<1xf32>
          %get3A_240 = arith.index_cast %add3A_219 : i32 to index
          %get3A_241 = arith.constant 32 : index
          %get3A_242 = tpu.vector_load %arg12[%get3A_240, %get3A_241] {strides = array<i32>} : memref<80x128xf32, #tpu.memory_space<vmem>>, vector<16xf32>,
          %mul3A_243 = vector.broadcast %squeeze3A_239 : f32 to vector<16xf32>
          %mul3A_244 = arith.mulf %get3A_242, %mul3A_243 : vector<16xf32>
          %swap3A_245 = arith.index_cast %add3A_219 : i32 to index
          %swap3A_246 = arith.constant 32 : index
          %swap3A_247 = tpu.vector_load %arg12[%swap3A_245, %swap3A_246] {strides = array<i32>} : memref<80x128xf32, #tpu.memory_space<vmem>>, vector<16xf32>,
          tpu.vector_store %arg12[%swap3A_245, %swap3A_246], %mul3A_244 {strides = array<i32>} : memref<80x128xf32, #tpu.memory_space<vmem>>, vector<16xf32>,
          %get3A_248 = arith.index_cast %add3A_219 : i32 to index
          %get3A_249 = arith.constant 48 : index
          %get3A_250 = tpu.vector_load %arg12[%get3A_248, %get3A_249] {strides = array<i32>} : memref<80x128xf32, #tpu.memory_space<vmem>>, vector<16xf32>,
          %mul3A_251 = vector.broadcast %squeeze3A_239 : f32 to vector<16xf32>
          %mul3A_252 = arith.mulf %get3A_250, %mul3A_251 : vector<16xf32>
          %swap3A_253 = arith.index_cast %add3A_219 : i32 to index
          %swap3A_254 = arith.constant 48 : index
          %swap3A_255 = tpu.vector_load %arg12[%swap3A_253, %swap3A_254] {strides = array<i32>} : memref<80x128xf32, #tpu.memory_space<vmem>>, vector<16xf32>,
          tpu.vector_store %arg12[%swap3A_253, %swap3A_254], %mul3A_252 {strides = array<i32>} : memref<80x128xf32, #tpu.memory_space<vmem>>, vector<16xf32>,
          %slice3A_256 = vector.extract_strided_slice %mul3A_142 {offsets = [6], sizes = [1], strides = [1]} : vector<16xf32> to vector<1xf32>
          %squeeze3A_257 = vector.extract %slice3A_256[0] : f32 from vector<1xf32>
          %get3A_258 = arith.index_cast %add3A_219 : i32 to index
          %get3A_259 = arith.constant 64 : index
          %get3A_260 = tpu.vector_load %arg12[%get3A_258, %get3A_259] {strides = array<i32>} : memref<80x128xf32, #tpu.memory_space<vmem>>, vector<16xf32>,
          %mul3A_261 = vector.broadcast %squeeze3A_257 : f32 to vector<16xf32>
          %mul3A_262 = arith.mulf %get3A_260, %mul3A_261 : vector<16xf32>
          %swap3A_263 = arith.index_cast %add3A_219 : i32 to index
          %swap3A_264 = arith.constant 64 : index
          %swap3A_265 = tpu.vector_load %arg12[%swap3A_263, %swap3A_264] {strides = array<i32>} : memref<80x128xf32, #tpu.memory_space<vmem>>, vector<16xf32>,
          tpu.vector_store %arg12[%swap3A_263, %swap3A_264], %mul3A_262 {strides = array<i32>} : memref<80x128xf32, #tpu.memory_space<vmem>>, vector<16xf32>,
          %get3A_266 = arith.index_cast %add3A_219 : i32 to index
          %get3A_267 = arith.constant 80 : index
          %get3A_268 = tpu.vector_load %arg12[%get3A_266, %get3A_267] {strides = array<i32>} : memref<80x128xf32, #tpu.memory_space<vmem>>, vector<16xf32>,
          %mul3A_269 = vector.broadcast %squeeze3A_257 : f32 to vector<16xf32>
          %mul3A_270 = arith.mulf %get3A_268, %mul3A_269 : vector<16xf32>
          %swap3A_271 = arith.index_cast %add3A_219 : i32 to index
          %swap3A_272 = arith.constant 80 : index
          %swap3A_273 = tpu.vector_load %arg12[%swap3A_271, %swap3A_272] {strides = array<i32>} : memref<80x128xf32, #tpu.memory_space<vmem>>, vector<16xf32>,
          tpu.vector_store %arg12[%swap3A_271, %swap3A_272], %mul3A_270 {strides = array<i32>} : memref<80x128xf32, #tpu.memory_space<vmem>>, vector<16xf32>,
          %slice3A_274 = vector.extract_strided_slice %mul3A_142 {offsets = [7], sizes = [1], strides = [1]} : vector<16xf32> to vector<1xf32>
          %squeeze3A_275 = vector.extract %slice3A_274[0] : f32 from vector<1xf32>
          %get3A_276 = arith.index_cast %add3A_219 : i32 to index
          %get3A_277 = arith.constant 96 : index
          %get3A_278 = tpu.vector_load %arg12[%get3A_276, %get3A_277] {strides = array<i32>} : memref<80x128xf32, #tpu.memory_space<vmem>>, vector<16xf32>,
          %mul3A_279 = vector.broadcast %squeeze3A_275 : f32 to vector<16xf32>
          %mul3A_280 = arith.mulf %get3A_278, %mul3A_279 : vector<16xf32>
          %swap3A_281 = arith.index_cast %add3A_219 : i32 to index
          %swap3A_282 = arith.constant 96 : index
          %swap3A_283 = tpu.vector_load %arg12[%swap3A_281, %swap3A_282] {strides = array<i32>} : memref<80x128xf32, #tpu.memory_space<vmem>>, vector<16xf32>,
          tpu.vector_store %arg12[%swap3A_281, %swap3A_282], %mul3A_280 {strides = array<i32>} : memref<80x128xf32, #tpu.memory_space<vmem>>, vector<16xf32>,
          %get3A_284 = arith.index_cast %add3A_219 : i32 to index
          %get3A_285 = arith.constant 112 : index
          %get3A_286 = tpu.vector_load %arg12[%get3A_284, %get3A_285] {strides = array<i32>} : memref<80x128xf32, #tpu.memory_space<vmem>>, vector<16xf32>,
          %mul3A_287 = vector.broadcast %squeeze3A_275 : f32 to vector<16xf32>
          %mul3A_288 = arith.mulf %get3A_286, %mul3A_287 : vector<16xf32>
          %swap3A_289 = arith.index_cast %add3A_219 : i32 to index
          %swap3A_290 = arith.constant 112 : index
          %swap3A_291 = tpu.vector_load %arg12[%swap3A_289, %swap3A_290] {strides = array<i32>} : memref<80x128xf32, #tpu.memory_space<vmem>>, vector<16xf32>,
          tpu.vector_store %arg12[%swap3A_289, %swap3A_290], %mul3A_288 {strides = array<i32>} : memref<80x128xf32, #tpu.memory_space<vmem>>, vector<16xf32>,
          %mul3A_292 = arith.constant 4 : i32
          %mul3A_293 = arith.muli %scan3A_137, %mul3A_292 : i32
          %add3A_294 = arith.constant 2 : i32
          %add3A_295 = arith.addi %mul3A_293, %add3A_294 : i32
          %slice3A_296 = vector.extract_strided_slice %mul3A_142 {offsets = [8], sizes = [1], strides = [1]} : vector<16xf32> to vector<1xf32>
          %squeeze3A_297 = vector.extract %slice3A_296[0] : f32 from vector<1xf32>
          %get3A_298 = arith.index_cast %add3A_295 : i32 to index
          %get3A_299 = arith.constant 0 : index
          %get3A_300 = tpu.vector_load %arg12[%get3A_298, %get3A_299] {strides = array<i32>} : memref<80x128xf32, #tpu.memory_space<vmem>>, vector<16xf32>,
          %mul3A_301 = vector.broadcast %squeeze3A_297 : f32 to vector<16xf32>
          %mul3A_302 = arith.mulf %get3A_300, %mul3A_301 : vector<16xf32>
          %swap3A_303 = arith.index_cast %add3A_295 : i32 to index
          %swap3A_304 = arith.constant 0 : index
          %swap3A_305 = tpu.vector_load %arg12[%swap3A_303, %swap3A_304] {strides = array<i32>} : memref<80x128xf32, #tpu.memory_space<vmem>>, vector<16xf32>,
          tpu.vector_store %arg12[%swap3A_303, %swap3A_304], %mul3A_302 {strides = array<i32>} : memref<80x128xf32, #tpu.memory_space<vmem>>, vector<16xf32>,
          %get3A_306 = arith.index_cast %add3A_295 : i32 to index
          %get3A_307 = arith.constant 16 : index
          %get3A_308 = tpu.vector_load %arg12[%get3A_306, %get3A_307] {strides = array<i32>} : memref<80x128xf32, #tpu.memory_space<vmem>>, vector<16xf32>,
          %mul3A_309 = vector.broadcast %squeeze3A_297 : f32 to vector<16xf32>
          %mul3A_310 = arith.mulf %get3A_308, %mul3A_309 : vector<16xf32>
          %swap3A_311 = arith.index_cast %add3A_295 : i32 to index
          %swap3A_312 = arith.constant 16 : index
          %swap3A_313 = tpu.vector_load %arg12[%swap3A_311, %swap3A_312] {strides = array<i32>} : memref<80x128xf32, #tpu.memory_space<vmem>>, vector<16xf32>,
          tpu.vector_store %arg12[%swap3A_311, %swap3A_312], %mul3A_310 {strides = array<i32>} : memref<80x128xf32, #tpu.memory_space<vmem>>, vector<16xf32>,
          %slice3A_314 = vector.extract_strided_slice %mul3A_142 {offsets = [9], sizes = [1], strides = [1]} : vector<16xf32> to vector<1xf32>
          %squeeze3A_315 = vector.extract %slice3A_314[0] : f32 from vector<1xf32>
          %get3A_316 = arith.index_cast %add3A_295 : i32 to index
          %get3A_317 = arith.constant 32 : index
          %get3A_318 = tpu.vector_load %arg12[%get3A_316, %get3A_317] {strides = array<i32>} : memref<80x128xf32, #tpu.memory_space<vmem>>, vector<16xf32>,
          %mul3A_319 = vector.broadcast %squeeze3A_315 : f32 to vector<16xf32>
          %mul3A_320 = arith.mulf %get3A_318, %mul3A_319 : vector<16xf32>
          %swap3A_321 = arith.index_cast %add3A_295 : i32 to index
          %swap3A_322 = arith.constant 32 : index
          %swap3A_323 = tpu.vector_load %arg12[%swap3A_321, %swap3A_322] {strides = array<i32>} : memref<80x128xf32, #tpu.memory_space<vmem>>, vector<16xf32>,
          tpu.vector_store %arg12[%swap3A_321, %swap3A_322], %mul3A_320 {strides = array<i32>} : memref<80x128xf32, #tpu.memory_space<vmem>>, vector<16xf32>,
          %get3A_324 = arith.index_cast %add3A_295 : i32 to index
          %get3A_325 = arith.constant 48 : index
          %get3A_326 = tpu.vector_load %arg12[%get3A_324, %get3A_325] {strides = array<i32>} : memref<80x128xf32, #tpu.memory_space<vmem>>, vector<16xf32>,
          %mul3A_327 = vector.broadcast %squeeze3A_315 : f32 to vector<16xf32>
          %mul3A_328 = arith.mulf %get3A_326, %mul3A_327 : vector<16xf32>
          %swap3A_329 = arith.index_cast %add3A_295 : i32 to index
          %swap3A_330 = arith.constant 48 : index
          %swap3A_331 = tpu.vector_load %arg12[%swap3A_329, %swap3A_330] {strides = array<i32>} : memref<80x128xf32, #tpu.memory_space<vmem>>, vector<16xf32>,
          tpu.vector_store %arg12[%swap3A_329, %swap3A_330], %mul3A_328 {strides = array<i32>} : memref<80x128xf32, #tpu.memory_space<vmem>>, vector<16xf32>,
          %slice3A_332 = vector.extract_strided_slice %mul3A_142 {offsets = [10], sizes = [1], strides = [1]} : vector<16xf32> to vector<1xf32>
          %squeeze3A_333 = vector.extract %slice3A_332[0] : f32 from vector<1xf32>
          %get3A_334 = arith.index_cast %add3A_295 : i32 to index
          %get3A_335 = arith.constant 64 : index
          %get3A_336 = tpu.vector_load %arg12[%get3A_334, %get3A_335] {strides = array<i32>} : memref<80x128xf32, #tpu.memory_space<vmem>>, vector<16xf32>,
          %mul3A_337 = vector.broadcast %squeeze3A_333 : f32 to vector<16xf32>
          %mul3A_338 = arith.mulf %get3A_336, %mul3A_337 : vector<16xf32>
          %swap3A_339 = arith.index_cast %add3A_295 : i32 to index
          %swap3A_340 = arith.constant 64 : index
          %swap3A_341 = tpu.vector_load %arg12[%swap3A_339, %swap3A_340] {strides = array<i32>} : memref<80x128xf32, #tpu.memory_space<vmem>>, vector<16xf32>,
          tpu.vector_store %arg12[%swap3A_339, %swap3A_340], %mul3A_338 {strides = array<i32>} : memref<80x128xf32, #tpu.memory_space<vmem>>, vector<16xf32>,
          %get3A_342 = arith.index_cast %add3A_295 : i32 to index
          %get3A_343 = arith.constant 80 : index
          %get3A_344 = tpu.vector_load %arg12[%get3A_342, %get3A_343] {strides = array<i32>} : memref<80x128xf32, #tpu.memory_space<vmem>>, vector<16xf32>,
          %mul3A_345 = vector.broadcast %squeeze3A_333 : f32 to vector<16xf32>
          %mul3A_346 = arith.mulf %get3A_344, %mul3A_345 : vector<16xf32>
          %swap3A_347 = arith.index_cast %add3A_295 : i32 to index
          %swap3A_348 = arith.constant 80 : index
          %swap3A_349 = tpu.vector_load %arg12[%swap3A_347, %swap3A_348] {strides = array<i32>} : memref<80x128xf32, #tpu.memory_space<vmem>>, vector<16xf32>,
          tpu.vector_store %arg12[%swap3A_347, %swap3A_348], %mul3A_346 {strides = array<i32>} : memref<80x128xf32, #tpu.memory_space<vmem>>, vector<16xf32>,
          %slice3A_350 = vector.extract_strided_slice %mul3A_142 {offsets = [11], sizes = [1], strides = [1]} : vector<16xf32> to vector<1xf32>
          %squeeze3A_351 = vector.extract %slice3A_350[0] : f32 from vector<1xf32>
          %get3A_352 = arith.index_cast %add3A_295 : i32 to index
          %get3A_353 = arith.constant 96 : index
          %get3A_354 = tpu.vector_load %arg12[%get3A_352, %get3A_353] {strides = array<i32>} : memref<80x128xf32, #tpu.memory_space<vmem>>, vector<16xf32>,
          %mul3A_355 = vector.broadcast %squeeze3A_351 : f32 to vector<16xf32>
          %mul3A_356 = arith.mulf %get3A_354, %mul3A_355 : vector<16xf32>
          %swap3A_357 = arith.index_cast %add3A_295 : i32 to index
          %swap3A_358 = arith.constant 96 : index
          %swap3A_359 = tpu.vector_load %arg12[%swap3A_357, %swap3A_358] {strides = array<i32>} : memref<80x128xf32, #tpu.memory_space<vmem>>, vector<16xf32>,
          tpu.vector_store %arg12[%swap3A_357, %swap3A_358], %mul3A_356 {strides = array<i32>} : memref<80x128xf32, #tpu.memory_space<vmem>>, vector<16xf32>,
          %get3A_360 = arith.index_cast %add3A_295 : i32 to index
          %get3A_361 = arith.constant 112 : index
          %get3A_362 = tpu.vector_load %arg12[%get3A_360, %get3A_361] {strides = array<i32>} : memref<80x128xf32, #tpu.memory_space<vmem>>, vector<16xf32>,
          %mul3A_363 = vector.broadcast %squeeze3A_351 : f32 to vector<16xf32>
          %mul3A_364 = arith.mulf %get3A_362, %mul3A_363 : vector<16xf32>
          %swap3A_365 = arith.index_cast %add3A_295 : i32 to index
          %swap3A_366 = arith.constant 112 : index
          %swap3A_367 = tpu.vector_load %arg12[%swap3A_365, %swap3A_366] {strides = array<i32>} : memref<80x128xf32, #tpu.memory_space<vmem>>, vector<16xf32>,
          tpu.vector_store %arg12[%swap3A_365, %swap3A_366], %mul3A_364 {strides = array<i32>} : memref<80x128xf32, #tpu.memory_space<vmem>>, vector<16xf32>,
          %mul3A_368 = arith.constant 4 : i32
          %mul3A_369 = arith.muli %scan3A_137, %mul3A_368 : i32
          %add3A_370 = arith.constant 3 : i32
          %add3A_371 = arith.addi %mul3A_369, %add3A_370 : i32
          %slice3A_372 = vector.extract_strided_slice %mul3A_142 {offsets = [12], sizes = [1], strides = [1]} : vector<16xf32> to vector<1xf32>
          %squeeze3A_373 = vector.extract %slice3A_372[0] : f32 from vector<1xf32>
          %get3A_374 = arith.index_cast %add3A_371 : i32 to index
          %get3A_375 = arith.constant 0 : index
          %get3A_376 = tpu.vector_load %arg12[%get3A_374, %get3A_375] {strides = array<i32>} : memref<80x128xf32, #tpu.memory_space<vmem>>, vector<16xf32>,
          %mul3A_377 = vector.broadcast %squeeze3A_373 : f32 to vector<16xf32>
          %mul3A_378 = arith.mulf %get3A_376, %mul3A_377 : vector<16xf32>
          %swap3A_379 = arith.index_cast %add3A_371 : i32 to index
          %swap3A_380 = arith.constant 0 : index
          %swap3A_381 = tpu.vector_load %arg12[%swap3A_379, %swap3A_380] {strides = array<i32>} : memref<80x128xf32, #tpu.memory_space<vmem>>, vector<16xf32>,
          tpu.vector_store %arg12[%swap3A_379, %swap3A_380], %mul3A_378 {strides = array<i32>} : memref<80x128xf32, #tpu.memory_space<vmem>>, vector<16xf32>,
          %get3A_382 = arith.index_cast %add3A_371 : i32 to index
          %get3A_383 = arith.constant 16 : index
          %get3A_384 = tpu.vector_load %arg12[%get3A_382, %get3A_383] {strides = array<i32>} : memref<80x128xf32, #tpu.memory_space<vmem>>, vector<16xf32>,
          %mul3A_385 = vector.broadcast %squeeze3A_373 : f32 to vector<16xf32>
          %mul3A_386 = arith.mulf %get3A_384, %mul3A_385 : vector<16xf32>
          %swap3A_387 = arith.index_cast %add3A_371 : i32 to index
          %swap3A_388 = arith.constant 16 : index
          %swap3A_389 = tpu.vector_load %arg12[%swap3A_387, %swap3A_388] {strides = array<i32>} : memref<80x128xf32, #tpu.memory_space<vmem>>, vector<16xf32>,
          tpu.vector_store %arg12[%swap3A_387, %swap3A_388], %mul3A_386 {strides = array<i32>} : memref<80x128xf32, #tpu.memory_space<vmem>>, vector<16xf32>,
          %slice3A_390 = vector.extract_strided_slice %mul3A_142 {offsets = [13], sizes = [1], strides = [1]} : vector<16xf32> to vector<1xf32>
          %squeeze3A_391 = vector.extract %slice3A_390[0] : f32 from vector<1xf32>
          %get3A_392 = arith.index_cast %add3A_371 : i32 to index
          %get3A_393 = arith.constant 32 : index
          %get3A_394 = tpu.vector_load %arg12[%get3A_392, %get3A_393] {strides = array<i32>} : memref<80x128xf32, #tpu.memory_space<vmem>>, vector<16xf32>,
          %mul3A_395 = vector.broadcast %squeeze3A_391 : f32 to vector<16xf32>
          %mul3A_396 = arith.mulf %get3A_394, %mul3A_395 : vector<16xf32>
          %swap3A_397 = arith.index_cast %add3A_371 : i32 to index
          %swap3A_398 = arith.constant 32 : index
          %swap3A_399 = tpu.vector_load %arg12[%swap3A_397, %swap3A_398] {strides = array<i32>} : memref<80x128xf32, #tpu.memory_space<vmem>>, vector<16xf32>,
          tpu.vector_store %arg12[%swap3A_397, %swap3A_398], %mul3A_396 {strides = array<i32>} : memref<80x128xf32, #tpu.memory_space<vmem>>, vector<16xf32>,
          %get3A_400 = arith.index_cast %add3A_371 : i32 to index
          %get3A_401 = arith.constant 48 : index
          %get3A_402 = tpu.vector_load %arg12[%get3A_400, %get3A_401] {strides = array<i32>} : memref<80x128xf32, #tpu.memory_space<vmem>>, vector<16xf32>,
          %mul3A_403 = vector.broadcast %squeeze3A_391 : f32 to vector<16xf32>
          %mul3A_404 = arith.mulf %get3A_402, %mul3A_403 : vector<16xf32>
          %swap3A_405 = arith.index_cast %add3A_371 : i32 to index
          %swap3A_406 = arith.constant 48 : index
          %swap3A_407 = tpu.vector_load %arg12[%swap3A_405, %swap3A_406] {strides = array<i32>} : memref<80x128xf32, #tpu.memory_space<vmem>>, vector<16xf32>,
          tpu.vector_store %arg12[%swap3A_405, %swap3A_406], %mul3A_404 {strides = array<i32>} : memref<80x128xf32, #tpu.memory_space<vmem>>, vector<16xf32>,
          %slice3A_408 = vector.extract_strided_slice %mul3A_142 {offsets = [14], sizes = [1], strides = [1]} : vector<16xf32> to vector<1xf32>
          %squeeze3A_409 = vector.extract %slice3A_408[0] : f32 from vector<1xf32>
          %get3A_410 = arith.index_cast %add3A_371 : i32 to index
          %get3A_411 = arith.constant 64 : index
          %get3A_412 = tpu.vector_load %arg12[%get3A_410, %get3A_411] {strides = array<i32>} : memref<80x128xf32, #tpu.memory_space<vmem>>, vector<16xf32>,
          %mul3A_413 = vector.broadcast %squeeze3A_409 : f32 to vector<16xf32>
          %mul3A_414 = arith.mulf %get3A_412, %mul3A_413 : vector<16xf32>
          %swap3A_415 = arith.index_cast %add3A_371 : i32 to index
          %swap3A_416 = arith.constant 64 : index
          %swap3A_417 = tpu.vector_load %arg12[%swap3A_415, %swap3A_416] {strides = array<i32>} : memref<80x128xf32, #tpu.memory_space<vmem>>, vector<16xf32>,
          tpu.vector_store %arg12[%swap3A_415, %swap3A_416], %mul3A_414 {strides = array<i32>} : memref<80x128xf32, #tpu.memory_space<vmem>>, vector<16xf32>,
          %get3A_418 = arith.index_cast %add3A_371 : i32 to index
          %get3A_419 = arith.constant 80 : index
          %get3A_420 = tpu.vector_load %arg12[%get3A_418, %get3A_419] {strides = array<i32>} : memref<80x128xf32, #tpu.memory_space<vmem>>, vector<16xf32>,
          %mul3A_421 = vector.broadcast %squeeze3A_409 : f32 to vector<16xf32>
          %mul3A_422 = arith.mulf %get3A_420, %mul3A_421 : vector<16xf32>
          %swap3A_423 = arith.index_cast %add3A_371 : i32 to index
          %swap3A_424 = arith.constant 80 : index
          %swap3A_425 = tpu.vector_load %arg12[%swap3A_423, %swap3A_424] {strides = array<i32>} : memref<80x128xf32, #tpu.memory_space<vmem>>, vector<16xf32>,
          tpu.vector_store %arg12[%swap3A_423, %swap3A_424], %mul3A_422 {strides = array<i32>} : memref<80x128xf32, #tpu.memory_space<vmem>>, vector<16xf32>,
          %slice3A_426 = vector.extract_strided_slice %mul3A_142 {offsets = [15], sizes = [1], strides = [1]} : vector<16xf32> to vector<1xf32>
          %squeeze3A_427 = vector.extract %slice3A_426[0] : f32 from vector<1xf32>
          %get3A_428 = arith.index_cast %add3A_371 : i32 to index
          %get3A_429 = arith.constant 96 : index
          %get3A_430 = tpu.vector_load %arg12[%get3A_428, %get3A_429] {strides = array<i32>} : memref<80x128xf32, #tpu.memory_space<vmem>>, vector<16xf32>,
          %mul3A_431 = vector.broadcast %squeeze3A_427 : f32 to vector<16xf32>
          %mul3A_432 = arith.mulf %get3A_430, %mul3A_431 : vector<16xf32>
          %swap3A_433 = arith.index_cast %add3A_371 : i32 to index
          %swap3A_434 = arith.constant 96 : index
          %swap3A_435 = tpu.vector_load %arg12[%swap3A_433, %swap3A_434] {strides = array<i32>} : memref<80x128xf32, #tpu.memory_space<vmem>>, vector<16xf32>,
          tpu.vector_store %arg12[%swap3A_433, %swap3A_434], %mul3A_432 {strides = array<i32>} : memref<80x128xf32, #tpu.memory_space<vmem>>, vector<16xf32>,
          %get3A_436 = arith.index_cast %add3A_371 : i32 to index
          %get3A_437 = arith.constant 112 : index
          %get3A_438 = tpu.vector_load %arg12[%get3A_436, %get3A_437] {strides = array<i32>} : memref<80x128xf32, #tpu.memory_space<vmem>>, vector<16xf32>,
          %mul3A_439 = vector.broadcast %squeeze3A_427 : f32 to vector<16xf32>
          %mul3A_440 = arith.mulf %get3A_438, %mul3A_439 : vector<16xf32>
          %swap3A_441 = arith.index_cast %add3A_371 : i32 to index
          %swap3A_442 = arith.constant 112 : index
          %swap3A_443 = tpu.vector_load %arg12[%swap3A_441, %swap3A_442] {strides = array<i32>} : memref<80x128xf32, #tpu.memory_space<vmem>>, vector<16xf32>,
          tpu.vector_store %arg12[%swap3A_441, %swap3A_442], %mul3A_440 {strides = array<i32>} : memref<80x128xf32, #tpu.memory_space<vmem>>, vector<16xf32>,
          %scan3A_444 = arith.constant 0 : i32
          scf.yield %scan3A_444 : i32
        }
        %scan3A_135 = arith.constant 20 : i32
        "tpu.region"() ({
          %run_scoped3A = tpu.sem_alloc : memref<!tpu.dma_semaphore, #tpu.memory_space<semaphore_mem>>
          %dma_start3A_137 = arith.constant 0 : i32
          %dma_start3A_138 = arith.constant 0 : i32
          %dma_start3A_139 = tpu.memref_slice %arg13[%dma_start3A_137, %dma_start3A_138] : memref<10000x128xf32, #tpu.memory_space<vmem_shared>> -> memref<10000x128xf32, #tpu.memory_space<vmem_shared>>
          tpu.enqueue_indirect_dma source(%arg12 : memref<80x128xf32, #tpu.memory_space<vmem>>) target(%dma_start3A_139 : memref<10000x128xf32, #tpu.memory_space<vmem_shared>>) offsets(%arg9 : memref<80xi32, #tpu.memory_space<vmem>>) semaphore(%run_scoped3A : memref<!tpu.dma_semaphore, #tpu.memory_space<semaphore_mem>>) {add = true}
          %dma_wait3A_140 = arith.constant 0 : i32
          %dma_wait3A_141 = arith.constant 0 : i32
          %dma_wait3A_142 = tpu.memref_slice %arg13[%dma_wait3A_140, %dma_wait3A_141] : memref<10000x128xf32, #tpu.memory_space<vmem_shared>> -> memref<10000x128xf32, #tpu.memory_space<vmem_shared>>
          tpu.wait_indirect_dma semaphore(%run_scoped3A : memref<!tpu.dma_semaphore, #tpu.memory_space<semaphore_mem>>) src(%arg12 : memref<80x128xf32, #tpu.memory_space<vmem>>) dst(%dma_wait3A_142 : memref<10000x128xf32, #tpu.memory_space<vmem_shared>>)
          tpu.yield
        }) : () -> ()
        %scan3A_136 = arith.constant 0 : i32
        scf.yield %scan3A_136 : i32
      }
      %scan3A_50 = arith.constant 250 : i32
      %barrier3A_51 = arith.constant 0 : index
      tpu.barrier barrier_id(%barrier3A_51)
      %mul3A_52 = arith.constant 625 : i32
      %mul3A_53 = arith.muli %arg1, %mul3A_52 : i32
      %add3A_54 = arith.constant 0 : i32
      %add3A_55 = arith.addi %mul3A_53, %add3A_54 : i32
      "tpu.region"() ({
        %run_scoped3A = tpu.sem_alloc : memref<!tpu.dma_semaphore, #tpu.memory_space<semaphore_mem>>
        %dma_start3A = arith.constant 0 : i32
        %dma_start3A_116 = tpu.memref_slice %arg13[%add3A_55, %dma_start3A] : memref<10000x128xf32, #tpu.memory_space<vmem_shared>> -> memref<80x128xf32, #tpu.memory_space<vmem_shared>>
        %dma_start3A_117 = arith.constant 0 : i32
        %dma_start3A_118 = tpu.memref_slice %arg13[%add3A_55, %dma_start3A_117] : memref<10000x128xf32, #tpu.memory_space<vmem_shared>> -> memref<80x128xf32, #tpu.memory_space<vmem_shared>>
        tpu.enqueue_dma source(%dma_start3A_118 : memref<80x128xf32, #tpu.memory_space<vmem_shared>>) target(%arg12 : memref<80x128xf32, #tpu.memory_space<vmem>>) target_semaphore(%run_scoped3A : memref<!tpu.dma_semaphore, #tpu.memory_space<semaphore_mem>>)
        %dma_wait3A = arith.constant 0 : i32
        %dma_wait3A_119 = tpu.memref_slice %arg13[%add3A_55, %dma_wait3A] : memref<10000x128xf32, #tpu.memory_space<vmem_shared>> -> memref<80x128xf32, #tpu.memory_space<vmem_shared>>
        %dma_wait3A_120 = arith.constant 0 : i32
        %dma_wait3A_121 = tpu.memref_slice %arg13[%add3A_55, %dma_wait3A_120] : memref<10000x128xf32, #tpu.memory_space<vmem_shared>> -> memref<80x128xf32, #tpu.memory_space<vmem_shared>>
        tpu.wait_dma2 semaphore(%run_scoped3A : memref<!tpu.dma_semaphore, #tpu.memory_space<semaphore_mem>>) src(%dma_wait3A_121 : memref<80x128xf32, #tpu.memory_space<vmem_shared>>) dst(%arg12 : memref<80x128xf32, #tpu.memory_space<vmem>>)
        tpu.yield
      }) : () -> ()
      %mul3A_56 = arith.constant 625 : i32
      %mul3A_57 = arith.muli %arg1, %mul3A_56 : i32
      %add3A_58 = arith.constant 0 : i32
      %add3A_59 = arith.addi %mul3A_57, %add3A_58 : i32
      "tpu.region"() ({
        %run_scoped3A = tpu.sem_alloc : memref<!tpu.dma_semaphore, #tpu.memory_space<semaphore_mem>>
        %dma_start3A = arith.constant 0 : i32
        %dma_start3A_116 = tpu.memref_slice %arg8[%add3A_59, %dma_start3A] : memref<10000x128xf32, #tpu.memory_space<hbm>> -> memref<80x128xf32, #tpu.memory_space<hbm>>
        %dma_start3A_117 = arith.constant 0 : i32
        %dma_start3A_118 = tpu.memref_slice %arg8[%add3A_59, %dma_start3A_117] : memref<10000x128xf32, #tpu.memory_space<hbm>> -> memref<80x128xf32, #tpu.memory_space<hbm>>
        tpu.enqueue_dma source(%arg12 : memref<80x128xf32, #tpu.memory_space<vmem>>) target(%dma_start3A_118 : memref<80x128xf32, #tpu.memory_space<hbm>>) target_semaphore(%run_scoped3A : memref<!tpu.dma_semaphore, #tpu.memory_space<semaphore_mem>>)
        %dma_wait3A = arith.constant 0 : i32
        %dma_wait3A_119 = tpu.memref_slice %arg8[%add3A_59, %dma_wait3A] : memref<10000x128xf32, #tpu.memory_space<hbm>> -> memref<80x128xf32, #tpu.memory_space<hbm>>
        %dma_wait3A_120 = arith.constant 0 : i32
        %dma_wait3A_121 = tpu.memref_slice %arg8[%add3A_59, %dma_wait3A_120] : memref<10000x128xf32, #tpu.memory_space<hbm>> -> memref<80x128xf32, #tpu.memory_space<hbm>>
        tpu.wait_dma2 semaphore(%run_scoped3A : memref<!tpu.dma_semaphore, #tpu.memory_space<semaphore_mem>>) src(%arg12 : memref<80x128xf32, #tpu.memory_space<vmem>>) dst(%dma_wait3A_121 : memref<80x128xf32, #tpu.memory_space<hbm>>)
        tpu.yield
      }) : () -> ()
      %mul3A_60 = arith.constant 625 : i32
      %mul3A_61 = arith.muli %arg1, %mul3A_60 : i32
      %add3A_62 = arith.constant 80 : i32
      %add3A_63 = arith.addi %mul3A_61, %add3A_62 : i32
      "tpu.region"() ({
        %run_scoped3A = tpu.sem_alloc : memref<!tpu.dma_semaphore, #tpu.memory_space<semaphore_mem>>
        %dma_start3A = arith.constant 0 : i32
        %dma_start3A_116 = tpu.memref_slice %arg13[%add3A_63, %dma_start3A] : memref<10000x128xf32, #tpu.memory_space<vmem_shared>> -> memref<80x128xf32, #tpu.memory_space<vmem_shared>>
        %dma_start3A_117 = arith.constant 0 : i32
        %dma_start3A_118 = tpu.memref_slice %arg13[%add3A_63, %dma_start3A_117] : memref<10000x128xf32, #tpu.memory_space<vmem_shared>> -> memref<80x128xf32, #tpu.memory_space<vmem_shared>>
        tpu.enqueue_dma source(%dma_start3A_118 : memref<80x128xf32, #tpu.memory_space<vmem_shared>>) target(%arg12 : memref<80x128xf32, #tpu.memory_space<vmem>>) target_semaphore(%run_scoped3A : memref<!tpu.dma_semaphore, #tpu.memory_space<semaphore_mem>>)
        %dma_wait3A = arith.constant 0 : i32
        %dma_wait3A_119 = tpu.memref_slice %arg13[%add3A_63, %dma_wait3A] : memref<10000x128xf32, #tpu.memory_space<vmem_shared>> -> memref<80x128xf32, #tpu.memory_space<vmem_shared>>
        %dma_wait3A_120 = arith.constant 0 : i32
        %dma_wait3A_121 = tpu.memref_slice %arg13[%add3A_63, %dma_wait3A_120] : memref<10000x128xf32, #tpu.memory_space<vmem_shared>> -> memref<80x128xf32, #tpu.memory_space<vmem_shared>>
        tpu.wait_dma2 semaphore(%run_scoped3A : memref<!tpu.dma_semaphore, #tpu.memory_space<semaphore_mem>>) src(%dma_wait3A_121 : memref<80x128xf32, #tpu.memory_space<vmem_shared>>) dst(%arg12 : memref<80x128xf32, #tpu.memory_space<vmem>>)
        tpu.yield
      }) : () -> ()
      %mul3A_64 = arith.constant 625 : i32
      %mul3A_65 = arith.muli %arg1, %mul3A_64 : i32
      %add3A_66 = arith.constant 80 : i32
      %add3A_67 = arith.addi %mul3A_65, %add3A_66 : i32
      "tpu.region"() ({
        %run_scoped3A = tpu.sem_alloc : memref<!tpu.dma_semaphore, #tpu.memory_space<semaphore_mem>>
        %dma_start3A = arith.constant 0 : i32
        %dma_start3A_116 = tpu.memref_slice %arg8[%add3A_67, %dma_start3A] : memref<10000x128xf32, #tpu.memory_space<hbm>> -> memref<80x128xf32, #tpu.memory_space<hbm>>
        %dma_start3A_117 = arith.constant 0 : i32
        %dma_start3A_118 = tpu.memref_slice %arg8[%add3A_67, %dma_start3A_117] : memref<10000x128xf32, #tpu.memory_space<hbm>> -> memref<80x128xf32, #tpu.memory_space<hbm>>
        tpu.enqueue_dma source(%arg12 : memref<80x128xf32, #tpu.memory_space<vmem>>) target(%dma_start3A_118 : memref<80x128xf32, #tpu.memory_space<hbm>>) target_semaphore(%run_scoped3A : memref<!tpu.dma_semaphore, #tpu.memory_space<semaphore_mem>>)
        %dma_wait3A = arith.constant 0 : i32
        %dma_wait3A_119 = tpu.memref_slice %arg8[%add3A_67, %dma_wait3A] : memref<10000x128xf32, #tpu.memory_space<hbm>> -> memref<80x128xf32, #tpu.memory_space<hbm>>
        %dma_wait3A_120 = arith.constant 0 : i32
        %dma_wait3A_121 = tpu.memref_slice %arg8[%add3A_67, %dma_wait3A_120] : memref<10000x128xf32, #tpu.memory_space<hbm>> -> memref<80x128xf32, #tpu.memory_space<hbm>>
        tpu.wait_dma2 semaphore(%run_scoped3A : memref<!tpu.dma_semaphore, #tpu.memory_space<semaphore_mem>>) src(%arg12 : memref<80x128xf32, #tpu.memory_space<vmem>>) dst(%dma_wait3A_121 : memref<80x128xf32, #tpu.memory_space<hbm>>)
        tpu.yield
      }) : () -> ()
      %mul3A_68 = arith.constant 625 : i32
      %mul3A_69 = arith.muli %arg1, %mul3A_68 : i32
      %add3A_70 = arith.constant 160 : i32
      %add3A_71 = arith.addi %mul3A_69, %add3A_70 : i32
      "tpu.region"() ({
        %run_scoped3A = tpu.sem_alloc : memref<!tpu.dma_semaphore, #tpu.memory_space<semaphore_mem>>
        %dma_start3A = arith.constant 0 : i32
        %dma_start3A_116 = tpu.memref_slice %arg13[%add3A_71, %dma_start3A] : memref<10000x128xf32, #tpu.memory_space<vmem_shared>> -> memref<80x128xf32, #tpu.memory_space<vmem_shared>>
        %dma_start3A_117 = arith.constant 0 : i32
        %dma_start3A_118 = tpu.memref_slice %arg13[%add3A_71, %dma_start3A_117] : memref<10000x128xf32, #tpu.memory_space<vmem_shared>> -> memref<80x128xf32, #tpu.memory_space<vmem_shared>>
        tpu.enqueue_dma source(%dma_start3A_118 : memref<80x128xf32, #tpu.memory_space<vmem_shared>>) target(%arg12 : memref<80x128xf32, #tpu.memory_space<vmem>>) target_semaphore(%run_scoped3A : memref<!tpu.dma_semaphore, #tpu.memory_space<semaphore_mem>>)
        %dma_wait3A = arith.constant 0 : i32
        %dma_wait3A_119 = tpu.memref_slice %arg13[%add3A_71, %dma_wait3A] : memref<10000x128xf32, #tpu.memory_space<vmem_shared>> -> memref<80x128xf32, #tpu.memory_space<vmem_shared>>
        %dma_wait3A_120 = arith.constant 0 : i32
        %dma_wait3A_121 = tpu.memref_slice %arg13[%add3A_71, %dma_wait3A_120] : memref<10000x128xf32, #tpu.memory_space<vmem_shared>> -> memref<80x128xf32, #tpu.memory_space<vmem_shared>>
        tpu.wait_dma2 semaphore(%run_scoped3A : memref<!tpu.dma_semaphore, #tpu.memory_space<semaphore_mem>>) src(%dma_wait3A_121 : memref<80x128xf32, #tpu.memory_space<vmem_shared>>) dst(%arg12 : memref<80x128xf32, #tpu.memory_space<vmem>>)
        tpu.yield
      }) : () -> ()
      %mul3A_72 = arith.constant 625 : i32
      %mul3A_73 = arith.muli %arg1, %mul3A_72 : i32
      %add3A_74 = arith.constant 160 : i32
      %add3A_75 = arith.addi %mul3A_73, %add3A_74 : i32
      "tpu.region"() ({
        %run_scoped3A = tpu.sem_alloc : memref<!tpu.dma_semaphore, #tpu.memory_space<semaphore_mem>>
        %dma_start3A = arith.constant 0 : i32
        %dma_start3A_116 = tpu.memref_slice %arg8[%add3A_75, %dma_start3A] : memref<10000x128xf32, #tpu.memory_space<hbm>> -> memref<80x128xf32, #tpu.memory_space<hbm>>
        %dma_start3A_117 = arith.constant 0 : i32
        %dma_start3A_118 = tpu.memref_slice %arg8[%add3A_75, %dma_start3A_117] : memref<10000x128xf32, #tpu.memory_space<hbm>> -> memref<80x128xf32, #tpu.memory_space<hbm>>
        tpu.enqueue_dma source(%arg12 : memref<80x128xf32, #tpu.memory_space<vmem>>) target(%dma_start3A_118 : memref<80x128xf32, #tpu.memory_space<hbm>>) target_semaphore(%run_scoped3A : memref<!tpu.dma_semaphore, #tpu.memory_space<semaphore_mem>>)
        %dma_wait3A = arith.constant 0 : i32
        %dma_wait3A_119 = tpu.memref_slice %arg8[%add3A_75, %dma_wait3A] : memref<10000x128xf32, #tpu.memory_space<hbm>> -> memref<80x128xf32, #tpu.memory_space<hbm>>
        %dma_wait3A_120 = arith.constant 0 : i32
        %dma_wait3A_121 = tpu.memref_slice %arg8[%add3A_75, %dma_wait3A_120] : memref<10000x128xf32, #tpu.memory_space<hbm>> -> memref<80x128xf32, #tpu.memory_space<hbm>>
        tpu.wait_dma2 semaphore(%run_scoped3A : memref<!tpu.dma_semaphore, #tpu.memory_space<semaphore_mem>>) src(%arg12 : memref<80x128xf32, #tpu.memory_space<vmem>>) dst(%dma_wait3A_121 : memref<80x128xf32, #tpu.memory_space<hbm>>)
        tpu.yield
      }) : () -> ()
      %mul3A_76 = arith.constant 625 : i32
      %mul3A_77 = arith.muli %arg1, %mul3A_76 : i32
      %add3A_78 = arith.constant 240 : i32
      %add3A_79 = arith.addi %mul3A_77, %add3A_78 : i32
      "tpu.region"() ({
        %run_scoped3A = tpu.sem_alloc : memref<!tpu.dma_semaphore, #tpu.memory_space<semaphore_mem>>
        %dma_start3A = arith.constant 0 : i32
        %dma_start3A_116 = tpu.memref_slice %arg13[%add3A_79, %dma_start3A] : memref<10000x128xf32, #tpu.memory_space<vmem_shared>> -> memref<80x128xf32, #tpu.memory_space<vmem_shared>>
        %dma_start3A_117 = arith.constant 0 : i32
        %dma_start3A_118 = tpu.memref_slice %arg13[%add3A_79, %dma_start3A_117] : memref<10000x128xf32, #tpu.memory_space<vmem_shared>> -> memref<80x128xf32, #tpu.memory_space<vmem_shared>>
        tpu.enqueue_dma source(%dma_start3A_118 : memref<80x128xf32, #tpu.memory_space<vmem_shared>>) target(%arg12 : memref<80x128xf32, #tpu.memory_space<vmem>>) target_semaphore(%run_scoped3A : memref<!tpu.dma_semaphore, #tpu.memory_space<semaphore_mem>>)
        %dma_wait3A = arith.constant 0 : i32
        %dma_wait3A_119 = tpu.memref_slice %arg13[%add3A_79, %dma_wait3A] : memref<10000x128xf32, #tpu.memory_space<vmem_shared>> -> memref<80x128xf32, #tpu.memory_space<vmem_shared>>
        %dma_wait3A_120 = arith.constant 0 : i32
        %dma_wait3A_121 = tpu.memref_slice %arg13[%add3A_79, %dma_wait3A_120] : memref<10000x128xf32, #tpu.memory_space<vmem_shared>> -> memref<80x128xf32, #tpu.memory_space<vmem_shared>>
        tpu.wait_dma2 semaphore(%run_scoped3A : memref<!tpu.dma_semaphore, #tpu.memory_space<semaphore_mem>>) src(%dma_wait3A_121 : memref<80x128xf32, #tpu.memory_space<vmem_shared>>) dst(%arg12 : memref<80x128xf32, #tpu.memory_space<vmem>>)
        tpu.yield
      }) : () -> ()
      %mul3A_80 = arith.constant 625 : i32
      %mul3A_81 = arith.muli %arg1, %mul3A_80 : i32
      %add3A_82 = arith.constant 240 : i32
      %add3A_83 = arith.addi %mul3A_81, %add3A_82 : i32
      "tpu.region"() ({
        %run_scoped3A = tpu.sem_alloc : memref<!tpu.dma_semaphore, #tpu.memory_space<semaphore_mem>>
        %dma_start3A = arith.constant 0 : i32
        %dma_start3A_116 = tpu.memref_slice %arg8[%add3A_83, %dma_start3A] : memref<10000x128xf32, #tpu.memory_space<hbm>> -> memref<80x128xf32, #tpu.memory_space<hbm>>
        %dma_start3A_117 = arith.constant 0 : i32
        %dma_start3A_118 = tpu.memref_slice %arg8[%add3A_83, %dma_start3A_117] : memref<10000x128xf32, #tpu.memory_space<hbm>> -> memref<80x128xf32, #tpu.memory_space<hbm>>
        tpu.enqueue_dma source(%arg12 : memref<80x128xf32, #tpu.memory_space<vmem>>) target(%dma_start3A_118 : memref<80x128xf32, #tpu.memory_space<hbm>>) target_semaphore(%run_scoped3A : memref<!tpu.dma_semaphore, #tpu.memory_space<semaphore_mem>>)
        %dma_wait3A = arith.constant 0 : i32
        %dma_wait3A_119 = tpu.memref_slice %arg8[%add3A_83, %dma_wait3A] : memref<10000x128xf32, #tpu.memory_space<hbm>> -> memref<80x128xf32, #tpu.memory_space<hbm>>
        %dma_wait3A_120 = arith.constant 0 : i32
        %dma_wait3A_121 = tpu.memref_slice %arg8[%add3A_83, %dma_wait3A_120] : memref<10000x128xf32, #tpu.memory_space<hbm>> -> memref<80x128xf32, #tpu.memory_space<hbm>>
        tpu.wait_dma2 semaphore(%run_scoped3A : memref<!tpu.dma_semaphore, #tpu.memory_space<semaphore_mem>>) src(%arg12 : memref<80x128xf32, #tpu.memory_space<vmem>>) dst(%dma_wait3A_121 : memref<80x128xf32, #tpu.memory_space<hbm>>)
        tpu.yield
      }) : () -> ()
      %mul3A_84 = arith.constant 625 : i32
      %mul3A_85 = arith.muli %arg1, %mul3A_84 : i32
      %add3A_86 = arith.constant 320 : i32
      %add3A_87 = arith.addi %mul3A_85, %add3A_86 : i32
      "tpu.region"() ({
        %run_scoped3A = tpu.sem_alloc : memref<!tpu.dma_semaphore, #tpu.memory_space<semaphore_mem>>
        %dma_start3A = arith.constant 0 : i32
        %dma_start3A_116 = tpu.memref_slice %arg13[%add3A_87, %dma_start3A] : memref<10000x128xf32, #tpu.memory_space<vmem_shared>> -> memref<80x128xf32, #tpu.memory_space<vmem_shared>>
        %dma_start3A_117 = arith.constant 0 : i32
        %dma_start3A_118 = tpu.memref_slice %arg13[%add3A_87, %dma_start3A_117] : memref<10000x128xf32, #tpu.memory_space<vmem_shared>> -> memref<80x128xf32, #tpu.memory_space<vmem_shared>>
        tpu.enqueue_dma source(%dma_start3A_118 : memref<80x128xf32, #tpu.memory_space<vmem_shared>>) target(%arg12 : memref<80x128xf32, #tpu.memory_space<vmem>>) target_semaphore(%run_scoped3A : memref<!tpu.dma_semaphore, #tpu.memory_space<semaphore_mem>>)
        %dma_wait3A = arith.constant 0 : i32
        %dma_wait3A_119 = tpu.memref_slice %arg13[%add3A_87, %dma_wait3A] : memref<10000x128xf32, #tpu.memory_space<vmem_shared>> -> memref<80x128xf32, #tpu.memory_space<vmem_shared>>
        %dma_wait3A_120 = arith.constant 0 : i32
        %dma_wait3A_121 = tpu.memref_slice %arg13[%add3A_87, %dma_wait3A_120] : memref<10000x128xf32, #tpu.memory_space<vmem_shared>> -> memref<80x128xf32, #tpu.memory_space<vmem_shared>>
        tpu.wait_dma2 semaphore(%run_scoped3A : memref<!tpu.dma_semaphore, #tpu.memory_space<semaphore_mem>>) src(%dma_wait3A_121 : memref<80x128xf32, #tpu.memory_space<vmem_shared>>) dst(%arg12 : memref<80x128xf32, #tpu.memory_space<vmem>>)
        tpu.yield
      }) : () -> ()
      %mul3A_88 = arith.constant 625 : i32
      %mul3A_89 = arith.muli %arg1, %mul3A_88 : i32
      %add3A_90 = arith.constant 320 : i32
      %add3A_91 = arith.addi %mul3A_89, %add3A_90 : i32
      "tpu.region"() ({
        %run_scoped3A = tpu.sem_alloc : memref<!tpu.dma_semaphore, #tpu.memory_space<semaphore_mem>>
        %dma_start3A = arith.constant 0 : i32
        %dma_start3A_116 = tpu.memref_slice %arg8[%add3A_91, %dma_start3A] : memref<10000x128xf32, #tpu.memory_space<hbm>> -> memref<80x128xf32, #tpu.memory_space<hbm>>
        %dma_start3A_117 = arith.constant 0 : i32
        %dma_start3A_118 = tpu.memref_slice %arg8[%add3A_91, %dma_start3A_117] : memref<10000x128xf32, #tpu.memory_space<hbm>> -> memref<80x128xf32, #tpu.memory_space<hbm>>
        tpu.enqueue_dma source(%arg12 : memref<80x128xf32, #tpu.memory_space<vmem>>) target(%dma_start3A_118 : memref<80x128xf32, #tpu.memory_space<hbm>>) target_semaphore(%run_scoped3A : memref<!tpu.dma_semaphore, #tpu.memory_space<semaphore_mem>>)
        %dma_wait3A = arith.constant 0 : i32
        %dma_wait3A_119 = tpu.memref_slice %arg8[%add3A_91, %dma_wait3A] : memref<10000x128xf32, #tpu.memory_space<hbm>> -> memref<80x128xf32, #tpu.memory_space<hbm>>
        %dma_wait3A_120 = arith.constant 0 : i32
        %dma_wait3A_121 = tpu.memref_slice %arg8[%add3A_91, %dma_wait3A_120] : memref<10000x128xf32, #tpu.memory_space<hbm>> -> memref<80x128xf32, #tpu.memory_space<hbm>>
        tpu.wait_dma2 semaphore(%run_scoped3A : memref<!tpu.dma_semaphore, #tpu.memory_space<semaphore_mem>>) src(%arg12 : memref<80x128xf32, #tpu.memory_space<vmem>>) dst(%dma_wait3A_121 : memref<80x128xf32, #tpu.memory_space<hbm>>)
        tpu.yield
      }) : () -> ()
      %mul3A_92 = arith.constant 625 : i32
      %mul3A_93 = arith.muli %arg1, %mul3A_92 : i32
      %add3A_94 = arith.constant 400 : i32
      %add3A_95 = arith.addi %mul3A_93, %add3A_94 : i32
      "tpu.region"() ({
        %run_scoped3A = tpu.sem_alloc : memref<!tpu.dma_semaphore, #tpu.memory_space<semaphore_mem>>
        %dma_start3A = arith.constant 0 : i32
        %dma_start3A_116 = tpu.memref_slice %arg13[%add3A_95, %dma_start3A] : memref<10000x128xf32, #tpu.memory_space<vmem_shared>> -> memref<80x128xf32, #tpu.memory_space<vmem_shared>>
        %dma_start3A_117 = arith.constant 0 : i32
        %dma_start3A_118 = tpu.memref_slice %arg13[%add3A_95, %dma_start3A_117] : memref<10000x128xf32, #tpu.memory_space<vmem_shared>> -> memref<80x128xf32, #tpu.memory_space<vmem_shared>>
        tpu.enqueue_dma source(%dma_start3A_118 : memref<80x128xf32, #tpu.memory_space<vmem_shared>>) target(%arg12 : memref<80x128xf32, #tpu.memory_space<vmem>>) target_semaphore(%run_scoped3A : memref<!tpu.dma_semaphore, #tpu.memory_space<semaphore_mem>>)
        %dma_wait3A = arith.constant 0 : i32
        %dma_wait3A_119 = tpu.memref_slice %arg13[%add3A_95, %dma_wait3A] : memref<10000x128xf32, #tpu.memory_space<vmem_shared>> -> memref<80x128xf32, #tpu.memory_space<vmem_shared>>
        %dma_wait3A_120 = arith.constant 0 : i32
        %dma_wait3A_121 = tpu.memref_slice %arg13[%add3A_95, %dma_wait3A_120] : memref<10000x128xf32, #tpu.memory_space<vmem_shared>> -> memref<80x128xf32, #tpu.memory_space<vmem_shared>>
        tpu.wait_dma2 semaphore(%run_scoped3A : memref<!tpu.dma_semaphore, #tpu.memory_space<semaphore_mem>>) src(%dma_wait3A_121 : memref<80x128xf32, #tpu.memory_space<vmem_shared>>) dst(%arg12 : memref<80x128xf32, #tpu.memory_space<vmem>>)
        tpu.yield
      }) : () -> ()
      %mul3A_96 = arith.constant 625 : i32
      %mul3A_97 = arith.muli %arg1, %mul3A_96 : i32
      %add3A_98 = arith.constant 400 : i32
      %add3A_99 = arith.addi %mul3A_97, %add3A_98 : i32
      "tpu.region"() ({
        %run_scoped3A = tpu.sem_alloc : memref<!tpu.dma_semaphore, #tpu.memory_space<semaphore_mem>>
        %dma_start3A = arith.constant 0 : i32
        %dma_start3A_116 = tpu.memref_slice %arg8[%add3A_99, %dma_start3A] : memref<10000x128xf32, #tpu.memory_space<hbm>> -> memref<80x128xf32, #tpu.memory_space<hbm>>
        %dma_start3A_117 = arith.constant 0 : i32
        %dma_start3A_118 = tpu.memref_slice %arg8[%add3A_99, %dma_start3A_117] : memref<10000x128xf32, #tpu.memory_space<hbm>> -> memref<80x128xf32, #tpu.memory_space<hbm>>
        tpu.enqueue_dma source(%arg12 : memref<80x128xf32, #tpu.memory_space<vmem>>) target(%dma_start3A_118 : memref<80x128xf32, #tpu.memory_space<hbm>>) target_semaphore(%run_scoped3A : memref<!tpu.dma_semaphore, #tpu.memory_space<semaphore_mem>>)
        %dma_wait3A = arith.constant 0 : i32
        %dma_wait3A_119 = tpu.memref_slice %arg8[%add3A_99, %dma_wait3A] : memref<10000x128xf32, #tpu.memory_space<hbm>> -> memref<80x128xf32, #tpu.memory_space<hbm>>
        %dma_wait3A_120 = arith.constant 0 : i32
        %dma_wait3A_121 = tpu.memref_slice %arg8[%add3A_99, %dma_wait3A_120] : memref<10000x128xf32, #tpu.memory_space<hbm>> -> memref<80x128xf32, #tpu.memory_space<hbm>>
        tpu.wait_dma2 semaphore(%run_scoped3A : memref<!tpu.dma_semaphore, #tpu.memory_space<semaphore_mem>>) src(%arg12 : memref<80x128xf32, #tpu.memory_space<vmem>>) dst(%dma_wait3A_121 : memref<80x128xf32, #tpu.memory_space<hbm>>)
        tpu.yield
      }) : () -> ()
      %mul3A_100 = arith.constant 625 : i32
      %mul3A_101 = arith.muli %arg1, %mul3A_100 : i32
      %add3A_102 = arith.constant 480 : i32
      %add3A_103 = arith.addi %mul3A_101, %add3A_102 : i32
      "tpu.region"() ({
        %run_scoped3A = tpu.sem_alloc : memref<!tpu.dma_semaphore, #tpu.memory_space<semaphore_mem>>
        %dma_start3A = arith.constant 0 : i32
        %dma_start3A_116 = tpu.memref_slice %arg13[%add3A_103, %dma_start3A] : memref<10000x128xf32, #tpu.memory_space<vmem_shared>> -> memref<80x128xf32, #tpu.memory_space<vmem_shared>>
        %dma_start3A_117 = arith.constant 0 : i32
        %dma_start3A_118 = tpu.memref_slice %arg13[%add3A_103, %dma_start3A_117] : memref<10000x128xf32, #tpu.memory_space<vmem_shared>> -> memref<80x128xf32, #tpu.memory_space<vmem_shared>>
        tpu.enqueue_dma source(%dma_start3A_118 : memref<80x128xf32, #tpu.memory_space<vmem_shared>>) target(%arg12 : memref<80x128xf32, #tpu.memory_space<vmem>>) target_semaphore(%run_scoped3A : memref<!tpu.dma_semaphore, #tpu.memory_space<semaphore_mem>>)
        %dma_wait3A = arith.constant 0 : i32
        %dma_wait3A_119 = tpu.memref_slice %arg13[%add3A_103, %dma_wait3A] : memref<10000x128xf32, #tpu.memory_space<vmem_shared>> -> memref<80x128xf32, #tpu.memory_space<vmem_shared>>
        %dma_wait3A_120 = arith.constant 0 : i32
        %dma_wait3A_121 = tpu.memref_slice %arg13[%add3A_103, %dma_wait3A_120] : memref<10000x128xf32, #tpu.memory_space<vmem_shared>> -> memref<80x128xf32, #tpu.memory_space<vmem_shared>>
        tpu.wait_dma2 semaphore(%run_scoped3A : memref<!tpu.dma_semaphore, #tpu.memory_space<semaphore_mem>>) src(%dma_wait3A_121 : memref<80x128xf32, #tpu.memory_space<vmem_shared>>) dst(%arg12 : memref<80x128xf32, #tpu.memory_space<vmem>>)
        tpu.yield
      }) : () -> ()
      %mul3A_104 = arith.constant 625 : i32
      %mul3A_105 = arith.muli %arg1, %mul3A_104 : i32
      %add3A_106 = arith.constant 480 : i32
      %add3A_107 = arith.addi %mul3A_105, %add3A_106 : i32
      "tpu.region"() ({
        %run_scoped3A = tpu.sem_alloc : memref<!tpu.dma_semaphore, #tpu.memory_space<semaphore_mem>>
        %dma_start3A = arith.constant 0 : i32
        %dma_start3A_116 = tpu.memref_slice %arg8[%add3A_107, %dma_start3A] : memref<10000x128xf32, #tpu.memory_space<hbm>> -> memref<80x128xf32, #tpu.memory_space<hbm>>
        %dma_start3A_117 = arith.constant 0 : i32
        %dma_start3A_118 = tpu.memref_slice %arg8[%add3A_107, %dma_start3A_117] : memref<10000x128xf32, #tpu.memory_space<hbm>> -> memref<80x128xf32, #tpu.memory_space<hbm>>
        tpu.enqueue_dma source(%arg12 : memref<80x128xf32, #tpu.memory_space<vmem>>) target(%dma_start3A_118 : memref<80x128xf32, #tpu.memory_space<hbm>>) target_semaphore(%run_scoped3A : memref<!tpu.dma_semaphore, #tpu.memory_space<semaphore_mem>>)
        %dma_wait3A = arith.constant 0 : i32
        %dma_wait3A_119 = tpu.memref_slice %arg8[%add3A_107, %dma_wait3A] : memref<10000x128xf32, #tpu.memory_space<hbm>> -> memref<80x128xf32, #tpu.memory_space<hbm>>
        %dma_wait3A_120 = arith.constant 0 : i32
        %dma_wait3A_121 = tpu.memref_slice %arg8[%add3A_107, %dma_wait3A_120] : memref<10000x128xf32, #tpu.memory_space<hbm>> -> memref<80x128xf32, #tpu.memory_space<hbm>>
        tpu.wait_dma2 semaphore(%run_scoped3A : memref<!tpu.dma_semaphore, #tpu.memory_space<semaphore_mem>>) src(%arg12 : memref<80x128xf32, #tpu.memory_space<vmem>>) dst(%dma_wait3A_121 : memref<80x128xf32, #tpu.memory_space<hbm>>)
        tpu.yield
      }) : () -> ()
      %mul3A_108 = arith.constant 625 : i32
      %mul3A_109 = arith.muli %arg1, %mul3A_108 : i32
      %add3A_110 = arith.constant 560 : i32
      %add3A_111 = arith.addi %mul3A_109, %add3A_110 : i32
      "tpu.region"() ({
        %run_scoped3A = tpu.sem_alloc : memref<!tpu.dma_semaphore, #tpu.memory_space<semaphore_mem>>
        %dma_start3A = arith.constant 0 : i32
        %dma_start3A_116 = arith.constant 0 : i32
        %dma_start3A_117 = tpu.memref_slice %arg12[%dma_start3A, %dma_start3A_116] : memref<80x128xf32, #tpu.memory_space<vmem>> -> memref<65x128xf32, #tpu.memory_space<vmem>>
        %dma_start3A_118 = arith.constant 0 : i32
        %dma_start3A_119 = tpu.memref_slice %arg13[%add3A_111, %dma_start3A_118] : memref<10000x128xf32, #tpu.memory_space<vmem_shared>> -> memref<65x128xf32, #tpu.memory_space<vmem_shared>>
        %dma_start3A_120 = arith.constant 0 : i32
        %dma_start3A_121 = arith.constant 0 : i32
        %dma_start3A_122 = tpu.memref_slice %arg12[%dma_start3A_120, %dma_start3A_121] : memref<80x128xf32, #tpu.memory_space<vmem>> -> memref<65x128xf32, #tpu.memory_space<vmem>>
        %dma_start3A_123 = arith.constant 0 : i32
        %dma_start3A_124 = tpu.memref_slice %arg13[%add3A_111, %dma_start3A_123] : memref<10000x128xf32, #tpu.memory_space<vmem_shared>> -> memref<65x128xf32, #tpu.memory_space<vmem_shared>>
        tpu.enqueue_dma source(%dma_start3A_124 : memref<65x128xf32, #tpu.memory_space<vmem_shared>>) target(%dma_start3A_122 : memref<65x128xf32, #tpu.memory_space<vmem>>) target_semaphore(%run_scoped3A : memref<!tpu.dma_semaphore, #tpu.memory_space<semaphore_mem>>)
        %dma_wait3A = arith.constant 0 : i32
        %dma_wait3A_125 = arith.constant 0 : i32
        %dma_wait3A_126 = tpu.memref_slice %arg12[%dma_wait3A, %dma_wait3A_125] : memref<80x128xf32, #tpu.memory_space<vmem>> -> memref<65x128xf32, #tpu.memory_space<vmem>>
        %dma_wait3A_127 = arith.constant 0 : i32
        %dma_wait3A_128 = tpu.memref_slice %arg13[%add3A_111, %dma_wait3A_127] : memref<10000x128xf32, #tpu.memory_space<vmem_shared>> -> memref<65x128xf32, #tpu.memory_space<vmem_shared>>
        %dma_wait3A_129 = arith.constant 0 : i32
        %dma_wait3A_130 = arith.constant 0 : i32
        %dma_wait3A_131 = tpu.memref_slice %arg12[%dma_wait3A_129, %dma_wait3A_130] : memref<80x128xf32, #tpu.memory_space<vmem>> -> memref<65x128xf32, #tpu.memory_space<vmem>>
        %dma_wait3A_132 = arith.constant 0 : i32
        %dma_wait3A_133 = tpu.memref_slice %arg13[%add3A_111, %dma_wait3A_132] : memref<10000x128xf32, #tpu.memory_space<vmem_shared>> -> memref<65x128xf32, #tpu.memory_space<vmem_shared>>
        tpu.wait_dma2 semaphore(%run_scoped3A : memref<!tpu.dma_semaphore, #tpu.memory_space<semaphore_mem>>) src(%dma_wait3A_133 : memref<65x128xf32, #tpu.memory_space<vmem_shared>>) dst(%dma_wait3A_131 : memref<65x128xf32, #tpu.memory_space<vmem>>)
        tpu.yield
      }) : () -> ()
      %mul3A_112 = arith.constant 625 : i32
      %mul3A_113 = arith.muli %arg1, %mul3A_112 : i32
      %add3A_114 = arith.constant 560 : i32
      %add3A_115 = arith.addi %mul3A_113, %add3A_114 : i32
      "tpu.region"() ({
        %run_scoped3A = tpu.sem_alloc : memref<!tpu.dma_semaphore, #tpu.memory_space<semaphore_mem>>
        %dma_start3A = arith.constant 0 : i32
        %dma_start3A_116 = arith.constant 0 : i32
        %dma_start3A_117 = tpu.memref_slice %arg12[%dma_start3A, %dma_start3A_116] : memref<80x128xf32, #tpu.memory_space<vmem>> -> memref<65x128xf32, #tpu.memory_space<vmem>>
        %dma_start3A_118 = arith.constant 0 : i32
        %dma_start3A_119 = tpu.memref_slice %arg8[%add3A_115, %dma_start3A_118] : memref<10000x128xf32, #tpu.memory_space<hbm>> -> memref<65x128xf32, #tpu.memory_space<hbm>>
        %dma_start3A_120 = arith.constant 0 : i32
        %dma_start3A_121 = tpu.memref_slice %arg8[%add3A_115, %dma_start3A_120] : memref<10000x128xf32, #tpu.memory_space<hbm>> -> memref<65x128xf32, #tpu.memory_space<hbm>>
        %dma_start3A_122 = arith.constant 0 : i32
        %dma_start3A_123 = arith.constant 0 : i32
        %dma_start3A_124 = tpu.memref_slice %arg12[%dma_start3A_122, %dma_start3A_123] : memref<80x128xf32, #tpu.memory_space<vmem>> -> memref<65x128xf32, #tpu.memory_space<vmem>>
        tpu.enqueue_dma source(%dma_start3A_124 : memref<65x128xf32, #tpu.memory_space<vmem>>) target(%dma_start3A_121 : memref<65x128xf32, #tpu.memory_space<hbm>>) target_semaphore(%run_scoped3A : memref<!tpu.dma_semaphore, #tpu.memory_space<semaphore_mem>>)
        %dma_wait3A = arith.constant 0 : i32
        %dma_wait3A_125 = arith.constant 0 : i32
        %dma_wait3A_126 = tpu.memref_slice %arg12[%dma_wait3A, %dma_wait3A_125] : memref<80x128xf32, #tpu.memory_space<vmem>> -> memref<65x128xf32, #tpu.memory_space<vmem>>
        %dma_wait3A_127 = arith.constant 0 : i32
        %dma_wait3A_128 = tpu.memref_slice %arg8[%add3A_115, %dma_wait3A_127] : memref<10000x128xf32, #tpu.memory_space<hbm>> -> memref<65x128xf32, #tpu.memory_space<hbm>>
        %dma_wait3A_129 = arith.constant 0 : i32
        %dma_wait3A_130 = tpu.memref_slice %arg8[%add3A_115, %dma_wait3A_129] : memref<10000x128xf32, #tpu.memory_space<hbm>> -> memref<65x128xf32, #tpu.memory_space<hbm>>
        %dma_wait3A_131 = arith.constant 0 : i32
        %dma_wait3A_132 = arith.constant 0 : i32
        %dma_wait3A_133 = tpu.memref_slice %arg12[%dma_wait3A_131, %dma_wait3A_132] : memref<80x128xf32, #tpu.memory_space<vmem>> -> memref<65x128xf32, #tpu.memory_space<vmem>>
        tpu.wait_dma2 semaphore(%run_scoped3A : memref<!tpu.dma_semaphore, #tpu.memory_space<semaphore_mem>>) src(%dma_wait3A_133 : memref<65x128xf32, #tpu.memory_space<vmem>>) dst(%dma_wait3A_130 : memref<65x128xf32, #tpu.memory_space<hbm>>)
        tpu.yield
      }) : () -> ()
    } else {
    }
    return
  }
}

module attributes {stable_mosaic.version = 14 : i64} {
  func.func @_t1_body(%arg0: i32, %arg1: memref<1000x128xf32, #tpu.memory_space<vmem>>, %arg2: memref<1000x128xf32, #tpu.memory_space<vmem>>, %arg3: memref<128x4xf32, #tpu.memory_space<vmem>>, %arg4: memref<128x128xf32, #tpu.memory_space<vmem>>, %arg5: memref<1x128xf32, #tpu.memory_space<vmem>>, %arg6: memref<128x128xf32, #tpu.memory_space<vmem>>, %arg7: memref<1x128xf32, #tpu.memory_space<vmem>>, %arg8: memref<128x128xf32, #tpu.memory_space<vmem>>, %arg9: memref<1x128xf32, #tpu.memory_space<vmem>>, %arg10: memref<128x128xf32, #tpu.memory_space<vmem>>, %arg11: memref<1x128xf32, #tpu.memory_space<vmem>>, %arg12: memref<128x128xf32, #tpu.memory_space<vmem>>, %arg13: memref<1x128xf32, #tpu.memory_space<vmem>>, %arg14: memref<128x128xf32, #tpu.memory_space<vmem>>, %arg15: memref<1x128xf32, #tpu.memory_space<vmem>>, %arg16: memref<1000x272xf32, #tpu.memory_space<vmem>>, %arg17: memref<1000x272xf32, #tpu.memory_space<vmem>>, %arg18: memref<1000x128xf32, #tpu.memory_space<vmem>>, %arg19: memref<1000x128xf32, #tpu.memory_space<vmem>>) attributes {dimension_semantics = [#tpu.dimension_semantics<arbitrary>], iteration_bounds = array<i64: 10>, scalar_prefetch = 0 : i64, scratch_operands = 0 : i64, tpu.core_type = #tpu.core_type<tc>, window_params = [{transform_indices = @transform_0, window_bounds = array<i64: 1000, 128>}, {transform_indices = @transform_1, window_bounds = array<i64: 1000, 128>}, {pipeline_mode = #tpu.pipeline_mode<synchronous>, transform_indices = @transform_2, window_bounds = array<i64: 128, 4>}, {pipeline_mode = #tpu.pipeline_mode<synchronous>, transform_indices = @transform_3, window_bounds = array<i64: 128, 128>}, {pipeline_mode = #tpu.pipeline_mode<synchronous>, transform_indices = @transform_4, window_bounds = array<i64: 1, 128>}, {pipeline_mode = #tpu.pipeline_mode<synchronous>, transform_indices = @transform_5, window_bounds = array<i64: 128, 128>}, {pipeline_mode = #tpu.pipeline_mode<synchronous>, transform_indices = @transform_6, window_bounds = array<i64: 1, 128>}, {pipeline_mode = #tpu.pipeline_mode<synchronous>, transform_indices = @transform_7, window_bounds = array<i64: 128, 128>}, {pipeline_mode = #tpu.pipeline_mode<synchronous>, transform_indices = @transform_8, window_bounds = array<i64: 1, 128>}, {pipeline_mode = #tpu.pipeline_mode<synchronous>, transform_indices = @transform_9, window_bounds = array<i64: 128, 128>}, {pipeline_mode = #tpu.pipeline_mode<synchronous>, transform_indices = @transform_10, window_bounds = array<i64: 1, 128>}, {pipeline_mode = #tpu.pipeline_mode<synchronous>, transform_indices = @transform_11, window_bounds = array<i64: 128, 128>}, {pipeline_mode = #tpu.pipeline_mode<synchronous>, transform_indices = @transform_12, window_bounds = array<i64: 1, 128>}, {pipeline_mode = #tpu.pipeline_mode<synchronous>, transform_indices = @transform_13, window_bounds = array<i64: 128, 128>}, {pipeline_mode = #tpu.pipeline_mode<synchronous>, transform_indices = @transform_14, window_bounds = array<i64: 1, 128>}, {transform_indices = @transform_15, window_bounds = array<i64: 1000, 272>}, {transform_indices = @transform_16, window_bounds = array<i64: 1000, 272>}, {transform_indices = @transform_17, window_bounds = array<i64: 1000, 128>}, {transform_indices = @transform_18, window_bounds = array<i64: 1000, 128>}]} {
    %get3A = arith.constant 0 : index
    %get3A_0 = arith.constant 0 : index
    %get3A_1 = vector.load %arg1[%get3A, %get3A_0] : memref<1000x128xf32, #tpu.memory_space<vmem>>, vector<1000x128xf32>
    %get3A_2 = arith.constant 0 : index
    %get3A_3 = arith.constant 0 : index
    %get3A_4 = vector.load %arg2[%get3A_2, %get3A_3] : memref<1000x128xf32, #tpu.memory_space<vmem>>, vector<1000x128xf32>
    %get3A_5 = arith.constant 0 : index
    %get3A_6 = arith.constant 0 : index
    %get3A_7 = vector.load %arg4[%get3A_5, %get3A_6] : memref<128x128xf32, #tpu.memory_space<vmem>>, vector<128x128xf32>
    %dot_general3A = arith.constant dense<0.000000e+00> : vector<1000x128xf32>
    %dot_general3A_8 = tpu.matmul %get3A_1, %get3A_7, %dot_general3A {dimension_numbers = #tpu.dot_dimension_numbers<[1], [0], [0], [1], [0, 0, 1, 1], [], []>, transpose_lhs_hint = false} : vector<1000x128xf32>, vector<128x128xf32>, vector<1000x128xf32> -> vector<1000x128xf32>
    %get3A_9 = arith.constant 0 : index
    %get3A_10 = arith.constant 0 : index
    %get3A_11 = vector.load %arg5[%get3A_9, %get3A_10] : memref<1x128xf32, #tpu.memory_space<vmem>>, vector<1x128xf32>
    %add3A = vector.broadcast %get3A_11 : vector<1x128xf32> to vector<1000x128xf32>
    %add3A_12 = arith.addf %dot_general3A_8, %add3A : vector<1000x128xf32>
    %get3A_13 = arith.constant 0 : index
    %get3A_14 = arith.constant 0 : index
    %get3A_15 = vector.load %arg6[%get3A_13, %get3A_14] : memref<128x128xf32, #tpu.memory_space<vmem>>, vector<128x128xf32>
    %dot_general3A_16 = arith.constant dense<0.000000e+00> : vector<1000x128xf32>
    %dot_general3A_17 = tpu.matmul %get3A_4, %get3A_15, %dot_general3A_16 {dimension_numbers = #tpu.dot_dimension_numbers<[1], [0], [0], [1], [0, 0, 1, 1], [], []>, transpose_lhs_hint = false} : vector<1000x128xf32>, vector<128x128xf32>, vector<1000x128xf32> -> vector<1000x128xf32>
    %get3A_18 = arith.constant 0 : index
    %get3A_19 = arith.constant 0 : index
    %get3A_20 = vector.load %arg7[%get3A_18, %get3A_19] : memref<1x128xf32, #tpu.memory_space<vmem>>, vector<1x128xf32>
    %add3A_21 = vector.broadcast %get3A_20 : vector<1x128xf32> to vector<1000x128xf32>
    %add3A_22 = arith.addf %dot_general3A_17, %add3A_21 : vector<1000x128xf32>
    %custom_jvp_call3A = arith.constant 0.000000e+00 : f32
    %max3A = vector.broadcast %custom_jvp_call3A : f32 to vector<1000x128xf32>
    %max3A_23 = arith.maximumf %add3A_22, %max3A : vector<1000x128xf32>
    %sub3A = vector.broadcast %custom_jvp_call3A : f32 to vector<1000x128xf32>
    %sub3A_24 = arith.subf %add3A_22, %sub3A : vector<1000x128xf32>
    %ne3A = arith.cmpf one, %sub3A_24, %sub3A_24 : vector<1000x128xf32>
    %add3A_25 = vector.broadcast %custom_jvp_call3A : f32 to vector<1000x128xf32>
    %add3A_26 = arith.addf %add3A_22, %add3A_25 : vector<1000x128xf32>
    %abs3A = math.absf %sub3A_24 : vector<1000x128xf32>
    %neg3A = arith.constant 0.000000e+00 : f32
    %neg3A_27 = vector.broadcast %neg3A : f32 to vector<1000x128xf32>
    %neg3A_28 = arith.subf %neg3A_27, %abs3A : vector<1000x128xf32>
    %exp3A = math.exp %neg3A_28 : vector<1000x128xf32>
    %log1p3A = math.log1p %exp3A : vector<1000x128xf32>
    %add3A_29 = arith.addf %max3A_23, %log1p3A : vector<1000x128xf32>
    %select_n3A = arith.select %ne3A, %add3A_26, %add3A_29 : vector<1000x128xi1>, vector<1000x128xf32>
    %get3A_30 = arith.constant 0 : index
    %get3A_31 = arith.constant 0 : index
    %get3A_32 = vector.load %arg8[%get3A_30, %get3A_31] : memref<128x128xf32, #tpu.memory_space<vmem>>, vector<128x128xf32>
    %dot_general3A_33 = arith.constant dense<0.000000e+00> : vector<1000x128xf32>
    %dot_general3A_34 = tpu.matmul %get3A_1, %get3A_32, %dot_general3A_33 {dimension_numbers = #tpu.dot_dimension_numbers<[1], [0], [0], [1], [0, 0, 1, 1], [], []>, transpose_lhs_hint = false} : vector<1000x128xf32>, vector<128x128xf32>, vector<1000x128xf32> -> vector<1000x128xf32>
    %get3A_35 = arith.constant 0 : index
    %get3A_36 = arith.constant 0 : index
    %get3A_37 = vector.load %arg9[%get3A_35, %get3A_36] : memref<1x128xf32, #tpu.memory_space<vmem>>, vector<1x128xf32>
    %add3A_38 = vector.broadcast %get3A_37 : vector<1x128xf32> to vector<1000x128xf32>
    %add3A_39 = arith.addf %dot_general3A_34, %add3A_38 : vector<1000x128xf32>
    %get3A_40 = arith.constant 0 : index
    %get3A_41 = arith.constant 0 : index
    %get3A_42 = vector.load %arg10[%get3A_40, %get3A_41] : memref<128x128xf32, #tpu.memory_space<vmem>>, vector<128x128xf32>
    %dot_general3A_43 = arith.constant dense<0.000000e+00> : vector<1000x128xf32>
    %dot_general3A_44 = tpu.matmul %get3A_4, %get3A_42, %dot_general3A_43 {dimension_numbers = #tpu.dot_dimension_numbers<[1], [0], [0], [1], [0, 0, 1, 1], [], []>, transpose_lhs_hint = false} : vector<1000x128xf32>, vector<128x128xf32>, vector<1000x128xf32> -> vector<1000x128xf32>
    %get3A_45 = arith.constant 0 : index
    %get3A_46 = arith.constant 0 : index
    %get3A_47 = vector.load %arg11[%get3A_45, %get3A_46] : memref<1x128xf32, #tpu.memory_space<vmem>>, vector<1x128xf32>
    %add3A_48 = vector.broadcast %get3A_47 : vector<1x128xf32> to vector<1000x128xf32>
    %add3A_49 = arith.addf %dot_general3A_44, %add3A_48 : vector<1000x128xf32>
    %custom_jvp_call3A_50 = arith.constant 0.000000e+00 : f32
    %max3A_51 = vector.broadcast %custom_jvp_call3A_50 : f32 to vector<1000x128xf32>
    %max3A_52 = arith.maximumf %add3A_49, %max3A_51 : vector<1000x128xf32>
    %sub3A_53 = vector.broadcast %custom_jvp_call3A_50 : f32 to vector<1000x128xf32>
    %sub3A_54 = arith.subf %add3A_49, %sub3A_53 : vector<1000x128xf32>
    %ne3A_55 = arith.cmpf one, %sub3A_54, %sub3A_54 : vector<1000x128xf32>
    %add3A_56 = vector.broadcast %custom_jvp_call3A_50 : f32 to vector<1000x128xf32>
    %add3A_57 = arith.addf %add3A_49, %add3A_56 : vector<1000x128xf32>
    %abs3A_58 = math.absf %sub3A_54 : vector<1000x128xf32>
    %neg3A_59 = arith.constant 0.000000e+00 : f32
    %neg3A_60 = vector.broadcast %neg3A_59 : f32 to vector<1000x128xf32>
    %neg3A_61 = arith.subf %neg3A_60, %abs3A_58 : vector<1000x128xf32>
    %exp3A_62 = math.exp %neg3A_61 : vector<1000x128xf32>
    %log1p3A_63 = math.log1p %exp3A_62 : vector<1000x128xf32>
    %add3A_64 = arith.addf %max3A_52, %log1p3A_63 : vector<1000x128xf32>
    %select_n3A_65 = arith.select %ne3A_55, %add3A_57, %add3A_64 : vector<1000x128xi1>, vector<1000x128xf32>
    %get3A_66 = arith.constant 0 : index
    %get3A_67 = arith.constant 0 : index
    %get3A_68 = vector.load %arg12[%get3A_66, %get3A_67] : memref<128x128xf32, #tpu.memory_space<vmem>>, vector<128x128xf32>
    %dot_general3A_69 = arith.constant dense<0.000000e+00> : vector<1000x128xf32>
    %dot_general3A_70 = tpu.matmul %get3A_1, %get3A_68, %dot_general3A_69 {dimension_numbers = #tpu.dot_dimension_numbers<[1], [0], [0], [1], [0, 0, 1, 1], [], []>, transpose_lhs_hint = false} : vector<1000x128xf32>, vector<128x128xf32>, vector<1000x128xf32> -> vector<1000x128xf32>
    %get3A_71 = arith.constant 0 : index
    %get3A_72 = arith.constant 0 : index
    %get3A_73 = vector.load %arg13[%get3A_71, %get3A_72] : memref<1x128xf32, #tpu.memory_space<vmem>>, vector<1x128xf32>
    %add3A_74 = vector.broadcast %get3A_73 : vector<1x128xf32> to vector<1000x128xf32>
    %add3A_75 = arith.addf %dot_general3A_70, %add3A_74 : vector<1000x128xf32>
    %swap3A = arith.constant 0 : index
    %swap3A_76 = arith.constant 0 : index
    %swap3A_77 = vector.load %arg18[%swap3A, %swap3A_76] : memref<1000x128xf32, #tpu.memory_space<vmem>>, vector<1000x128xf32>
    tpu.vector_store %arg18[%swap3A, %swap3A_76], %add3A_75 {strides = array<i32>} : memref<1000x128xf32, #tpu.memory_space<vmem>>, vector<1000x128xf32>,
    %get3A_78 = arith.constant 0 : index
    %get3A_79 = arith.constant 0 : index
    %get3A_80 = vector.load %arg14[%get3A_78, %get3A_79] : memref<128x128xf32, #tpu.memory_space<vmem>>, vector<128x128xf32>
    %dot_general3A_81 = arith.constant dense<0.000000e+00> : vector<1000x128xf32>
    %dot_general3A_82 = tpu.matmul %get3A_4, %get3A_80, %dot_general3A_81 {dimension_numbers = #tpu.dot_dimension_numbers<[1], [0], [0], [1], [0, 0, 1, 1], [], []>, transpose_lhs_hint = false} : vector<1000x128xf32>, vector<128x128xf32>, vector<1000x128xf32> -> vector<1000x128xf32>
    %get3A_83 = arith.constant 0 : index
    %get3A_84 = arith.constant 0 : index
    %get3A_85 = vector.load %arg15[%get3A_83, %get3A_84] : memref<1x128xf32, #tpu.memory_space<vmem>>, vector<1x128xf32>
    %add3A_86 = vector.broadcast %get3A_85 : vector<1x128xf32> to vector<1000x128xf32>
    %add3A_87 = arith.addf %dot_general3A_82, %add3A_86 : vector<1000x128xf32>
    %custom_jvp_call3A_88 = arith.constant 0.000000e+00 : f32
    %max3A_89 = vector.broadcast %custom_jvp_call3A_88 : f32 to vector<1000x128xf32>
    %max3A_90 = arith.maximumf %add3A_87, %max3A_89 : vector<1000x128xf32>
    %sub3A_91 = vector.broadcast %custom_jvp_call3A_88 : f32 to vector<1000x128xf32>
    %sub3A_92 = arith.subf %add3A_87, %sub3A_91 : vector<1000x128xf32>
    %ne3A_93 = arith.cmpf one, %sub3A_92, %sub3A_92 : vector<1000x128xf32>
    %add3A_94 = vector.broadcast %custom_jvp_call3A_88 : f32 to vector<1000x128xf32>
    %add3A_95 = arith.addf %add3A_87, %add3A_94 : vector<1000x128xf32>
    %abs3A_96 = math.absf %sub3A_92 : vector<1000x128xf32>
    %neg3A_97 = arith.constant 0.000000e+00 : f32
    %neg3A_98 = vector.broadcast %neg3A_97 : f32 to vector<1000x128xf32>
    %neg3A_99 = arith.subf %neg3A_98, %abs3A_96 : vector<1000x128xf32>
    %exp3A_100 = math.exp %neg3A_99 : vector<1000x128xf32>
    %log1p3A_101 = math.log1p %exp3A_100 : vector<1000x128xf32>
    %add3A_102 = arith.addf %max3A_90, %log1p3A_101 : vector<1000x128xf32>
    %select_n3A_103 = arith.select %ne3A_93, %add3A_95, %add3A_102 : vector<1000x128xi1>, vector<1000x128xf32>
    %swap3A_104 = arith.constant 0 : index
    %swap3A_105 = arith.constant 0 : index
    %swap3A_106 = vector.load %arg19[%swap3A_104, %swap3A_105] : memref<1000x128xf32, #tpu.memory_space<vmem>>, vector<1000x128xf32>
    tpu.vector_store %arg19[%swap3A_104, %swap3A_105], %select_n3A_103 {strides = array<i32>} : memref<1000x128xf32, #tpu.memory_space<vmem>>, vector<1000x128xf32>,
    %div3A = arith.constant 1.000000e+00 : f32
    %div3A_107 = vector.broadcast %div3A : f32 to vector<1000x128xf32>
    %div3A_108 = arith.divf %div3A_107, %select_n3A_65 : vector<1000x128xf32>
    %mul3A = arith.mulf %add3A_12, %add3A_12 : vector<1000x128xf32>
    %add3A_109 = arith.addf %mul3A, %select_n3A : vector<1000x128xf32>
    %swap3A_110 = arith.constant 0 : index
    %swap3A_111 = arith.constant 0 : index
    %swap3A_112 = vector.load %arg16[%swap3A_110, %swap3A_111] : memref<1000x272xf32, #tpu.memory_space<vmem>>, vector<1000x128xf32>
    tpu.vector_store %arg16[%swap3A_110, %swap3A_111], %add3A_109 {strides = array<i32>} : memref<1000x272xf32, #tpu.memory_space<vmem>>, vector<1000x128xf32>,
    %swap3A_113 = arith.constant 0 : index
    %swap3A_114 = arith.constant 128 : index
    %swap3A_115 = vector.load %arg16[%swap3A_113, %swap3A_114] : memref<1000x272xf32, #tpu.memory_space<vmem>>, vector<1000x128xf32>
    tpu.vector_store %arg16[%swap3A_113, %swap3A_114], %add3A_12 {strides = array<i32>} : memref<1000x272xf32, #tpu.memory_space<vmem>>, vector<1000x128xf32>,
    %mul3A_116 = arith.constant 5.000000e-01 : f32
    %mul3A_117 = vector.broadcast %mul3A_116 : f32 to vector<1000x128xf32>
    %mul3A_118 = arith.mulf %mul3A_117, %div3A_108 : vector<1000x128xf32>
    %swap3A_119 = arith.constant 0 : index
    %swap3A_120 = arith.constant 0 : index
    %swap3A_121 = vector.load %arg17[%swap3A_119, %swap3A_120] : memref<1000x272xf32, #tpu.memory_space<vmem>>, vector<1000x128xf32>
    tpu.vector_store %arg17[%swap3A_119, %swap3A_120], %mul3A_118 {strides = array<i32>} : memref<1000x272xf32, #tpu.memory_space<vmem>>, vector<1000x128xf32>,
    %mul3A_122 = arith.mulf %add3A_39, %div3A_108 : vector<1000x128xf32>
    %neg3A_123 = arith.constant 0.000000e+00 : f32
    %neg3A_124 = vector.broadcast %neg3A_123 : f32 to vector<1000x128xf32>
    %neg3A_125 = arith.subf %neg3A_124, %mul3A_122 : vector<1000x128xf32>
    %swap3A_126 = arith.constant 0 : index
    %swap3A_127 = arith.constant 128 : index
    %swap3A_128 = vector.load %arg17[%swap3A_126, %swap3A_127] : memref<1000x272xf32, #tpu.memory_space<vmem>>, vector<1000x128xf32>
    tpu.vector_store %arg17[%swap3A_126, %swap3A_127], %neg3A_125 {strides = array<i32>} : memref<1000x272xf32, #tpu.memory_space<vmem>>, vector<1000x128xf32>,
    %get3A_129 = arith.constant 0 : index
    %get3A_130 = arith.constant 0 : index
    %get3A_131 = vector.load %arg3[%get3A_129, %get3A_130] : memref<128x4xf32, #tpu.memory_space<vmem>>, vector<128x4xf32>
    %log3A = math.log %select_n3A : vector<1000x128xf32>
    %mul3A_132 = arith.constant -5.000000e-01 : f32
    %mul3A_133 = vector.broadcast %mul3A_132 : f32 to vector<1000x128xf32>
    %mul3A_134 = arith.mulf %mul3A_133, %log3A : vector<1000x128xf32>
    %dot_general3A_135 = arith.constant dense<0.000000e+00> : vector<1000x4xf32>
    %dot_general3A_136 = tpu.matmul %mul3A_134, %get3A_131, %dot_general3A_135 {dimension_numbers = #tpu.dot_dimension_numbers<[1], [0], [0], [1], [0, 0, 1, 1], [], []>, transpose_lhs_hint = false} : vector<1000x128xf32>, vector<128x4xf32>, vector<1000x4xf32> -> vector<1000x4xf32>
    %mul3A_137 = arith.constant 5.000000e-01 : f32
    %mul3A_138 = vector.broadcast %mul3A_137 : f32 to vector<1000x128xf32>
    %mul3A_139 = arith.mulf %mul3A_138, %add3A_39 : vector<1000x128xf32>
    %mul3A_140 = arith.mulf %mul3A_139, %add3A_39 : vector<1000x128xf32>
    %mul3A_141 = arith.mulf %mul3A_140, %div3A_108 : vector<1000x128xf32>
    %log3A_142 = math.log %select_n3A_65 : vector<1000x128xf32>
    %mul3A_143 = arith.constant 5.000000e-01 : f32
    %mul3A_144 = vector.broadcast %mul3A_143 : f32 to vector<1000x128xf32>
    %mul3A_145 = arith.mulf %mul3A_144, %log3A_142 : vector<1000x128xf32>
    %add3A_146 = arith.addf %mul3A_141, %mul3A_145 : vector<1000x128xf32>
    %dot_general3A_147 = arith.constant dense<0.000000e+00> : vector<1000x4xf32>
    %dot_general3A_148 = tpu.matmul %add3A_146, %get3A_131, %dot_general3A_147 {dimension_numbers = #tpu.dot_dimension_numbers<[1], [0], [0], [1], [0, 0, 1, 1], [], []>, transpose_lhs_hint = false} : vector<1000x128xf32>, vector<128x4xf32>, vector<1000x4xf32> -> vector<1000x4xf32>
    %sub3A_149 = arith.constant 1.600000e+01 : f32
    %sub3A_150 = vector.broadcast %sub3A_149 : f32 to vector<1000x4xf32>
    %sub3A_151 = arith.subf %dot_general3A_148, %sub3A_150 : vector<1000x4xf32>
    %broadcast_in_dim3A = arith.constant 1.000000e+00 : f32
    %broadcast_in_dim3A_152 = vector.broadcast %broadcast_in_dim3A : f32 to vector<1000x4xf32>
    %broadcast_in_dim3A_153 = arith.constant 0.000000e+00 : f32
    %broadcast_in_dim3A_154 = vector.broadcast %broadcast_in_dim3A_153 : f32 to vector<1000x8xf32>
    %swap3A_155 = arith.constant 0 : index
    %swap3A_156 = arith.constant 256 : index
    %swap3A_157 = vector.load %arg16[%swap3A_155, %swap3A_156] : memref<1000x272xf32, #tpu.memory_space<vmem>>, vector<1000x4xf32>
    tpu.vector_store %arg16[%swap3A_155, %swap3A_156], %dot_general3A_136 {strides = array<i32>} : memref<1000x272xf32, #tpu.memory_space<vmem>>, vector<1000x4xf32>,
    %swap3A_158 = arith.constant 0 : index
    %swap3A_159 = arith.constant 260 : index
    %swap3A_160 = vector.load %arg16[%swap3A_158, %swap3A_159] : memref<1000x272xf32, #tpu.memory_space<vmem>>, vector<1000x4xf32>
    tpu.vector_store %arg16[%swap3A_158, %swap3A_159], %broadcast_in_dim3A_152 {strides = array<i32>} : memref<1000x272xf32, #tpu.memory_space<vmem>>, vector<1000x4xf32>,
    %swap3A_161 = arith.constant 0 : index
    %swap3A_162 = arith.constant 264 : index
    %swap3A_163 = vector.load %arg16[%swap3A_161, %swap3A_162] : memref<1000x272xf32, #tpu.memory_space<vmem>>, vector<1000x8xf32>
    tpu.vector_store %arg16[%swap3A_161, %swap3A_162], %broadcast_in_dim3A_154 {strides = array<i32>} : memref<1000x272xf32, #tpu.memory_space<vmem>>, vector<1000x8xf32>,
    %swap3A_164 = arith.constant 0 : index
    %swap3A_165 = arith.constant 256 : index
    %swap3A_166 = vector.load %arg17[%swap3A_164, %swap3A_165] : memref<1000x272xf32, #tpu.memory_space<vmem>>, vector<1000x4xf32>
    tpu.vector_store %arg17[%swap3A_164, %swap3A_165], %broadcast_in_dim3A_152 {strides = array<i32>} : memref<1000x272xf32, #tpu.memory_space<vmem>>, vector<1000x4xf32>,
    %swap3A_167 = arith.constant 0 : index
    %swap3A_168 = arith.constant 260 : index
    %swap3A_169 = vector.load %arg17[%swap3A_167, %swap3A_168] : memref<1000x272xf32, #tpu.memory_space<vmem>>, vector<1000x4xf32>
    tpu.vector_store %arg17[%swap3A_167, %swap3A_168], %sub3A_151 {strides = array<i32>} : memref<1000x272xf32, #tpu.memory_space<vmem>>, vector<1000x4xf32>,
    %swap3A_170 = arith.constant 0 : index
    %swap3A_171 = arith.constant 264 : index
    %swap3A_172 = vector.load %arg17[%swap3A_170, %swap3A_171] : memref<1000x272xf32, #tpu.memory_space<vmem>>, vector<1000x8xf32>
    tpu.vector_store %arg17[%swap3A_170, %swap3A_171], %broadcast_in_dim3A_154 {strides = array<i32>} : memref<1000x272xf32, #tpu.memory_space<vmem>>, vector<1000x8xf32>,
    return
  }
  func.func @transform_0(%arg0: i32) -> (i32, i32) {
    %c0_i32 = arith.constant 0 : i32
    %c0_i32_0 = arith.constant 0 : i32
    return %arg0, %c0_i32 : i32, i32
  }
  func.func @transform_1(%arg0: i32) -> (i32, i32) {
    %c0_i32 = arith.constant 0 : i32
    %c0_i32_0 = arith.constant 0 : i32
    return %arg0, %c0_i32 : i32, i32
  }
  func.func @transform_2(%arg0: i32) -> (i32, i32) {
    %c0_i32 = arith.constant 0 : i32
    %c0_i32_0 = arith.constant 0 : i32
    %c0_i32_1 = arith.constant 0 : i32
    return %c0_i32, %c0_i32_0 : i32, i32
  }
  func.func @transform_3(%arg0: i32) -> (i32, i32) {
    %c0_i32 = arith.constant 0 : i32
    %c0_i32_0 = arith.constant 0 : i32
    %c0_i32_1 = arith.constant 0 : i32
    return %c0_i32, %c0_i32_0 : i32, i32
  }
  func.func @transform_4(%arg0: i32) -> (i32, i32) {
    %c0_i32 = arith.constant 0 : i32
    %c0_i32_0 = arith.constant 0 : i32
    %c0_i32_1 = arith.constant 0 : i32
    return %c0_i32, %c0_i32_0 : i32, i32
  }
  func.func @transform_5(%arg0: i32) -> (i32, i32) {
    %c0_i32 = arith.constant 0 : i32
    %c0_i32_0 = arith.constant 0 : i32
    %c0_i32_1 = arith.constant 0 : i32
    return %c0_i32, %c0_i32_0 : i32, i32
  }
  func.func @transform_6(%arg0: i32) -> (i32, i32) {
    %c0_i32 = arith.constant 0 : i32
    %c0_i32_0 = arith.constant 0 : i32
    %c0_i32_1 = arith.constant 0 : i32
    return %c0_i32, %c0_i32_0 : i32, i32
  }
  func.func @transform_7(%arg0: i32) -> (i32, i32) {
    %c0_i32 = arith.constant 0 : i32
    %c0_i32_0 = arith.constant 0 : i32
    %c0_i32_1 = arith.constant 0 : i32
    return %c0_i32, %c0_i32_0 : i32, i32
  }
  func.func @transform_8(%arg0: i32) -> (i32, i32) {
    %c0_i32 = arith.constant 0 : i32
    %c0_i32_0 = arith.constant 0 : i32
    %c0_i32_1 = arith.constant 0 : i32
    return %c0_i32, %c0_i32_0 : i32, i32
  }
  func.func @transform_9(%arg0: i32) -> (i32, i32) {
    %c0_i32 = arith.constant 0 : i32
    %c0_i32_0 = arith.constant 0 : i32
    %c0_i32_1 = arith.constant 0 : i32
    return %c0_i32, %c0_i32_0 : i32, i32
  }
  func.func @transform_10(%arg0: i32) -> (i32, i32) {
    %c0_i32 = arith.constant 0 : i32
    %c0_i32_0 = arith.constant 0 : i32
    %c0_i32_1 = arith.constant 0 : i32
    return %c0_i32, %c0_i32_0 : i32, i32
  }
  func.func @transform_11(%arg0: i32) -> (i32, i32) {
    %c0_i32 = arith.constant 0 : i32
    %c0_i32_0 = arith.constant 0 : i32
    %c0_i32_1 = arith.constant 0 : i32
    return %c0_i32, %c0_i32_0 : i32, i32
  }
  func.func @transform_12(%arg0: i32) -> (i32, i32) {
    %c0_i32 = arith.constant 0 : i32
    %c0_i32_0 = arith.constant 0 : i32
    %c0_i32_1 = arith.constant 0 : i32
    return %c0_i32, %c0_i32_0 : i32, i32
  }
  func.func @transform_13(%arg0: i32) -> (i32, i32) {
    %c0_i32 = arith.constant 0 : i32
    %c0_i32_0 = arith.constant 0 : i32
    %c0_i32_1 = arith.constant 0 : i32
    return %c0_i32, %c0_i32_0 : i32, i32
  }
  func.func @transform_14(%arg0: i32) -> (i32, i32) {
    %c0_i32 = arith.constant 0 : i32
    %c0_i32_0 = arith.constant 0 : i32
    %c0_i32_1 = arith.constant 0 : i32
    return %c0_i32, %c0_i32_0 : i32, i32
  }
  func.func @transform_15(%arg0: i32) -> (i32, i32) {
    %c0_i32 = arith.constant 0 : i32
    %c0_i32_0 = arith.constant 0 : i32
    return %arg0, %c0_i32 : i32, i32
  }
  func.func @transform_16(%arg0: i32) -> (i32, i32) {
    %c0_i32 = arith.constant 0 : i32
    %c0_i32_0 = arith.constant 0 : i32
    return %arg0, %c0_i32 : i32, i32
  }
  func.func @transform_17(%arg0: i32) -> (i32, i32) {
    %c0_i32 = arith.constant 0 : i32
    %c0_i32_0 = arith.constant 0 : i32
    return %arg0, %c0_i32 : i32, i32
  }
  func.func @transform_18(%arg0: i32) -> (i32, i32) {
    %c0_i32 = arith.constant 0 : i32
    %c0_i32_0 = arith.constant 0 : i32
    return %arg0, %c0_i32 : i32, i32
  }
}

module attributes {stable_mosaic.version = 14 : i64} {
  func.func @_t2_body(%arg0: i32, %arg1: i32, %arg2: memref<200x640xf32, #tpu.memory_space<vmem>>, %arg3: memref<200x640xf32, #tpu.memory_space<vmem>>, %arg4: memref<1x4xf32, #tpu.memory_space<vmem>>, %arg5: memref<4xf32, #tpu.memory_space<smem>>, %arg6: memref<4xf32, #tpu.memory_space<smem>>) attributes {dimension_semantics = [#tpu.dimension_semantics<arbitrary>, #tpu.dimension_semantics<arbitrary>], iteration_bounds = array<i64: 2, 10>, scalar_prefetch = 0 : i64, scratch_operands = 2 : i64, tpu.core_type = #tpu.core_type<tc>, window_params = [{transform_indices = @transform_0, window_bounds = array<i64: 200, 640>}, {transform_indices = @transform_1, window_bounds = array<i64: 200, 640>}, {pipeline_mode = #tpu.pipeline_mode<synchronous>, transform_indices = @transform_2, window_bounds = array<i64: 1, 4>}]} {
    %iota3A = tpu.iota {dimensions = array<i32: 1>} : vector<200x640xi32>
    %jit3A = arith.constant 4 : i32
    %eq3A = arith.constant 0 : i32
    %eq3A_0 = arith.cmpi eq, %jit3A, %eq3A : i32
    %jit3A_1 = arith.constant 1 : i32
    %select_n3A = arith.select %eq3A_0, %jit3A_1, %jit3A : i32
    %rem3A = vector.broadcast %select_n3A : i32 to vector<200x640xi32>
    %rem3A_2 = arith.remsi %iota3A, %rem3A : vector<200x640xi32>
    %ne3A = arith.constant 0 : i32
    %ne3A_3 = vector.broadcast %ne3A : i32 to vector<200x640xi32>
    %ne3A_4 = arith.cmpi ne, %rem3A_2, %ne3A_3 : vector<200x640xi32>
    %lt3A = arith.constant 0 : i32
    %lt3A_5 = vector.broadcast %lt3A : i32 to vector<200x640xi32>
    %lt3A_6 = arith.cmpi slt, %rem3A_2, %lt3A_5 : vector<200x640xi32>
    %lt3A_7 = arith.constant 0 : i32
    %lt3A_8 = arith.cmpi slt, %select_n3A, %lt3A_7 : i32
    %ne3A_9 = vector.broadcast %lt3A_8 : i1 to vector<200x640xi1>
    %ne3A_10 = vector.broadcast %ne3A_9 : vector<200x640xi1> to vector<200x640xi1>
    %ne3A_11 = arith.xori %lt3A_6, %ne3A_10 : vector<200x640xi1>
    %and3A = arith.andi %ne3A_11, %ne3A_4 : vector<200x640xi1>
    %add3A = vector.broadcast %select_n3A : i32 to vector<200x640xi32>
    %add3A_12 = arith.addi %rem3A_2, %add3A : vector<200x640xi32>
    %select_n3A_13 = arith.select %and3A, %add3A_12, %rem3A_2 : vector<200x640xi1>, vector<200x640xi32>
    %get3A = arith.constant 0 : index
    %get3A_14 = arith.constant 0 : index
    %get3A_15 = vector.load %arg2[%get3A, %get3A_14] : memref<200x640xf32, #tpu.memory_space<vmem>>, vector<200x640xf32>
    %eq3A_16 = arith.constant 0 : i32
    %eq3A_17 = arith.cmpi eq, %arg0, %eq3A_16 : i32
    %eq3A_18 = arith.constant 0 : i32
    %eq3A_19 = arith.cmpi eq, %arg1, %eq3A_18 : i32
    %and3A_20 = arith.andi %eq3A_17, %eq3A_19 : i1
    %convert_element_type3A = arith.extui %and3A_20 : i1 to i32
    %cond3A = arith.constant 0 : i32
    %cond3A_21 = arith.cmpi ne, %convert_element_type3A, %cond3A : i32
    scf.if %cond3A_21 {
      %swap3A = arith.constant -1.000000e+30 : f32
      %swap3A_48 = arith.constant 0 : index
      %swap3A_49 = memref.load %arg5[%swap3A_48] : memref<4xf32, #tpu.memory_space<smem>>
      memref.store %swap3A, %arg5[%swap3A_48] : memref<4xf32, #tpu.memory_space<smem>>
      %swap3A_50 = arith.constant -1.000000e+30 : f32
      %swap3A_51 = arith.constant 1 : index
      %swap3A_52 = memref.load %arg5[%swap3A_51] : memref<4xf32, #tpu.memory_space<smem>>
      memref.store %swap3A_50, %arg5[%swap3A_51] : memref<4xf32, #tpu.memory_space<smem>>
      %swap3A_53 = arith.constant -1.000000e+30 : f32
      %swap3A_54 = arith.constant 2 : index
      %swap3A_55 = memref.load %arg5[%swap3A_54] : memref<4xf32, #tpu.memory_space<smem>>
      memref.store %swap3A_53, %arg5[%swap3A_54] : memref<4xf32, #tpu.memory_space<smem>>
      %swap3A_56 = arith.constant -1.000000e+30 : f32
      %swap3A_57 = arith.constant 3 : index
      %swap3A_58 = memref.load %arg5[%swap3A_57] : memref<4xf32, #tpu.memory_space<smem>>
      memref.store %swap3A_56, %arg5[%swap3A_57] : memref<4xf32, #tpu.memory_space<smem>>
    } else {
    }
    %eq3A_22 = arith.constant 0 : i32
    %eq3A_23 = arith.cmpi eq, %arg0, %eq3A_22 : i32
    %convert_element_type3A_24 = arith.extui %eq3A_23 : i1 to i32
    %cond3A_25 = arith.constant 0 : i32
    %cond3A_26 = arith.cmpi ne, %convert_element_type3A_24, %cond3A_25 : i32
    scf.if %cond3A_26 {
      %eq3A_48 = arith.constant 0 : i32
      %eq3A_49 = vector.broadcast %eq3A_48 : i32 to vector<200x640xi32>
      %eq3A_50 = arith.cmpi eq, %select_n3A_13, %eq3A_49 : vector<200x640xi32>
      %jit3A_51 = arith.constant -1.000000e+30 : f32
      %broadcast_in_dim3A = vector.broadcast %jit3A_51 : f32 to vector<200x640xf32>
      %select_n3A_52 = arith.select %eq3A_50, %get3A_15, %broadcast_in_dim3A : vector<200x640xi1>, vector<200x640xf32>
      %reduce_max3A = vector.shape_cast %select_n3A_52 : vector<200x640xf32> to vector<1x200x640xf32>
      %reduce_max3A_53 = arith.constant dense<0xFF800000> : vector<1xf32>
      %reduce_max3A_54 = vector.multi_reduction <maximumf>, %reduce_max3A, %reduce_max3A_53 [1, 2] : vector<1x200x640xf32> to vector<1xf32>
      %reduce_max3A_55 = vector.shape_cast %reduce_max3A_54 : vector<1xf32> to vector<1x1x1xf32>
      %reduce_max3A_56 = vector.extract %reduce_max3A_55[0, 0, 0] : f32 from vector<1x1x1xf32>
      %get3A_57 = arith.constant 0 : index
      %get3A_58 = memref.load %arg5[%get3A_57] : memref<4xf32, #tpu.memory_space<smem>>
      %max3A = arith.maximumf %get3A_58, %reduce_max3A_56 : f32
      %swap3A = arith.constant 0 : index
      %swap3A_59 = memref.load %arg5[%swap3A] : memref<4xf32, #tpu.memory_space<smem>>
      memref.store %max3A, %arg5[%swap3A] : memref<4xf32, #tpu.memory_space<smem>>
      %eq3A_60 = arith.constant 1 : i32
      %eq3A_61 = vector.broadcast %eq3A_60 : i32 to vector<200x640xi32>
      %eq3A_62 = arith.cmpi eq, %select_n3A_13, %eq3A_61 : vector<200x640xi32>
      %jit3A_63 = arith.constant -1.000000e+30 : f32
      %broadcast_in_dim3A_64 = vector.broadcast %jit3A_63 : f32 to vector<200x640xf32>
      %select_n3A_65 = arith.select %eq3A_62, %get3A_15, %broadcast_in_dim3A_64 : vector<200x640xi1>, vector<200x640xf32>
      %reduce_max3A_66 = vector.shape_cast %select_n3A_65 : vector<200x640xf32> to vector<1x200x640xf32>
      %reduce_max3A_67 = arith.constant dense<0xFF800000> : vector<1xf32>
      %reduce_max3A_68 = vector.multi_reduction <maximumf>, %reduce_max3A_66, %reduce_max3A_67 [1, 2] : vector<1x200x640xf32> to vector<1xf32>
      %reduce_max3A_69 = vector.shape_cast %reduce_max3A_68 : vector<1xf32> to vector<1x1x1xf32>
      %reduce_max3A_70 = vector.extract %reduce_max3A_69[0, 0, 0] : f32 from vector<1x1x1xf32>
      %get3A_71 = arith.constant 1 : index
      %get3A_72 = memref.load %arg5[%get3A_71] : memref<4xf32, #tpu.memory_space<smem>>
      %max3A_73 = arith.maximumf %get3A_72, %reduce_max3A_70 : f32
      %swap3A_74 = arith.constant 1 : index
      %swap3A_75 = memref.load %arg5[%swap3A_74] : memref<4xf32, #tpu.memory_space<smem>>
      memref.store %max3A_73, %arg5[%swap3A_74] : memref<4xf32, #tpu.memory_space<smem>>
      %eq3A_76 = arith.constant 2 : i32
      %eq3A_77 = vector.broadcast %eq3A_76 : i32 to vector<200x640xi32>
      %eq3A_78 = arith.cmpi eq, %select_n3A_13, %eq3A_77 : vector<200x640xi32>
      %jit3A_79 = arith.constant -1.000000e+30 : f32
      %broadcast_in_dim3A_80 = vector.broadcast %jit3A_79 : f32 to vector<200x640xf32>
      %select_n3A_81 = arith.select %eq3A_78, %get3A_15, %broadcast_in_dim3A_80 : vector<200x640xi1>, vector<200x640xf32>
      %reduce_max3A_82 = vector.shape_cast %select_n3A_81 : vector<200x640xf32> to vector<1x200x640xf32>
      %reduce_max3A_83 = arith.constant dense<0xFF800000> : vector<1xf32>
      %reduce_max3A_84 = vector.multi_reduction <maximumf>, %reduce_max3A_82, %reduce_max3A_83 [1, 2] : vector<1x200x640xf32> to vector<1xf32>
      %reduce_max3A_85 = vector.shape_cast %reduce_max3A_84 : vector<1xf32> to vector<1x1x1xf32>
      %reduce_max3A_86 = vector.extract %reduce_max3A_85[0, 0, 0] : f32 from vector<1x1x1xf32>
      %get3A_87 = arith.constant 2 : index
      %get3A_88 = memref.load %arg5[%get3A_87] : memref<4xf32, #tpu.memory_space<smem>>
      %max3A_89 = arith.maximumf %get3A_88, %reduce_max3A_86 : f32
      %swap3A_90 = arith.constant 2 : index
      %swap3A_91 = memref.load %arg5[%swap3A_90] : memref<4xf32, #tpu.memory_space<smem>>
      memref.store %max3A_89, %arg5[%swap3A_90] : memref<4xf32, #tpu.memory_space<smem>>
      %eq3A_92 = arith.constant 3 : i32
      %eq3A_93 = vector.broadcast %eq3A_92 : i32 to vector<200x640xi32>
      %eq3A_94 = arith.cmpi eq, %select_n3A_13, %eq3A_93 : vector<200x640xi32>
      %jit3A_95 = arith.constant -1.000000e+30 : f32
      %broadcast_in_dim3A_96 = vector.broadcast %jit3A_95 : f32 to vector<200x640xf32>
      %select_n3A_97 = arith.select %eq3A_94, %get3A_15, %broadcast_in_dim3A_96 : vector<200x640xi1>, vector<200x640xf32>
      %reduce_max3A_98 = vector.shape_cast %select_n3A_97 : vector<200x640xf32> to vector<1x200x640xf32>
      %reduce_max3A_99 = arith.constant dense<0xFF800000> : vector<1xf32>
      %reduce_max3A_100 = vector.multi_reduction <maximumf>, %reduce_max3A_98, %reduce_max3A_99 [1, 2] : vector<1x200x640xf32> to vector<1xf32>
      %reduce_max3A_101 = vector.shape_cast %reduce_max3A_100 : vector<1xf32> to vector<1x1x1xf32>
      %reduce_max3A_102 = vector.extract %reduce_max3A_101[0, 0, 0] : f32 from vector<1x1x1xf32>
      %get3A_103 = arith.constant 3 : index
      %get3A_104 = memref.load %arg5[%get3A_103] : memref<4xf32, #tpu.memory_space<smem>>
      %max3A_105 = arith.maximumf %get3A_104, %reduce_max3A_102 : f32
      %swap3A_106 = arith.constant 3 : index
      %swap3A_107 = memref.load %arg5[%swap3A_106] : memref<4xf32, #tpu.memory_space<smem>>
      memref.store %max3A_105, %arg5[%swap3A_106] : memref<4xf32, #tpu.memory_space<smem>>
    } else {
    }
    %eq3A_27 = arith.constant 1 : i32
    %eq3A_28 = arith.cmpi eq, %arg0, %eq3A_27 : i32
    %eq3A_29 = arith.constant 0 : i32
    %eq3A_30 = arith.cmpi eq, %arg1, %eq3A_29 : i32
    %and3A_31 = arith.andi %eq3A_28, %eq3A_30 : i1
    %convert_element_type3A_32 = arith.extui %and3A_31 : i1 to i32
    %cond3A_33 = arith.constant 0 : i32
    %cond3A_34 = arith.cmpi ne, %convert_element_type3A_32, %cond3A_33 : i32
    scf.if %cond3A_34 {
      %swap3A = arith.constant 0.000000e+00 : f32
      %swap3A_48 = arith.constant 0 : index
      %swap3A_49 = memref.load %arg6[%swap3A_48] : memref<4xf32, #tpu.memory_space<smem>>
      memref.store %swap3A, %arg6[%swap3A_48] : memref<4xf32, #tpu.memory_space<smem>>
      %swap3A_50 = arith.constant 0.000000e+00 : f32
      %swap3A_51 = arith.constant 1 : index
      %swap3A_52 = memref.load %arg6[%swap3A_51] : memref<4xf32, #tpu.memory_space<smem>>
      memref.store %swap3A_50, %arg6[%swap3A_51] : memref<4xf32, #tpu.memory_space<smem>>
      %swap3A_53 = arith.constant 0.000000e+00 : f32
      %swap3A_54 = arith.constant 2 : index
      %swap3A_55 = memref.load %arg6[%swap3A_54] : memref<4xf32, #tpu.memory_space<smem>>
      memref.store %swap3A_53, %arg6[%swap3A_54] : memref<4xf32, #tpu.memory_space<smem>>
      %swap3A_56 = arith.constant 0.000000e+00 : f32
      %swap3A_57 = arith.constant 3 : index
      %swap3A_58 = memref.load %arg6[%swap3A_57] : memref<4xf32, #tpu.memory_space<smem>>
      memref.store %swap3A_56, %arg6[%swap3A_57] : memref<4xf32, #tpu.memory_space<smem>>
    } else {
    }
    %eq3A_35 = arith.constant 1 : i32
    %eq3A_36 = arith.cmpi eq, %arg0, %eq3A_35 : i32
    %convert_element_type3A_37 = arith.extui %eq3A_36 : i1 to i32
    %cond3A_38 = arith.constant 0 : i32
    %cond3A_39 = arith.cmpi ne, %convert_element_type3A_37, %cond3A_38 : i32
    scf.if %cond3A_39 {
      %broadcast_in_dim3A = arith.constant 0.000000e+00 : f32
      %broadcast_in_dim3A_48 = vector.broadcast %broadcast_in_dim3A : f32 to vector<200x640xf32>
      %eq3A_49 = arith.constant 0 : i32
      %eq3A_50 = vector.broadcast %eq3A_49 : i32 to vector<200x640xi32>
      %eq3A_51 = arith.cmpi eq, %select_n3A_13, %eq3A_50 : vector<200x640xi32>
      %get3A_52 = arith.constant 0 : index
      %get3A_53 = memref.load %arg5[%get3A_52] : memref<4xf32, #tpu.memory_space<smem>>
      %jit3A_54 = arith.constant 0.000000e+00 : f32
      %broadcast_in_dim3A_55 = vector.broadcast %get3A_53 : f32 to vector<200x640xf32>
      %broadcast_in_dim3A_56 = vector.broadcast %jit3A_54 : f32 to vector<200x640xf32>
      %select_n3A_57 = arith.select %eq3A_51, %broadcast_in_dim3A_55, %broadcast_in_dim3A_56 : vector<200x640xi1>, vector<200x640xf32>
      %add3A_58 = arith.addf %broadcast_in_dim3A_48, %select_n3A_57 : vector<200x640xf32>
      %eq3A_59 = arith.constant 1 : i32
      %eq3A_60 = vector.broadcast %eq3A_59 : i32 to vector<200x640xi32>
      %eq3A_61 = arith.cmpi eq, %select_n3A_13, %eq3A_60 : vector<200x640xi32>
      %get3A_62 = arith.constant 1 : index
      %get3A_63 = memref.load %arg5[%get3A_62] : memref<4xf32, #tpu.memory_space<smem>>
      %jit3A_64 = arith.constant 0.000000e+00 : f32
      %broadcast_in_dim3A_65 = vector.broadcast %get3A_63 : f32 to vector<200x640xf32>
      %broadcast_in_dim3A_66 = vector.broadcast %jit3A_64 : f32 to vector<200x640xf32>
      %select_n3A_67 = arith.select %eq3A_61, %broadcast_in_dim3A_65, %broadcast_in_dim3A_66 : vector<200x640xi1>, vector<200x640xf32>
      %add3A_68 = arith.addf %add3A_58, %select_n3A_67 : vector<200x640xf32>
      %eq3A_69 = arith.constant 2 : i32
      %eq3A_70 = vector.broadcast %eq3A_69 : i32 to vector<200x640xi32>
      %eq3A_71 = arith.cmpi eq, %select_n3A_13, %eq3A_70 : vector<200x640xi32>
      %get3A_72 = arith.constant 2 : index
      %get3A_73 = memref.load %arg5[%get3A_72] : memref<4xf32, #tpu.memory_space<smem>>
      %jit3A_74 = arith.constant 0.000000e+00 : f32
      %broadcast_in_dim3A_75 = vector.broadcast %get3A_73 : f32 to vector<200x640xf32>
      %broadcast_in_dim3A_76 = vector.broadcast %jit3A_74 : f32 to vector<200x640xf32>
      %select_n3A_77 = arith.select %eq3A_71, %broadcast_in_dim3A_75, %broadcast_in_dim3A_76 : vector<200x640xi1>, vector<200x640xf32>
      %add3A_78 = arith.addf %add3A_68, %select_n3A_77 : vector<200x640xf32>
      %eq3A_79 = arith.constant 3 : i32
      %eq3A_80 = vector.broadcast %eq3A_79 : i32 to vector<200x640xi32>
      %eq3A_81 = arith.cmpi eq, %select_n3A_13, %eq3A_80 : vector<200x640xi32>
      %get3A_82 = arith.constant 3 : index
      %get3A_83 = memref.load %arg5[%get3A_82] : memref<4xf32, #tpu.memory_space<smem>>
      %jit3A_84 = arith.constant 0.000000e+00 : f32
      %broadcast_in_dim3A_85 = vector.broadcast %get3A_83 : f32 to vector<200x640xf32>
      %broadcast_in_dim3A_86 = vector.broadcast %jit3A_84 : f32 to vector<200x640xf32>
      %select_n3A_87 = arith.select %eq3A_81, %broadcast_in_dim3A_85, %broadcast_in_dim3A_86 : vector<200x640xi1>, vector<200x640xf32>
      %add3A_88 = arith.addf %add3A_78, %select_n3A_87 : vector<200x640xf32>
      %sub3A = arith.subf %get3A_15, %add3A_88 : vector<200x640xf32>
      %exp3A = math.exp %sub3A : vector<200x640xf32>
      %swap3A = arith.constant 0 : index
      %swap3A_89 = arith.constant 0 : index
      %swap3A_90 = vector.load %arg3[%swap3A, %swap3A_89] : memref<200x640xf32, #tpu.memory_space<vmem>>, vector<200x640xf32>
      tpu.vector_store %arg3[%swap3A, %swap3A_89], %exp3A {strides = array<i32>} : memref<200x640xf32, #tpu.memory_space<vmem>>, vector<200x640xf32>,
      %get3A_91 = arith.constant 0 : index
      %get3A_92 = memref.load %arg6[%get3A_91] : memref<4xf32, #tpu.memory_space<smem>>
      %eq3A_93 = arith.constant 0 : i32
      %eq3A_94 = vector.broadcast %eq3A_93 : i32 to vector<200x640xi32>
      %eq3A_95 = arith.cmpi eq, %select_n3A_13, %eq3A_94 : vector<200x640xi32>
      %jit3A_96 = arith.constant 0.000000e+00 : f32
      %broadcast_in_dim3A_97 = vector.broadcast %jit3A_96 : f32 to vector<200x640xf32>
      %select_n3A_98 = arith.select %eq3A_95, %exp3A, %broadcast_in_dim3A_97 : vector<200x640xi1>, vector<200x640xf32>
      %reduce_sum3A = vector.shape_cast %select_n3A_98 : vector<200x640xf32> to vector<1x200x640xf32>
      %reduce_sum3A_99 = arith.constant dense<0.000000e+00> : vector<1xf32>
      %reduce_sum3A_100 = vector.multi_reduction <add>, %reduce_sum3A, %reduce_sum3A_99 [1, 2] : vector<1x200x640xf32> to vector<1xf32>
      %reduce_sum3A_101 = vector.shape_cast %reduce_sum3A_100 : vector<1xf32> to vector<1x1x1xf32>
      %reduce_sum3A_102 = vector.extract %reduce_sum3A_101[0, 0, 0] : f32 from vector<1x1x1xf32>
      %add3A_103 = arith.addf %get3A_92, %reduce_sum3A_102 : f32
      %swap3A_104 = arith.constant 0 : index
      %swap3A_105 = memref.load %arg6[%swap3A_104] : memref<4xf32, #tpu.memory_space<smem>>
      memref.store %add3A_103, %arg6[%swap3A_104] : memref<4xf32, #tpu.memory_space<smem>>
      %get3A_106 = arith.constant 1 : index
      %get3A_107 = memref.load %arg6[%get3A_106] : memref<4xf32, #tpu.memory_space<smem>>
      %eq3A_108 = arith.constant 1 : i32
      %eq3A_109 = vector.broadcast %eq3A_108 : i32 to vector<200x640xi32>
      %eq3A_110 = arith.cmpi eq, %select_n3A_13, %eq3A_109 : vector<200x640xi32>
      %jit3A_111 = arith.constant 0.000000e+00 : f32
      %broadcast_in_dim3A_112 = vector.broadcast %jit3A_111 : f32 to vector<200x640xf32>
      %select_n3A_113 = arith.select %eq3A_110, %exp3A, %broadcast_in_dim3A_112 : vector<200x640xi1>, vector<200x640xf32>
      %reduce_sum3A_114 = vector.shape_cast %select_n3A_113 : vector<200x640xf32> to vector<1x200x640xf32>
      %reduce_sum3A_115 = arith.constant dense<0.000000e+00> : vector<1xf32>
      %reduce_sum3A_116 = vector.multi_reduction <add>, %reduce_sum3A_114, %reduce_sum3A_115 [1, 2] : vector<1x200x640xf32> to vector<1xf32>
      %reduce_sum3A_117 = vector.shape_cast %reduce_sum3A_116 : vector<1xf32> to vector<1x1x1xf32>
      %reduce_sum3A_118 = vector.extract %reduce_sum3A_117[0, 0, 0] : f32 from vector<1x1x1xf32>
      %add3A_119 = arith.addf %get3A_107, %reduce_sum3A_118 : f32
      %swap3A_120 = arith.constant 1 : index
      %swap3A_121 = memref.load %arg6[%swap3A_120] : memref<4xf32, #tpu.memory_space<smem>>
      memref.store %add3A_119, %arg6[%swap3A_120] : memref<4xf32, #tpu.memory_space<smem>>
      %get3A_122 = arith.constant 2 : index
      %get3A_123 = memref.load %arg6[%get3A_122] : memref<4xf32, #tpu.memory_space<smem>>
      %eq3A_124 = arith.constant 2 : i32
      %eq3A_125 = vector.broadcast %eq3A_124 : i32 to vector<200x640xi32>
      %eq3A_126 = arith.cmpi eq, %select_n3A_13, %eq3A_125 : vector<200x640xi32>
      %jit3A_127 = arith.constant 0.000000e+00 : f32
      %broadcast_in_dim3A_128 = vector.broadcast %jit3A_127 : f32 to vector<200x640xf32>
      %select_n3A_129 = arith.select %eq3A_126, %exp3A, %broadcast_in_dim3A_128 : vector<200x640xi1>, vector<200x640xf32>
      %reduce_sum3A_130 = vector.shape_cast %select_n3A_129 : vector<200x640xf32> to vector<1x200x640xf32>
      %reduce_sum3A_131 = arith.constant dense<0.000000e+00> : vector<1xf32>
      %reduce_sum3A_132 = vector.multi_reduction <add>, %reduce_sum3A_130, %reduce_sum3A_131 [1, 2] : vector<1x200x640xf32> to vector<1xf32>
      %reduce_sum3A_133 = vector.shape_cast %reduce_sum3A_132 : vector<1xf32> to vector<1x1x1xf32>
      %reduce_sum3A_134 = vector.extract %reduce_sum3A_133[0, 0, 0] : f32 from vector<1x1x1xf32>
      %add3A_135 = arith.addf %get3A_123, %reduce_sum3A_134 : f32
      %swap3A_136 = arith.constant 2 : index
      %swap3A_137 = memref.load %arg6[%swap3A_136] : memref<4xf32, #tpu.memory_space<smem>>
      memref.store %add3A_135, %arg6[%swap3A_136] : memref<4xf32, #tpu.memory_space<smem>>
      %get3A_138 = arith.constant 3 : index
      %get3A_139 = memref.load %arg6[%get3A_138] : memref<4xf32, #tpu.memory_space<smem>>
      %eq3A_140 = arith.constant 3 : i32
      %eq3A_141 = vector.broadcast %eq3A_140 : i32 to vector<200x640xi32>
      %eq3A_142 = arith.cmpi eq, %select_n3A_13, %eq3A_141 : vector<200x640xi32>
      %jit3A_143 = arith.constant 0.000000e+00 : f32
      %broadcast_in_dim3A_144 = vector.broadcast %jit3A_143 : f32 to vector<200x640xf32>
      %select_n3A_145 = arith.select %eq3A_142, %exp3A, %broadcast_in_dim3A_144 : vector<200x640xi1>, vector<200x640xf32>
      %reduce_sum3A_146 = vector.shape_cast %select_n3A_145 : vector<200x640xf32> to vector<1x200x640xf32>
      %reduce_sum3A_147 = arith.constant dense<0.000000e+00> : vector<1xf32>
      %reduce_sum3A_148 = vector.multi_reduction <add>, %reduce_sum3A_146, %reduce_sum3A_147 [1, 2] : vector<1x200x640xf32> to vector<1xf32>
      %reduce_sum3A_149 = vector.shape_cast %reduce_sum3A_148 : vector<1xf32> to vector<1x1x1xf32>
      %reduce_sum3A_150 = vector.extract %reduce_sum3A_149[0, 0, 0] : f32 from vector<1x1x1xf32>
      %add3A_151 = arith.addf %get3A_139, %reduce_sum3A_150 : f32
      %swap3A_152 = arith.constant 3 : index
      %swap3A_153 = memref.load %arg6[%swap3A_152] : memref<4xf32, #tpu.memory_space<smem>>
      memref.store %add3A_151, %arg6[%swap3A_152] : memref<4xf32, #tpu.memory_space<smem>>
    } else {
    }
    %eq3A_40 = arith.constant 1 : i32
    %eq3A_41 = arith.cmpi eq, %arg0, %eq3A_40 : i32
    %eq3A_42 = arith.constant 9 : i32
    %eq3A_43 = arith.cmpi eq, %arg1, %eq3A_42 : i32
    %and3A_44 = arith.andi %eq3A_41, %eq3A_43 : i1
    %convert_element_type3A_45 = arith.extui %and3A_44 : i1 to i32
    %cond3A_46 = arith.constant 0 : i32
    %cond3A_47 = arith.cmpi ne, %convert_element_type3A_45, %cond3A_46 : i32
    scf.if %cond3A_47 {
      %iota3A_48 = tpu.iota {dimensions = array<i32: 1>} : vector<1x4xi32>
      %broadcast_in_dim3A = arith.constant 0.000000e+00 : f32
      %broadcast_in_dim3A_49 = vector.broadcast %broadcast_in_dim3A : f32 to vector<1x4xf32>
      %eq3A_50 = arith.constant 0 : i32
      %eq3A_51 = vector.broadcast %eq3A_50 : i32 to vector<1x4xi32>
      %eq3A_52 = arith.cmpi eq, %iota3A_48, %eq3A_51 : vector<1x4xi32>
      %get3A_53 = arith.constant 0 : index
      %get3A_54 = memref.load %arg6[%get3A_53] : memref<4xf32, #tpu.memory_space<smem>>
      %jit3A_55 = arith.constant 0.000000e+00 : f32
      %broadcast_in_dim3A_56 = vector.broadcast %get3A_54 : f32 to vector<1x4xf32>
      %broadcast_in_dim3A_57 = vector.broadcast %jit3A_55 : f32 to vector<1x4xf32>
      %select_n3A_58 = arith.select %eq3A_52, %broadcast_in_dim3A_56, %broadcast_in_dim3A_57 : vector<1x4xi1>, vector<1x4xf32>
      %add3A_59 = arith.addf %broadcast_in_dim3A_49, %select_n3A_58 : vector<1x4xf32>
      %eq3A_60 = arith.constant 1 : i32
      %eq3A_61 = vector.broadcast %eq3A_60 : i32 to vector<1x4xi32>
      %eq3A_62 = arith.cmpi eq, %iota3A_48, %eq3A_61 : vector<1x4xi32>
      %get3A_63 = arith.constant 1 : index
      %get3A_64 = memref.load %arg6[%get3A_63] : memref<4xf32, #tpu.memory_space<smem>>
      %jit3A_65 = arith.constant 0.000000e+00 : f32
      %broadcast_in_dim3A_66 = vector.broadcast %get3A_64 : f32 to vector<1x4xf32>
      %broadcast_in_dim3A_67 = vector.broadcast %jit3A_65 : f32 to vector<1x4xf32>
      %select_n3A_68 = arith.select %eq3A_62, %broadcast_in_dim3A_66, %broadcast_in_dim3A_67 : vector<1x4xi1>, vector<1x4xf32>
      %add3A_69 = arith.addf %add3A_59, %select_n3A_68 : vector<1x4xf32>
      %eq3A_70 = arith.constant 2 : i32
      %eq3A_71 = vector.broadcast %eq3A_70 : i32 to vector<1x4xi32>
      %eq3A_72 = arith.cmpi eq, %iota3A_48, %eq3A_71 : vector<1x4xi32>
      %get3A_73 = arith.constant 2 : index
      %get3A_74 = memref.load %arg6[%get3A_73] : memref<4xf32, #tpu.memory_space<smem>>
      %jit3A_75 = arith.constant 0.000000e+00 : f32
      %broadcast_in_dim3A_76 = vector.broadcast %get3A_74 : f32 to vector<1x4xf32>
      %broadcast_in_dim3A_77 = vector.broadcast %jit3A_75 : f32 to vector<1x4xf32>
      %select_n3A_78 = arith.select %eq3A_72, %broadcast_in_dim3A_76, %broadcast_in_dim3A_77 : vector<1x4xi1>, vector<1x4xf32>
      %add3A_79 = arith.addf %add3A_69, %select_n3A_78 : vector<1x4xf32>
      %eq3A_80 = arith.constant 3 : i32
      %eq3A_81 = vector.broadcast %eq3A_80 : i32 to vector<1x4xi32>
      %eq3A_82 = arith.cmpi eq, %iota3A_48, %eq3A_81 : vector<1x4xi32>
      %get3A_83 = arith.constant 3 : index
      %get3A_84 = memref.load %arg6[%get3A_83] : memref<4xf32, #tpu.memory_space<smem>>
      %jit3A_85 = arith.constant 0.000000e+00 : f32
      %broadcast_in_dim3A_86 = vector.broadcast %get3A_84 : f32 to vector<1x4xf32>
      %broadcast_in_dim3A_87 = vector.broadcast %jit3A_85 : f32 to vector<1x4xf32>
      %select_n3A_88 = arith.select %eq3A_82, %broadcast_in_dim3A_86, %broadcast_in_dim3A_87 : vector<1x4xi1>, vector<1x4xf32>
      %add3A_89 = arith.addf %add3A_79, %select_n3A_88 : vector<1x4xf32>
      %swap3A = arith.constant 0 : index
      %swap3A_90 = arith.constant 0 : index
      %swap3A_91 = vector.load %arg4[%swap3A, %swap3A_90] : memref<1x4xf32, #tpu.memory_space<vmem>>, vector<1x4xf32>
      tpu.vector_store %arg4[%swap3A, %swap3A_90], %add3A_89 {strides = array<i32>} : memref<1x4xf32, #tpu.memory_space<vmem>>, vector<1x4xf32>,
    } else {
    }
    return
  }
  func.func @transform_0(%arg0: i32, %arg1: i32) -> (i32, i32) {
    %c0_i32 = arith.constant 0 : i32
    %c0_i32_0 = arith.constant 0 : i32
    return %arg1, %c0_i32 : i32, i32
  }
  func.func @transform_1(%arg0: i32, %arg1: i32) -> (i32, i32) {
    %c0_i32 = arith.constant 0 : i32
    %c0_i32_0 = arith.constant 0 : i32
    return %arg1, %c0_i32 : i32, i32
  }
  func.func @transform_2(%arg0: i32, %arg1: i32) -> (i32, i32) {
    %c0_i32 = arith.constant 0 : i32
    %c0_i32_0 = arith.constant 0 : i32
    %c0_i32_1 = arith.constant 0 : i32
    return %c0_i32, %c0_i32_0 : i32, i32
  }
}

module attributes {stable_mosaic.version = 14 : i64} {
  func.func @_t3_body(%arg0: i32, %arg1: memref<1000x128xf32, #tpu.memory_space<vmem>>, %arg2: memref<1000x128xf32, #tpu.memory_space<vmem>>, %arg3: memref<1000x128xf32, #tpu.memory_space<vmem>>, %arg4: memref<1000x128xf32, #tpu.memory_space<vmem>>, %arg5: memref<1x4xf32, #tpu.memory_space<vmem>>, %arg6: memref<128x4xf32, #tpu.memory_space<vmem>>, %arg7: memref<128x128xf32, #tpu.memory_space<vmem>>, %arg8: memref<1x128xf32, #tpu.memory_space<vmem>>, %arg9: memref<128x128xf32, #tpu.memory_space<vmem>>, %arg10: memref<1x128xf32, #tpu.memory_space<vmem>>, %arg11: memref<1x128xf32, #tpu.memory_space<vmem>>, %arg12: memref<1x128xf32, #tpu.memory_space<vmem>>, %arg13: memref<128x512xf32, #tpu.memory_space<vmem>>, %arg14: memref<1x512xf32, #tpu.memory_space<vmem>>, %arg15: memref<512x128xf32, #tpu.memory_space<vmem>>, %arg16: memref<1x128xf32, #tpu.memory_space<vmem>>, %arg17: memref<1x128xf32, #tpu.memory_space<vmem>>, %arg18: memref<1x128xf32, #tpu.memory_space<vmem>>, %arg19: memref<1000x128xf32, #tpu.memory_space<vmem>>, %arg20: memref<1000x128xf32, #tpu.memory_space<vmem>>) attributes {dimension_semantics = [#tpu.dimension_semantics<arbitrary>], iteration_bounds = array<i64: 10>, scalar_prefetch = 0 : i64, scratch_operands = 0 : i64, tpu.core_type = #tpu.core_type<tc>, window_params = [{transform_indices = @transform_0, window_bounds = array<i64: 1000, 128>}, {transform_indices = @transform_1, window_bounds = array<i64: 1000, 128>}, {transform_indices = @transform_2, window_bounds = array<i64: 1000, 128>}, {transform_indices = @transform_3, window_bounds = array<i64: 1000, 128>}, {pipeline_mode = #tpu.pipeline_mode<synchronous>, transform_indices = @transform_4, window_bounds = array<i64: 1, 4>}, {pipeline_mode = #tpu.pipeline_mode<synchronous>, transform_indices = @transform_5, window_bounds = array<i64: 128, 4>}, {pipeline_mode = #tpu.pipeline_mode<synchronous>, transform_indices = @transform_6, window_bounds = array<i64: 128, 128>}, {pipeline_mode = #tpu.pipeline_mode<synchronous>, transform_indices = @transform_7, window_bounds = array<i64: 1, 128>}, {pipeline_mode = #tpu.pipeline_mode<synchronous>, transform_indices = @transform_8, window_bounds = array<i64: 128, 128>}, {pipeline_mode = #tpu.pipeline_mode<synchronous>, transform_indices = @transform_9, window_bounds = array<i64: 1, 128>}, {pipeline_mode = #tpu.pipeline_mode<synchronous>, transform_indices = @transform_10, window_bounds = array<i64: 1, 128>}, {pipeline_mode = #tpu.pipeline_mode<synchronous>, transform_indices = @transform_11, window_bounds = array<i64: 1, 128>}, {pipeline_mode = #tpu.pipeline_mode<synchronous>, transform_indices = @transform_12, window_bounds = array<i64: 128, 512>}, {pipeline_mode = #tpu.pipeline_mode<synchronous>, transform_indices = @transform_13, window_bounds = array<i64: 1, 512>}, {pipeline_mode = #tpu.pipeline_mode<synchronous>, transform_indices = @transform_14, window_bounds = array<i64: 512, 128>}, {pipeline_mode = #tpu.pipeline_mode<synchronous>, transform_indices = @transform_15, window_bounds = array<i64: 1, 128>}, {pipeline_mode = #tpu.pipeline_mode<synchronous>, transform_indices = @transform_16, window_bounds = array<i64: 1, 128>}, {pipeline_mode = #tpu.pipeline_mode<synchronous>, transform_indices = @transform_17, window_bounds = array<i64: 1, 128>}, {transform_indices = @transform_18, window_bounds = array<i64: 1000, 128>}, {transform_indices = @transform_19, window_bounds = array<i64: 1000, 128>}]} {
    %get3A = arith.constant 0 : index
    %get3A_0 = arith.constant 0 : index
    %get3A_1 = vector.load %arg5[%get3A, %get3A_0] : memref<1x4xf32, #tpu.memory_space<vmem>>, vector<1x4xf32>
    %div3A = arith.constant 1.000000e+00 : f32
    %div3A_2 = vector.broadcast %div3A : f32 to vector<1x4xf32>
    %div3A_3 = arith.divf %div3A_2, %get3A_1 : vector<1x4xf32>
    %get3A_4 = arith.constant 0 : index
    %get3A_5 = arith.constant 0 : index
    %get3A_6 = vector.load %arg6[%get3A_4, %get3A_5] : memref<128x4xf32, #tpu.memory_space<vmem>>, vector<128x4xf32>
    %dot_general3A = arith.constant dense<0.000000e+00> : vector<1x128xf32>
    %dot_general3A_7 = tpu.matmul %div3A_3, %get3A_6, %dot_general3A {dimension_numbers = #tpu.dot_dimension_numbers<[1], [1], [0], [0], [0, 0, 1, 0], [], []>, transpose_lhs_hint = false} : vector<1x4xf32>, vector<128x4xf32>, vector<1x128xf32> -> vector<1x128xf32>
    %get3A_8 = arith.constant 0 : index
    %get3A_9 = arith.constant 0 : index
    %get3A_10 = vector.load %arg3[%get3A_8, %get3A_9] : memref<1000x128xf32, #tpu.memory_space<vmem>>, vector<1000x128xf32>
    %mul3A = vector.broadcast %dot_general3A_7 : vector<1x128xf32> to vector<1000x128xf32>
    %mul3A_11 = arith.mulf %get3A_10, %mul3A : vector<1000x128xf32>
    %get3A_12 = arith.constant 0 : index
    %get3A_13 = arith.constant 0 : index
    %get3A_14 = vector.load %arg4[%get3A_12, %get3A_13] : memref<1000x128xf32, #tpu.memory_space<vmem>>, vector<1000x128xf32>
    %mul3A_15 = arith.mulf %dot_general3A_7, %dot_general3A_7 : vector<1x128xf32>
    %mul3A_16 = vector.broadcast %mul3A_15 : vector<1x128xf32> to vector<1000x128xf32>
    %mul3A_17 = arith.mulf %get3A_14, %mul3A_16 : vector<1000x128xf32>
    %get3A_18 = arith.constant 0 : index
    %get3A_19 = arith.constant 0 : index
    %get3A_20 = vector.load %arg7[%get3A_18, %get3A_19] : memref<128x128xf32, #tpu.memory_space<vmem>>, vector<128x128xf32>
    %dot_general3A_21 = arith.constant dense<0.000000e+00> : vector<1000x128xf32>
    %dot_general3A_22 = tpu.matmul %mul3A_11, %get3A_20, %dot_general3A_21 {dimension_numbers = #tpu.dot_dimension_numbers<[1], [0], [0], [1], [0, 0, 1, 1], [], []>, transpose_lhs_hint = false} : vector<1000x128xf32>, vector<128x128xf32>, vector<1000x128xf32> -> vector<1000x128xf32>
    %get3A_23 = arith.constant 0 : index
    %get3A_24 = arith.constant 0 : index
    %get3A_25 = vector.load %arg8[%get3A_23, %get3A_24] : memref<1x128xf32, #tpu.memory_space<vmem>>, vector<1x128xf32>
    %add3A = vector.broadcast %get3A_25 : vector<1x128xf32> to vector<1000x128xf32>
    %add3A_26 = arith.addf %dot_general3A_22, %add3A : vector<1000x128xf32>
    %get3A_27 = arith.constant 0 : index
    %get3A_28 = arith.constant 0 : index
    %get3A_29 = vector.load %arg9[%get3A_27, %get3A_28] : memref<128x128xf32, #tpu.memory_space<vmem>>, vector<128x128xf32>
    %dot_general3A_30 = arith.constant dense<0.000000e+00> : vector<1000x128xf32>
    %dot_general3A_31 = tpu.matmul %mul3A_17, %get3A_29, %dot_general3A_30 {dimension_numbers = #tpu.dot_dimension_numbers<[1], [0], [0], [1], [0, 0, 1, 1], [], []>, transpose_lhs_hint = false} : vector<1000x128xf32>, vector<128x128xf32>, vector<1000x128xf32> -> vector<1000x128xf32>
    %get3A_32 = arith.constant 0 : index
    %get3A_33 = arith.constant 0 : index
    %get3A_34 = vector.load %arg10[%get3A_32, %get3A_33] : memref<1x128xf32, #tpu.memory_space<vmem>>, vector<1x128xf32>
    %add3A_35 = vector.broadcast %get3A_34 : vector<1x128xf32> to vector<1000x128xf32>
    %add3A_36 = arith.addf %dot_general3A_31, %add3A_35 : vector<1000x128xf32>
    %custom_jvp_call3A = arith.constant 0.000000e+00 : f32
    %max3A = vector.broadcast %custom_jvp_call3A : f32 to vector<1000x128xf32>
    %max3A_37 = arith.maximumf %add3A_36, %max3A : vector<1000x128xf32>
    %sub3A = vector.broadcast %custom_jvp_call3A : f32 to vector<1000x128xf32>
    %sub3A_38 = arith.subf %add3A_36, %sub3A : vector<1000x128xf32>
    %ne3A = arith.cmpf one, %sub3A_38, %sub3A_38 : vector<1000x128xf32>
    %add3A_39 = vector.broadcast %custom_jvp_call3A : f32 to vector<1000x128xf32>
    %add3A_40 = arith.addf %add3A_36, %add3A_39 : vector<1000x128xf32>
    %abs3A = math.absf %sub3A_38 : vector<1000x128xf32>
    %neg3A = arith.constant 0.000000e+00 : f32
    %neg3A_41 = vector.broadcast %neg3A : f32 to vector<1000x128xf32>
    %neg3A_42 = arith.subf %neg3A_41, %abs3A : vector<1000x128xf32>
    %exp3A = math.exp %neg3A_42 : vector<1000x128xf32>
    %log1p3A = math.log1p %exp3A : vector<1000x128xf32>
    %add3A_43 = arith.addf %max3A_37, %log1p3A : vector<1000x128xf32>
    %select_n3A = arith.select %ne3A, %add3A_40, %add3A_43 : vector<1000x128xi1>, vector<1000x128xf32>
    %get3A_44 = arith.constant 0 : index
    %get3A_45 = arith.constant 0 : index
    %get3A_46 = vector.load %arg1[%get3A_44, %get3A_45] : memref<1000x128xf32, #tpu.memory_space<vmem>>, vector<1000x128xf32>
    %add3A_47 = arith.addf %get3A_46, %add3A_26 : vector<1000x128xf32>
    %get3A_48 = arith.constant 0 : index
    %get3A_49 = arith.constant 0 : index
    %get3A_50 = vector.load %arg11[%get3A_48, %get3A_49] : memref<1x128xf32, #tpu.memory_space<vmem>>, vector<1x128xf32>
    %get3A_51 = arith.constant 0 : index
    %get3A_52 = arith.constant 0 : index
    %get3A_53 = vector.load %arg12[%get3A_51, %get3A_52] : memref<1x128xf32, #tpu.memory_space<vmem>>, vector<1x128xf32>
    %reduce_sum3A = arith.constant dense<0.000000e+00> : vector<1000xf32>
    %reduce_sum3A_54 = vector.multi_reduction <add>, %add3A_47, %reduce_sum3A [1] : vector<1000x128xf32> to vector<1000xf32>
    %broadcast_in_dim3A = vector.shape_cast %reduce_sum3A_54 : vector<1000xf32> to vector<1000x1xf32>
    %div3A_55 = arith.constant 1.280000e+02 : f32
    %div3A_56 = vector.broadcast %div3A_55 : f32 to vector<1000x1xf32>
    %div3A_57 = arith.divf %broadcast_in_dim3A, %div3A_56 : vector<1000x1xf32>
    %sub3A_58 = vector.broadcast %div3A_57 : vector<1000x1xf32> to vector<1000x128xf32>
    %sub3A_59 = arith.subf %add3A_47, %sub3A_58 : vector<1000x128xf32>
    %integer_pow3A = arith.mulf %sub3A_59, %sub3A_59 : vector<1000x128xf32>
    %reduce_sum3A_60 = arith.constant dense<0.000000e+00> : vector<1000xf32>
    %reduce_sum3A_61 = vector.multi_reduction <add>, %integer_pow3A, %reduce_sum3A_60 [1] : vector<1000x128xf32> to vector<1000xf32>
    %broadcast_in_dim3A_62 = vector.shape_cast %reduce_sum3A_61 : vector<1000xf32> to vector<1000x1xf32>
    %div3A_63 = arith.constant 1.280000e+02 : f32
    %div3A_64 = vector.broadcast %div3A_63 : f32 to vector<1000x1xf32>
    %div3A_65 = arith.divf %broadcast_in_dim3A_62, %div3A_64 : vector<1000x1xf32>
    %sub3A_66 = vector.broadcast %div3A_57 : vector<1000x1xf32> to vector<1000x128xf32>
    %sub3A_67 = arith.subf %add3A_47, %sub3A_66 : vector<1000x128xf32>
    %add3A_68 = arith.constant 9.99999974E-6 : f32
    %add3A_69 = vector.broadcast %add3A_68 : f32 to vector<1000x1xf32>
    %add3A_70 = arith.addf %div3A_65, %add3A_69 : vector<1000x1xf32>
    %sqrt3A = math.sqrt %add3A_70 : vector<1000x1xf32>
    %div3A_71 = vector.broadcast %sqrt3A : vector<1000x1xf32> to vector<1000x128xf32>
    %div3A_72 = arith.divf %sub3A_67, %div3A_71 : vector<1000x128xf32>
    %mul3A_73 = vector.broadcast %get3A_50 : vector<1x128xf32> to vector<1000x128xf32>
    %mul3A_74 = arith.mulf %div3A_72, %mul3A_73 : vector<1000x128xf32>
    %add3A_75 = vector.broadcast %get3A_53 : vector<1x128xf32> to vector<1000x128xf32>
    %add3A_76 = arith.addf %mul3A_74, %add3A_75 : vector<1000x128xf32>
    %get3A_77 = arith.constant 0 : index
    %get3A_78 = arith.constant 0 : index
    %get3A_79 = vector.load %arg2[%get3A_77, %get3A_78] : memref<1000x128xf32, #tpu.memory_space<vmem>>, vector<1000x128xf32>
    %add3A_80 = arith.addf %get3A_79, %select_n3A : vector<1000x128xf32>
    %get3A_81 = arith.constant 0 : index
    %get3A_82 = arith.constant 0 : index
    %get3A_83 = vector.load %arg11[%get3A_81, %get3A_82] : memref<1x128xf32, #tpu.memory_space<vmem>>, vector<1x128xf32>
    %get3A_84 = arith.constant 0 : index
    %get3A_85 = arith.constant 0 : index
    %get3A_86 = vector.load %arg12[%get3A_84, %get3A_85] : memref<1x128xf32, #tpu.memory_space<vmem>>, vector<1x128xf32>
    %reduce_sum3A_87 = arith.constant dense<0.000000e+00> : vector<1000xf32>
    %reduce_sum3A_88 = vector.multi_reduction <add>, %add3A_80, %reduce_sum3A_87 [1] : vector<1000x128xf32> to vector<1000xf32>
    %broadcast_in_dim3A_89 = vector.shape_cast %reduce_sum3A_88 : vector<1000xf32> to vector<1000x1xf32>
    %div3A_90 = arith.constant 1.280000e+02 : f32
    %div3A_91 = vector.broadcast %div3A_90 : f32 to vector<1000x1xf32>
    %div3A_92 = arith.divf %broadcast_in_dim3A_89, %div3A_91 : vector<1000x1xf32>
    %sub3A_93 = vector.broadcast %div3A_92 : vector<1000x1xf32> to vector<1000x128xf32>
    %sub3A_94 = arith.subf %add3A_80, %sub3A_93 : vector<1000x128xf32>
    %integer_pow3A_95 = arith.mulf %sub3A_94, %sub3A_94 : vector<1000x128xf32>
    %reduce_sum3A_96 = arith.constant dense<0.000000e+00> : vector<1000xf32>
    %reduce_sum3A_97 = vector.multi_reduction <add>, %integer_pow3A_95, %reduce_sum3A_96 [1] : vector<1000x128xf32> to vector<1000xf32>
    %broadcast_in_dim3A_98 = vector.shape_cast %reduce_sum3A_97 : vector<1000xf32> to vector<1000x1xf32>
    %div3A_99 = arith.constant 1.280000e+02 : f32
    %div3A_100 = vector.broadcast %div3A_99 : f32 to vector<1000x1xf32>
    %div3A_101 = arith.divf %broadcast_in_dim3A_98, %div3A_100 : vector<1000x1xf32>
    %sub3A_102 = vector.broadcast %div3A_92 : vector<1000x1xf32> to vector<1000x128xf32>
    %sub3A_103 = arith.subf %add3A_80, %sub3A_102 : vector<1000x128xf32>
    %add3A_104 = arith.constant 9.99999974E-6 : f32
    %add3A_105 = vector.broadcast %add3A_104 : f32 to vector<1000x1xf32>
    %add3A_106 = arith.addf %div3A_101, %add3A_105 : vector<1000x1xf32>
    %sqrt3A_107 = math.sqrt %add3A_106 : vector<1000x1xf32>
    %div3A_108 = vector.broadcast %sqrt3A_107 : vector<1000x1xf32> to vector<1000x128xf32>
    %div3A_109 = arith.divf %sub3A_103, %div3A_108 : vector<1000x128xf32>
    %mul3A_110 = vector.broadcast %get3A_83 : vector<1x128xf32> to vector<1000x128xf32>
    %mul3A_111 = arith.mulf %div3A_109, %mul3A_110 : vector<1000x128xf32>
    %add3A_112 = vector.broadcast %get3A_86 : vector<1x128xf32> to vector<1000x128xf32>
    %add3A_113 = arith.addf %mul3A_111, %add3A_112 : vector<1000x128xf32>
    %get3A_114 = arith.constant 0 : index
    %get3A_115 = arith.constant 0 : index
    %get3A_116 = vector.load %arg13[%get3A_114, %get3A_115] : memref<128x512xf32, #tpu.memory_space<vmem>>, vector<128x512xf32>
    %dot_general3A_117 = arith.constant dense<0.000000e+00> : vector<1000x512xf32>
    %dot_general3A_118 = tpu.matmul %add3A_76, %get3A_116, %dot_general3A_117 {dimension_numbers = #tpu.dot_dimension_numbers<[1], [0], [0], [1], [0, 0, 1, 1], [], []>, transpose_lhs_hint = false} : vector<1000x128xf32>, vector<128x512xf32>, vector<1000x512xf32> -> vector<1000x512xf32>
    %get3A_119 = arith.constant 0 : index
    %get3A_120 = arith.constant 0 : index
    %get3A_121 = vector.load %arg14[%get3A_119, %get3A_120] : memref<1x512xf32, #tpu.memory_space<vmem>>, vector<1x512xf32>
    %add3A_122 = vector.broadcast %get3A_121 : vector<1x512xf32> to vector<1000x512xf32>
    %add3A_123 = arith.addf %dot_general3A_118, %add3A_122 : vector<1000x512xf32>
    %mul3A_124 = arith.constant 0.707106769 : f32
    %mul3A_125 = vector.broadcast %mul3A_124 : f32 to vector<1000x512xf32>
    %mul3A_126 = arith.mulf %add3A_123, %mul3A_125 : vector<1000x512xf32>
    %erf3A = math.erf %mul3A_126 : vector<1000x512xf32>
    %add3A_127 = arith.constant 1.000000e+00 : f32
    %add3A_128 = vector.broadcast %add3A_127 : f32 to vector<1000x512xf32>
    %add3A_129 = arith.addf %add3A_128, %erf3A : vector<1000x512xf32>
    %mul3A_130 = arith.constant 5.000000e-01 : f32
    %mul3A_131 = vector.broadcast %mul3A_130 : f32 to vector<1000x512xf32>
    %mul3A_132 = arith.mulf %mul3A_131, %add3A_129 : vector<1000x512xf32>
    %mul3A_133 = arith.mulf %add3A_123, %mul3A_132 : vector<1000x512xf32>
    %get3A_134 = arith.constant 0 : index
    %get3A_135 = arith.constant 0 : index
    %get3A_136 = vector.load %arg15[%get3A_134, %get3A_135] : memref<512x128xf32, #tpu.memory_space<vmem>>, vector<512x128xf32>
    %dot_general3A_137 = arith.constant dense<0.000000e+00> : vector<1000x128xf32>
    %dot_general3A_138 = tpu.matmul %mul3A_133, %get3A_136, %dot_general3A_137 {dimension_numbers = #tpu.dot_dimension_numbers<[1], [0], [0], [1], [0, 0, 1, 1], [], []>, transpose_lhs_hint = false} : vector<1000x512xf32>, vector<512x128xf32>, vector<1000x128xf32> -> vector<1000x128xf32>
    %get3A_139 = arith.constant 0 : index
    %get3A_140 = arith.constant 0 : index
    %get3A_141 = vector.load %arg16[%get3A_139, %get3A_140] : memref<1x128xf32, #tpu.memory_space<vmem>>, vector<1x128xf32>
    %add3A_142 = vector.broadcast %get3A_141 : vector<1x128xf32> to vector<1000x128xf32>
    %add3A_143 = arith.addf %dot_general3A_138, %add3A_142 : vector<1000x128xf32>
    %add3A_144 = arith.addf %add3A_76, %add3A_143 : vector<1000x128xf32>
    %get3A_145 = arith.constant 0 : index
    %get3A_146 = arith.constant 0 : index
    %get3A_147 = vector.load %arg17[%get3A_145, %get3A_146] : memref<1x128xf32, #tpu.memory_space<vmem>>, vector<1x128xf32>
    %get3A_148 = arith.constant 0 : index
    %get3A_149 = arith.constant 0 : index
    %get3A_150 = vector.load %arg18[%get3A_148, %get3A_149] : memref<1x128xf32, #tpu.memory_space<vmem>>, vector<1x128xf32>
    %reduce_sum3A_151 = arith.constant dense<0.000000e+00> : vector<1000xf32>
    %reduce_sum3A_152 = vector.multi_reduction <add>, %add3A_144, %reduce_sum3A_151 [1] : vector<1000x128xf32> to vector<1000xf32>
    %broadcast_in_dim3A_153 = vector.shape_cast %reduce_sum3A_152 : vector<1000xf32> to vector<1000x1xf32>
    %div3A_154 = arith.constant 1.280000e+02 : f32
    %div3A_155 = vector.broadcast %div3A_154 : f32 to vector<1000x1xf32>
    %div3A_156 = arith.divf %broadcast_in_dim3A_153, %div3A_155 : vector<1000x1xf32>
    %sub3A_157 = vector.broadcast %div3A_156 : vector<1000x1xf32> to vector<1000x128xf32>
    %sub3A_158 = arith.subf %add3A_144, %sub3A_157 : vector<1000x128xf32>
    %integer_pow3A_159 = arith.mulf %sub3A_158, %sub3A_158 : vector<1000x128xf32>
    %reduce_sum3A_160 = arith.constant dense<0.000000e+00> : vector<1000xf32>
    %reduce_sum3A_161 = vector.multi_reduction <add>, %integer_pow3A_159, %reduce_sum3A_160 [1] : vector<1000x128xf32> to vector<1000xf32>
    %broadcast_in_dim3A_162 = vector.shape_cast %reduce_sum3A_161 : vector<1000xf32> to vector<1000x1xf32>
    %div3A_163 = arith.constant 1.280000e+02 : f32
    %div3A_164 = vector.broadcast %div3A_163 : f32 to vector<1000x1xf32>
    %div3A_165 = arith.divf %broadcast_in_dim3A_162, %div3A_164 : vector<1000x1xf32>
    %sub3A_166 = vector.broadcast %div3A_156 : vector<1000x1xf32> to vector<1000x128xf32>
    %sub3A_167 = arith.subf %add3A_144, %sub3A_166 : vector<1000x128xf32>
    %add3A_168 = arith.constant 9.99999974E-6 : f32
    %add3A_169 = vector.broadcast %add3A_168 : f32 to vector<1000x1xf32>
    %add3A_170 = arith.addf %div3A_165, %add3A_169 : vector<1000x1xf32>
    %sqrt3A_171 = math.sqrt %add3A_170 : vector<1000x1xf32>
    %div3A_172 = vector.broadcast %sqrt3A_171 : vector<1000x1xf32> to vector<1000x128xf32>
    %div3A_173 = arith.divf %sub3A_167, %div3A_172 : vector<1000x128xf32>
    %mul3A_174 = vector.broadcast %get3A_147 : vector<1x128xf32> to vector<1000x128xf32>
    %mul3A_175 = arith.mulf %div3A_173, %mul3A_174 : vector<1000x128xf32>
    %add3A_176 = vector.broadcast %get3A_150 : vector<1x128xf32> to vector<1000x128xf32>
    %add3A_177 = arith.addf %mul3A_175, %add3A_176 : vector<1000x128xf32>
    %swap3A = arith.constant 0 : index
    %swap3A_178 = arith.constant 0 : index
    %swap3A_179 = vector.load %arg19[%swap3A, %swap3A_178] : memref<1000x128xf32, #tpu.memory_space<vmem>>, vector<1000x128xf32>
    tpu.vector_store %arg19[%swap3A, %swap3A_178], %add3A_177 {strides = array<i32>} : memref<1000x128xf32, #tpu.memory_space<vmem>>, vector<1000x128xf32>,
    %add3A_180 = arith.addf %add3A_113, %add3A_113 : vector<1000x128xf32>
    %get3A_181 = arith.constant 0 : index
    %get3A_182 = arith.constant 0 : index
    %get3A_183 = vector.load %arg17[%get3A_181, %get3A_182] : memref<1x128xf32, #tpu.memory_space<vmem>>, vector<1x128xf32>
    %get3A_184 = arith.constant 0 : index
    %get3A_185 = arith.constant 0 : index
    %get3A_186 = vector.load %arg18[%get3A_184, %get3A_185] : memref<1x128xf32, #tpu.memory_space<vmem>>, vector<1x128xf32>
    %reduce_sum3A_187 = arith.constant dense<0.000000e+00> : vector<1000xf32>
    %reduce_sum3A_188 = vector.multi_reduction <add>, %add3A_180, %reduce_sum3A_187 [1] : vector<1000x128xf32> to vector<1000xf32>
    %broadcast_in_dim3A_189 = vector.shape_cast %reduce_sum3A_188 : vector<1000xf32> to vector<1000x1xf32>
    %div3A_190 = arith.constant 1.280000e+02 : f32
    %div3A_191 = vector.broadcast %div3A_190 : f32 to vector<1000x1xf32>
    %div3A_192 = arith.divf %broadcast_in_dim3A_189, %div3A_191 : vector<1000x1xf32>
    %sub3A_193 = vector.broadcast %div3A_192 : vector<1000x1xf32> to vector<1000x128xf32>
    %sub3A_194 = arith.subf %add3A_180, %sub3A_193 : vector<1000x128xf32>
    %integer_pow3A_195 = arith.mulf %sub3A_194, %sub3A_194 : vector<1000x128xf32>
    %reduce_sum3A_196 = arith.constant dense<0.000000e+00> : vector<1000xf32>
    %reduce_sum3A_197 = vector.multi_reduction <add>, %integer_pow3A_195, %reduce_sum3A_196 [1] : vector<1000x128xf32> to vector<1000xf32>
    %broadcast_in_dim3A_198 = vector.shape_cast %reduce_sum3A_197 : vector<1000xf32> to vector<1000x1xf32>
    %div3A_199 = arith.constant 1.280000e+02 : f32
    %div3A_200 = vector.broadcast %div3A_199 : f32 to vector<1000x1xf32>
    %div3A_201 = arith.divf %broadcast_in_dim3A_198, %div3A_200 : vector<1000x1xf32>
    %sub3A_202 = vector.broadcast %div3A_192 : vector<1000x1xf32> to vector<1000x128xf32>
    %sub3A_203 = arith.subf %add3A_180, %sub3A_202 : vector<1000x128xf32>
    %add3A_204 = arith.constant 9.99999974E-6 : f32
    %add3A_205 = vector.broadcast %add3A_204 : f32 to vector<1000x1xf32>
    %add3A_206 = arith.addf %div3A_201, %add3A_205 : vector<1000x1xf32>
    %sqrt3A_207 = math.sqrt %add3A_206 : vector<1000x1xf32>
    %div3A_208 = vector.broadcast %sqrt3A_207 : vector<1000x1xf32> to vector<1000x128xf32>
    %div3A_209 = arith.divf %sub3A_203, %div3A_208 : vector<1000x128xf32>
    %mul3A_210 = vector.broadcast %get3A_183 : vector<1x128xf32> to vector<1000x128xf32>
    %mul3A_211 = arith.mulf %div3A_209, %mul3A_210 : vector<1000x128xf32>
    %add3A_212 = vector.broadcast %get3A_186 : vector<1x128xf32> to vector<1000x128xf32>
    %add3A_213 = arith.addf %mul3A_211, %add3A_212 : vector<1000x128xf32>
    %swap3A_214 = arith.constant 0 : index
    %swap3A_215 = arith.constant 0 : index
    %swap3A_216 = vector.load %arg20[%swap3A_214, %swap3A_215] : memref<1000x128xf32, #tpu.memory_space<vmem>>, vector<1000x128xf32>
    tpu.vector_store %arg20[%swap3A_214, %swap3A_215], %add3A_213 {strides = array<i32>} : memref<1000x128xf32, #tpu.memory_space<vmem>>, vector<1000x128xf32>,
    return
  }
  func.func @transform_0(%arg0: i32) -> (i32, i32) {
    %c0_i32 = arith.constant 0 : i32
    %c0_i32_0 = arith.constant 0 : i32
    return %arg0, %c0_i32 : i32, i32
  }
  func.func @transform_1(%arg0: i32) -> (i32, i32) {
    %c0_i32 = arith.constant 0 : i32
    %c0_i32_0 = arith.constant 0 : i32
    return %arg0, %c0_i32 : i32, i32
  }
  func.func @transform_2(%arg0: i32) -> (i32, i32) {
    %c0_i32 = arith.constant 0 : i32
    %c0_i32_0 = arith.constant 0 : i32
    return %arg0, %c0_i32 : i32, i32
  }
  func.func @transform_3(%arg0: i32) -> (i32, i32) {
    %c0_i32 = arith.constant 0 : i32
    %c0_i32_0 = arith.constant 0 : i32
    return %arg0, %c0_i32 : i32, i32
  }
  func.func @transform_4(%arg0: i32) -> (i32, i32) {
    %c0_i32 = arith.constant 0 : i32
    %c0_i32_0 = arith.constant 0 : i32
    %c0_i32_1 = arith.constant 0 : i32
    return %c0_i32, %c0_i32_0 : i32, i32
  }
  func.func @transform_5(%arg0: i32) -> (i32, i32) {
    %c0_i32 = arith.constant 0 : i32
    %c0_i32_0 = arith.constant 0 : i32
    %c0_i32_1 = arith.constant 0 : i32
    return %c0_i32, %c0_i32_0 : i32, i32
  }
  func.func @transform_6(%arg0: i32) -> (i32, i32) {
    %c0_i32 = arith.constant 0 : i32
    %c0_i32_0 = arith.constant 0 : i32
    %c0_i32_1 = arith.constant 0 : i32
    return %c0_i32, %c0_i32_0 : i32, i32
  }
  func.func @transform_7(%arg0: i32) -> (i32, i32) {
    %c0_i32 = arith.constant 0 : i32
    %c0_i32_0 = arith.constant 0 : i32
    %c0_i32_1 = arith.constant 0 : i32
    return %c0_i32, %c0_i32_0 : i32, i32
  }
  func.func @transform_8(%arg0: i32) -> (i32, i32) {
    %c0_i32 = arith.constant 0 : i32
    %c0_i32_0 = arith.constant 0 : i32
    %c0_i32_1 = arith.constant 0 : i32
    return %c0_i32, %c0_i32_0 : i32, i32
  }
  func.func @transform_9(%arg0: i32) -> (i32, i32) {
    %c0_i32 = arith.constant 0 : i32
    %c0_i32_0 = arith.constant 0 : i32
    %c0_i32_1 = arith.constant 0 : i32
    return %c0_i32, %c0_i32_0 : i32, i32
  }
  func.func @transform_10(%arg0: i32) -> (i32, i32) {
    %c0_i32 = arith.constant 0 : i32
    %c0_i32_0 = arith.constant 0 : i32
    %c0_i32_1 = arith.constant 0 : i32
    return %c0_i32, %c0_i32_0 : i32, i32
  }
  func.func @transform_11(%arg0: i32) -> (i32, i32) {
    %c0_i32 = arith.constant 0 : i32
    %c0_i32_0 = arith.constant 0 : i32
    %c0_i32_1 = arith.constant 0 : i32
    return %c0_i32, %c0_i32_0 : i32, i32
  }
  func.func @transform_12(%arg0: i32) -> (i32, i32) {
    %c0_i32 = arith.constant 0 : i32
    %c0_i32_0 = arith.constant 0 : i32
    %c0_i32_1 = arith.constant 0 : i32
    return %c0_i32, %c0_i32_0 : i32, i32
  }
  func.func @transform_13(%arg0: i32) -> (i32, i32) {
    %c0_i32 = arith.constant 0 : i32
    %c0_i32_0 = arith.constant 0 : i32
    %c0_i32_1 = arith.constant 0 : i32
    return %c0_i32, %c0_i32_0 : i32, i32
  }
  func.func @transform_14(%arg0: i32) -> (i32, i32) {
    %c0_i32 = arith.constant 0 : i32
    %c0_i32_0 = arith.constant 0 : i32
    %c0_i32_1 = arith.constant 0 : i32
    return %c0_i32, %c0_i32_0 : i32, i32
  }
  func.func @transform_15(%arg0: i32) -> (i32, i32) {
    %c0_i32 = arith.constant 0 : i32
    %c0_i32_0 = arith.constant 0 : i32
    %c0_i32_1 = arith.constant 0 : i32
    return %c0_i32, %c0_i32_0 : i32, i32
  }
  func.func @transform_16(%arg0: i32) -> (i32, i32) {
    %c0_i32 = arith.constant 0 : i32
    %c0_i32_0 = arith.constant 0 : i32
    %c0_i32_1 = arith.constant 0 : i32
    return %c0_i32, %c0_i32_0 : i32, i32
  }
  func.func @transform_17(%arg0: i32) -> (i32, i32) {
    %c0_i32 = arith.constant 0 : i32
    %c0_i32_0 = arith.constant 0 : i32
    %c0_i32_1 = arith.constant 0 : i32
    return %c0_i32, %c0_i32_0 : i32, i32
  }
  func.func @transform_18(%arg0: i32) -> (i32, i32) {
    %c0_i32 = arith.constant 0 : i32
    %c0_i32_0 = arith.constant 0 : i32
    return %arg0, %c0_i32 : i32, i32
  }
  func.func @transform_19(%arg0: i32) -> (i32, i32) {
    %c0_i32 = arith.constant 0 : i32
    %c0_i32_0 = arith.constant 0 : i32
    return %arg0, %c0_i32 : i32, i32
  }
}

</mosaic_0001>

<sc_bundles>
// kernel: kernel.10.cloned.1.call-start
scs
__scs_entry_jumppad:
0x0: {  	(pc) =	sbr.rel $0x88, $3  }
0x1: {  	(tag) =	ssettag $0x0;
	lr =	simm.s32 $0x1  }
0x2: {  	[smem:$0x3F86] =	sst lr;
	_ =	strace $0xD0000000  }
0x3: {  	_ = 	snop  }
0x4: {  	_ = 	snop  }
0x5: {  	_ = 	snop  }
0x6: {  	_ = 	snop  }
0x7: {  	_ = 	snop  }
__scs_overlays_trampoline_lowered:
0x8: {  	[smem:$0x3F95] =	sst s0  }
0x9: {  	[smem:$0x3F96] =	sst s1  }
0xa: {  	[smem:$0x3F97] =	sst s2  }
0xb: {  	[smem:$0x3F98] =	sst s3  }
0xc: {  	[smem:$0x3F99] =	sst s4  }
0xd: {  	[smem:$0x3F9A] =	sst s5  }
0xe: {  	[smem:$0x3F9B] =	sst s6  }
0xf: {  	[smem:$0x3F9C] =	sst s7  }
0x10: {  	[smem:$0x3F9D] =	sst s8  }
0x11: {  	[smem:$0x3F9E] =	sst s9;
	s0 =	simm.s32 @!p0 $0x0  }
0x12: {  	s1 =	sld [smem:$0x3F84];
	s0 =	simm.s32 @p0 $0x1  }
0x13: {  	[smem:$0x3F9F] =	sst s0;
	s0 =	simm.s32 @!p1 $0x0  }
0x14: {  	s2 =	sld [smem:$0x3F83];
	s0 =	simm.s32 @p1 $0x1  }
0x15: {  	[smem:$0x3FA0] =	sst s0;
	s0 =	simm.s32 @!p2 $0x0  }
0x16: {  	s3 =	sld [smem:$0x3FDB];
	s0 =	simm.s32 @p2 $0x1  }
0x17: {  	s4 =	simm.s32 $0x1BF5;
	[smem:$0x3FA2] =	sst s0  }
0x18: {  	s0 =	sld [smem:$0x3F85];
	_ =	swait.ge [sflag:s4], $0x0  }
0x19: {  	s7 =	sld [smem:$0x3F86]  }
0x1a: {  	s8 =	sadd.s32 $0xFFFFE003, lr  }
0x1b: {  	s9 =	sadd.s32 $0xFFFFFEF7, lr;
	s5 =	simm.s32 $0xFFFFFFFF;
	p2 =	slt.u32 s8, $0xFFFFF086  }
0x1c: {  	p1 =	slt.u32 s9, $0xF7A;
	s5 =	simm.s32 @!p2 $0x0  }
0x1d: {  	s5 =	simm.s32 @p1 $0x1;
	p0 =	seq.s32 s7, s2  }
0x1e: {  	s7 =	smul.u32 @!p0 $0xF7A, s2;
	p2 =	seq.s32 @!p0 s5, $0x0  }
0x1f: {  	s9 =	smul.u32 $0xF7A, s1;
	s8 =	simm.s32 @!p0 $0x1BF5;
	p2 =	por !p2, p0  }
0x20: {  	[sflag:s8] =	ssyncset.s32 @!p0 $0xFFFFF086;
	s6 =	sadd.s32 @!p0 s3, s7;
	s7 =	simm.s32 @!p0 $0x108  }
0x21: {  	s3 =	sadd.s32 s3, s9;
	s6 =	sadd.s32 @!p0 $0x88, s6;
	s7 =	simm.s32 @p2 $0x1082  }
0x22: {  	[simem:s7], [sflag:s8] =	dma.local @!p0 [hbm:s6], $0xF7A  }
0x23: {  	s9 =	sor.u32 $0xD0000000, s2;
	s6 =	simm.s32 $0x108;
	_ =	swait.ge @!p0 [sflag:s8], $0x0  }
0x24: {  	s3 =	sadd.s32 $0x88, s3;
	s6 =	simm.s32 @!p1 $0x1082;
	[sflag:s4] =	ssyncset.s32 $0xFFFFF086  }
0x25: {  	[simem:s6], [sflag:s4] =	dma.local [hbm:s3], $0xF7A  }
0x26: {  	[smem:$0x3F86] =	sst s1;
	(tag) =	ssettag s2;
	_ =	strace s9  }
0x27: {  	s1 =	sld [smem:$0x3F96]  }
0x28: {  	s2 =	sld [smem:$0x3F97]  }
0x29: {  	s4 =	sld [smem:$0x3F99]  }
0x2a: {  	p0 =	seq.s32 s5, $0x0;
	s5 =	sld [smem:$0x3F9A]  }
0x2b: {  	s6 =	sld [smem:$0x3F9B]  }
0x2c: {  	s7 =	sld [smem:$0x3F9C]  }
0x2d: {  	s3 =	simm.s32 $0x108;
	s8 =	sld [smem:$0x3F9D]  }
0x2e: {  	s3 =	simm.s32 @!p0 $0x1082;
	s9 =	sld [smem:$0x3F9E]  }
0x2f: {  	lr =	sadd.s32 s0, s3;
	s0 =	sld [smem:$0x3F95]  }
0x30: {  	s3 =	sld [smem:$0x3F98]  }
0x31: {  	[smem:$0x3FA1] =	sst s10  }
0x32: {  	s10 =	sld [smem:$0x3F9F];
	_ =	sdelay $0x3  }
0x33: {  	p0 =	seq.s32 s10, $0x1;
	s10 =	sld [smem:$0x3FA1];
	_ =	sdelay $0x3  }
0x34: {  	[smem:$0x3FA1] =	sst s10  }
0x35: {  	s10 =	sld [smem:$0x3FA0];
	_ =	sdelay $0x3  }
0x36: {  	p1 =	seq.s32 s10, $0x1;
	s10 =	sld [smem:$0x3FA1];
	_ =	sdelay $0x3  }
0x37: {  	[smem:$0x3FA1] =	sst s10  }
0x38: {  	s10 =	sld [smem:$0x3FA2]  }
0x39: {  	_ = 	snop;
	(pc) =	sbr.ind lr, $3  }
0x3a: {  	_ = 	snop  }
0x3b: {  	_ = 	snop  }
0x3c: {  	p2 =	seq.s32 s10, $0x1;
	s10 =	sld [smem:$0x3FA1]  }
0x3d: {  	_ =	shalt  }
0x3e: {  	_ =	shalt  }
0x3f: {  	_ =	shalt  }
0x40: {  	_ =	shalt  }
0x41: {  	_ =	shalt  }
0x42: {  	_ =	shalt  }
0x43: {  	_ =	shalt  }
0x44: {  	_ =	shalt  }
0x45: {  	_ =	shalt  }
0x46: {  	_ =	shalt  }
0x47: {  	_ =	shalt  }
0x48: {  	_ =	shalt  }
0x49: {  	_ =	shalt  }
0x4a: {  	_ =	shalt  }
0x4b: {  	_ =	shalt  }
0x4c: {  	_ =	shalt  }
0x4d: {  	_ =	shalt  }
0x4e: {  	_ =	shalt  }
0x4f: {  	_ =	shalt  }
0x50: {  	_ =	shalt  }
0x51: {  	_ =	shalt  }
0x52: {  	_ =	shalt  }
0x53: {  	_ =	shalt  }
0x54: {  	_ =	shalt  }
0x55: {  	_ =	shalt  }
0x56: {  	_ =	shalt  }
0x57: {  	_ =	shalt  }
0x58: {  	_ =	shalt  }
0x59: {  	_ =	shalt  }
0x5a: {  	_ =	shalt  }
0x5b: {  	_ =	shalt  }
0x5c: {  	_ =	shalt  }
0x5d: {  	_ =	shalt  }
0x5e: {  	_ =	shalt  }
0x5f: {  	_ =	shalt  }
0x60: {  	_ =	shalt  }
0x61: {  	_ =	shalt  }
0x62: {  	_ =	shalt  }
0x63: {  	_ =	shalt  }
0x64: {  	_ =	shalt  }
0x65: {  	_ =	shalt  }
0x66: {  	_ =	shalt  }
0x67: {  	_ =	shalt  }
0x68: {  	_ =	shalt  }
0x69: {  	_ =	shalt  }
0x6a: {  	_ =	shalt  }
0x6b: {  	_ =	shalt  }
0x6c: {  	_ =	shalt  }
0x6d: {  	_ =	shalt  }
0x6e: {  	_ =	shalt  }
0x6f: {  	_ =	shalt  }
0x70: {  	_ =	shalt  }
0x71: {  	_ =	shalt  }
0x72: {  	_ =	shalt  }
0x73: {  	_ =	shalt  }
0x74: {  	_ =	shalt  }
0x75: {  	_ =	shalt  }
0x76: {  	_ =	shalt  }
0x77: {  	_ =	shalt  }
0x78: {  	_ =	shalt  }
0x79: {  	_ =	shalt  }
0x7a: {  	_ =	shalt  }
0x7b: {  	_ =	shalt  }
0x7c: {  	_ =	shalt  }
0x7d: {  	_ =	shalt  }
0x7e: {  	_ =	shalt  }
0x7f: {  	_ =	shalt  }
0x80: {  	_ =	shalt  }
0x81: {  	_ =	shalt  }
0x82: {  	_ =	shalt  }
0x83: {  	_ =	shalt  }
0x84: {  	_ =	shalt  }
0x85: {  	_ =	shalt  }
0x86: {  	_ =	shalt  }
0x87: {  	_ =	shalt  }
.Lfunc_end0:
.L_simem_size_0:
called_computation.1_lowered:
.L_overlay_start_0:
0x88: {  	s2 =	sld [smem:$0x3FD9]  }
0x89: {  	s3 =	sld [smem:$0x3FFE];
	_ =	sdelay $0x1  }
0x8a: {  	s1 =	srdreg.scid  }
0x8b: {  	s0 =	sand.u32 $0x1, s1  }
0x8c: {  	s14 =	sshll.u32 s0, $0xA;
	s2 =	sadd.s32 s3, s2  }
0x8d: {  	s2 =	sadd.s32 s2, s14  }
0x8e: {  	[smem:$0x3FAD] =	sst s2  }
0x8f: {  	_ = 	snop  }
0x90: {  	s2 =	sld [smem:$0x3FD0];
	_ =	sdelay $0x2  }
0x91: {  	s15 =	simm.s32 $0xA;
	s4 =	simm.s32 $0x10  }
0x92: {  	[smem:s4], [sflag:s15] =	dma.local [hbm:s2], $0x1  }
0x93: {  	_ =	swait.eq [sflag:s15], $0x1  }
0x94: {  	[sflag:s15] =	ssyncset.done $0x0  }
0x95: {  	s16 =	sld [smem:$0x10];
	[sflag:s15] =	ssyncadd.s32 $0xFFFFFFFF  }
0x96: {  	s17 =	sld [smem:$0x11];
	(tm) =	ssettm $0x1  }
0x97: {  	s18 =	sld [smem:$0x3FFB];
	_ =	sdelay $0x3  }
0x98: {  	_ =	strace s18  }
0x99: {  	s4 =	sld [smem:$0x3FFC];
	_ =	sdelay $0x3  }
0x9a: {  	_ =	strace s4  }
0x9b: {  	s4 =	sld [smem:$0x3FFD];
	_ =	sdelay $0x3  }
0x9c: {  	_ =	strace s4  }
0x9d: {  	_ =	strace $0x8FFFFFFF  }
0x9e: {  	s19 =	sld [smem:$0x3FDB];
	_ =	sdelay $0x1  }
0x9f: {  	s5 =	simm.s32 $_scs_section_size  }
0xa0: {  	s6 =	simm.s32 $_size__tile_overlayer_lowered;
	s7 =	simm.s32 $_tile_overlayer_lowered  }
0xa1: {  	s22 =	simm.s32 $0x1BFF;
	s21 =	sshll.u32 s7, $0x1;
	s4 =	sadd.s32 s5, s19  }
0xa2: {  	s8 =	simm.s32 $0x0;
	s20 =	sshll.u32 s6, $0x1;
	s6 =	sadd.s32 s21, s4  }
0xa3: {  	[timem:s8], [sflag:s22] =	dma.local [hbm:s6], s20  }
0xa4: {  	_ =	swait.ge [sflag:s22], s20  }
0xa5: {  	s5 =	ssub.s32 $0x0, s20;
	[sflag:s22] =	ssyncset.done $0x0  }
0xa6: {  	[sflag:s22] =	ssyncadd.s32 s5;
	_ =	sdelay $0x1  }
0xa7: {  	s23 =	simm.s32 $0x1B8B  }
0xa8: {  	_ =	swait.ge [sflag:s23], $0x1  }
0xa9: {  	[sflag:s23] =	ssyncset.done $0x0  }
0xaa: {  	s25 =	simm.s32 $0x1B8E;
	s24 =	sld [smem:$0x3FFE];
	[sflag:s23] =	ssyncadd.s32 $0xFFFFFFFF  }
0xab: {  	s26 =	simm.s32 $execute0_lowered;
	[smem:$0x3FD2] =	sst s25  }
0xac: {  	s6 =	sshll.u32 s26, $0x1;
	_ =	strace $0x80000049;
	[dreg:$0x1] =	wrdreg $0xFFFFFFFF  }
0xad: {  	s28 =	simm.s32 $_size_execute0_lowered;
	s4 =	sadd.s32 s4, s6;
	[dreg:$0x0] =	wrdreg $0x0  }
0xae: {  	s6 =	sshll.u32 s28, $0x1;
	[dreg:$0x2] =	wrdreg s4  }
0xaf: {  	[dreg:$0x3] =	wrdreg s6  }
0xb0: {  	[dreg:$0x4] =	wrdreg $0xC0  }
0xb1: {  	_ =	task [dreg:s8], $0x5FFFF  }
0xb2: {  	[dreg:$0x1] =	wrdreg $0xFFFFFFFF  }
0xb3: {  	[dreg:$0x0] =	wrdreg $0x60  }
0xb4: {  	[dreg:$0x2] =	wrdreg s17  }
0xb5: {  	[dreg:$0x3] =	wrdreg s16  }
0xb6: {  	[dreg:$0x4] =	wrdreg s24  }
0xb7: {  	[dreg:$0x5] =	wrdreg $0x29E00  }
0xb8: {  	[dreg:$0x6] =	wrdreg $0x9  }
0xb9: {  	_ =	task.clear_ibuf [dreg:s8], $0x7FFFF;
	_ =	strace $0x90000049  }
0xba: {  	s29 =	simm.s32 $0x9;
	_ =	strace $0x8000004B  }
0xbb: {  	_ =	swait.ge [sflag:s29], $0x1  }
0xbc: {  	[sflag:s29] =	ssyncadd.s32 $0xFFFFFFFF  }
0xbd: {  	_ =	strace $0x9000004B  }
0xbe: {  	_ =	sfence  }
0xbf: {  	s30 =	sld [smem:$0x0];
	_ =	sdelay $0x2  }
0xc0: {  	s31 =	sshll.u32 s1, $0xD;
	s1 =	sshrl.u32 s1, $0x2  }
0xc1: {  	s3 =	sand.u32 $0x4000, s31;
	s1 =	sadd.s32 s1, s30  }
0xc2: {  	s0 =	sor.u32 s3, s0;
	s1 =	sshll.u32 s1, $0x11  }
0xc3: {  	s0 =	sor.u32 s1, s0  }
0xc4: {  	s0 =	sadd.s32 $0x8F2B, s0  }
0xc5: {  	[sflag:s0] =	ssyncadd.remote.s32 $0x1  }
0xc6: {  	_ =	sfence.sel $0xFFFF  }
0xc7: {  	[dreg:$0x0] =	wrdreg $0xFFFFFFFF;
	(pc) =	sbr.abs _section_cstart, $3  }
0xc8: {  	[dreg:$0x1] =	wrdreg $0xFFFFFFFF  }
0xc9: {  	_ =	task.clear_ibuf [dreg:s8], $0x2FFFF;
	_ =	strace $0x9FFFFFFF  }
0xca: {  	(tm) =	ssettm $0x7FFFFFFF  }
0xcb: {  	_ =	shalt  }
tec
execute0_lowered:
.L_overlay_start_1:
0x0: {  	(tag) =	ssettag $0x1  }
0x1: {  	s1 =	rddreg [dreg:$0x0]  }
0x2: {  	s2 =	rddreg [dreg:$0x1]  }
0x3: {  	s0 =	rddreg [dreg:$0x2]  }
0x4: {  	s3 =	rddreg [dreg:$0x3];
	s4 =	simm.s32 $0x0;
	s5 =	srdreg.scid  }
0x5: {  	s22 =	stileid.u32;
	s30 =	simm.s32 $0x1E0;
	s31 =	simm.s32 $0x2  }
0x6: {  	[smem:$0x7FF] =	sst s4;
	s6 =	sadd.s32 $0x5200, s0;
	s7 =	sadd.s32 $0x62200, s0  }
0x7: {  	s5 =	sand.u32 $0x1, s5;
	s8 =	sadd.s32 $0x58400, s0;
	s10 =	smul.u32 $0x13880, s22  }
0x8: {  	s11 =	sadd.s32 $0x2C400, s0;
	s0 =	sadd.s32 $0x6C000, s0;
	s29 =	smul.u32 $0x4E20, s22  }
0x9: {  	_ =	strace $0x8000004A;
	s9 =	ssub.s32 $0x2, s5;
	[dreg:$0x5] =	wrdreg s11  }
0xa: {  	[dreg:$0x6] =	wrdreg s0;
	p0 =	seq.s32 s5, $0x1;
	s25 =	sshrl.u32 s9, $0x1  }
0xb: {  	s26 =	sadd.s32 $0x2800, s10;
	s17 =	sadd.s32 $0x5000, s10;
	s11 =	sadd.s32 s10, s3  }
0xc: {  	s18 =	sadd.s32 $0x7800, s10;
	s19 =	sadd.s32 $0xA000, s10;
	s20 =	sadd.s32 $0xC800, s10  }
0xd: {  	s21 =	sadd.s32 $0xF000, s10;
	s5 =	sadd.s32 $0x11800, s10;
	s10 =	sshrl.u32 s10, $0x3  }
0xe: {  	s0 =	ssub.s32 s9, s25;
	s12 =	sadd.s32 s26, s3;
	s13 =	sadd.s32 s17, s3  }
0xf: {  	s14 =	sadd.s32 s18, s3;
	[dreg:$0x7] =	wrdreg s10;
	s9 =	sshrl.u32 s26, $0x3  }
0x10: {  	s15 =	sadd.s32 s19, s3;
	s23 =	sshrl.u32 s17, $0x3;
	[dreg:$0x8] =	wrdreg s9  }
0x11: {  	s16 =	sadd.s32 s20, s3;
	s24 =	sshrl.u32 s18, $0x3;
	[dreg:$0x9] =	wrdreg s23  }
.Ltmp0:
0x12: {  	s25 =	sshrl.u32 s19, $0x3;
	[dreg:$0xa] =	wrdreg s24;
	(pc) =	sbr.rel .LBB2_1-.Ltmp0, $4  }
0x13: {  	s26 =	sshrl.u32 s20, $0x3;
	s10 =	simm.s32 $0x0;
	[dreg:$0xb] =	wrdreg s25  }
0x14: {  	[dreg:$0xc] =	wrdreg s26;
	s23 =	sadd.s32 s21, s3;
	s24 =	sshrl.u32 s21, $0x3  }
0x15: {  	s25 =	sadd.s32 s5, s3;
	s26 =	sshrl.u32 s5, $0x3;
	s28 =	smax.u32 s0, $0x1  }
0x16: {  	v0 =	vimm.f32 $0.0e+00;
	s0 =	simm.s32 $0x50;
	s5 =	simm.s32 $0xA0;
	s9 =	simm.s32 $0x1  }
.LBB2_12:
0x17: {  	[bflag:$0x0] =	sbarrier.arrive $0xFFFF  }
0x18: {  	[tilespmem:s30], [sflag:$0x2] =	stream.linear.gather [spmem:s11], $0x2800, $0x38;
	[tilespmem:$0x16260] =	vst v63  }
0x19: {  	_ =	swait.ge [sflag:s31], $0x2800  }
0x1a: {  	[sflag:s31] =	ssyncset.done $0x0;
	s18 =	rddreg [dreg:$0x7]  }
0x1b: {  	s18 =	sadd.s32 s17, s18;
	[sflag:s31] =	ssyncadd.s32 $0xFFFFD800  }
0x1c: {  	[hbm4b:s18+s4] =	stream.linear.scatter [tilespmem:s30], [sflag:$0x2], $0x2800, $0x38;
	[tilespmem:$0x16260] =	vst v63  }
0x1d: {  	_ =	swait.ge [sflag:s31], $0x2800  }
0x1e: {  	[sflag:s31] =	ssyncset.done $0x0  }
0x1f: {  	[sflag:s31] =	ssyncadd.s32 $0xFFFFD800  }
0x20: {  	[tilespmem:s30], [sflag:$0x2] =	stream.linear.gather [spmem:s12], $0x2800, $0x38;
	[tilespmem:$0x16260] =	vst v63  }
0x21: {  	_ =	swait.ge [sflag:s31], $0x2800  }
0x22: {  	[sflag:s31] =	ssyncset.done $0x0;
	s20 =	rddreg [dreg:$0x8]  }
0x23: {  	s18 =	sadd.s32 s17, s20;
	[sflag:s31] =	ssyncadd.s32 $0xFFFFD800  }
0x24: {  	[hbm4b:s18+s4] =	stream.linear.scatter [tilespmem:s30], [sflag:$0x2], $0x2800, $0x38;
	[tilespmem:$0x16260] =	vst v63  }
0x25: {  	_ =	swait.ge [sflag:s31], $0x2800  }
0x26: {  	[sflag:s31] =	ssyncset.done $0x0  }
0x27: {  	[sflag:s31] =	ssyncadd.s32 $0xFFFFD800  }
0x28: {  	[tilespmem:s30], [sflag:$0x2] =	stream.linear.gather [spmem:s13], $0x2800, $0x38;
	[tilespmem:$0x16260] =	vst v63  }
0x29: {  	_ =	swait.ge [sflag:s31], $0x2800  }
0x2a: {  	[sflag:s31] =	ssyncset.done $0x0;
	s21 =	rddreg [dreg:$0x9]  }
0x2b: {  	s18 =	sadd.s32 s17, s21;
	[sflag:s31] =	ssyncadd.s32 $0xFFFFD800  }
0x2c: {  	[hbm4b:s18+s4] =	stream.linear.scatter [tilespmem:s30], [sflag:$0x2], $0x2800, $0x38;
	[tilespmem:$0x16260] =	vst v63  }
0x2d: {  	_ =	swait.ge [sflag:s31], $0x2800  }
0x2e: {  	[sflag:s31] =	ssyncset.done $0x0  }
0x2f: {  	[sflag:s31] =	ssyncadd.s32 $0xFFFFD800  }
0x30: {  	[tilespmem:s30], [sflag:$0x2] =	stream.linear.gather [spmem:s14], $0x2800, $0x38;
	[tilespmem:$0x16260] =	vst v63  }
0x31: {  	_ =	swait.ge [sflag:s31], $0x2800  }
0x32: {  	[sflag:s31] =	ssyncset.done $0x0;
	s22 =	rddreg [dreg:$0xa]  }
0x33: {  	s18 =	sadd.s32 s17, s22;
	[sflag:s31] =	ssyncadd.s32 $0xFFFFD800  }
0x34: {  	[hbm4b:s18+s4] =	stream.linear.scatter [tilespmem:s30], [sflag:$0x2], $0x2800, $0x38;
	[tilespmem:$0x16260] =	vst v63  }
0x35: {  	_ =	swait.ge [sflag:s31], $0x2800  }
0x36: {  	[sflag:s31] =	ssyncset.done $0x0  }
0x37: {  	[sflag:s31] =	ssyncadd.s32 $0xFFFFD800  }
0x38: {  	[tilespmem:s30], [sflag:$0x2] =	stream.linear.gather [spmem:s15], $0x2800, $0x38;
	[tilespmem:$0x16260] =	vst v63  }
0x39: {  	_ =	swait.ge [sflag:s31], $0x2800  }
0x3a: {  	[sflag:s31] =	ssyncset.done $0x0;
	s19 =	rddreg [dreg:$0xb]  }
0x3b: {  	s18 =	sadd.s32 s17, s19;
	[sflag:s31] =	ssyncadd.s32 $0xFFFFD800  }
0x3c: {  	[hbm4b:s18+s4] =	stream.linear.scatter [tilespmem:s30], [sflag:$0x2], $0x2800, $0x38;
	[tilespmem:$0x16260] =	vst v63  }
0x3d: {  	_ =	swait.ge [sflag:s31], $0x2800  }
0x3e: {  	[sflag:s31] =	ssyncset.done $0x0  }
0x3f: {  	[sflag:s31] =	ssyncadd.s32 $0xFFFFD800  }
0x40: {  	[tilespmem:s30], [sflag:$0x2] =	stream.linear.gather [spmem:s16], $0x2800, $0x38;
	[tilespmem:$0x16260] =	vst v63  }
0x41: {  	_ =	swait.ge [sflag:s31], $0x2800  }
0x42: {  	[sflag:s31] =	ssyncset.done $0x0;
	s20 =	rddreg [dreg:$0xc]  }
0x43: {  	s18 =	sadd.s32 s17, s20;
	[sflag:s31] =	ssyncadd.s32 $0xFFFFD800  }
0x44: {  	[hbm4b:s18+s4] =	stream.linear.scatter [tilespmem:s30], [sflag:$0x2], $0x2800, $0x38;
	[tilespmem:$0x16260] =	vst v63  }
0x45: {  	_ =	swait.ge [sflag:s31], $0x2800  }
0x46: {  	[sflag:s31] =	ssyncset.done $0x0  }
0x47: {  	[sflag:s31] =	ssyncadd.s32 $0xFFFFD800  }
0x48: {  	[tilespmem:s30], [sflag:$0x2] =	stream.linear.gather [spmem:s23], $0x2800, $0x38;
	[tilespmem:$0x16260] =	vst v63  }
0x49: {  	_ =	swait.ge [sflag:s31], $0x2800  }
0x4a: {  	[sflag:s31] =	ssyncset.done $0x0  }
0x4b: {  	s21 =	sadd.s32 s17, s24;
	[sflag:s31] =	ssyncadd.s32 $0xFFFFD800  }
0x4c: {  	[hbm4b:s21+s4] =	stream.linear.scatter [tilespmem:s30], [sflag:$0x2], $0x2800, $0x38;
	[tilespmem:$0x16260] =	vst v63  }
0x4d: {  	_ =	swait.ge [sflag:s31], $0x2800  }
0x4e: {  	[sflag:s31] =	ssyncset.done $0x0  }
0x4f: {  	[sflag:s31] =	ssyncadd.s32 $0xFFFFD800  }
0x50: {  	[tilespmem:s30], [sflag:$0x2] =	stream.linear.gather [spmem:s25], $0x2080, $0x38;
	[tilespmem:$0x16260] =	vst v63  }
0x51: {  	s10 =	sadd.s32 $0x1, s10;
	_ =	swait.ge [sflag:s31], $0x2080  }
0x52: {  	p1 =	sne.s32 s10, s28;
	[sflag:s31] =	ssyncset.done $0x0  }
.Ltmp1:
0x53: {  	s22 =	sadd.s32 s17, s26;
	[sflag:s31] =	ssyncadd.s32 $0xFFFFDF80;
	(pc) =	sbr.rel @!p1 .LBB2_13-.Ltmp1, $4  }
0x54: {  	[hbm4b:s22+s4] =	stream.linear.scatter [tilespmem:s30], [sflag:$0x2], $0x2080, $0x38;
	[tilespmem:$0x16260] =	vst v63  }
0x55: {  	_ =	swait.ge [sflag:s31], $0x2080  }
0x56: {  	[sflag:s31] =	ssyncset.done $0x0  }
0x57: {  	[sflag:s31] =	ssyncadd.s32 $0xFFFFDF80  }
.LBB2_1:
0x58: {  	s17 =	simm.s32 $0x0;
	s18 =	simm.s32 $0x200  }
.LBB2_2:
0x59: {  	p1 =	sne.s32 s18, $0x9E00;
	[tilespmem:s17+$0x250] =	vst v0  }
0x5a: {  	[tilespmem:s17+$0x1E0] =	vst v0  }
0x5b: {  	[tilespmem:s17+$0x1F0] =	vst v0  }
.Ltmp2:
0x5c: {  	[tilespmem:s17+$0x200] =	vst v0;
	(pc) =	sbr.rel @p1 .LBB2_2-.Ltmp2, $4  }
0x5d: {  	[tilespmem:s17+$0x210] =	vst v0  }
0x5e: {  	[tilespmem:s17+$0x220] =	vst v0  }
0x5f: {  	[tilespmem:s17+$0x230] =	vst v0  }
0x60: {  	[tilespmem:s17+$0x240] =	vst v0;
	s17 =	sshra.s32 s18, $0x2;
	s18 =	sadd.s32 $0x200, s18  }
0x61: {  	[tilespmem:s17+$0x250] =	vst v0  }
0x62: {  	[tilespmem:s17+$0x1E0] =	vst v0  }
0x63: {  	[tilespmem:s17+$0x1F0] =	vst v0  }
0x64: {  	[tilespmem:s17+$0x200] =	vst v0  }
0x65: {  	[tilespmem:s17+$0x210] =	vst v0  }
0x66: {  	[tilespmem:s17+$0x220] =	vst v0  }
0x67: {  	[tilespmem:s17+$0x230] =	vst v0  }
0x68: {  	[tilespmem:s17+$0x240] =	vst v0  }
0x69: {  	[spmem:s11] =	stream.linear.scatter [tilespmem:s30], [sflag:$0x2], $0x2800, $0x38;
	[tilespmem:$0x16260] =	vst v63  }
0x6a: {  	_ =	swait.ge [sflag:s31], $0x2800  }
0x6b: {  	[sflag:s31] =	ssyncset.done $0x0  }
0x6c: {  	[sflag:s31] =	ssyncadd.s32 $0xFFFFD800  }
0x6d: {  	[spmem:s12] =	stream.linear.scatter [tilespmem:s30], [sflag:$0x2], $0x2800, $0x38;
	[tilespmem:$0x16260] =	vst v63  }
0x6e: {  	_ =	swait.ge [sflag:s31], $0x2800  }
0x6f: {  	[sflag:s31] =	ssyncset.done $0x0  }
0x70: {  	[sflag:s31] =	ssyncadd.s32 $0xFFFFD800  }
0x71: {  	[spmem:s13] =	stream.linear.scatter [tilespmem:s30], [sflag:$0x2], $0x2800, $0x38;
	[tilespmem:$0x16260] =	vst v63  }
0x72: {  	_ =	swait.ge [sflag:s31], $0x2800  }
0x73: {  	[sflag:s31] =	ssyncset.done $0x0  }
0x74: {  	[sflag:s31] =	ssyncadd.s32 $0xFFFFD800  }
0x75: {  	[spmem:s14] =	stream.linear.scatter [tilespmem:s30], [sflag:$0x2], $0x2800, $0x38;
	[tilespmem:$0x16260] =	vst v63  }
0x76: {  	_ =	swait.ge [sflag:s31], $0x2800  }
0x77: {  	[sflag:s31] =	ssyncset.done $0x0  }
0x78: {  	[sflag:s31] =	ssyncadd.s32 $0xFFFFD800  }
0x79: {  	[spmem:s15] =	stream.linear.scatter [tilespmem:s30], [sflag:$0x2], $0x2800, $0x38;
	[tilespmem:$0x16260] =	vst v63  }
0x7a: {  	_ =	swait.ge [sflag:s31], $0x2800  }
0x7b: {  	[sflag:s31] =	ssyncset.done $0x0  }
0x7c: {  	[sflag:s31] =	ssyncadd.s32 $0xFFFFD800  }
0x7d: {  	[spmem:s16] =	stream.linear.scatter [tilespmem:s30], [sflag:$0x2], $0x2800, $0x38;
	[tilespmem:$0x16260] =	vst v63  }
0x7e: {  	_ =	swait.ge [sflag:s31], $0x2800  }
0x7f: {  	[sflag:s31] =	ssyncset.done $0x0  }
0x80: {  	[sflag:s31] =	ssyncadd.s32 $0xFFFFD800  }
0x81: {  	[spmem:s23] =	stream.linear.scatter [tilespmem:s30], [sflag:$0x2], $0x2800, $0x38;
	[tilespmem:$0x16260] =	vst v63  }
0x82: {  	_ =	swait.ge [sflag:s31], $0x2800  }
0x83: {  	[sflag:s31] =	ssyncset.done $0x0  }
0x84: {  	[sflag:s31] =	ssyncadd.s32 $0xFFFFD800  }
0x85: {  	[spmem:s25] =	stream.linear.scatter [tilespmem:s30], [sflag:$0x2], $0x2080, $0x38;
	[tilespmem:$0x16260] =	vst v63  }
.Ltmp3:
0x86: {  	_ =	swait.ge [sflag:s31], $0x2080;
	(pc) =	sbr.rel @!p0 .LBB2_4-.Ltmp3, $4  }
0x87: {  	[sflag:s31] =	ssyncset.done $0x0  }
0x88: {  	[sflag:s31] =	ssyncadd.s32 $0xFFFFDF80  }
0x89: {  	[bflag:$0x0] =	sbarrier.arrive $0xFFFF  }
0x8a: {  	s17 =	simm.s32 $0x0;
	s19 =	simm.s32 $0x0;
	s18 =	simm.s32 $0x0  }
.LBB2_8:
0x8b: {  	s19 =	smul.u32 $0x50, s18;
	_ =	sdelay $0x1  }
0x8c: {  	s19 =	sadd.s32 s29, s19  }
0x8d: {  	s20 =	sshrl.u32 s19, $0x3  }
0x8e: {  	s21 =	sadd.s32 s7, s20  }
0x8f: {  	[tilespmem:s17], [sflag:$0x2] =	stream.linear.gather [hbm4b:s21+s17], $0x50, $0x38;
	[tilespmem:$0x16260] =	vst v63  }
0x90: {  	_ =	swait.ge [sflag:s31], $0x50  }
0x91: {  	[sflag:s31] =	ssyncset.done $0x0  }
0x92: {  	s20 =	sadd.s32 s8, s20;
	[sflag:s31] =	ssyncadd.s32 $0xFFFFFFB0  }
0x93: {  	[tilespmem:s0], [sflag:$0x2] =	stream.linear.gather [hbm4b:s20+s17], $0x50, $0x38;
	[tilespmem:$0x16260] =	vst v63  }
0x94: {  	_ =	swait.ge [sflag:s31], $0x50  }
0x95: {  	[sflag:s31] =	ssyncset.done $0x0  }
0x96: {  	s19 =	sshrl.u32 s19, $0x1;
	[sflag:s31] =	ssyncadd.s32 $0xFFFFFFB0  }
0x97: {  	[tilespmem:s30], [sflag:$0x1] =	stream.indirect.gather [hbm4b:s2+s0], $0x80, s0, s0, $0xb8;
	[tilespmem:$0x16260] =	vst v63  }
0x98: {  	s19 =	sadd.s32 s6, s19  }
0x99: {  	[tilespmem:s5], [sflag:$0x2] =	stream.linear.gather [hbm4b:s19+s17], $0x140, $0x38;
	[tilespmem:$0x16260] =	vst v63  }
0x9a: {  	_ =	swait.ge [sflag:s31], $0x140  }
0x9b: {  	[sflag:s31] =	ssyncset.done $0x0  }
0x9c: {  	[sflag:s31] =	ssyncadd.s32 $0xFFFFFEC0  }
0x9d: {  	_ =	swait.ge [sflag:s9], $0x2800  }
0x9e: {  	[sflag:s9] =	ssyncset.done $0x0  }
0x9f: {  	s19 =	simm.s32 $0x2E0;
	[sflag:s9] =	ssyncadd.s32 $0xFFFFD800  }
0xa0: {  	v6 =	vld [tilespmem:s19+$0xFFFFFFA0]  }
0xa1: {  	v4 =	vld [tilespmem:s19+$0xFFFFFFF0]  }
0xa2: {  	v1 =	vld [tilespmem:s19+$0xFFFFFF60]  }
0xa3: {  	v7 =	vld [tilespmem:s19+$0xFFFFFFD0]  }
0xa4: {  	v8 =	vld [tilespmem:s19+$0x80]  }
0xa5: {  	v11 =	vld [tilespmem:s19+$0xFFFFFF10]  }
0xa6: {  	s22 =	simm.s32 $0x0;
	v15 =	vld [tilespmem:s19+$0xE0]  }
0xa7: {  	v3 =	vld [tilespmem:s22+$0xA0]  }
0xa8: {  	v10 =	vld [tilespmem:s19+$0xFFFFFF40]  }
0xa9: {  	v2 =	vld [tilespmem:s19+$0xFFFFFF90]  }
0xaa: {  	v9 =	vld [tilespmem:s19+$0xFFFFFFC0]  }
0xab: {  	v12 =	vld [tilespmem:s19+$0xFFFFFF00]  }
0xac: {  	v13 =	vld [tilespmem:s19+$0xD0];
	v3 =	vmul.f32 v3, v3  }
0xad: {  	v22 =	vld [tilespmem:s19+$0xC0]  }
0xae: {  	v20 =	vld [tilespmem:s19+$0x90];
	v18 =	vbroadcast v3, $0x0;
	v5 =	vbroadcast v3, $0xF  }
0xaf: {  	v21 =	vld [tilespmem:s19+$0xFFFFFF50];
	v19 =	vbroadcast v3, $0x2;
	v16 =	vbroadcast v3, $0xE  }
0xb0: {  	v17 =	vld [tilespmem:s19+$0xB0];
	v14 =	vbroadcast v3, $0xC;
	v24 =	vmul.f32 v18, v12  }
0xb1: {  	s21 =	simm.s32 $0x2E0;
	s20 =	simm.s32 $0x40;
	v12 =	vbroadcast v3, $0xD;
	v23 =	vmul.f32 v10, v19;
	v10 =	vld [tilespmem:s19+$0x60]  }
.LBB2_9:
0xb2: {  	p1 =	sne.s32 s20, $0x4C0  }
0xb3: {  	[tilespmem:s19+$0xFFFFFF00] =	vst v24;
	v24 =	vld [tilespmem:s19+$0xFFFFFFB0];
	v22 =	vmul.f32 v22, v16;
	v15 =	vmul.f32 v15, v5;
	s21 =	sadd.s32 $0x200, s21;
	s22 =	smov.u32 s20;
	s20 =	sadd.s32 $0x40, s20  }
0xb4: {  	[tilespmem:s19+$0xFFFFFF40] =	vst v23;
	v23 =	vbroadcast v3, $0xA;
	v20 =	vmul.f32 v20, v14;
	v25 =	vld [tilespmem:s19+$0xA0]  }
0xb5: {  	v11 =	vmul.f32 v11, v18;
	v18 =	vmul.f32 v21, v19;
	v19 =	vld [tilespmem:s19+$0x70];
	[tilespmem:s19+$0xE0] =	vst v15  }
0xb6: {  	v15 =	vbroadcast v3, $0x5;
	v21 =	vld [tilespmem:s19+$0xFFFFFFE0];
	v17 =	vmul.f32 v17, v12;
	[tilespmem:s19+$0xC0] =	vst v22  }
0xb7: {  	v13 =	vmul.f32 v13, v16;
	v22 =	vbroadcast v3, $0x6;
	[tilespmem:s19+$0xFFFFFF10] =	vst v11;
	v11 =	vld [tilespmem:s19+$0xFFFFFF20]  }
0xb8: {  	v26 =	vbroadcast v3, $0xB;
	v6 =	vmul.f32 v6, v15;
	v16 =	vld [tilespmem:s19+$0x40];
	[tilespmem:s19+$0x90] =	vst v20  }
0xb9: {  	v20 =	vbroadcast v3, $0x9;
	[tilespmem:s19+$0xFFFFFF50] =	vst v18;
	v18 =	vld [tilespmem:s19+$0x20];
	v12 =	vmul.f32 v25, v12  }
0xba: {  	v15 =	vmul.f32 v24, v15;
	v24 =	vld [tilespmem:s19+$0x50];
	v19 =	vmul.f32 v19, v26;
	[tilespmem:s19+$0xD0] =	vst v13  }
0xbb: {  	v8 =	vmul.f32 v8, v14;
	v13 =	vbroadcast v3, $0x7;
	v25 =	vld [tilespmem:s19+$0x30];
	[tilespmem:s19+$0xA0] =	vst v12  }
0xbc: {  	v9 =	vmul.f32 v9, v22;
	v12 =	vbroadcast v3, $0x3;
	v14 =	vld [tilespmem:s19+$0x0];
	[tilespmem:s19+$0x70] =	vst v19  }
0xbd: {  	v10 =	vmul.f32 v10, v26;
	v7 =	vmul.f32 v7, v22;
	v19 =	vld [tilespmem:s19+$0x10];
	[tilespmem:s19+$0x80] =	vst v8  }
0xbe: {  	v22 =	vbroadcast v3, $0x8;
	v16 =	vmul.f32 v16, v23;
	v8 =	vld [tilespmem:s19+$0xFFFFFF30];
	[tilespmem:s19+$0xB0] =	vst v17  }
0xbf: {  	v17 =	vbroadcast v3, $0x1;
	v26 =	vld [tilespmem:s19+$0xFFFFFF70];
	[tilespmem:s19+$0xFFFFFFD0] =	vst v7;
	v23 =	vmul.f32 v24, v23  }
0xc0: {  	v4 =	vmul.f32 v4, v13;
	v7 =	vmul.f32 v21, v13;
	[tilespmem:s19+$0xFFFFFFC0] =	vst v9;
	v9 =	vld [tilespmem:s19+$0xF0]  }
0xc1: {  	v21 =	vmul.f32 v25, v20;
	v13 =	vld [tilespmem:s19+$0xFFFFFF80];
	[tilespmem:s19+$0xFFFFFFA0] =	vst v6;
	v14 =	vmul.f32 v14, v22  }
0xc2: {  	v6 =	vld [tilespmem:s21+$0xFFFFFFA0];
	[tilespmem:s19+$0xFFFFFFF0] =	vst v4;
	v19 =	vmul.f32 v19, v22;
	v4 =	vmul.f32 v18, v20  }
0xc3: {  	v11 =	vmul.f32 v11, v17;
	v17 =	vmul.f32 v8, v17;
	[tilespmem:s19+$0x60] =	vst v10  }
0xc4: {  	v1 =	vmul.f32 v1, v12;
	v8 =	vmul.f32 v26, v12;
	[tilespmem:s19+$0xFFFFFFB0] =	vst v15  }
0xc5: {  	v3 =	vbroadcast v3, $0x4;
	[tilespmem:s19+$0xFFFFFF20] =	vst v11;
	v5 =	vmul.f32 v9, v5  }
0xc6: {  	[tilespmem:s19+$0xFFFFFF60] =	vst v1  }
0xc7: {  	v9 =	vmul.f32 v13, v3;
	v1 =	vmul.f32 v2, v3;
	[tilespmem:s19+$0x40] =	vst v16  }
0xc8: {  	[tilespmem:s19+$0xFFFFFFE0] =	vst v7  }
0xc9: {  	[tilespmem:s19+$0xF0] =	vst v5  }
0xca: {  	[tilespmem:s19+$0xFFFFFF90] =	vst v1  }
0xcb: {  	[tilespmem:s19+$0xFFFFFF70] =	vst v8  }
0xcc: {  	[tilespmem:s19+$0x20] =	vst v4  }
0xcd: {  	v4 =	vld [tilespmem:s21+$0xFFFFFFF0];
	[tilespmem:s19+$0x30] =	vst v21  }
0xce: {  	v1 =	vld [tilespmem:s21+$0xFFFFFF60];
	[tilespmem:s19+$0xFFFFFF80] =	vst v9  }
0xcf: {  	v7 =	vld [tilespmem:s21+$0xFFFFFFD0];
	[tilespmem:s19+$0x50] =	vst v23  }
0xd0: {  	v8 =	vld [tilespmem:s21+$0x80];
	[tilespmem:s19+$0x0] =	vst v14  }
0xd1: {  	v11 =	vld [tilespmem:s21+$0xFFFFFF10];
	[tilespmem:s19+$0xFFFFFF30] =	vst v17  }
0xd2: {  	s22 =	sshra.s32 s22, $0x2;
	v15 =	vld [tilespmem:s21+$0xE0];
	[tilespmem:s19+$0x10] =	vst v19;
	s19 =	smov.u32 s21  }
0xd3: {  	v3 =	vld [tilespmem:s22+$0xA0]  }
0xd4: {  	v10 =	vld [tilespmem:s21+$0xFFFFFF40]  }
0xd5: {  	v2 =	vld [tilespmem:s21+$0xFFFFFF90]  }
0xd6: {  	v9 =	vld [tilespmem:s21+$0xFFFFFFC0]  }
0xd7: {  	v12 =	vld [tilespmem:s21+$0xFFFFFF00]  }
0xd8: {  	v3 =	vmul.f32 v3, v3;
	v13 =	vld [tilespmem:s21+$0xD0]  }
.Ltmp4:
0xd9: {  	v22 =	vld [tilespmem:s21+$0xC0];
	(pc) =	sbr.rel @p1 .LBB2_9-.Ltmp4, $4  }
0xda: {  	v18 =	vbroadcast v3, $0x0;
	v20 =	vld [tilespmem:s21+$0x90];
	v5 =	vbroadcast v3, $0xF  }
0xdb: {  	v19 =	vbroadcast v3, $0x2;
	v16 =	vbroadcast v3, $0xE;
	v21 =	vld [tilespmem:s21+$0xFFFFFF50]  }
0xdc: {  	v24 =	vmul.f32 v18, v12;
	v12 =	vbroadcast v3, $0xD;
	v17 =	vld [tilespmem:s21+$0xB0]  }
0xdd: {  	v14 =	vbroadcast v3, $0xC;
	v23 =	vmul.f32 v10, v19;
	v10 =	vld [tilespmem:s21+$0x60]  }
0xde: {  	[tilespmem:s19+$0xFFFFFF00] =	vst v24;
	v15 =	vmul.f32 v15, v5  }
0xdf: {  	v22 =	vmul.f32 v22, v16;
	[tilespmem:s19+$0xFFFFFF40] =	vst v23  }
0xe0: {  	v11 =	vmul.f32 v11, v18;
	[tilespmem:s19+$0xE0] =	vst v15  }
0xe1: {  	v13 =	vmul.f32 v13, v16;
	[tilespmem:s19+$0xC0] =	vst v22  }
0xe2: {  	v34 =	vmul.f32 v20, v14;
	[tilespmem:s19+$0xFFFFFF10] =	vst v11  }
0xe3: {  	v41 =	vbroadcast v3, $0x6;
	v8 =	vmul.f32 v8, v14;
	[tilespmem:s19+$0xD0] =	vst v13  }
0xe4: {  	v19 =	vmul.f32 v21, v19;
	[tilespmem:s19+$0x90] =	vst v34  }
0xe5: {  	v45 =	vbroadcast v3, $0x5;
	v7 =	vmul.f32 v7, v41;
	[tilespmem:s19+$0x80] =	vst v8  }
0xe6: {  	v47 =	vbroadcast v3, $0x7;
	v9 =	vmul.f32 v9, v41;
	[tilespmem:s19+$0xFFFFFF50] =	vst v19  }
0xe7: {  	v54 =	vbroadcast v3, $0x3;
	v6 =	vmul.f32 v6, v45;
	[tilespmem:s19+$0xFFFFFFD0] =	vst v7  }
0xe8: {  	v32 =	vld [tilespmem:s19+$0xA0];
	v59 =	vbroadcast v3, $0x4;
	v4 =	vmul.f32 v4, v47;
	[tilespmem:s19+$0xFFFFFFC0] =	vst v9  }
0xe9: {  	v33 =	vld [tilespmem:s19+$0x70];
	v1 =	vmul.f32 v1, v54;
	[tilespmem:s19+$0xFFFFFFA0] =	vst v6  }
0xea: {  	v35 =	vld [tilespmem:s19+$0xFFFFFFB0];
	v37 =	vbroadcast v3, $0xB;
	v2 =	vmul.f32 v2, v59;
	[tilespmem:s19+$0xFFFFFFF0] =	vst v4  }
0xeb: {  	v36 =	vld [tilespmem:s19+$0xFFFFFF20];
	v43 =	vmul.f32 v17, v12;
	[tilespmem:s19+$0xFFFFFF60] =	vst v1  }
0xec: {  	v40 =	vld [tilespmem:s19+$0x40];
	v10 =	vmul.f32 v10, v37;
	[tilespmem:s19+$0xFFFFFF90] =	vst v2  }
0xed: {  	v38 =	vld [tilespmem:s19+$0xFFFFFFE0];
	v39 =	vmul.f32 v32, v12;
	[tilespmem:s19+$0xB0] =	vst v43  }
0xee: {  	v52 =	vbroadcast v3, $0x1;
	v55 =	vld [tilespmem:s19+$0xF0];
	v18 =	vmul.f32 v33, v37;
	[tilespmem:s19+$0x60] =	vst v10  }
0xef: {  	v49 =	vld [tilespmem:s19+$0xFFFFFF70];
	v56 =	vbroadcast v3, $0xA;
	v53 =	vmul.f32 v35, v45;
	[tilespmem:s19+$0xA0] =	vst v39  }
0xf0: {  	v46 =	vld [tilespmem:s19+$0x30];
	v11 =	vmul.f32 v36, v52;
	[tilespmem:s19+$0x70] =	vst v18  }
0xf1: {  	v50 =	vld [tilespmem:s19+$0xFFFFFF80];
	v58 =	vmul.f32 v40, v56;
	[tilespmem:s19+$0xFFFFFFB0] =	vst v53  }
0xf2: {  	v44 =	vld [tilespmem:s19+$0x20];
	v8 =	vmul.f32 v38, v47;
	[tilespmem:s19+$0xFFFFFF20] =	vst v11  }
0xf3: {  	v57 =	vld [tilespmem:s19+$0xFFFFFF30];
	v60 =	vbroadcast v3, $0x9;
	v1 =	vmul.f32 v55, v5;
	[tilespmem:s19+$0x40] =	vst v58  }
0xf4: {  	v42 =	vld [tilespmem:s19+$0x50];
	v61 =	vmul.f32 v49, v54;
	[tilespmem:s19+$0xFFFFFFE0] =	vst v8  }
0xf5: {  	v48 =	vld [tilespmem:s19+$0x0];
	v2 =	vmul.f32 v46, v60;
	[tilespmem:s19+$0xF0] =	vst v1  }
0xf6: {  	v51 =	vld [tilespmem:s19+$0x10];
	v62 =	vmul.f32 v50, v59;
	[tilespmem:s19+$0xFFFFFF70] =	vst v61  }
0xf7: {  	v1 =	vmul.f32 v44, v60;
	[tilespmem:s19+$0x30] =	vst v2  }
0xf8: {  	v3 =	vbroadcast v3, $0x8;
	v63 =	vmul.f32 v57, v52;
	[tilespmem:s19+$0xFFFFFF80] =	vst v62  }
0xf9: {  	[tilespmem:s19+$0x20] =	vst v1;
	v1 =	vmul.f32 v42, v56  }
0xfa: {  	v2 =	vmul.f32 v48, v3;
	[tilespmem:s19+$0xFFFFFF30] =	vst v63  }
0xfb: {  	s18 =	sadd.s32 $0x1, s18;
	[tilespmem:s19+$0x50] =	vst v1;
	v1 =	vmul.f32 v51, v3  }
0xfc: {  	p1 =	sne.s32 s18, $0xFA;
	[tilespmem:s19+$0x0] =	vst v2  }
.Ltmp5:
0xfd: {  	[tilespmem:s19+$0x10] =	vst v1;
	(pc) =	sbr.rel @p1 .LBB2_8-.Ltmp5, $4  }
0xfe: {  	[spmem:s3] =	stream.indirect.scatter.add.f32 [tilespmem:s30], [sflag:$0x2], $0x80, s4, s0, $0xb8;
	[tilespmem:$0x16260] =	vst v63  }
0xff: {  	_ =	swait.ge [sflag:s31], $0x2800  }
0x100: {  	[sflag:s31] =	ssyncset.done $0x0  }
0x101: {  	[sflag:s31] =	ssyncadd.s32 $0xFFFFD800  }
.Ltmp6:
0x102: {  	(pc) =	sbr.rel .LBB2_12-.Ltmp6, $2  }
0x103: {  	_ =	sdelay $0x2  }
0x104: {  	s17 =	rddreg [dreg:$0x6]  }
.LBB2_4:
0x105: {  	s18 =	smul.u32 $0x50, s19;
	_ =	sdelay $0x1  }
0x106: {  	s18 =	sadd.s32 s29, s18  }
0x107: {  	s20 =	sshrl.u32 s18, $0x3  }
0x108: {  	s21 =	sadd.s32 s7, s20  }
0x109: {  	[tilespmem:s17], [sflag:$0x2] =	stream.linear.gather [hbm4b:s21+s17], $0x50, $0x38;
	[tilespmem:$0x16260] =	vst v63  }
0x10a: {  	_ =	swait.ge [sflag:s31], $0x50  }
0x10b: {  	[sflag:s31] =	ssyncset.done $0x0  }
0x10c: {  	s20 =	sadd.s32 s8, s20;
	[sflag:s31] =	ssyncadd.s32 $0xFFFFFFB0  }
0x10d: {  	[tilespmem:s0], [sflag:$0x2] =	stream.linear.gather [hbm4b:s20+s17], $0x50, $0x38;
	[tilespmem:$0x16260] =	vst v63  }
0x10e: {  	_ =	swait.ge [sflag:s31], $0x50  }
0x10f: {  	[sflag:s31] =	ssyncset.done $0x0  }
0x110: {  	s18 =	sshrl.u32 s18, $0x1;
	[sflag:s31] =	ssyncadd.s32 $0xFFFFFFB0  }
0x111: {  	[tilespmem:s30], [sflag:$0x1] =	stream.indirect.gather [hbm4b:s1+s0], $0x80, s0, s0, $0xb8;
	[tilespmem:$0x16260] =	vst v63  }
0x112: {  	s18 =	sadd.s32 s6, s18  }
0x113: {  	[tilespmem:s5], [sflag:$0x2] =	stream.linear.gather [hbm4b:s18+s17], $0x140, $0x38;
	[tilespmem:$0x16260] =	vst v63  }
0x114: {  	_ =	swait.ge [sflag:s31], $0x140  }
0x115: {  	[sflag:s31] =	ssyncset.done $0x0  }
0x116: {  	[sflag:s31] =	ssyncadd.s32 $0xFFFFFEC0  }
0x117: {  	_ =	swait.ge [sflag:s9], $0x2800  }
0x118: {  	[sflag:s9] =	ssyncset.done $0x0  }
0x119: {  	s18 =	simm.s32 $0x2E0;
	[sflag:s9] =	ssyncadd.s32 $0xFFFFD800  }
0x11a: {  	v6 =	vld [tilespmem:s18+$0xFFFFFFA0]  }
0x11b: {  	v4 =	vld [tilespmem:s18+$0xFFFFFFF0]  }
0x11c: {  	v1 =	vld [tilespmem:s18+$0xFFFFFF60]  }
0x11d: {  	v7 =	vld [tilespmem:s18+$0xFFFFFFD0]  }
0x11e: {  	v8 =	vld [tilespmem:s18+$0x80]  }
0x11f: {  	v11 =	vld [tilespmem:s18+$0xFFFFFF10]  }
0x120: {  	v15 =	vld [tilespmem:s18+$0xE0]  }
0x121: {  	v10 =	vld [tilespmem:s18+$0xFFFFFF40]  }
0x122: {  	s22 =	simm.s32 $0x0;
	v2 =	vld [tilespmem:s18+$0xFFFFFF90]  }
0x123: {  	v3 =	vld [tilespmem:s22+$0xA0]  }
0x124: {  	v9 =	vld [tilespmem:s18+$0xFFFFFFC0]  }
0x125: {  	v12 =	vld [tilespmem:s18+$0xFFFFFF00]  }
0x126: {  	v13 =	vld [tilespmem:s18+$0xD0]  }
0x127: {  	v22 =	vld [tilespmem:s18+$0xC0]  }
0x128: {  	v20 =	vld [tilespmem:s18+$0x90];
	v18 =	vbroadcast v3, $0x0;
	v5 =	vbroadcast v3, $0xF  }
0x129: {  	v21 =	vld [tilespmem:s18+$0xFFFFFF50];
	v19 =	vbroadcast v3, $0x2;
	v17 =	vbroadcast v3, $0xE  }
0x12a: {  	v16 =	vld [tilespmem:s18+$0xB0];
	v14 =	vbroadcast v3, $0xC;
	v24 =	vmul.f32 v18, v12  }
0x12b: {  	s21 =	simm.s32 $0x2E0;
	s20 =	simm.s32 $0x40;
	v12 =	vbroadcast v3, $0xD;
	v23 =	vmul.f32 v10, v19;
	v10 =	vld [tilespmem:s18+$0x60]  }
.LBB2_5:
0x12c: {  	p1 =	sne.s32 s20, $0x4C0  }
0x12d: {  	[tilespmem:s18+$0xFFFFFF00] =	vst v24;
	v24 =	vld [tilespmem:s18+$0xFFFFFFB0];
	v22 =	vmul.f32 v22, v17;
	v15 =	vmul.f32 v15, v5;
	s21 =	sadd.s32 $0x200, s21;
	s22 =	smov.u32 s20;
	s20 =	sadd.s32 $0x40, s20  }
0x12e: {  	[tilespmem:s18+$0xFFFFFF40] =	vst v23;
	v23 =	vbroadcast v3, $0xA;
	v20 =	vmul.f32 v20, v14;
	v25 =	vld [tilespmem:s18+$0xA0]  }
0x12f: {  	v11 =	vmul.f32 v11, v18;
	v18 =	vmul.f32 v21, v19;
	v19 =	vld [tilespmem:s18+$0x70];
	[tilespmem:s18+$0xE0] =	vst v15  }
0x130: {  	v15 =	vbroadcast v3, $0x5;
	v21 =	vld [tilespmem:s18+$0xFFFFFFE0];
	v16 =	vmul.f32 v16, v12;
	[tilespmem:s18+$0xC0] =	vst v22  }
0x131: {  	v13 =	vmul.f32 v13, v17;
	[tilespmem:s18+$0xFFFFFF10] =	vst v11;
	v11 =	vbroadcast v3, $0x6;
	v22 =	vld [tilespmem:s18+$0x40]  }
0x132: {  	v26 =	vbroadcast v3, $0xB;
	v6 =	vmul.f32 v6, v15;
	v17 =	vld [tilespmem:s18+$0xFFFFFF20];
	[tilespmem:s18+$0x90] =	vst v20  }
0x133: {  	v20 =	vbroadcast v3, $0x9;
	[tilespmem:s18+$0xFFFFFF50] =	vst v18;
	v18 =	vld [tilespmem:s18+$0x20];
	v12 =	vmul.f32 v25, v12  }
0x134: {  	v15 =	vmul.f32 v24, v15;
	v24 =	vld [tilespmem:s18+$0x50];
	v19 =	vmul.f32 v19, v26;
	[tilespmem:s18+$0xD0] =	vst v13  }
0x135: {  	v8 =	vmul.f32 v8, v14;
	v13 =	vbroadcast v3, $0x7;
	v25 =	vld [tilespmem:s18+$0x30];
	[tilespmem:s18+$0xA0] =	vst v12  }
0x136: {  	v9 =	vmul.f32 v9, v11;
	v12 =	vbroadcast v3, $0x3;
	v14 =	vld [tilespmem:s18+$0x0];
	[tilespmem:s18+$0x70] =	vst v19  }
0x137: {  	v10 =	vmul.f32 v10, v26;
	v7 =	vmul.f32 v7, v11;
	v11 =	vld [tilespmem:s18+$0x10];
	[tilespmem:s18+$0x80] =	vst v8  }
0x138: {  	v19 =	vbroadcast v3, $0x8;
	v22 =	vmul.f32 v22, v23;
	v8 =	vld [tilespmem:s18+$0xFFFFFF30];
	[tilespmem:s18+$0xB0] =	vst v16  }
0x139: {  	v16 =	vbroadcast v3, $0x1;
	v26 =	vld [tilespmem:s18+$0xFFFFFF70];
	[tilespmem:s18+$0xFFFFFFD0] =	vst v7;
	v23 =	vmul.f32 v24, v23  }
0x13a: {  	v4 =	vmul.f32 v4, v13;
	v7 =	vmul.f32 v21, v13;
	[tilespmem:s18+$0xFFFFFFC0] =	vst v9;
	v9 =	vld [tilespmem:s18+$0xF0]  }
0x13b: {  	v21 =	vmul.f32 v25, v20;
	v13 =	vld [tilespmem:s18+$0xFFFFFF80];
	[tilespmem:s18+$0xFFFFFFA0] =	vst v6;
	v14 =	vmul.f32 v14, v19  }
0x13c: {  	v6 =	vld [tilespmem:s21+$0xFFFFFFA0];
	[tilespmem:s18+$0xFFFFFFF0] =	vst v4;
	v19 =	vmul.f32 v11, v19;
	v11 =	vmul.f32 v18, v20  }
0x13d: {  	v4 =	vmul.f32 v17, v16;
	v16 =	vmul.f32 v8, v16;
	[tilespmem:s18+$0x60] =	vst v10  }
0x13e: {  	v1 =	vmul.f32 v1, v12;
	v8 =	vmul.f32 v26, v12;
	[tilespmem:s18+$0xFFFFFFB0] =	vst v15  }
0x13f: {  	v3 =	vbroadcast v3, $0x4;
	[tilespmem:s18+$0xFFFFFF20] =	vst v4;
	v4 =	vmul.f32 v9, v5  }
0x140: {  	[tilespmem:s18+$0xFFFFFF60] =	vst v1  }
0x141: {  	v5 =	vmul.f32 v13, v3;
	v1 =	vmul.f32 v2, v3;
	[tilespmem:s18+$0x40] =	vst v22  }
0x142: {  	[tilespmem:s18+$0xFFFFFFE0] =	vst v7  }
0x143: {  	[tilespmem:s18+$0xF0] =	vst v4  }
0x144: {  	[tilespmem:s18+$0xFFFFFF90] =	vst v1  }
0x145: {  	v4 =	vld [tilespmem:s21+$0xFFFFFFF0];
	[tilespmem:s18+$0xFFFFFF70] =	vst v8  }
0x146: {  	v1 =	vld [tilespmem:s21+$0xFFFFFF60];
	[tilespmem:s18+$0x20] =	vst v11  }
0x147: {  	v7 =	vld [tilespmem:s21+$0xFFFFFFD0];
	[tilespmem:s18+$0x30] =	vst v21  }
0x148: {  	v8 =	vld [tilespmem:s21+$0x80];
	[tilespmem:s18+$0xFFFFFF80] =	vst v5  }
0x149: {  	v11 =	vld [tilespmem:s21+$0xFFFFFF10];
	[tilespmem:s18+$0x50] =	vst v23  }
0x14a: {  	v15 =	vld [tilespmem:s21+$0xE0];
	[tilespmem:s18+$0x0] =	vst v14  }
0x14b: {  	v10 =	vld [tilespmem:s21+$0xFFFFFF40];
	[tilespmem:s18+$0xFFFFFF30] =	vst v16  }
0x14c: {  	s22 =	sshra.s32 s22, $0x2;
	v2 =	vld [tilespmem:s21+$0xFFFFFF90];
	[tilespmem:s18+$0x10] =	vst v19;
	s18 =	smov.u32 s21  }
0x14d: {  	v3 =	vld [tilespmem:s22+$0xA0]  }
0x14e: {  	v9 =	vld [tilespmem:s21+$0xFFFFFFC0]  }
0x14f: {  	v12 =	vld [tilespmem:s21+$0xFFFFFF00]  }
0x150: {  	v13 =	vld [tilespmem:s21+$0xD0]  }
.Ltmp7:
0x151: {  	v22 =	vld [tilespmem:s21+$0xC0];
	(pc) =	sbr.rel @p1 .LBB2_5-.Ltmp7, $4  }
0x152: {  	v18 =	vbroadcast v3, $0x0;
	v20 =	vld [tilespmem:s21+$0x90];
	v5 =	vbroadcast v3, $0xF  }
0x153: {  	v19 =	vbroadcast v3, $0x2;
	v17 =	vbroadcast v3, $0xE;
	v21 =	vld [tilespmem:s21+$0xFFFFFF50]  }
0x154: {  	v24 =	vmul.f32 v18, v12;
	v12 =	vbroadcast v3, $0xD;
	v16 =	vld [tilespmem:s21+$0xB0]  }
0x155: {  	v14 =	vbroadcast v3, $0xC;
	v23 =	vmul.f32 v10, v19;
	v10 =	vld [tilespmem:s21+$0x60]  }
0x156: {  	[tilespmem:s18+$0xFFFFFF00] =	vst v24;
	v15 =	vmul.f32 v15, v5  }
0x157: {  	v22 =	vmul.f32 v22, v17;
	[tilespmem:s18+$0xFFFFFF40] =	vst v23  }
0x158: {  	v11 =	vmul.f32 v11, v18;
	[tilespmem:s18+$0xE0] =	vst v15  }
0x159: {  	v35 =	vmul.f32 v13, v17;
	[tilespmem:s18+$0xC0] =	vst v22  }
0x15a: {  	v33 =	vmul.f32 v20, v14;
	[tilespmem:s18+$0xFFFFFF10] =	vst v11  }
0x15b: {  	v41 =	vbroadcast v3, $0x6;
	v8 =	vmul.f32 v8, v14;
	[tilespmem:s18+$0xD0] =	vst v35  }
0x15c: {  	v19 =	vmul.f32 v21, v19;
	[tilespmem:s18+$0x90] =	vst v33  }
0x15d: {  	v45 =	vbroadcast v3, $0x5;
	v7 =	vmul.f32 v7, v41;
	[tilespmem:s18+$0x80] =	vst v8  }
0x15e: {  	v47 =	vbroadcast v3, $0x7;
	v9 =	vmul.f32 v9, v41;
	[tilespmem:s18+$0xFFFFFF50] =	vst v19  }
0x15f: {  	v54 =	vbroadcast v3, $0x3;
	v6 =	vmul.f32 v6, v45;
	[tilespmem:s18+$0xFFFFFFD0] =	vst v7  }
0x160: {  	v31 =	vld [tilespmem:s18+$0xA0];
	v59 =	vbroadcast v3, $0x4;
	v4 =	vmul.f32 v4, v47;
	[tilespmem:s18+$0xFFFFFFC0] =	vst v9  }
0x161: {  	v32 =	vld [tilespmem:s18+$0x70];
	v1 =	vmul.f32 v1, v54;
	[tilespmem:s18+$0xFFFFFFA0] =	vst v6  }
0x162: {  	v34 =	vld [tilespmem:s18+$0xFFFFFFB0];
	v37 =	vbroadcast v3, $0xB;
	v2 =	vmul.f32 v2, v59;
	[tilespmem:s18+$0xFFFFFFF0] =	vst v4  }
0x163: {  	v36 =	vld [tilespmem:s18+$0xFFFFFF20];
	v43 =	vmul.f32 v16, v12;
	[tilespmem:s18+$0xFFFFFF60] =	vst v1  }
0x164: {  	v40 =	vld [tilespmem:s18+$0x40];
	v10 =	vmul.f32 v10, v37;
	[tilespmem:s18+$0xFFFFFF90] =	vst v2  }
0x165: {  	v38 =	vld [tilespmem:s18+$0xFFFFFFE0];
	v39 =	vmul.f32 v31, v12;
	[tilespmem:s18+$0xB0] =	vst v43  }
0x166: {  	v52 =	vbroadcast v3, $0x1;
	v55 =	vld [tilespmem:s18+$0xF0];
	v18 =	vmul.f32 v32, v37;
	[tilespmem:s18+$0x60] =	vst v10  }
0x167: {  	v49 =	vld [tilespmem:s18+$0xFFFFFF70];
	v56 =	vbroadcast v3, $0xA;
	v53 =	vmul.f32 v34, v45;
	[tilespmem:s18+$0xA0] =	vst v39  }
0x168: {  	v46 =	vld [tilespmem:s18+$0x30];
	v13 =	vmul.f32 v36, v52;
	[tilespmem:s18+$0x70] =	vst v18  }
0x169: {  	v50 =	vld [tilespmem:s18+$0xFFFFFF80];
	v58 =	vmul.f32 v40, v56;
	[tilespmem:s18+$0xFFFFFFB0] =	vst v53  }
0x16a: {  	v44 =	vld [tilespmem:s18+$0x20];
	v8 =	vmul.f32 v38, v47;
	[tilespmem:s18+$0xFFFFFF20] =	vst v13  }
0x16b: {  	v57 =	vld [tilespmem:s18+$0xFFFFFF30];
	v60 =	vbroadcast v3, $0x9;
	v1 =	vmul.f32 v55, v5;
	[tilespmem:s18+$0x40] =	vst v58  }
0x16c: {  	v42 =	vld [tilespmem:s18+$0x50];
	v61 =	vmul.f32 v49, v54;
	[tilespmem:s18+$0xFFFFFFE0] =	vst v8  }
0x16d: {  	v48 =	vld [tilespmem:s18+$0x0];
	v2 =	vmul.f32 v46, v60;
	[tilespmem:s18+$0xF0] =	vst v1  }
0x16e: {  	v51 =	vld [tilespmem:s18+$0x10];
	v62 =	vmul.f32 v50, v59;
	[tilespmem:s18+$0xFFFFFF70] =	vst v61  }
0x16f: {  	v1 =	vmul.f32 v44, v60;
	[tilespmem:s18+$0x30] =	vst v2  }
0x170: {  	v3 =	vbroadcast v3, $0x8;
	v63 =	vmul.f32 v57, v52;
	[tilespmem:s18+$0xFFFFFF80] =	vst v62  }
0x171: {  	[tilespmem:s18+$0x20] =	vst v1;
	v1 =	vmul.f32 v42, v56  }
0x172: {  	v2 =	vmul.f32 v48, v3;
	[tilespmem:s18+$0xFFFFFF30] =	vst v63  }
0x173: {  	s19 =	sadd.s32 $0x1, s19;
	[tilespmem:s18+$0x50] =	vst v1;
	v1 =	vmul.f32 v51, v3  }
0x174: {  	p1 =	seq.s32 s19, $0xFA;
	[tilespmem:s18+$0x0] =	vst v2  }
.Ltmp8:
0x175: {  	[tilespmem:s18+$0x10] =	vst v1;
	(pc) =	sbr.rel @!p1 .LBB2_4-.Ltmp8, $4  }
0x176: {  	[spmem:s3] =	stream.indirect.scatter.add.f32 [tilespmem:s30], [sflag:$0x2], $0x80, s4, s0, $0xb8;
	[tilespmem:$0x16260] =	vst v63  }
0x177: {  	_ =	swait.ge [sflag:s31], $0x2800  }
0x178: {  	[sflag:s31] =	ssyncset.done $0x0  }
0x179: {  	[sflag:s31] =	ssyncadd.s32 $0xFFFFD800  }
.Ltmp9:
0x17a: {  	(pc) =	sbr.rel .LBB2_12-.Ltmp9, $2  }
0x17b: {  	_ =	sdelay $0x2  }
0x17c: {  	s17 =	rddreg [dreg:$0x5]  }
.LBB2_13:
0x17d: {  	_ =	sfence.sel $0x180000  }
0x17e: {  	[bflag:$0x0] =	sbarrier.arrive $0xFFFF  }
0x17f: {  	_ =	strace $0x9000004A  }
0x180: {  	s0 =	stileid.u32;
	[bflag:$0x2] =	sbarrier.arrive $0xFFFF  }
0x181: {  	p0 =	sne.s32 s0, $0x0;
	s0 =	rddreg [dreg:$0x4]  }
0x182: {  	s0 =	sadd.s32 @!p0 $0x100000, s0  }
0x183: {  	[sflag:s0] =	ssyncadd.tile.s32 @!p0 $0x1;
	_ =	shalt  }
.Lfunc_end2:
_tile_overlayer_lowered:
.L_overlay_start_2:
0x184: {  	(tag) =	ssettag $0x2  }
0x185: {  	s0 =	rddreg [dreg:$0x0];
	s2 =	stileid.u32  }
0x186: {  	s1 =	rddreg [dreg:$0x1];
	p0 =	sne.s32 s2, $0x0  }
0x187: {  	s3 =	rddreg [dreg:$0x2];
	[bflag:$0x3] =	sbarrier.arrive $0xFFFF;
	s2 =	simm.s32 @!p0 $0x1C02  }
0x188: {  	[timem:s3], [sflag:s2] =	dma.local @!p0 [hbm:s0], s1  }
0x189: {  	s0 =	simm.s32 @!p0 $0x2  }
0x18a: {  	_ =	swait.ge @!p0 [sflag:s0], s1  }
0x18b: {  	s1 =	ssub.s32 @!p0 $0x0, s1;
	[sflag:s0] =	ssyncset.done @!p0 $0x0  }
0x18c: {  	[sflag:s0] =	ssyncadd.s32 @!p0 s1  }
0x18d: {  	[bflag:$0x3] =	sbarrier.arrive $0xFFFF  }
0x18e: {  	_ =	shalt  }

// kernel: kernel.7.cloned.1.call-start
scs
__scs_entry_jumppad:
0x0: {  	(pc) =	sbr.rel $0x88, $3  }
0x1: {  	(tag) =	ssettag $0x0;
	lr =	simm.s32 $0x1  }
0x2: {  	[smem:$0x3F86] =	sst lr;
	_ =	strace $0xD0000000  }
0x3: {  	_ = 	snop  }
0x4: {  	_ = 	snop  }
0x5: {  	_ = 	snop  }
0x6: {  	_ = 	snop  }
0x7: {  	_ = 	snop  }
__scs_overlays_trampoline_lowered:
0x8: {  	[smem:$0x3F95] =	sst s0  }
0x9: {  	[smem:$0x3F96] =	sst s1  }
0xa: {  	[smem:$0x3F97] =	sst s2  }
0xb: {  	[smem:$0x3F98] =	sst s3  }
0xc: {  	[smem:$0x3F99] =	sst s4  }
0xd: {  	[smem:$0x3F9A] =	sst s5  }
0xe: {  	[smem:$0x3F9B] =	sst s6  }
0xf: {  	[smem:$0x3F9C] =	sst s7  }
0x10: {  	[smem:$0x3F9D] =	sst s8  }
0x11: {  	[smem:$0x3F9E] =	sst s9;
	s0 =	simm.s32 @!p0 $0x0  }
0x12: {  	s1 =	sld [smem:$0x3F84];
	s0 =	simm.s32 @p0 $0x1  }
0x13: {  	[smem:$0x3F9F] =	sst s0;
	s0 =	simm.s32 @!p1 $0x0  }
0x14: {  	s2 =	sld [smem:$0x3F83];
	s0 =	simm.s32 @p1 $0x1  }
0x15: {  	[smem:$0x3FA0] =	sst s0;
	s0 =	simm.s32 @!p2 $0x0  }
0x16: {  	s3 =	sld [smem:$0x3FDB];
	s0 =	simm.s32 @p2 $0x1  }
0x17: {  	s4 =	simm.s32 $0x1BF5;
	[smem:$0x3FA2] =	sst s0  }
0x18: {  	s0 =	sld [smem:$0x3F85];
	_ =	swait.ge [sflag:s4], $0x0  }
0x19: {  	s7 =	sld [smem:$0x3F86]  }
0x1a: {  	s8 =	sadd.s32 $0xFFFFE003, lr  }
0x1b: {  	s9 =	sadd.s32 $0xFFFFFEF7, lr;
	s5 =	simm.s32 $0xFFFFFFFF;
	p2 =	slt.u32 s8, $0xFFFFF086  }
0x1c: {  	p1 =	slt.u32 s9, $0xF7A;
	s5 =	simm.s32 @!p2 $0x0  }
0x1d: {  	s5 =	simm.s32 @p1 $0x1;
	p0 =	seq.s32 s7, s2  }
0x1e: {  	s7 =	smul.u32 @!p0 $0xF7A, s2;
	p2 =	seq.s32 @!p0 s5, $0x0  }
0x1f: {  	s9 =	smul.u32 $0xF7A, s1;
	s8 =	simm.s32 @!p0 $0x1BF5;
	p2 =	por !p2, p0  }
0x20: {  	[sflag:s8] =	ssyncset.s32 @!p0 $0xFFFFF086;
	s6 =	sadd.s32 @!p0 s3, s7;
	s7 =	simm.s32 @!p0 $0x108  }
0x21: {  	s3 =	sadd.s32 s3, s9;
	s6 =	sadd.s32 @!p0 $0x88, s6;
	s7 =	simm.s32 @p2 $0x1082  }
0x22: {  	[simem:s7], [sflag:s8] =	dma.local @!p0 [hbm:s6], $0xF7A  }
0x23: {  	s9 =	sor.u32 $0xD0000000, s2;
	s6 =	simm.s32 $0x108;
	_ =	swait.ge @!p0 [sflag:s8], $0x0  }
0x24: {  	s3 =	sadd.s32 $0x88, s3;
	s6 =	simm.s32 @!p1 $0x1082;
	[sflag:s4] =	ssyncset.s32 $0xFFFFF086  }
0x25: {  	[simem:s6], [sflag:s4] =	dma.local [hbm:s3], $0xF7A  }
0x26: {  	[smem:$0x3F86] =	sst s1;
	(tag) =	ssettag s2;
	_ =	strace s9  }
0x27: {  	s1 =	sld [smem:$0x3F96]  }
0x28: {  	s2 =	sld [smem:$0x3F97]  }
0x29: {  	s4 =	sld [smem:$0x3F99]  }
0x2a: {  	p0 =	seq.s32 s5, $0x0;
	s5 =	sld [smem:$0x3F9A]  }
0x2b: {  	s6 =	sld [smem:$0x3F9B]  }
0x2c: {  	s7 =	sld [smem:$0x3F9C]  }
0x2d: {  	s3 =	simm.s32 $0x108;
	s8 =	sld [smem:$0x3F9D]  }
0x2e: {  	s3 =	simm.s32 @!p0 $0x1082;
	s9 =	sld [smem:$0x3F9E]  }
0x2f: {  	lr =	sadd.s32 s0, s3;
	s0 =	sld [smem:$0x3F95]  }
0x30: {  	s3 =	sld [smem:$0x3F98]  }
0x31: {  	[smem:$0x3FA1] =	sst s10  }
0x32: {  	s10 =	sld [smem:$0x3F9F];
	_ =	sdelay $0x3  }
0x33: {  	p0 =	seq.s32 s10, $0x1;
	s10 =	sld [smem:$0x3FA1];
	_ =	sdelay $0x3  }
0x34: {  	[smem:$0x3FA1] =	sst s10  }
0x35: {  	s10 =	sld [smem:$0x3FA0];
	_ =	sdelay $0x3  }
0x36: {  	p1 =	seq.s32 s10, $0x1;
	s10 =	sld [smem:$0x3FA1];
	_ =	sdelay $0x3  }
0x37: {  	[smem:$0x3FA1] =	sst s10  }
0x38: {  	s10 =	sld [smem:$0x3FA2]  }
0x39: {  	_ = 	snop;
	(pc) =	sbr.ind lr, $3  }
0x3a: {  	_ = 	snop  }
0x3b: {  	_ = 	snop  }
0x3c: {  	p2 =	seq.s32 s10, $0x1;
	s10 =	sld [smem:$0x3FA1]  }
0x3d: {  	_ =	shalt  }
0x3e: {  	_ =	shalt  }
0x3f: {  	_ =	shalt  }
0x40: {  	_ =	shalt  }
0x41: {  	_ =	shalt  }
0x42: {  	_ =	shalt  }
0x43: {  	_ =	shalt  }
0x44: {  	_ =	shalt  }
0x45: {  	_ =	shalt  }
0x46: {  	_ =	shalt  }
0x47: {  	_ =	shalt  }
0x48: {  	_ =	shalt  }
0x49: {  	_ =	shalt  }
0x4a: {  	_ =	shalt  }
0x4b: {  	_ =	shalt  }
0x4c: {  	_ =	shalt  }
0x4d: {  	_ =	shalt  }
0x4e: {  	_ =	shalt  }
0x4f: {  	_ =	shalt  }
0x50: {  	_ =	shalt  }
0x51: {  	_ =	shalt  }
0x52: {  	_ =	shalt  }
0x53: {  	_ =	shalt  }
0x54: {  	_ =	shalt  }
0x55: {  	_ =	shalt  }
0x56: {  	_ =	shalt  }
0x57: {  	_ =	shalt  }
0x58: {  	_ =	shalt  }
0x59: {  	_ =	shalt  }
0x5a: {  	_ =	shalt  }
0x5b: {  	_ =	shalt  }
0x5c: {  	_ =	shalt  }
0x5d: {  	_ =	shalt  }
0x5e: {  	_ =	shalt  }
0x5f: {  	_ =	shalt  }
0x60: {  	_ =	shalt  }
0x61: {  	_ =	shalt  }
0x62: {  	_ =	shalt  }
0x63: {  	_ =	shalt  }
0x64: {  	_ =	shalt  }
0x65: {  	_ =	shalt  }
0x66: {  	_ =	shalt  }
0x67: {  	_ =	shalt  }
0x68: {  	_ =	shalt  }
0x69: {  	_ =	shalt  }
0x6a: {  	_ =	shalt  }
0x6b: {  	_ =	shalt  }
0x6c: {  	_ =	shalt  }
0x6d: {  	_ =	shalt  }
0x6e: {  	_ =	shalt  }
0x6f: {  	_ =	shalt  }
0x70: {  	_ =	shalt  }
0x71: {  	_ =	shalt  }
0x72: {  	_ =	shalt  }
0x73: {  	_ =	shalt  }
0x74: {  	_ =	shalt  }
0x75: {  	_ =	shalt  }
0x76: {  	_ =	shalt  }
0x77: {  	_ =	shalt  }
0x78: {  	_ =	shalt  }
0x79: {  	_ =	shalt  }
0x7a: {  	_ =	shalt  }
0x7b: {  	_ =	shalt  }
0x7c: {  	_ =	shalt  }
0x7d: {  	_ =	shalt  }
0x7e: {  	_ =	shalt  }
0x7f: {  	_ =	shalt  }
0x80: {  	_ =	shalt  }
0x81: {  	_ =	shalt  }
0x82: {  	_ =	shalt  }
0x83: {  	_ =	shalt  }
0x84: {  	_ =	shalt  }
0x85: {  	_ =	shalt  }
0x86: {  	_ =	shalt  }
0x87: {  	_ =	shalt  }
.Lfunc_end0:
.L_simem_size_0:
called_computation_lowered:
.L_overlay_start_0:
0x88: {  	s2 =	sld [smem:$0x3FD9]  }
0x89: {  	s3 =	sld [smem:$0x3FFE];
	_ =	sdelay $0x1  }
0x8a: {  	s1 =	srdreg.scid  }
0x8b: {  	s0 =	sand.u32 $0x1, s1  }
0x8c: {  	s16 =	sshll.u32 s0, $0xA;
	s2 =	sadd.s32 s3, s2  }
0x8d: {  	s2 =	sadd.s32 s2, s16  }
0x8e: {  	[smem:$0x3FAD] =	sst s2  }
0x8f: {  	_ = 	snop  }
0x90: {  	(tm) =	ssettm $0x1  }
0x91: {  	s17 =	sld [smem:$0x3FFB];
	_ =	sdelay $0x3  }
0x92: {  	_ =	strace s17  }
0x93: {  	s2 =	sld [smem:$0x3FFC];
	_ =	sdelay $0x3  }
0x94: {  	_ =	strace s2  }
0x95: {  	s2 =	sld [smem:$0x3FFD];
	_ =	sdelay $0x3  }
0x96: {  	_ =	strace s2  }
0x97: {  	_ =	strace $0x8FFFFFFF  }
0x98: {  	s18 =	sld [smem:$0x3FDB];
	_ =	sdelay $0x1  }
0x99: {  	s19 =	simm.s32 $_scs_section_size  }
0x9a: {  	s4 =	simm.s32 $_size__tile_overlayer_lowered;
	s5 =	simm.s32 $_tile_overlayer_lowered  }
0x9b: {  	s22 =	simm.s32 $0x1BFF;
	s21 =	sshll.u32 s5, $0x1;
	s2 =	sadd.s32 s19, s18  }
0x9c: {  	s6 =	simm.s32 $0x0;
	s20 =	sshll.u32 s4, $0x1;
	s4 =	sadd.s32 s21, s2  }
0x9d: {  	[timem:s6], [sflag:s22] =	dma.local [hbm:s4], s20  }
0x9e: {  	_ =	swait.ge [sflag:s22], s20  }
0x9f: {  	s3 =	ssub.s32 $0x0, s20;
	[sflag:s22] =	ssyncset.done $0x0  }
0xa0: {  	[sflag:s22] =	ssyncadd.s32 s3;
	_ =	sdelay $0x1  }
0xa1: {  	s23 =	simm.s32 $0x1B8B  }
0xa2: {  	_ =	swait.ge [sflag:s23], $0x1  }
0xa3: {  	[sflag:s23] =	ssyncset.done $0x0  }
0xa4: {  	s25 =	simm.s32 $0x1B8E;
	s24 =	sld [smem:$0x3FFE];
	[sflag:s23] =	ssyncadd.s32 $0xFFFFFFFF  }
0xa5: {  	s26 =	simm.s32 $execute0_lowered;
	[smem:$0x3FD2] =	sst s25  }
0xa6: {  	s4 =	sshll.u32 s26, $0x1;
	_ =	strace $0x80000046;
	[dreg:$0x1] =	wrdreg $0xFFFFFFFF  }
0xa7: {  	s28 =	simm.s32 $_size_execute0_lowered;
	s2 =	sadd.s32 s2, s4;
	[dreg:$0x0] =	wrdreg $0x0  }
0xa8: {  	s4 =	sshll.u32 s28, $0x1;
	[dreg:$0x2] =	wrdreg s2  }
0xa9: {  	[dreg:$0x3] =	wrdreg s4  }
0xaa: {  	[dreg:$0x4] =	wrdreg $0xC0  }
0xab: {  	_ =	task [dreg:s6], $0x5FFFF  }
0xac: {  	[dreg:$0x1] =	wrdreg $0xFFFFFFFF  }
0xad: {  	[dreg:$0x0] =	wrdreg $0x60  }
0xae: {  	[dreg:$0x2] =	wrdreg s24  }
0xaf: {  	[dreg:$0x3] =	wrdreg $0x9  }
0xb0: {  	_ =	task.clear_ibuf [dreg:s6], $0x4FFFF;
	_ =	strace $0x90000046  }
0xb1: {  	s29 =	simm.s32 $0x9;
	_ =	strace $0x80000048  }
0xb2: {  	_ =	swait.ge [sflag:s29], $0x1  }
0xb3: {  	[sflag:s29] =	ssyncadd.s32 $0xFFFFFFFF  }
0xb4: {  	_ =	strace $0x90000048  }
0xb5: {  	_ =	sfence  }
0xb6: {  	s30 =	sld [smem:$0x0];
	_ =	sdelay $0x2  }
0xb7: {  	s31 =	sshll.u32 s1, $0xD;
	s1 =	sshrl.u32 s1, $0x2  }
0xb8: {  	s3 =	sand.u32 $0x4000, s31;
	s1 =	sadd.s32 s1, s30  }
0xb9: {  	s0 =	sor.u32 s3, s0;
	s1 =	sshll.u32 s1, $0x11  }
0xba: {  	s0 =	sor.u32 s1, s0  }
0xbb: {  	s0 =	sadd.s32 $0x8F2B, s0  }
0xbc: {  	[sflag:s0] =	ssyncadd.remote.s32 $0x1  }
0xbd: {  	_ =	sfence.sel $0xFFFF  }
0xbe: {  	[dreg:$0x0] =	wrdreg $0xFFFFFFFF;
	(pc) =	sbr.abs _section_cstart, $3  }
0xbf: {  	[dreg:$0x1] =	wrdreg $0xFFFFFFFF  }
0xc0: {  	_ =	task.clear_ibuf [dreg:s6], $0x2FFFF;
	_ =	strace $0x9FFFFFFF  }
0xc1: {  	(tm) =	ssettm $0x7FFFFFFF  }
tec
execute0_lowered:
.L_overlay_start_1:
0x0: {  	(tag) =	ssettag $0x1  }
0x1: {  	s7 =	rddreg [dreg:$0x0];
	vm0 =	vcmask $0x1310;
	vm1 =	vcmask $0x300  }
0x2: {  	s0 =	rddreg [dreg:$0x1];
	s1 =	simm.s32 $0x0;
	vm2 =	vcmask $0x318;
	s5 =	srdreg.scid;
	vm3 =	vcmask $0x170C;
	vm4 =	vcmask $0x71C  }
0x3: {  	v0 =	vlaneseq.u32;
	s3 =	stileid.u32;
	vm5 =	vcmask $0x1B10;
	vm6 =	vcmask $0xB20;
	s12 =	simm.s32 $0xA0;
	s13 =	simm.s32 $0x55A0  }
0x4: {  	s14 =	simm.s32 $0x1;
	s15 =	simm.s32 $0xABE0;
	s16 =	simm.s32 $0xAAA0;
	vm0 =	vmor vm1, vm0;
	vm1 =	vcmask $0x1308;
	v0 =	vmul.u32 $0x11, v0  }
0x5: {  	s17 =	simm.s32 $0x0;
	[smem:$0x7FF] =	sst s1;
	s2 =	sadd.s32 $0x5200, s7;
	vm1 =	vmor vm2, vm1;
	vm2 =	vmor vm4, vm3;
	vm3 =	vmor vm6, vm5  }
0x6: {  	s4 =	sadd.s32 $0xEFA00, s7;
	s8 =	sand.u32 $0x1, s5;
	s5 =	sadd.s32 $0x62200, s7;
	v1 =	vadd.s32 $0x1, v0;
	v2 =	vadd.s32 $0x2, v0;
	v3 =	vadd.s32 $0x3, v0  }
0x7: {  	s10 =	sshll.u32 s3, $0x1;
	s6 =	sadd.s32 $0x58400, s7;
	s9 =	ssub.s32 $0x2, s8;
	v4 =	vadd.s32 $0x4, v0;
	v5 =	vadd.s32 $0x5, v0;
	v6 =	vadd.s32 $0x6, v0  }
0x8: {  	s7 =	sadd.s32 $0x6C000, s7;
	_ =	strace $0x80000047;
	s11 =	sshrl.u32 s9, $0x1;
	v7 =	vadd.s32 $0x7, v0;
	v8 =	vadd.s32 $0x8, v0;
	v9 =	vadd.s32 $0x9, v0  }
0x9: {  	s8 =	sor.u32 s8, s10;
	s10 =	simm.s32 $0x2;
	v10 =	vadd.s32 $0xA, v0;
	v11 =	vadd.s32 $0xB, v0;
	v12 =	vadd.s32 $0xC, v0;
	s9 =	ssub.s32 s9, s11  }
0xa: {  	s8 =	smul.u32 $0x2710, s8;
	v13 =	vadd.s32 $0xD, v0;
	v14 =	vadd.s32 $0xE, v0;
	v15 =	vadd.s32 $0xF, v0;
	s11 =	simm.s32 $0x50;
	s9 =	smax.u32 s9, $0x1  }
.LBB2_1:
0xb: {  	s18 =	simm.s32 $0x0  }
.LBB2_2:
0xc: {  	s19 =	smul.u32 $0x50, s18;
	_ =	sdelay $0x1  }
0xd: {  	s19 =	sadd.s32 s8, s19  }
0xe: {  	s20 =	sshrl.u32 s19, $0x3  }
0xf: {  	s21 =	sadd.s32 s5, s20  }
0x10: {  	[tilespmem:s1], [sflag:$0x2] =	stream.linear.gather [hbm4b:s21+s1], $0x50, $0x38;
	[tilespmem:$0xACF0] =	vst v63  }
0x11: {  	_ =	swait.ge [sflag:s10], $0x50  }
0x12: {  	[sflag:s10] =	ssyncset.done $0x0  }
0x13: {  	s20 =	sadd.s32 s6, s20;
	[sflag:s10] =	ssyncadd.s32 $0xFFFFFFB0  }
0x14: {  	[tilespmem:s11], [sflag:$0x2] =	stream.linear.gather [hbm4b:s20+s1], $0x50, $0x38;
	[tilespmem:$0xACF0] =	vst v63  }
0x15: {  	_ =	swait.ge [sflag:s10], $0x50  }
0x16: {  	[sflag:s10] =	ssyncset.done $0x0  }
0x17: {  	[sflag:s10] =	ssyncadd.s32 $0xFFFFFFB0  }
0x18: {  	[tilespmem:s12], [sflag:$0x1] =	stream.indirect.gather [hbm4b:s2+s11], $0x110, s1, s11, $0xb8;
	[tilespmem:$0xACF0] =	vst v63  }
0x19: {  	_ = 	snop  }
0x1a: {  	[tilespmem:s13], [sflag:$0x1] =	stream.indirect.gather [hbm4b:s4+s11], $0x110, s11, s11, $0xb8;
	[tilespmem:$0xACF0] =	vst v63  }
0x1b: {  	_ =	swait.ge [sflag:s14], $0x5500  }
0x1c: {  	[sflag:s14] =	ssyncset.done $0x0  }
0x1d: {  	[sflag:s14] =	ssyncadd.s32 $0xFFFFAB00  }
0x1e: {  	_ =	swait.ge [sflag:s14], $0x5500  }
0x1f: {  	[sflag:s14] =	ssyncset.done $0x0  }
0x20: {  	s21 =	simm.s32 $0xAAA0;
	s20 =	simm.s32 $0x10C0;
	[sflag:s14] =	ssyncadd.s32 $0xFFFFAB00  }
.LBB2_3:
0x21: {  	s22 =	sshra.s32 s20, $0x2  }
0x22: {  	v16 =	vld [tilespmem:s22+$0xFFFFFD70]  }
0x23: {  	v17 =	vld [tilespmem:s22+$0xFFFFFC70]  }
0x24: {  	v18 =	vld [tilespmem:s22+$0x5170]  }
0x25: {  	v19 =	vld [tilespmem:s22+$0xFFFFFC80]  }
0x26: {  	v20 =	vld [tilespmem:s22+$0x5180]  }
0x27: {  	v21 =	vld [tilespmem:s22+$0xFFFFFCF0]  }
0x28: {  	v22 =	vld [tilespmem:s22+$0x51F0]  }
0x29: {  	v23 =	vld [tilespmem:s22+$0xFFFFFD00]  }
0x2a: {  	v24 =	vld [tilespmem:s22+$0x5200]  }
0x2b: {  	v37 =	vld [tilespmem:s22+$0x5270];
	v17 =	vmul.f32 v18, v17;
	v19 =	vmul.f32 v20, v19;
	_ =	sdelay $0x1  }
0x2c: {  	v38 =	vmul.f32 v22, v21;
	v17 =	vadd.f32 v19, v17;
	_ =	sdelay $0x1  }
0x2d: {  	v39 =	vmul.f32 v24, v23;
	v17 =	vadd.f32 v38, v17  }
0x2e: {  	v16 =	vmul.f32 v37, v16  }
0x2f: {  	v17 =	vadd.f32 v39, v17  }
0x30: {  	v18 =	vnsel vm0, $0x0, v16  }
0x31: {  	v17 =	vadd.f32 v17, v18;
	_ =	sdelay $0x1  }
0x32: {  	[tilespmem:$0xABE0] =	vst v17  }
0x33: {  	v17 =	vld [tilespmem:s22+$0xFFFFFC90]  }
0x34: {  	v40 =	vld [tilespmem:s22+$0x5190]  }
0x35: {  	v41 =	vld [tilespmem:s22+$0xFFFFFCA0]  }
0x36: {  	v42 =	vld [tilespmem:s22+$0x51A0]  }
0x37: {  	v43 =	vld [tilespmem:s22+$0xFFFFFD10]  }
0x38: {  	v44 =	vld [tilespmem:s22+$0x5210]  }
0x39: {  	v45 =	vld [tilespmem:s22+$0xFFFFFD20]  }
0x3a: {  	v46 =	vld [tilespmem:s22+$0x5220]  }
0x3b: {  	v17 =	vmul.f32 v40, v17;
	v47 =	vmul.f32 v42, v41;
	_ =	sdelay $0x1  }
0x3c: {  	v48 =	vmul.f32 v44, v43;
	v17 =	vadd.f32 v47, v17;
	_ =	sdelay $0x1  }
0x3d: {  	v49 =	vmul.f32 v46, v45;
	v17 =	vadd.f32 v48, v17;
	_ =	sdelay $0x1  }
0x3e: {  	v17 =	vadd.f32 v49, v17  }
0x3f: {  	v50 =	vsel vm1, $0x0, v16  }
0x40: {  	v17 =	vadd.f32 v17, v50;
	_ =	sdelay $0x1  }
0x41: {  	[tilespmem:$0xABF1] =	vst v17  }
0x42: {  	v17 =	vld [tilespmem:s22+$0xFFFFFCB0]  }
0x43: {  	v51 =	vld [tilespmem:s22+$0x51B0]  }
0x44: {  	v52 =	vld [tilespmem:s22+$0xFFFFFCC0]  }
0x45: {  	v53 =	vld [tilespmem:s22+$0x51C0]  }
0x46: {  	v54 =	vld [tilespmem:s22+$0xFFFFFD30]  }
0x47: {  	v55 =	vld [tilespmem:s22+$0x5230]  }
0x48: {  	v56 =	vld [tilespmem:s22+$0xFFFFFD40]  }
0x49: {  	v57 =	vld [tilespmem:s22+$0x5240]  }
0x4a: {  	v17 =	vmul.f32 v51, v17;
	v58 =	vmul.f32 v53, v52;
	_ =	sdelay $0x1  }
0x4b: {  	v59 =	vmul.f32 v55, v54;
	v17 =	vadd.f32 v58, v17;
	_ =	sdelay $0x1  }
0x4c: {  	v60 =	vmul.f32 v57, v56;
	v17 =	vadd.f32 v59, v17;
	_ =	sdelay $0x1  }
0x4d: {  	v17 =	vadd.f32 v60, v17  }
0x4e: {  	v61 =	vsel vm2, $0x0, v16  }
0x4f: {  	v17 =	vadd.f32 v17, v61;
	_ =	sdelay $0x1  }
0x50: {  	[tilespmem:$0xAC02] =	vst v17  }
0x51: {  	v17 =	vld [tilespmem:s22+$0xFFFFFCD0]  }
0x52: {  	v62 =	vld [tilespmem:s22+$0x51D0]  }
0x53: {  	v63 =	vld [tilespmem:s22+$0xFFFFFCE0]  }
0x54: {  	v28 =	vld [tilespmem:s22+$0x51E0]  }
0x55: {  	v29 =	vld [tilespmem:s22+$0xFFFFFD50]  }
0x56: {  	v30 =	vld [tilespmem:s22+$0x5250]  }
0x57: {  	v31 =	vld [tilespmem:s22+$0xFFFFFD60]  }
0x58: {  	v32 =	vld [tilespmem:s22+$0x5260]  }
0x59: {  	v17 =	vmul.f32 v62, v17;
	v33 =	vmul.f32 v28, v63;
	_ =	sdelay $0x1  }
0x5a: {  	v34 =	vmul.f32 v30, v29;
	v17 =	vadd.f32 v33, v17;
	_ =	sdelay $0x1  }
0x5b: {  	v35 =	vmul.f32 v32, v31;
	v17 =	vadd.f32 v34, v17;
	_ =	sdelay $0x1  }
0x5c: {  	v17 =	vadd.f32 v35, v17  }
0x5d: {  	v16 =	vsel vm3, $0x0, v16  }
0x5e: {  	v16 =	vadd.f32 v17, v16;
	_ =	sdelay $0x1  }
0x5f: {  	[tilespmem:$0xAC13] =	vst v16  }
0x60: {  	v16 =	vld [tilespmem:s22+$0xFFFFFE80]  }
0x61: {  	v17 =	vld [tilespmem:s22+$0xFFFFFD80]  }
0x62: {  	v36 =	vld [tilespmem:s22+$0x5280]  }
0x63: {  	v37 =	vld [tilespmem:s22+$0xFFFFFD90]  }
0x64: {  	v38 =	vld [tilespmem:s22+$0x5290]  }
0x65: {  	v39 =	vld [tilespmem:s22+$0xFFFFFE00]  }
0x66: {  	v40 =	vld [tilespmem:s22+$0x5300]  }
0x67: {  	v41 =	vld [tilespmem:s22+$0xFFFFFE10]  }
0x68: {  	v42 =	vld [tilespmem:s22+$0x5310]  }
0x69: {  	v43 =	vld [tilespmem:s22+$0x5380];
	v17 =	vmul.f32 v36, v17;
	v19 =	vmul.f32 v38, v37;
	_ =	sdelay $0x1  }
0x6a: {  	v44 =	vmul.f32 v40, v39;
	v17 =	vadd.f32 v19, v17;
	_ =	sdelay $0x1  }
0x6b: {  	v45 =	vmul.f32 v42, v41;
	v17 =	vadd.f32 v44, v17  }
0x6c: {  	v16 =	vmul.f32 v43, v16  }
0x6d: {  	v17 =	vadd.f32 v45, v17  }
0x6e: {  	v18 =	vnsel vm0, $0x0, v16  }
0x6f: {  	v17 =	vadd.f32 v17, v18;
	_ =	sdelay $0x1  }
0x70: {  	[tilespmem:$0xAC24] =	vst v17  }
0x71: {  	v17 =	vld [tilespmem:s22+$0xFFFFFDA0]  }
0x72: {  	v46 =	vld [tilespmem:s22+$0x52A0]  }
0x73: {  	v47 =	vld [tilespmem:s22+$0xFFFFFDB0]  }
0x74: {  	v48 =	vld [tilespmem:s22+$0x52B0]  }
0x75: {  	v49 =	vld [tilespmem:s22+$0xFFFFFE20]  }
0x76: {  	v50 =	vld [tilespmem:s22+$0x5320]  }
0x77: {  	v51 =	vld [tilespmem:s22+$0xFFFFFE30]  }
0x78: {  	v52 =	vld [tilespmem:s22+$0x5330]  }
0x79: {  	v17 =	vmul.f32 v46, v17;
	v53 =	vmul.f32 v48, v47;
	_ =	sdelay $0x1  }
0x7a: {  	v54 =	vmul.f32 v50, v49;
	v17 =	vadd.f32 v53, v17;
	_ =	sdelay $0x1  }
0x7b: {  	v55 =	vmul.f32 v52, v51;
	v17 =	vadd.f32 v54, v17;
	_ =	sdelay $0x1  }
0x7c: {  	v17 =	vadd.f32 v55, v17  }
0x7d: {  	v56 =	vsel vm1, $0x0, v16  }
0x7e: {  	v17 =	vadd.f32 v17, v56;
	_ =	sdelay $0x1  }
0x7f: {  	[tilespmem:$0xAC35] =	vst v17  }
0x80: {  	v17 =	vld [tilespmem:s22+$0xFFFFFDC0]  }
0x81: {  	v57 =	vld [tilespmem:s22+$0x52C0]  }
0x82: {  	v58 =	vld [tilespmem:s22+$0xFFFFFDD0]  }
0x83: {  	v59 =	vld [tilespmem:s22+$0x52D0]  }
0x84: {  	v60 =	vld [tilespmem:s22+$0xFFFFFE40]  }
0x85: {  	v61 =	vld [tilespmem:s22+$0x5340]  }
0x86: {  	v62 =	vld [tilespmem:s22+$0xFFFFFE50]  }
0x87: {  	v63 =	vld [tilespmem:s22+$0x5350]  }
0x88: {  	v17 =	vmul.f32 v57, v17;
	v28 =	vmul.f32 v59, v58;
	_ =	sdelay $0x1  }
0x89: {  	v29 =	vmul.f32 v61, v60;
	v17 =	vadd.f32 v28, v17;
	_ =	sdelay $0x1  }
0x8a: {  	v30 =	vmul.f32 v63, v62;
	v17 =	vadd.f32 v29, v17;
	_ =	sdelay $0x1  }
0x8b: {  	v17 =	vadd.f32 v30, v17  }
0x8c: {  	v31 =	vsel vm2, $0x0, v16  }
0x8d: {  	v17 =	vadd.f32 v17, v31;
	_ =	sdelay $0x1  }
0x8e: {  	[tilespmem:$0xAC46] =	vst v17  }
0x8f: {  	v17 =	vld [tilespmem:s22+$0xFFFFFDE0]  }
0x90: {  	v32 =	vld [tilespmem:s22+$0x52E0]  }
0x91: {  	v33 =	vld [tilespmem:s22+$0xFFFFFDF0]  }
0x92: {  	v34 =	vld [tilespmem:s22+$0x52F0]  }
0x93: {  	v35 =	vld [tilespmem:s22+$0xFFFFFE60]  }
0x94: {  	v36 =	vld [tilespmem:s22+$0x5360]  }
0x95: {  	v37 =	vld [tilespmem:s22+$0xFFFFFE70]  }
0x96: {  	v38 =	vld [tilespmem:s22+$0x5370]  }
0x97: {  	v17 =	vmul.f32 v32, v17;
	v39 =	vmul.f32 v34, v33;
	_ =	sdelay $0x1  }
0x98: {  	v40 =	vmul.f32 v36, v35;
	v17 =	vadd.f32 v39, v17;
	_ =	sdelay $0x1  }
0x99: {  	v41 =	vmul.f32 v38, v37;
	v17 =	vadd.f32 v40, v17;
	_ =	sdelay $0x1  }
0x9a: {  	v17 =	vadd.f32 v41, v17  }
0x9b: {  	v16 =	vsel vm3, $0x0, v16  }
0x9c: {  	v16 =	vadd.f32 v17, v16;
	_ =	sdelay $0x1  }
0x9d: {  	[tilespmem:$0xAC57] =	vst v16  }
0x9e: {  	v16 =	vld [tilespmem:s22+$0xFFFFFF90]  }
0x9f: {  	v17 =	vld [tilespmem:s22+$0xFFFFFE90]  }
0xa0: {  	v42 =	vld [tilespmem:s22+$0x5390]  }
0xa1: {  	v43 =	vld [tilespmem:s22+$0xFFFFFEA0]  }
0xa2: {  	v44 =	vld [tilespmem:s22+$0x53A0]  }
0xa3: {  	v45 =	vld [tilespmem:s22+$0xFFFFFF10]  }
0xa4: {  	v46 =	vld [tilespmem:s22+$0x5410]  }
0xa5: {  	v47 =	vld [tilespmem:s22+$0xFFFFFF20]  }
0xa6: {  	v48 =	vld [tilespmem:s22+$0x5420]  }
0xa7: {  	v49 =	vld [tilespmem:s22+$0x5490];
	v17 =	vmul.f32 v42, v17;
	v19 =	vmul.f32 v44, v43;
	_ =	sdelay $0x1  }
0xa8: {  	v50 =	vmul.f32 v46, v45;
	v17 =	vadd.f32 v19, v17;
	_ =	sdelay $0x1  }
0xa9: {  	v51 =	vmul.f32 v48, v47;
	v17 =	vadd.f32 v50, v17  }
0xaa: {  	v16 =	vmul.f32 v49, v16  }
0xab: {  	v17 =	vadd.f32 v51, v17  }
0xac: {  	v18 =	vnsel vm0, $0x0, v16  }
0xad: {  	v17 =	vadd.f32 v17, v18;
	_ =	sdelay $0x1  }
0xae: {  	[tilespmem:$0xAC68] =	vst v17  }
0xaf: {  	v17 =	vld [tilespmem:s22+$0xFFFFFEB0]  }
0xb0: {  	v52 =	vld [tilespmem:s22+$0x53B0]  }
0xb1: {  	v53 =	vld [tilespmem:s22+$0xFFFFFEC0]  }
0xb2: {  	v54 =	vld [tilespmem:s22+$0x53C0]  }
0xb3: {  	v55 =	vld [tilespmem:s22+$0xFFFFFF30]  }
0xb4: {  	v56 =	vld [tilespmem:s22+$0x5430]  }
0xb5: {  	v57 =	vld [tilespmem:s22+$0xFFFFFF40]  }
0xb6: {  	v58 =	vld [tilespmem:s22+$0x5440]  }
0xb7: {  	v17 =	vmul.f32 v52, v17;
	v59 =	vmul.f32 v54, v53;
	_ =	sdelay $0x1  }
0xb8: {  	v60 =	vmul.f32 v56, v55;
	v17 =	vadd.f32 v59, v17;
	_ =	sdelay $0x1  }
0xb9: {  	v61 =	vmul.f32 v58, v57;
	v17 =	vadd.f32 v60, v17;
	_ =	sdelay $0x1  }
0xba: {  	v17 =	vadd.f32 v61, v17  }
0xbb: {  	v62 =	vsel vm1, $0x0, v16  }
0xbc: {  	v17 =	vadd.f32 v17, v62;
	_ =	sdelay $0x1  }
0xbd: {  	[tilespmem:$0xAC79] =	vst v17  }
0xbe: {  	v17 =	vld [tilespmem:s22+$0xFFFFFED0]  }
0xbf: {  	v63 =	vld [tilespmem:s22+$0x53D0]  }
0xc0: {  	v28 =	vld [tilespmem:s22+$0xFFFFFEE0]  }
0xc1: {  	v29 =	vld [tilespmem:s22+$0x53E0]  }
0xc2: {  	v30 =	vld [tilespmem:s22+$0xFFFFFF50]  }
0xc3: {  	v31 =	vld [tilespmem:s22+$0x5450]  }
0xc4: {  	v32 =	vld [tilespmem:s22+$0xFFFFFF60]  }
0xc5: {  	v33 =	vld [tilespmem:s22+$0x5460]  }
0xc6: {  	v17 =	vmul.f32 v63, v17;
	v34 =	vmul.f32 v29, v28;
	_ =	sdelay $0x1  }
0xc7: {  	v35 =	vmul.f32 v31, v30;
	v17 =	vadd.f32 v34, v17;
	_ =	sdelay $0x1  }
0xc8: {  	v36 =	vmul.f32 v33, v32;
	v17 =	vadd.f32 v35, v17;
	_ =	sdelay $0x1  }
0xc9: {  	v17 =	vadd.f32 v36, v17  }
0xca: {  	v37 =	vsel vm2, $0x0, v16  }
0xcb: {  	v17 =	vadd.f32 v17, v37;
	_ =	sdelay $0x1  }
0xcc: {  	[tilespmem:$0xAC8A] =	vst v17  }
0xcd: {  	v17 =	vld [tilespmem:s22+$0xFFFFFEF0]  }
0xce: {  	v38 =	vld [tilespmem:s22+$0x53F0]  }
0xcf: {  	v39 =	vld [tilespmem:s22+$0xFFFFFF00]  }
0xd0: {  	v40 =	vld [tilespmem:s22+$0x5400]  }
0xd1: {  	v41 =	vld [tilespmem:s22+$0xFFFFFF70]  }
0xd2: {  	v42 =	vld [tilespmem:s22+$0x5470]  }
0xd3: {  	v43 =	vld [tilespmem:s22+$0xFFFFFF80]  }
0xd4: {  	v44 =	vld [tilespmem:s22+$0x5480]  }
0xd5: {  	v17 =	vmul.f32 v38, v17;
	v45 =	vmul.f32 v40, v39;
	_ =	sdelay $0x1  }
0xd6: {  	v46 =	vmul.f32 v42, v41;
	v17 =	vadd.f32 v45, v17;
	_ =	sdelay $0x1  }
0xd7: {  	v47 =	vmul.f32 v44, v43;
	v17 =	vadd.f32 v46, v17;
	_ =	sdelay $0x1  }
0xd8: {  	v17 =	vadd.f32 v47, v17  }
0xd9: {  	v16 =	vsel vm3, $0x0, v16  }
0xda: {  	v16 =	vadd.f32 v17, v16;
	_ =	sdelay $0x1  }
0xdb: {  	[tilespmem:$0xAC9B] =	vst v16  }
0xdc: {  	v16 =	vld [tilespmem:s22+$0xA0]  }
0xdd: {  	v17 =	vld [tilespmem:s22+$0xFFFFFFA0]  }
0xde: {  	v48 =	vld [tilespmem:s22+$0x54A0]  }
0xdf: {  	v49 =	vld [tilespmem:s22+$0xFFFFFFB0]  }
0xe0: {  	v50 =	vld [tilespmem:s22+$0x54B0]  }
0xe1: {  	v51 =	vld [tilespmem:s22+$0x20]  }
0xe2: {  	v52 =	vld [tilespmem:s22+$0x5520]  }
0xe3: {  	v53 =	vld [tilespmem:s22+$0x30]  }
0xe4: {  	v54 =	vld [tilespmem:s22+$0x5530]  }
0xe5: {  	v55 =	vld [tilespmem:s22+$0x55A0];
	v17 =	vmul.f32 v48, v17;
	v19 =	vmul.f32 v50, v49;
	_ =	sdelay $0x1  }
0xe6: {  	v56 =	vmul.f32 v52, v51;
	v17 =	vadd.f32 v19, v17;
	_ =	sdelay $0x1  }
0xe7: {  	v57 =	vmul.f32 v54, v53;
	v17 =	vadd.f32 v56, v17  }
0xe8: {  	v16 =	vmul.f32 v55, v16  }
0xe9: {  	v17 =	vadd.f32 v57, v17  }
0xea: {  	v18 =	vnsel vm0, $0x0, v16  }
0xeb: {  	v17 =	vadd.f32 v17, v18;
	_ =	sdelay $0x1  }
0xec: {  	[tilespmem:$0xACAC] =	vst v17  }
0xed: {  	v17 =	vld [tilespmem:s22+$0xFFFFFFC0]  }
0xee: {  	v58 =	vld [tilespmem:s22+$0x54C0]  }
0xef: {  	v59 =	vld [tilespmem:s22+$0xFFFFFFD0]  }
0xf0: {  	v60 =	vld [tilespmem:s22+$0x54D0]  }
0xf1: {  	v61 =	vld [tilespmem:s22+$0x40]  }
0xf2: {  	v62 =	vld [tilespmem:s22+$0x5540]  }
0xf3: {  	v63 =	vld [tilespmem:s22+$0x50]  }
0xf4: {  	v28 =	vld [tilespmem:s22+$0x5550]  }
0xf5: {  	v17 =	vmul.f32 v58, v17;
	v29 =	vmul.f32 v60, v59;
	_ =	sdelay $0x1  }
0xf6: {  	v30 =	vmul.f32 v62, v61;
	v17 =	vadd.f32 v29, v17;
	_ =	sdelay $0x1  }
0xf7: {  	v31 =	vmul.f32 v28, v63;
	v17 =	vadd.f32 v30, v17;
	_ =	sdelay $0x1  }
0xf8: {  	v17 =	vadd.f32 v31, v17  }
0xf9: {  	v32 =	vsel vm1, $0x0, v16  }
0xfa: {  	v17 =	vadd.f32 v17, v32;
	_ =	sdelay $0x1  }
0xfb: {  	[tilespmem:$0xACBD] =	vst v17  }
0xfc: {  	v17 =	vld [tilespmem:s22+$0xFFFFFFE0]  }
0xfd: {  	v33 =	vld [tilespmem:s22+$0x54E0]  }
0xfe: {  	v34 =	vld [tilespmem:s22+$0xFFFFFFF0]  }
0xff: {  	v35 =	vld [tilespmem:s22+$0x54F0]  }
0x100: {  	v36 =	vld [tilespmem:s22+$0x60]  }
0x101: {  	v37 =	vld [tilespmem:s22+$0x5560]  }
0x102: {  	v38 =	vld [tilespmem:s22+$0x70]  }
0x103: {  	v39 =	vld [tilespmem:s22+$0x5570]  }
0x104: {  	v17 =	vmul.f32 v33, v17;
	v40 =	vmul.f32 v35, v34;
	_ =	sdelay $0x1  }
0x105: {  	v41 =	vmul.f32 v37, v36;
	v17 =	vadd.f32 v40, v17;
	_ =	sdelay $0x1  }
0x106: {  	v42 =	vmul.f32 v39, v38;
	v17 =	vadd.f32 v41, v17;
	_ =	sdelay $0x1  }
0x107: {  	v17 =	vadd.f32 v42, v17  }
0x108: {  	v43 =	vsel vm2, $0x0, v16  }
0x109: {  	v17 =	vadd.f32 v17, v43;
	_ =	sdelay $0x1  }
0x10a: {  	[tilespmem:$0xACCE] =	vst v17  }
0x10b: {  	v17 =	vld [tilespmem:s22+$0x0]  }
0x10c: {  	v44 =	vld [tilespmem:s22+$0x5500]  }
0x10d: {  	v45 =	vld [tilespmem:s22+$0x10]  }
0x10e: {  	v46 =	vld [tilespmem:s22+$0x5510]  }
0x10f: {  	v47 =	vld [tilespmem:s22+$0x80]  }
0x110: {  	v48 =	vld [tilespmem:s22+$0x5580]  }
0x111: {  	v49 =	vld [tilespmem:s22+$0x90]  }
0x112: {  	v50 =	vld [tilespmem:s22+$0x5590]  }
0x113: {  	v17 =	vmul.f32 v44, v17;
	v51 =	vmul.f32 v46, v45;
	_ =	sdelay $0x1  }
0x114: {  	v52 =	vmul.f32 v48, v47;
	v17 =	vadd.f32 v51, v17;
	_ =	sdelay $0x1  }
0x115: {  	v53 =	vmul.f32 v50, v49;
	v17 =	vadd.f32 v52, v17;
	_ =	sdelay $0x1  }
0x116: {  	v17 =	vadd.f32 v53, v17  }
0x117: {  	v16 =	vsel vm3, $0x0, v16  }
0x118: {  	v16 =	vadd.f32 v17, v16;
	_ =	sdelay $0x1  }
0x119: {  	[tilespmem:$0xACDF] =	vst v16  }
0x11a: {  	v16 =	vld.idx.msk [tilespmem:v0+s15+$0x0], $0xffff  }
0x11b: {  	v17 =	vld.idx.msk [tilespmem:v1+s15+$0x0], $0xffff;
	_ =	sdelay $0x1  }
0x11c: {  	v54 =	vld.idx.msk [tilespmem:v2+s15+$0x0], $0xffff;
	_ =	sdelay $0x1  }
0x11d: {  	v55 =	vld.idx.msk [tilespmem:v3+s15+$0x0], $0xffff  }
0x11e: {  	v16 =	vadd.f32 v17, v16  }
0x11f: {  	v17 =	vld.idx.msk [tilespmem:v4+s15+$0x0], $0xffff  }
0x120: {  	v16 =	vadd.f32 v54, v16  }
0x121: {  	v56 =	vld.idx.msk [tilespmem:v5+s15+$0x0], $0xffff  }
0x122: {  	v16 =	vadd.f32 v55, v16  }
0x123: {  	v57 =	vld.idx.msk [tilespmem:v6+s15+$0x0], $0xffff  }
0x124: {  	v16 =	vadd.f32 v17, v16  }
0x125: {  	v17 =	vld.idx.msk [tilespmem:v7+s15+$0x0], $0xffff  }
0x126: {  	v16 =	vadd.f32 v56, v16  }
0x127: {  	v58 =	vld.idx.msk [tilespmem:v8+s15+$0x0], $0xffff  }
0x128: {  	v16 =	vadd.f32 v57, v16  }
0x129: {  	v59 =	vld.idx.msk [tilespmem:v9+s15+$0x0], $0xffff  }
0x12a: {  	v16 =	vadd.f32 v17, v16  }
0x12b: {  	v17 =	vld.idx.msk [tilespmem:v10+s15+$0x0], $0xffff  }
0x12c: {  	v16 =	vadd.f32 v58, v16  }
0x12d: {  	v60 =	vld.idx.msk [tilespmem:v11+s15+$0x0], $0xffff  }
0x12e: {  	v16 =	vadd.f32 v59, v16  }
0x12f: {  	v61 =	vld.idx.msk [tilespmem:v12+s15+$0x0], $0xffff  }
0x130: {  	v16 =	vadd.f32 v17, v16  }
0x131: {  	v17 =	vld.idx.msk [tilespmem:v13+s15+$0x0], $0xffff  }
0x132: {  	v16 =	vadd.f32 v60, v16  }
0x133: {  	v62 =	vld.idx.msk [tilespmem:v14+s15+$0x0], $0xffff  }
0x134: {  	v16 =	vadd.f32 v61, v16  }
0x135: {  	v63 =	vld.idx.msk [tilespmem:v15+s15+$0x0], $0xffff  }
0x136: {  	v16 =	vadd.f32 v17, v16;
	_ =	sdelay $0x1  }
0x137: {  	v16 =	vadd.f32 v62, v16;
	_ =	sdelay $0x1  }
0x138: {  	v16 =	vadd.f32 v63, v16  }
0x139: {  	p0 =	sne.s32 s20, $0x153C0  }
.Ltmp0:
0x13a: {  	v16 =	vsub.f32 $0.0e+00, v16;
	(pc) =	sbr.rel @p0 .LBB2_3-.Ltmp0, $3  }
0x13b: {  	_ = 	snop  }
0x13c: {  	v16 =	vmul.f32 $1.767766920e-01, v16;
	_ =	sdelay $0x1  }
0x13d: {  	s20 =	sadd.s32 $0x1100, s20;
	[tilespmem:s21+$0x0] =	vst v16;
	s21 =	sadd.s32 $0x10, s21  }
0x13e: {  	s18 =	sadd.s32 $0x1, s18  }
0x13f: {  	s19 =	sshrl.u32 s19, $0x1;
	p0 =	sne.s32 s18, $0x7D  }
.Ltmp1:
0x140: {  	s19 =	sadd.s32 s7, s19;
	(pc) =	sbr.rel @p0 .LBB2_2-.Ltmp1, $4  }
0x141: {  	[hbm4b:s19+s1] =	stream.linear.scatter [tilespmem:s16], [sflag:$0x2], $0x140, $0x38;
	[tilespmem:$0xACF0] =	vst v63  }
0x142: {  	_ =	swait.ge [sflag:s10], $0x140  }
0x143: {  	[sflag:s10] =	ssyncset.done $0x0  }
0x144: {  	[sflag:s10] =	ssyncadd.s32 $0xFFFFFEC0  }
0x145: {  	s17 =	sadd.s32 $0x1, s17  }
0x146: {  	p0 =	sne.s32 s17, s9  }
.Ltmp2:
0x147: {  	_ = 	snop;
	(pc) =	sbr.rel @p0 .LBB2_1-.Ltmp2, $1  }
0x148: {  	_ =	sdelay $0x3  }
0x149: {  	_ =	sfence.sel $0x180000  }
0x14a: {  	[bflag:$0x0] =	sbarrier.arrive $0xFFFF  }
0x14b: {  	p0 =	sne.s32 s3, $0x0;
	_ =	strace $0x90000047  }
0x14c: {  	s0 =	sadd.s32 @!p0 $0x100000, s0;
	[bflag:$0x2] =	sbarrier.arrive $0xFFFF  }
0x14d: {  	[sflag:s0] =	ssyncadd.tile.s32 @!p0 $0x1;
	_ =	shalt  }
.Lfunc_end2:
_tile_overlayer_lowered:
.L_overlay_start_2:
0x14e: {  	(tag) =	ssettag $0x2  }
0x14f: {  	s0 =	rddreg [dreg:$0x0];
	s2 =	stileid.u32  }
0x150: {  	s1 =	rddreg [dreg:$0x1];
	p0 =	sne.s32 s2, $0x0  }
0x151: {  	s3 =	rddreg [dreg:$0x2];
	[bflag:$0x3] =	sbarrier.arrive $0xFFFF;
	s2 =	simm.s32 @!p0 $0x1C02  }
0x152: {  	[timem:s3], [sflag:s2] =	dma.local @!p0 [hbm:s0], s1  }
0x153: {  	s0 =	simm.s32 @!p0 $0x2  }
0x154: {  	_ =	swait.ge @!p0 [sflag:s0], s1  }
0x155: {  	s1 =	ssub.s32 @!p0 $0x0, s1;
	[sflag:s0] =	ssyncset.done @!p0 $0x0  }
0x156: {  	[sflag:s0] =	ssyncadd.s32 @!p0 s1  }
0x157: {  	[bflag:$0x3] =	sbarrier.arrive $0xFFFF  }
0x158: {  	_ =	shalt  }

</sc_bundles>
